<compile_context>
chip_gen: v7x
topology: tpu7x:2x2x1
jax: 0.10.2.dev20260603
libtpu: 0.0.44.dev20260713+nightly
codegen_flags: <defaults>
</compile_context>

<pallas_src>
import functools

import jax
import jax.numpy as jnp
from jax import lax
from jax.experimental import pallas as pl
from jax.experimental.pallas import tpu as pltpu
from jax.experimental.pallas import tpu_sc as plsc

HID = 768
LANES = 16
VPR = HID // LANES
NW = 32
CHUNK = 16
EPS = 1e-5
LN_ROWS = 2048


def _emb_body(tok_t, seg_t, pos_t, tid, sid, pid, out,
              idx_t, idx_s, idx_p, rt0, rp0, rt1, rp1,
              ro0, ro1, sv, sg0, sg1, ss0, ss1, tpw, nchunk):
    wid = lax.axis_index("s") * 2 + lax.axis_index("c")
    base = wid * tpw
    pltpu.sync_copy(tid.at[pl.ds(base, tpw)], idx_t)
    pltpu.sync_copy(sid.at[pl.ds(base, tpw)], idx_s.at[pl.ds(0, tpw)])
    pltpu.sync_copy(pid.at[pl.ds(base, tpw)], idx_p)
    pltpu.sync_copy(seg_t, sv)

    def gstart(c, rt, rp, sem):
        off = c * CHUNK
        pltpu.async_copy(tok_t.at[idx_t.at[pl.ds(off, CHUNK)]], rt, sem)
        pltpu.async_copy(pos_t.at[idx_p.at[pl.ds(off, CHUNK)]], rp, sem)

    def gwait(rt, rp, sem):
        pltpu.make_async_copy(tok_t.at[pl.ds(0, CHUNK)], rt, sem).wait()
        pltpu.make_async_copy(pos_t.at[pl.ds(0, CHUNK)], rp, sem).wait()

    def swait(ro, sem):
        pltpu.make_async_copy(ro, out.at[pl.ds(0, CHUNK)], sem).wait()

    def compute(rt, rp, ro, off):
        @plsc.parallel_loop(0, CHUNK, unroll=4)
        def token(i):
            sid_ = idx_s[pl.ds(off + i, LANES)][0]
            for j in range(VPR):
                sl = pl.ds(j * LANES, LANES)
                ro[i, sl] = rt[i, sl] + rp[i, sl] + sv[sid_, sl]

    bufs = ((rt0, rp0, sg0), (rt1, rp1, sg1))
    robufs = ((ro0, ss0), (ro1, ss1))
    for k in range(2):
        gstart(k, *bufs[k])
    nc2 = nchunk // 2

    def pair(q, carry):
        for k in range(2):
            c = q * 2 + k
            rt, rp, sg = bufs[k]
            ro, ss = robufs[k]
            gwait(rt, rp, sg)

            @pl.when(c > 1)
            def _():
                swait(ro, ss)

            compute(rt, rp, ro, c * CHUNK)
            pltpu.async_copy(ro, out.at[pl.ds(base + c * CHUNK, CHUNK)], ss)

            @pl.when(c + 2 < nchunk)
            def _():
                gstart(c + 2, rt, rp, sg)

        return carry

    lax.fori_loop(0, nc2, pair, 0)
    swait(ro0, ss0)
    swait(ro1, ss1)


def _ln_body(x_ref, g_ref, b_ref, o_ref):
    x = x_ref[...]
    mean = jnp.mean(x, axis=-1, keepdims=True)
    xc = x - mean
    var = jnp.mean(xc * xc, axis=-1, keepdims=True)
    o_ref[...] = xc * lax.rsqrt(var + EPS) * g_ref[...] + b_ref[...]


def kernel(token_ids, segment_ids, position_ids, tok_table, seg_table,
           pos_table, gamma, beta):
    b, s = token_ids.shape
    n = b * s
    ns = n
    tpw = ns // NW
    nchunk = tpw // CHUNK
    tid = token_ids.reshape(n).astype(jnp.int32)
    sid = segment_ids.reshape(n).astype(jnp.int32)
    pid = position_ids.reshape(n).astype(jnp.int32)

    body = functools.partial(_emb_body, tpw=tpw, nchunk=nchunk)
    fn = pl.kernel(
        body,
        mesh=plsc.VectorSubcoreMesh(core_axis_name="c", subcore_axis_name="s"),
        out_type=jax.ShapeDtypeStruct((ns, HID), jnp.float32),
        scratch_types=[
            pltpu.VMEM((tpw,), jnp.int32),
            pltpu.VMEM((tpw + LANES,), jnp.int32),
            pltpu.VMEM((tpw,), jnp.int32),
            pltpu.VMEM((CHUNK, HID), jnp.float32),
            pltpu.VMEM((CHUNK, HID), jnp.float32),
            pltpu.VMEM((CHUNK, HID), jnp.float32),
            pltpu.VMEM((CHUNK, HID), jnp.float32),
            pltpu.VMEM((CHUNK, HID), jnp.float32),
            pltpu.VMEM((CHUNK, HID), jnp.float32),
            pltpu.VMEM((2, HID), jnp.float32),
            pltpu.SemaphoreType.DMA,
            pltpu.SemaphoreType.DMA,
            pltpu.SemaphoreType.DMA,
            pltpu.SemaphoreType.DMA,
        ],
    )
    ln = pl.pallas_call(
        _ln_body,
        grid=(ns // LN_ROWS,),
        in_specs=[
            pl.BlockSpec((LN_ROWS, HID), lambda i: (i, 0)),
            pl.BlockSpec((1, HID), lambda i: (0, 0)),
            pl.BlockSpec((1, HID), lambda i: (0, 0)),
        ],
        out_specs=pl.BlockSpec((LN_ROWS, HID), lambda i: (i, 0)),
        out_shape=jax.ShapeDtypeStruct((ns, HID), jnp.float32),
    )
    emb = fn(tok_table, seg_table, pos_table, tid, sid, pid)
    out = ln(emb, gamma.reshape(1, HID), beta.reshape(1, HID))
    return out.reshape(b, s, HID)

# --- scband reference (transcript-rebuilt; emitter-appended) ---
"""Pipeline reference for scband-bert-embedding-5514738008564 (READ-ONLY COPY).

The authoritative reference and input builder live on the scoring server;
editing this copy changes nothing except your own understanding.
"""

import jax, jax.numpy as jnp
import numpy as np

VOCAB = 30522
HID = 768
SEG = 2
POS = 8192
B, S = 4, 8192


def setup_inputs(seed: int = 0) -> dict:
    key = jax.random.key(seed)
    k1, k2, k3, k4, k5, k6 = jax.random.split(key, 6)
    token_ids = jax.random.randint(k1, (B, S), 0, VOCAB, dtype=jnp.int64 if jax.config.read('jax_enable_x64') else jnp.int32)
    segment_ids = jax.random.randint(k2, (B, S), 0, SEG, dtype=token_ids.dtype)
    position_ids = jax.random.randint(k3, (B, S), 0, POS, dtype=token_ids.dtype)
    tok_table = jax.random.normal(k4, (VOCAB, HID), dtype=jnp.float32) * 0.02
    tok_table = tok_table.at[0].set(0.0)  # padding_idx=0 row is zero-initialized in torch
    seg_table = jax.random.normal(k5, (SEG, HID), dtype=jnp.float32) * 0.02
    pos_table = jax.random.normal(k6, (POS, HID), dtype=jnp.float32) * 0.02
    gamma = jnp.ones((HID,), dtype=jnp.float32)
    beta = jnp.zeros((HID,), dtype=jnp.float32)
    return {
        'token_ids': token_ids,
        'segment_ids': segment_ids,
        'position_ids': position_ids,
        'tok_table': tok_table,
        'seg_table': seg_table,
        'pos_table': pos_table,
        'gamma': gamma,
        'beta': beta,
    }


def _layernorm(x, gamma, beta, eps=1e-5):
    mean = jnp.mean(x, axis=-1, keepdims=True)
    var = jnp.mean((x - mean) ** 2, axis=-1, keepdims=True)
    return (x - mean) / jnp.sqrt(var + eps) * gamma + beta


def reference(token_ids, segment_ids, position_ids, tok_table, seg_table, pos_table, gamma, beta):
    tok_emb = jnp.take(tok_table, token_ids, axis=0)
    seg_emb = jnp.take(seg_table, segment_ids, axis=0)
    pos_emb = jnp.take(pos_table, position_ids, axis=0)
    emb = tok_emb + seg_emb + pos_emb
    out = _layernorm(emb, gamma, beta)
    # dropout is identity in eval mode
    return out

if __name__ == "__main__":
    import jax
    _d = setup_inputs()
    print(jax.jit(kernel)(*tuple(_d.values())))

</pallas_src>

<mosaic_0001>
#map = affine_map<(d0, d1) -> (0, 0)>
#map1 = affine_map<(d0, d1) -> (0)>
module attributes {stable_mosaic.version = 14 : i64} {
  func.func @_emb_body(%arg0: i32, %arg1: i32, %arg2: memref<30522x768xf32, #tpu.memory_space<hbm>>, %arg3: memref<2x768xf32, #tpu.memory_space<hbm>>, %arg4: memref<8192x768xf32, #tpu.memory_space<hbm>>, %arg5: memref<32768xi32, #tpu.memory_space<hbm>>, %arg6: memref<32768xi32, #tpu.memory_space<hbm>>, %arg7: memref<32768xi32, #tpu.memory_space<hbm>>, %arg8: memref<32768x768xf32, #tpu.memory_space<hbm>>, %arg9: memref<1024xi32, #tpu.memory_space<vmem>>, %arg10: memref<1040xi32, #tpu.memory_space<vmem>>, %arg11: memref<1024xi32, #tpu.memory_space<vmem>>, %arg12: memref<16x768xf32, #tpu.memory_space<vmem>>, %arg13: memref<16x768xf32, #tpu.memory_space<vmem>>, %arg14: memref<16x768xf32, #tpu.memory_space<vmem>>, %arg15: memref<16x768xf32, #tpu.memory_space<vmem>>, %arg16: memref<16x768xf32, #tpu.memory_space<vmem>>, %arg17: memref<16x768xf32, #tpu.memory_space<vmem>>, %arg18: memref<2x768xf32, #tpu.memory_space<vmem>>, %arg19: memref<!tpu.dma_semaphore, #tpu.memory_space<semaphore_mem>>, %arg20: memref<!tpu.dma_semaphore, #tpu.memory_space<semaphore_mem>>, %arg21: memref<!tpu.dma_semaphore, #tpu.memory_space<semaphore_mem>>, %arg22: memref<!tpu.dma_semaphore, #tpu.memory_space<semaphore_mem>>) attributes {dimension_semantics = [#tpu.dimension_semantics<core_parallel>, #tpu.dimension_semantics<subcore_parallel>], iteration_bounds = array<i64: 2, 16>, scalar_prefetch = 0 : i64, scratch_operands = 14 : i64, tpu.core_type = #tpu.core_type<sc_vector_subcore>, window_params = [{transform_indices = #map}, {transform_indices = #map}, {transform_indices = #map}, {transform_indices = #map1}, {transform_indices = #map1}, {transform_indices = #map1}, {transform_indices = #map}]} {
    %mul3A = arith.constant 2 : i32
    %mul3A_0 = arith.muli %arg1, %mul3A : i32
    %add3A = arith.addi %mul3A_0, %arg0 : i32
    %mul3A_1 = arith.constant 1024 : i32
    %mul3A_2 = arith.muli %add3A, %mul3A_1 : i32
    "tpu.region"() ({
      %run_scoped3A = tpu.sem_alloc : memref<!tpu.dma_semaphore, #tpu.memory_space<semaphore_mem>>
      %dma_start3A_38 = tpu.memref_slice %arg5[%mul3A_2] : memref<32768xi32, #tpu.memory_space<hbm>> -> memref<1024xi32, #tpu.memory_space<hbm>>
      %dma_start3A_39 = tpu.memref_slice %arg5[%mul3A_2] : memref<32768xi32, #tpu.memory_space<hbm>> -> memref<1024xi32, #tpu.memory_space<hbm>>
      tpu.enqueue_dma source(%dma_start3A_39 : memref<1024xi32, #tpu.memory_space<hbm>>) target(%arg9 : memref<1024xi32, #tpu.memory_space<vmem>>) target_semaphore(%run_scoped3A : memref<!tpu.dma_semaphore, #tpu.memory_space<semaphore_mem>>)
      %dma_wait3A_40 = tpu.memref_slice %arg5[%mul3A_2] : memref<32768xi32, #tpu.memory_space<hbm>> -> memref<1024xi32, #tpu.memory_space<hbm>>
      %dma_wait3A_41 = tpu.memref_slice %arg5[%mul3A_2] : memref<32768xi32, #tpu.memory_space<hbm>> -> memref<1024xi32, #tpu.memory_space<hbm>>
      tpu.wait_dma2 semaphore(%run_scoped3A : memref<!tpu.dma_semaphore, #tpu.memory_space<semaphore_mem>>) src(%dma_wait3A_41 : memref<1024xi32, #tpu.memory_space<hbm>>) dst(%arg9 : memref<1024xi32, #tpu.memory_space<vmem>>)
      tpu.yield
    }) : () -> ()
    "tpu.region"() ({
      %run_scoped3A = tpu.sem_alloc : memref<!tpu.dma_semaphore, #tpu.memory_space<semaphore_mem>>
      %dma_start3A_38 = arith.constant 0 : i32
      %dma_start3A_39 = tpu.memref_slice %arg10[%dma_start3A_38] : memref<1040xi32, #tpu.memory_space<vmem>> -> memref<1024xi32, #tpu.memory_space<vmem>>
      %dma_start3A_40 = tpu.memref_slice %arg6[%mul3A_2] : memref<32768xi32, #tpu.memory_space<hbm>> -> memref<1024xi32, #tpu.memory_space<hbm>>
      %dma_start3A_41 = arith.constant 0 : i32
      %dma_start3A_42 = tpu.memref_slice %arg10[%dma_start3A_41] : memref<1040xi32, #tpu.memory_space<vmem>> -> memref<1024xi32, #tpu.memory_space<vmem>>
      %dma_start3A_43 = tpu.memref_slice %arg6[%mul3A_2] : memref<32768xi32, #tpu.memory_space<hbm>> -> memref<1024xi32, #tpu.memory_space<hbm>>
      tpu.enqueue_dma source(%dma_start3A_43 : memref<1024xi32, #tpu.memory_space<hbm>>) target(%dma_start3A_42 : memref<1024xi32, #tpu.memory_space<vmem>>) target_semaphore(%run_scoped3A : memref<!tpu.dma_semaphore, #tpu.memory_space<semaphore_mem>>)
      %dma_wait3A_44 = arith.constant 0 : i32
      %dma_wait3A_45 = tpu.memref_slice %arg10[%dma_wait3A_44] : memref<1040xi32, #tpu.memory_space<vmem>> -> memref<1024xi32, #tpu.memory_space<vmem>>
      %dma_wait3A_46 = tpu.memref_slice %arg6[%mul3A_2] : memref<32768xi32, #tpu.memory_space<hbm>> -> memref<1024xi32, #tpu.memory_space<hbm>>
      %dma_wait3A_47 = arith.constant 0 : i32
      %dma_wait3A_48 = tpu.memref_slice %arg10[%dma_wait3A_47] : memref<1040xi32, #tpu.memory_space<vmem>> -> memref<1024xi32, #tpu.memory_space<vmem>>
      %dma_wait3A_49 = tpu.memref_slice %arg6[%mul3A_2] : memref<32768xi32, #tpu.memory_space<hbm>> -> memref<1024xi32, #tpu.memory_space<hbm>>
      tpu.wait_dma2 semaphore(%run_scoped3A : memref<!tpu.dma_semaphore, #tpu.memory_space<semaphore_mem>>) src(%dma_wait3A_49 : memref<1024xi32, #tpu.memory_space<hbm>>) dst(%dma_wait3A_48 : memref<1024xi32, #tpu.memory_space<vmem>>)
      tpu.yield
    }) : () -> ()
    "tpu.region"() ({
      %run_scoped3A = tpu.sem_alloc : memref<!tpu.dma_semaphore, #tpu.memory_space<semaphore_mem>>
      %dma_start3A_38 = tpu.memref_slice %arg7[%mul3A_2] : memref<32768xi32, #tpu.memory_space<hbm>> -> memref<1024xi32, #tpu.memory_space<hbm>>
      %dma_start3A_39 = tpu.memref_slice %arg7[%mul3A_2] : memref<32768xi32, #tpu.memory_space<hbm>> -> memref<1024xi32, #tpu.memory_space<hbm>>
      tpu.enqueue_dma source(%dma_start3A_39 : memref<1024xi32, #tpu.memory_space<hbm>>) target(%arg11 : memref<1024xi32, #tpu.memory_space<vmem>>) target_semaphore(%run_scoped3A : memref<!tpu.dma_semaphore, #tpu.memory_space<semaphore_mem>>)
      %dma_wait3A_40 = tpu.memref_slice %arg7[%mul3A_2] : memref<32768xi32, #tpu.memory_space<hbm>> -> memref<1024xi32, #tpu.memory_space<hbm>>
      %dma_wait3A_41 = tpu.memref_slice %arg7[%mul3A_2] : memref<32768xi32, #tpu.memory_space<hbm>> -> memref<1024xi32, #tpu.memory_space<hbm>>
      tpu.wait_dma2 semaphore(%run_scoped3A : memref<!tpu.dma_semaphore, #tpu.memory_space<semaphore_mem>>) src(%dma_wait3A_41 : memref<1024xi32, #tpu.memory_space<hbm>>) dst(%arg11 : memref<1024xi32, #tpu.memory_space<vmem>>)
      tpu.yield
    }) : () -> ()
    "tpu.region"() ({
      %run_scoped3A = tpu.sem_alloc : memref<!tpu.dma_semaphore, #tpu.memory_space<semaphore_mem>>
      tpu.enqueue_dma source(%arg3 : memref<2x768xf32, #tpu.memory_space<hbm>>) target(%arg18 : memref<2x768xf32, #tpu.memory_space<vmem>>) target_semaphore(%run_scoped3A : memref<!tpu.dma_semaphore, #tpu.memory_space<semaphore_mem>>)
      tpu.wait_dma2 semaphore(%run_scoped3A : memref<!tpu.dma_semaphore, #tpu.memory_space<semaphore_mem>>) src(%arg3 : memref<2x768xf32, #tpu.memory_space<hbm>>) dst(%arg18 : memref<2x768xf32, #tpu.memory_space<vmem>>)
      tpu.yield
    }) : () -> ()
    %dma_start3A = arith.constant 0 : i32
    %dma_start3A_3 = tpu.memref_slice %arg9[%dma_start3A] : memref<1024xi32, #tpu.memory_space<vmem>> -> memref<16xi32, #tpu.memory_space<vmem>>
    %dma_start3A_4 = arith.constant 0 : i32
    %dma_start3A_5 = arith.constant 0 : i32
    %dma_start3A_6 = tpu.memref_slice %arg2[%dma_start3A_4, %dma_start3A_5] : memref<30522x768xf32, #tpu.memory_space<hbm>> -> memref<30522x768xf32, #tpu.memory_space<hbm>>
    tpu.enqueue_indirect_dma source(%dma_start3A_6 : memref<30522x768xf32, #tpu.memory_space<hbm>>) target(%arg12 : memref<16x768xf32, #tpu.memory_space<vmem>>) offsets(%dma_start3A_3 : memref<16xi32, #tpu.memory_space<vmem>>) semaphore(%arg19 : memref<!tpu.dma_semaphore, #tpu.memory_space<semaphore_mem>>)
    %dma_start3A_7 = arith.constant 0 : i32
    %dma_start3A_8 = tpu.memref_slice %arg11[%dma_start3A_7] : memref<1024xi32, #tpu.memory_space<vmem>> -> memref<16xi32, #tpu.memory_space<vmem>>
    %dma_start3A_9 = arith.constant 0 : i32
    %dma_start3A_10 = arith.constant 0 : i32
    %dma_start3A_11 = tpu.memref_slice %arg4[%dma_start3A_9, %dma_start3A_10] : memref<8192x768xf32, #tpu.memory_space<hbm>> -> memref<8192x768xf32, #tpu.memory_space<hbm>>
    tpu.enqueue_indirect_dma source(%dma_start3A_11 : memref<8192x768xf32, #tpu.memory_space<hbm>>) target(%arg13 : memref<16x768xf32, #tpu.memory_space<vmem>>) offsets(%dma_start3A_8 : memref<16xi32, #tpu.memory_space<vmem>>) semaphore(%arg19 : memref<!tpu.dma_semaphore, #tpu.memory_space<semaphore_mem>>)
    %dma_start3A_12 = arith.constant 16 : i32
    %dma_start3A_13 = tpu.memref_slice %arg9[%dma_start3A_12] : memref<1024xi32, #tpu.memory_space<vmem>> -> memref<16xi32, #tpu.memory_space<vmem>>
    %dma_start3A_14 = arith.constant 0 : i32
    %dma_start3A_15 = arith.constant 0 : i32
    %dma_start3A_16 = tpu.memref_slice %arg2[%dma_start3A_14, %dma_start3A_15] : memref<30522x768xf32, #tpu.memory_space<hbm>> -> memref<30522x768xf32, #tpu.memory_space<hbm>>
    tpu.enqueue_indirect_dma source(%dma_start3A_16 : memref<30522x768xf32, #tpu.memory_space<hbm>>) target(%arg14 : memref<16x768xf32, #tpu.memory_space<vmem>>) offsets(%dma_start3A_13 : memref<16xi32, #tpu.memory_space<vmem>>) semaphore(%arg20 : memref<!tpu.dma_semaphore, #tpu.memory_space<semaphore_mem>>)
    %dma_start3A_17 = arith.constant 16 : i32
    %dma_start3A_18 = tpu.memref_slice %arg11[%dma_start3A_17] : memref<1024xi32, #tpu.memory_space<vmem>> -> memref<16xi32, #tpu.memory_space<vmem>>
    %dma_start3A_19 = arith.constant 0 : i32
    %dma_start3A_20 = arith.constant 0 : i32
    %dma_start3A_21 = tpu.memref_slice %arg4[%dma_start3A_19, %dma_start3A_20] : memref<8192x768xf32, #tpu.memory_space<hbm>> -> memref<8192x768xf32, #tpu.memory_space<hbm>>
    tpu.enqueue_indirect_dma source(%dma_start3A_21 : memref<8192x768xf32, #tpu.memory_space<hbm>>) target(%arg15 : memref<16x768xf32, #tpu.memory_space<vmem>>) offsets(%dma_start3A_18 : memref<16xi32, #tpu.memory_space<vmem>>) semaphore(%arg20 : memref<!tpu.dma_semaphore, #tpu.memory_space<semaphore_mem>>)
    %scan3A = arith.constant 0 : i32
    %scan3A_22 = arith.constant 0 : i32
    %scan3A_23 = arith.constant 32 : i32
    %scan3A_24 = arith.addi %scan3A_22, %scan3A_23 : i32
    %scan3A_25 = arith.constant 1 : i32
    scf.for %scan3A_38 = %scan3A_22 to %scan3A_24 step %scan3A_25  : i32 {
      %mul3A_39 = arith.constant 2 : i32
      %mul3A_40 = arith.muli %scan3A_38, %mul3A_39 : i32
      %add3A_41 = arith.constant 0 : i32
      %add3A_42 = arith.addi %mul3A_40, %add3A_41 : i32
      %dma_wait3A_43 = arith.constant 0 : i32
      %dma_wait3A_44 = arith.constant 0 : i32
      %dma_wait3A_45 = tpu.memref_slice %arg2[%dma_wait3A_43, %dma_wait3A_44] : memref<30522x768xf32, #tpu.memory_space<hbm>> -> memref<16x768xf32, #tpu.memory_space<hbm>>
      %dma_wait3A_46 = arith.constant 0 : i32
      %dma_wait3A_47 = arith.constant 0 : i32
      %dma_wait3A_48 = tpu.memref_slice %arg2[%dma_wait3A_46, %dma_wait3A_47] : memref<30522x768xf32, #tpu.memory_space<hbm>> -> memref<16x768xf32, #tpu.memory_space<hbm>>
      tpu.wait_dma2 semaphore(%arg19 : memref<!tpu.dma_semaphore, #tpu.memory_space<semaphore_mem>>) src(%dma_wait3A_48 : memref<16x768xf32, #tpu.memory_space<hbm>>) dst(%arg12 : memref<16x768xf32, #tpu.memory_space<vmem>>)
      %dma_wait3A_49 = arith.constant 0 : i32
      %dma_wait3A_50 = arith.constant 0 : i32
      %dma_wait3A_51 = tpu.memref_slice %arg4[%dma_wait3A_49, %dma_wait3A_50] : memref<8192x768xf32, #tpu.memory_space<hbm>> -> memref<16x768xf32, #tpu.memory_space<hbm>>
      %dma_wait3A_52 = arith.constant 0 : i32
      %dma_wait3A_53 = arith.constant 0 : i32
      %dma_wait3A_54 = tpu.memref_slice %arg4[%dma_wait3A_52, %dma_wait3A_53] : memref<8192x768xf32, #tpu.memory_space<hbm>> -> memref<16x768xf32, #tpu.memory_space<hbm>>
      tpu.wait_dma2 semaphore(%arg19 : memref<!tpu.dma_semaphore, #tpu.memory_space<semaphore_mem>>) src(%dma_wait3A_54 : memref<16x768xf32, #tpu.memory_space<hbm>>) dst(%arg13 : memref<16x768xf32, #tpu.memory_space<vmem>>)
      %gt3A = arith.constant 1 : i32
      %gt3A_55 = arith.cmpi sgt, %add3A_42, %gt3A : i32
      %convert_element_type3A = arith.extui %gt3A_55 : i1 to i32
      %cond3A = arith.constant 0 : i32
      %cond3A_56 = arith.cmpi ne, %convert_element_type3A, %cond3A : i32
      scf.if %cond3A_56 {
        %dma_wait3A_114 = arith.constant 0 : i32
        %dma_wait3A_115 = arith.constant 0 : i32
        %dma_wait3A_116 = tpu.memref_slice %arg8[%dma_wait3A_114, %dma_wait3A_115] : memref<32768x768xf32, #tpu.memory_space<hbm>> -> memref<16x768xf32, #tpu.memory_space<hbm>>
        %dma_wait3A_117 = arith.constant 0 : i32
        %dma_wait3A_118 = arith.constant 0 : i32
        %dma_wait3A_119 = tpu.memref_slice %arg8[%dma_wait3A_117, %dma_wait3A_118] : memref<32768x768xf32, #tpu.memory_space<hbm>> -> memref<16x768xf32, #tpu.memory_space<hbm>>
        tpu.wait_dma2 semaphore(%arg21 : memref<!tpu.dma_semaphore, #tpu.memory_space<semaphore_mem>>) src(%arg16 : memref<16x768xf32, #tpu.memory_space<vmem>>) dst(%dma_wait3A_119 : memref<16x768xf32, #tpu.memory_space<hbm>>)
      } else {
      }
      %mul3A_57 = arith.constant 16 : i32
      %mul3A_58 = arith.muli %add3A_42, %mul3A_57 : i32
      %parallel_loop3A = arith.constant 0 : i32
      %parallel_loop3A_59 = arith.constant 16 : i32
      %parallel_loop3A_60 = arith.constant 1 : i32
      scf.for %parallel_loop3A_114 = %parallel_loop3A to %parallel_loop3A_59 step %parallel_loop3A_60  : i32 {
        %parallel_loop3A_115 = arith.addi %mul3A_58, %parallel_loop3A_114 : i32
        %parallel_loop3A_116 = arith.index_cast %parallel_loop3A_115 : i32 to index
        %parallel_loop3A_117 = tpu.vector_load %arg10[%parallel_loop3A_116] {strides = array<i32>} : memref<1040xi32, #tpu.memory_space<vmem>>, vector<16xi32>,
        %parallel_loop3A_118 = vector.shape_cast %parallel_loop3A_117 : vector<16xi32> to vector<16xi32>
        %parallel_loop3A_119 = vector.extract_strided_slice %parallel_loop3A_118 {offsets = [0], sizes = [1], strides = [1]} : vector<16xi32> to vector<1xi32>
        %parallel_loop3A_120 = vector.extract %parallel_loop3A_119[0] : i32 from vector<1xi32>
        %parallel_loop3A_121 = arith.index_cast %parallel_loop3A_114 : i32 to index
        %parallel_loop3A_122 = arith.constant 0 : index
        %parallel_loop3A_123 = tpu.vector_load %arg12[%parallel_loop3A_121, %parallel_loop3A_122] {strides = array<i32>} : memref<16x768xf32, #tpu.memory_space<vmem>>, vector<1x16xf32>,
        %parallel_loop3A_124 = vector.shape_cast %parallel_loop3A_123 : vector<1x16xf32> to vector<16xf32>
        %parallel_loop3A_125 = arith.index_cast %parallel_loop3A_114 : i32 to index
        %parallel_loop3A_126 = arith.constant 0 : index
        %parallel_loop3A_127 = tpu.vector_load %arg13[%parallel_loop3A_125, %parallel_loop3A_126] {strides = array<i32>} : memref<16x768xf32, #tpu.memory_space<vmem>>, vector<1x16xf32>,
        %parallel_loop3A_128 = vector.shape_cast %parallel_loop3A_127 : vector<1x16xf32> to vector<16xf32>
        %parallel_loop3A_129 = arith.addf %parallel_loop3A_124, %parallel_loop3A_128 : vector<16xf32>
        %parallel_loop3A_130 = arith.index_cast %parallel_loop3A_120 : i32 to index
        %parallel_loop3A_131 = arith.constant 0 : index
        %parallel_loop3A_132 = tpu.vector_load %arg18[%parallel_loop3A_130, %parallel_loop3A_131] {strides = array<i32>} : memref<2x768xf32, #tpu.memory_space<vmem>>, vector<1x16xf32>,
        %parallel_loop3A_133 = vector.shape_cast %parallel_loop3A_132 : vector<1x16xf32> to vector<16xf32>
        %parallel_loop3A_134 = arith.addf %parallel_loop3A_129, %parallel_loop3A_133 : vector<16xf32>
        %parallel_loop3A_135 = arith.index_cast %parallel_loop3A_114 : i32 to index
        %parallel_loop3A_136 = arith.constant 0 : index
        %parallel_loop3A_137 = tpu.vector_load %arg16[%parallel_loop3A_135, %parallel_loop3A_136] {strides = array<i32>} : memref<16x768xf32, #tpu.memory_space<vmem>>, vector<1x16xf32>,
        %parallel_loop3A_138 = vector.shape_cast %parallel_loop3A_137 : vector<1x16xf32> to vector<16xf32>
        %parallel_loop3A_139 = vector.shape_cast %parallel_loop3A_134 : vector<16xf32> to vector<1x16xf32>
        tpu.vector_store %arg16[%parallel_loop3A_135, %parallel_loop3A_136], %parallel_loop3A_139 {strides = array<i32>} : memref<16x768xf32, #tpu.memory_space<vmem>>, vector<1x16xf32>,
        %parallel_loop3A_140 = arith.index_cast %parallel_loop3A_114 : i32 to index
        %parallel_loop3A_141 = arith.constant 16 : index
        %parallel_loop3A_142 = tpu.vector_load %arg12[%parallel_loop3A_140, %parallel_loop3A_141] {strides = array<i32>} : memref<16x768xf32, #tpu.memory_space<vmem>>, vector<1x16xf32>,
        %parallel_loop3A_143 = vector.shape_cast %parallel_loop3A_142 : vector<1x16xf32> to vector<16xf32>
        %parallel_loop3A_144 = arith.index_cast %parallel_loop3A_114 : i32 to index
        %parallel_loop3A_145 = arith.constant 16 : index
        %parallel_loop3A_146 = tpu.vector_load %arg13[%parallel_loop3A_144, %parallel_loop3A_145] {strides = array<i32>} : memref<16x768xf32, #tpu.memory_space<vmem>>, vector<1x16xf32>,
        %parallel_loop3A_147 = vector.shape_cast %parallel_loop3A_146 : vector<1x16xf32> to vector<16xf32>
        %parallel_loop3A_148 = arith.addf %parallel_loop3A_143, %parallel_loop3A_147 : vector<16xf32>
        %parallel_loop3A_149 = arith.index_cast %parallel_loop3A_120 : i32 to index
        %parallel_loop3A_150 = arith.constant 16 : index
        %parallel_loop3A_151 = tpu.vector_load %arg18[%parallel_loop3A_149, %parallel_loop3A_150] {strides = array<i32>} : memref<2x768xf32, #tpu.memory_space<vmem>>, vector<1x16xf32>,
        %parallel_loop3A_152 = vector.shape_cast %parallel_loop3A_151 : vector<1x16xf32> to vector<16xf32>
        %parallel_loop3A_153 = arith.addf %parallel_loop3A_148, %parallel_loop3A_152 : vector<16xf32>
        %parallel_loop3A_154 = arith.index_cast %parallel_loop3A_114 : i32 to index
        %parallel_loop3A_155 = arith.constant 16 : index
        %parallel_loop3A_156 = tpu.vector_load %arg16[%parallel_loop3A_154, %parallel_loop3A_155] {strides = array<i32>} : memref<16x768xf32, #tpu.memory_space<vmem>>, vector<1x16xf32>,
        %parallel_loop3A_157 = vector.shape_cast %parallel_loop3A_156 : vector<1x16xf32> to vector<16xf32>
        %parallel_loop3A_158 = vector.shape_cast %parallel_loop3A_153 : vector<16xf32> to vector<1x16xf32>
        tpu.vector_store %arg16[%parallel_loop3A_154, %parallel_loop3A_155], %parallel_loop3A_158 {strides = array<i32>} : memref<16x768xf32, #tpu.memory_space<vmem>>, vector<1x16xf32>,
        %parallel_loop3A_159 = arith.index_cast %parallel_loop3A_114 : i32 to index
        %parallel_loop3A_160 = arith.constant 32 : index
        %parallel_loop3A_161 = tpu.vector_load %arg12[%parallel_loop3A_159, %parallel_loop3A_160] {strides = array<i32>} : memref<16x768xf32, #tpu.memory_space<vmem>>, vector<1x16xf32>,
        %parallel_loop3A_162 = vector.shape_cast %parallel_loop3A_161 : vector<1x16xf32> to vector<16xf32>
        %parallel_loop3A_163 = arith.index_cast %parallel_loop3A_114 : i32 to index
        %parallel_loop3A_164 = arith.constant 32 : index
        %parallel_loop3A_165 = tpu.vector_load %arg13[%parallel_loop3A_163, %parallel_loop3A_164] {strides = array<i32>} : memref<16x768xf32, #tpu.memory_space<vmem>>, vector<1x16xf32>,
        %parallel_loop3A_166 = vector.shape_cast %parallel_loop3A_165 : vector<1x16xf32> to vector<16xf32>
        %parallel_loop3A_167 = arith.addf %parallel_loop3A_162, %parallel_loop3A_166 : vector<16xf32>
        %parallel_loop3A_168 = arith.index_cast %parallel_loop3A_120 : i32 to index
        %parallel_loop3A_169 = arith.constant 32 : index
        %parallel_loop3A_170 = tpu.vector_load %arg18[%parallel_loop3A_168, %parallel_loop3A_169] {strides = array<i32>} : memref<2x768xf32, #tpu.memory_space<vmem>>, vector<1x16xf32>,
        %parallel_loop3A_171 = vector.shape_cast %parallel_loop3A_170 : vector<1x16xf32> to vector<16xf32>
        %parallel_loop3A_172 = arith.addf %parallel_loop3A_167, %parallel_loop3A_171 : vector<16xf32>
        %parallel_loop3A_173 = arith.index_cast %parallel_loop3A_114 : i32 to index
        %parallel_loop3A_174 = arith.constant 32 : index
        %parallel_loop3A_175 = tpu.vector_load %arg16[%parallel_loop3A_173, %parallel_loop3A_174] {strides = array<i32>} : memref<16x768xf32, #tpu.memory_space<vmem>>, vector<1x16xf32>,
        %parallel_loop3A_176 = vector.shape_cast %parallel_loop3A_175 : vector<1x16xf32> to vector<16xf32>
        %parallel_loop3A_177 = vector.shape_cast %parallel_loop3A_172 : vector<16xf32> to vector<1x16xf32>
        tpu.vector_store %arg16[%parallel_loop3A_173, %parallel_loop3A_174], %parallel_loop3A_177 {strides = array<i32>} : memref<16x768xf32, #tpu.memory_space<vmem>>, vector<1x16xf32>,
        %parallel_loop3A_178 = arith.index_cast %parallel_loop3A_114 : i32 to index
        %parallel_loop3A_179 = arith.constant 48 : index
        %parallel_loop3A_180 = tpu.vector_load %arg12[%parallel_loop3A_178, %parallel_loop3A_179] {strides = array<i32>} : memref<16x768xf32, #tpu.memory_space<vmem>>, vector<1x16xf32>,
        %parallel_loop3A_181 = vector.shape_cast %parallel_loop3A_180 : vector<1x16xf32> to vector<16xf32>
        %parallel_loop3A_182 = arith.index_cast %parallel_loop3A_114 : i32 to index
        %parallel_loop3A_183 = arith.constant 48 : index
        %parallel_loop3A_184 = tpu.vector_load %arg13[%parallel_loop3A_182, %parallel_loop3A_183] {strides = array<i32>} : memref<16x768xf32, #tpu.memory_space<vmem>>, vector<1x16xf32>,
        %parallel_loop3A_185 = vector.shape_cast %parallel_loop3A_184 : vector<1x16xf32> to vector<16xf32>
        %parallel_loop3A_186 = arith.addf %parallel_loop3A_181, %parallel_loop3A_185 : vector<16xf32>
        %parallel_loop3A_187 = arith.index_cast %parallel_loop3A_120 : i32 to index
        %parallel_loop3A_188 = arith.constant 48 : index
        %parallel_loop3A_189 = tpu.vector_load %arg18[%parallel_loop3A_187, %parallel_loop3A_188] {strides = array<i32>} : memref<2x768xf32, #tpu.memory_space<vmem>>, vector<1x16xf32>,
        %parallel_loop3A_190 = vector.shape_cast %parallel_loop3A_189 : vector<1x16xf32> to vector<16xf32>
        %parallel_loop3A_191 = arith.addf %parallel_loop3A_186, %parallel_loop3A_190 : vector<16xf32>
        %parallel_loop3A_192 = arith.index_cast %parallel_loop3A_114 : i32 to index
        %parallel_loop3A_193 = arith.constant 48 : index
        %parallel_loop3A_194 = tpu.vector_load %arg16[%parallel_loop3A_192, %parallel_loop3A_193] {strides = array<i32>} : memref<16x768xf32, #tpu.memory_space<vmem>>, vector<1x16xf32>,
        %parallel_loop3A_195 = vector.shape_cast %parallel_loop3A_194 : vector<1x16xf32> to vector<16xf32>
        %parallel_loop3A_196 = vector.shape_cast %parallel_loop3A_191 : vector<16xf32> to vector<1x16xf32>
        tpu.vector_store %arg16[%parallel_loop3A_192, %parallel_loop3A_193], %parallel_loop3A_196 {strides = array<i32>} : memref<16x768xf32, #tpu.memory_space<vmem>>, vector<1x16xf32>,
        %parallel_loop3A_197 = arith.index_cast %parallel_loop3A_114 : i32 to index
        %parallel_loop3A_198 = arith.constant 64 : index
        %parallel_loop3A_199 = tpu.vector_load %arg12[%parallel_loop3A_197, %parallel_loop3A_198] {strides = array<i32>} : memref<16x768xf32, #tpu.memory_space<vmem>>, vector<1x16xf32>,
        %parallel_loop3A_200 = vector.shape_cast %parallel_loop3A_199 : vector<1x16xf32> to vector<16xf32>
        %parallel_loop3A_201 = arith.index_cast %parallel_loop3A_114 : i32 to index
        %parallel_loop3A_202 = arith.constant 64 : index
        %parallel_loop3A_203 = tpu.vector_load %arg13[%parallel_loop3A_201, %parallel_loop3A_202] {strides = array<i32>} : memref<16x768xf32, #tpu.memory_space<vmem>>, vector<1x16xf32>,
        %parallel_loop3A_204 = vector.shape_cast %parallel_loop3A_203 : vector<1x16xf32> to vector<16xf32>
        %parallel_loop3A_205 = arith.addf %parallel_loop3A_200, %parallel_loop3A_204 : vector<16xf32>
        %parallel_loop3A_206 = arith.index_cast %parallel_loop3A_120 : i32 to index
        %parallel_loop3A_207 = arith.constant 64 : index
        %parallel_loop3A_208 = tpu.vector_load %arg18[%parallel_loop3A_206, %parallel_loop3A_207] {strides = array<i32>} : memref<2x768xf32, #tpu.memory_space<vmem>>, vector<1x16xf32>,
        %parallel_loop3A_209 = vector.shape_cast %parallel_loop3A_208 : vector<1x16xf32> to vector<16xf32>
        %parallel_loop3A_210 = arith.addf %parallel_loop3A_205, %parallel_loop3A_209 : vector<16xf32>
        %parallel_loop3A_211 = arith.index_cast %parallel_loop3A_114 : i32 to index
        %parallel_loop3A_212 = arith.constant 64 : index
        %parallel_loop3A_213 = tpu.vector_load %arg16[%parallel_loop3A_211, %parallel_loop3A_212] {strides = array<i32>} : memref<16x768xf32, #tpu.memory_space<vmem>>, vector<1x16xf32>,
        %parallel_loop3A_214 = vector.shape_cast %parallel_loop3A_213 : vector<1x16xf32> to vector<16xf32>
        %parallel_loop3A_215 = vector.shape_cast %parallel_loop3A_210 : vector<16xf32> to vector<1x16xf32>
        tpu.vector_store %arg16[%parallel_loop3A_211, %parallel_loop3A_212], %parallel_loop3A_215 {strides = array<i32>} : memref<16x768xf32, #tpu.memory_space<vmem>>, vector<1x16xf32>,
        %parallel_loop3A_216 = arith.index_cast %parallel_loop3A_114 : i32 to index
        %parallel_loop3A_217 = arith.constant 80 : index
        %parallel_loop3A_218 = tpu.vector_load %arg12[%parallel_loop3A_216, %parallel_loop3A_217] {strides = array<i32>} : memref<16x768xf32, #tpu.memory_space<vmem>>, vector<1x16xf32>,
        %parallel_loop3A_219 = vector.shape_cast %parallel_loop3A_218 : vector<1x16xf32> to vector<16xf32>
        %parallel_loop3A_220 = arith.index_cast %parallel_loop3A_114 : i32 to index
        %parallel_loop3A_221 = arith.constant 80 : index
        %parallel_loop3A_222 = tpu.vector_load %arg13[%parallel_loop3A_220, %parallel_loop3A_221] {strides = array<i32>} : memref<16x768xf32, #tpu.memory_space<vmem>>, vector<1x16xf32>,
        %parallel_loop3A_223 = vector.shape_cast %parallel_loop3A_222 : vector<1x16xf32> to vector<16xf32>
        %parallel_loop3A_224 = arith.addf %parallel_loop3A_219, %parallel_loop3A_223 : vector<16xf32>
        %parallel_loop3A_225 = arith.index_cast %parallel_loop3A_120 : i32 to index
        %parallel_loop3A_226 = arith.constant 80 : index
        %parallel_loop3A_227 = tpu.vector_load %arg18[%parallel_loop3A_225, %parallel_loop3A_226] {strides = array<i32>} : memref<2x768xf32, #tpu.memory_space<vmem>>, vector<1x16xf32>,
        %parallel_loop3A_228 = vector.shape_cast %parallel_loop3A_227 : vector<1x16xf32> to vector<16xf32>
        %parallel_loop3A_229 = arith.addf %parallel_loop3A_224, %parallel_loop3A_228 : vector<16xf32>
        %parallel_loop3A_230 = arith.index_cast %parallel_loop3A_114 : i32 to index
        %parallel_loop3A_231 = arith.constant 80 : index
        %parallel_loop3A_232 = tpu.vector_load %arg16[%parallel_loop3A_230, %parallel_loop3A_231] {strides = array<i32>} : memref<16x768xf32, #tpu.memory_space<vmem>>, vector<1x16xf32>,
        %parallel_loop3A_233 = vector.shape_cast %parallel_loop3A_232 : vector<1x16xf32> to vector<16xf32>
        %parallel_loop3A_234 = vector.shape_cast %parallel_loop3A_229 : vector<16xf32> to vector<1x16xf32>
        tpu.vector_store %arg16[%parallel_loop3A_230, %parallel_loop3A_231], %parallel_loop3A_234 {strides = array<i32>} : memref<16x768xf32, #tpu.memory_space<vmem>>, vector<1x16xf32>,
        %parallel_loop3A_235 = arith.index_cast %parallel_loop3A_114 : i32 to index
        %parallel_loop3A_236 = arith.constant 96 : index
        %parallel_loop3A_237 = tpu.vector_load %arg12[%parallel_loop3A_235, %parallel_loop3A_236] {strides = array<i32>} : memref<16x768xf32, #tpu.memory_space<vmem>>, vector<1x16xf32>,
        %parallel_loop3A_238 = vector.shape_cast %parallel_loop3A_237 : vector<1x16xf32> to vector<16xf32>
        %parallel_loop3A_239 = arith.index_cast %parallel_loop3A_114 : i32 to index
        %parallel_loop3A_240 = arith.constant 96 : index
        %parallel_loop3A_241 = tpu.vector_load %arg13[%parallel_loop3A_239, %parallel_loop3A_240] {strides = array<i32>} : memref<16x768xf32, #tpu.memory_space<vmem>>, vector<1x16xf32>,
        %parallel_loop3A_242 = vector.shape_cast %parallel_loop3A_241 : vector<1x16xf32> to vector<16xf32>
        %parallel_loop3A_243 = arith.addf %parallel_loop3A_238, %parallel_loop3A_242 : vector<16xf32>
        %parallel_loop3A_244 = arith.index_cast %parallel_loop3A_120 : i32 to index
        %parallel_loop3A_245 = arith.constant 96 : index
        %parallel_loop3A_246 = tpu.vector_load %arg18[%parallel_loop3A_244, %parallel_loop3A_245] {strides = array<i32>} : memref<2x768xf32, #tpu.memory_space<vmem>>, vector<1x16xf32>,
        %parallel_loop3A_247 = vector.shape_cast %parallel_loop3A_246 : vector<1x16xf32> to vector<16xf32>
        %parallel_loop3A_248 = arith.addf %parallel_loop3A_243, %parallel_loop3A_247 : vector<16xf32>
        %parallel_loop3A_249 = arith.index_cast %parallel_loop3A_114 : i32 to index
        %parallel_loop3A_250 = arith.constant 96 : index
        %parallel_loop3A_251 = tpu.vector_load %arg16[%parallel_loop3A_249, %parallel_loop3A_250] {strides = array<i32>} : memref<16x768xf32, #tpu.memory_space<vmem>>, vector<1x16xf32>,
        %parallel_loop3A_252 = vector.shape_cast %parallel_loop3A_251 : vector<1x16xf32> to vector<16xf32>
        %parallel_loop3A_253 = vector.shape_cast %parallel_loop3A_248 : vector<16xf32> to vector<1x16xf32>
        tpu.vector_store %arg16[%parallel_loop3A_249, %parallel_loop3A_250], %parallel_loop3A_253 {strides = array<i32>} : memref<16x768xf32, #tpu.memory_space<vmem>>, vector<1x16xf32>,
        %parallel_loop3A_254 = arith.index_cast %parallel_loop3A_114 : i32 to index
        %parallel_loop3A_255 = arith.constant 112 : index
        %parallel_loop3A_256 = tpu.vector_load %arg12[%parallel_loop3A_254, %parallel_loop3A_255] {strides = array<i32>} : memref<16x768xf32, #tpu.memory_space<vmem>>, vector<1x16xf32>,
        %parallel_loop3A_257 = vector.shape_cast %parallel_loop3A_256 : vector<1x16xf32> to vector<16xf32>
        %parallel_loop3A_258 = arith.index_cast %parallel_loop3A_114 : i32 to index
        %parallel_loop3A_259 = arith.constant 112 : index
        %parallel_loop3A_260 = tpu.vector_load %arg13[%parallel_loop3A_258, %parallel_loop3A_259] {strides = array<i32>} : memref<16x768xf32, #tpu.memory_space<vmem>>, vector<1x16xf32>,
        %parallel_loop3A_261 = vector.shape_cast %parallel_loop3A_260 : vector<1x16xf32> to vector<16xf32>
        %parallel_loop3A_262 = arith.addf %parallel_loop3A_257, %parallel_loop3A_261 : vector<16xf32>
        %parallel_loop3A_263 = arith.index_cast %parallel_loop3A_120 : i32 to index
        %parallel_loop3A_264 = arith.constant 112 : index
        %parallel_loop3A_265 = tpu.vector_load %arg18[%parallel_loop3A_263, %parallel_loop3A_264] {strides = array<i32>} : memref<2x768xf32, #tpu.memory_space<vmem>>, vector<1x16xf32>,
        %parallel_loop3A_266 = vector.shape_cast %parallel_loop3A_265 : vector<1x16xf32> to vector<16xf32>
        %parallel_loop3A_267 = arith.addf %parallel_loop3A_262, %parallel_loop3A_266 : vector<16xf32>
        %parallel_loop3A_268 = arith.index_cast %parallel_loop3A_114 : i32 to index
        %parallel_loop3A_269 = arith.constant 112 : index
        %parallel_loop3A_270 = tpu.vector_load %arg16[%parallel_loop3A_268, %parallel_loop3A_269] {strides = array<i32>} : memref<16x768xf32, #tpu.memory_space<vmem>>, vector<1x16xf32>,
        %parallel_loop3A_271 = vector.shape_cast %parallel_loop3A_270 : vector<1x16xf32> to vector<16xf32>
        %parallel_loop3A_272 = vector.shape_cast %parallel_loop3A_267 : vector<16xf32> to vector<1x16xf32>
        tpu.vector_store %arg16[%parallel_loop3A_268, %parallel_loop3A_269], %parallel_loop3A_272 {strides = array<i32>} : memref<16x768xf32, #tpu.memory_space<vmem>>, vector<1x16xf32>,
        %parallel_loop3A_273 = arith.index_cast %parallel_loop3A_114 : i32 to index
        %parallel_loop3A_274 = arith.constant 128 : index
        %parallel_loop3A_275 = tpu.vector_load %arg12[%parallel_loop3A_273, %parallel_loop3A_274] {strides = array<i32>} : memref<16x768xf32, #tpu.memory_space<vmem>>, vector<1x16xf32>,
        %parallel_loop3A_276 = vector.shape_cast %parallel_loop3A_275 : vector<1x16xf32> to vector<16xf32>
        %parallel_loop3A_277 = arith.index_cast %parallel_loop3A_114 : i32 to index
        %parallel_loop3A_278 = arith.constant 128 : index
        %parallel_loop3A_279 = tpu.vector_load %arg13[%parallel_loop3A_277, %parallel_loop3A_278] {strides = array<i32>} : memref<16x768xf32, #tpu.memory_space<vmem>>, vector<1x16xf32>,
        %parallel_loop3A_280 = vector.shape_cast %parallel_loop3A_279 : vector<1x16xf32> to vector<16xf32>
        %parallel_loop3A_281 = arith.addf %parallel_loop3A_276, %parallel_loop3A_280 : vector<16xf32>
        %parallel_loop3A_282 = arith.index_cast %parallel_loop3A_120 : i32 to index
        %parallel_loop3A_283 = arith.constant 128 : index
        %parallel_loop3A_284 = tpu.vector_load %arg18[%parallel_loop3A_282, %parallel_loop3A_283] {strides = array<i32>} : memref<2x768xf32, #tpu.memory_space<vmem>>, vector<1x16xf32>,
        %parallel_loop3A_285 = vector.shape_cast %parallel_loop3A_284 : vector<1x16xf32> to vector<16xf32>
        %parallel_loop3A_286 = arith.addf %parallel_loop3A_281, %parallel_loop3A_285 : vector<16xf32>
        %parallel_loop3A_287 = arith.index_cast %parallel_loop3A_114 : i32 to index
        %parallel_loop3A_288 = arith.constant 128 : index
        %parallel_loop3A_289 = tpu.vector_load %arg16[%parallel_loop3A_287, %parallel_loop3A_288] {strides = array<i32>} : memref<16x768xf32, #tpu.memory_space<vmem>>, vector<1x16xf32>,
        %parallel_loop3A_290 = vector.shape_cast %parallel_loop3A_289 : vector<1x16xf32> to vector<16xf32>
        %parallel_loop3A_291 = vector.shape_cast %parallel_loop3A_286 : vector<16xf32> to vector<1x16xf32>
        tpu.vector_store %arg16[%parallel_loop3A_287, %parallel_loop3A_288], %parallel_loop3A_291 {strides = array<i32>} : memref<16x768xf32, #tpu.memory_space<vmem>>, vector<1x16xf32>,
        %parallel_loop3A_292 = arith.index_cast %parallel_loop3A_114 : i32 to index
        %parallel_loop3A_293 = arith.constant 144 : index
        %parallel_loop3A_294 = tpu.vector_load %arg12[%parallel_loop3A_292, %parallel_loop3A_293] {strides = array<i32>} : memref<16x768xf32, #tpu.memory_space<vmem>>, vector<1x16xf32>,
        %parallel_loop3A_295 = vector.shape_cast %parallel_loop3A_294 : vector<1x16xf32> to vector<16xf32>
        %parallel_loop3A_296 = arith.index_cast %parallel_loop3A_114 : i32 to index
        %parallel_loop3A_297 = arith.constant 144 : index
        %parallel_loop3A_298 = tpu.vector_load %arg13[%parallel_loop3A_296, %parallel_loop3A_297] {strides = array<i32>} : memref<16x768xf32, #tpu.memory_space<vmem>>, vector<1x16xf32>,
        %parallel_loop3A_299 = vector.shape_cast %parallel_loop3A_298 : vector<1x16xf32> to vector<16xf32>
        %parallel_loop3A_300 = arith.addf %parallel_loop3A_295, %parallel_loop3A_299 : vector<16xf32>
        %parallel_loop3A_301 = arith.index_cast %parallel_loop3A_120 : i32 to index
        %parallel_loop3A_302 = arith.constant 144 : index
        %parallel_loop3A_303 = tpu.vector_load %arg18[%parallel_loop3A_301, %parallel_loop3A_302] {strides = array<i32>} : memref<2x768xf32, #tpu.memory_space<vmem>>, vector<1x16xf32>,
        %parallel_loop3A_304 = vector.shape_cast %parallel_loop3A_303 : vector<1x16xf32> to vector<16xf32>
        %parallel_loop3A_305 = arith.addf %parallel_loop3A_300, %parallel_loop3A_304 : vector<16xf32>
        %parallel_loop3A_306 = arith.index_cast %parallel_loop3A_114 : i32 to index
        %parallel_loop3A_307 = arith.constant 144 : index
        %parallel_loop3A_308 = tpu.vector_load %arg16[%parallel_loop3A_306, %parallel_loop3A_307] {strides = array<i32>} : memref<16x768xf32, #tpu.memory_space<vmem>>, vector<1x16xf32>,
        %parallel_loop3A_309 = vector.shape_cast %parallel_loop3A_308 : vector<1x16xf32> to vector<16xf32>
        %parallel_loop3A_310 = vector.shape_cast %parallel_loop3A_305 : vector<16xf32> to vector<1x16xf32>
        tpu.vector_store %arg16[%parallel_loop3A_306, %parallel_loop3A_307], %parallel_loop3A_310 {strides = array<i32>} : memref<16x768xf32, #tpu.memory_space<vmem>>, vector<1x16xf32>,
        %parallel_loop3A_311 = arith.index_cast %parallel_loop3A_114 : i32 to index
        %parallel_loop3A_312 = arith.constant 160 : index
        %parallel_loop3A_313 = tpu.vector_load %arg12[%parallel_loop3A_311, %parallel_loop3A_312] {strides = array<i32>} : memref<16x768xf32, #tpu.memory_space<vmem>>, vector<1x16xf32>,
        %parallel_loop3A_314 = vector.shape_cast %parallel_loop3A_313 : vector<1x16xf32> to vector<16xf32>
        %parallel_loop3A_315 = arith.index_cast %parallel_loop3A_114 : i32 to index
        %parallel_loop3A_316 = arith.constant 160 : index
        %parallel_loop3A_317 = tpu.vector_load %arg13[%parallel_loop3A_315, %parallel_loop3A_316] {strides = array<i32>} : memref<16x768xf32, #tpu.memory_space<vmem>>, vector<1x16xf32>,
        %parallel_loop3A_318 = vector.shape_cast %parallel_loop3A_317 : vector<1x16xf32> to vector<16xf32>
        %parallel_loop3A_319 = arith.addf %parallel_loop3A_314, %parallel_loop3A_318 : vector<16xf32>
        %parallel_loop3A_320 = arith.index_cast %parallel_loop3A_120 : i32 to index
        %parallel_loop3A_321 = arith.constant 160 : index
        %parallel_loop3A_322 = tpu.vector_load %arg18[%parallel_loop3A_320, %parallel_loop3A_321] {strides = array<i32>} : memref<2x768xf32, #tpu.memory_space<vmem>>, vector<1x16xf32>,
        %parallel_loop3A_323 = vector.shape_cast %parallel_loop3A_322 : vector<1x16xf32> to vector<16xf32>
        %parallel_loop3A_324 = arith.addf %parallel_loop3A_319, %parallel_loop3A_323 : vector<16xf32>
        %parallel_loop3A_325 = arith.index_cast %parallel_loop3A_114 : i32 to index
        %parallel_loop3A_326 = arith.constant 160 : index
        %parallel_loop3A_327 = tpu.vector_load %arg16[%parallel_loop3A_325, %parallel_loop3A_326] {strides = array<i32>} : memref<16x768xf32, #tpu.memory_space<vmem>>, vector<1x16xf32>,
        %parallel_loop3A_328 = vector.shape_cast %parallel_loop3A_327 : vector<1x16xf32> to vector<16xf32>
        %parallel_loop3A_329 = vector.shape_cast %parallel_loop3A_324 : vector<16xf32> to vector<1x16xf32>
        tpu.vector_store %arg16[%parallel_loop3A_325, %parallel_loop3A_326], %parallel_loop3A_329 {strides = array<i32>} : memref<16x768xf32, #tpu.memory_space<vmem>>, vector<1x16xf32>,
        %parallel_loop3A_330 = arith.index_cast %parallel_loop3A_114 : i32 to index
        %parallel_loop3A_331 = arith.constant 176 : index
        %parallel_loop3A_332 = tpu.vector_load %arg12[%parallel_loop3A_330, %parallel_loop3A_331] {strides = array<i32>} : memref<16x768xf32, #tpu.memory_space<vmem>>, vector<1x16xf32>,
        %parallel_loop3A_333 = vector.shape_cast %parallel_loop3A_332 : vector<1x16xf32> to vector<16xf32>
        %parallel_loop3A_334 = arith.index_cast %parallel_loop3A_114 : i32 to index
        %parallel_loop3A_335 = arith.constant 176 : index
        %parallel_loop3A_336 = tpu.vector_load %arg13[%parallel_loop3A_334, %parallel_loop3A_335] {strides = array<i32>} : memref<16x768xf32, #tpu.memory_space<vmem>>, vector<1x16xf32>,
        %parallel_loop3A_337 = vector.shape_cast %parallel_loop3A_336 : vector<1x16xf32> to vector<16xf32>
        %parallel_loop3A_338 = arith.addf %parallel_loop3A_333, %parallel_loop3A_337 : vector<16xf32>
        %parallel_loop3A_339 = arith.index_cast %parallel_loop3A_120 : i32 to index
        %parallel_loop3A_340 = arith.constant 176 : index
        %parallel_loop3A_341 = tpu.vector_load %arg18[%parallel_loop3A_339, %parallel_loop3A_340] {strides = array<i32>} : memref<2x768xf32, #tpu.memory_space<vmem>>, vector<1x16xf32>,
        %parallel_loop3A_342 = vector.shape_cast %parallel_loop3A_341 : vector<1x16xf32> to vector<16xf32>
        %parallel_loop3A_343 = arith.addf %parallel_loop3A_338, %parallel_loop3A_342 : vector<16xf32>
        %parallel_loop3A_344 = arith.index_cast %parallel_loop3A_114 : i32 to index
        %parallel_loop3A_345 = arith.constant 176 : index
        %parallel_loop3A_346 = tpu.vector_load %arg16[%parallel_loop3A_344, %parallel_loop3A_345] {strides = array<i32>} : memref<16x768xf32, #tpu.memory_space<vmem>>, vector<1x16xf32>,
        %parallel_loop3A_347 = vector.shape_cast %parallel_loop3A_346 : vector<1x16xf32> to vector<16xf32>
        %parallel_loop3A_348 = vector.shape_cast %parallel_loop3A_343 : vector<16xf32> to vector<1x16xf32>
        tpu.vector_store %arg16[%parallel_loop3A_344, %parallel_loop3A_345], %parallel_loop3A_348 {strides = array<i32>} : memref<16x768xf32, #tpu.memory_space<vmem>>, vector<1x16xf32>,
        %parallel_loop3A_349 = arith.index_cast %parallel_loop3A_114 : i32 to index
        %parallel_loop3A_350 = arith.constant 192 : index
        %parallel_loop3A_351 = tpu.vector_load %arg12[%parallel_loop3A_349, %parallel_loop3A_350] {strides = array<i32>} : memref<16x768xf32, #tpu.memory_space<vmem>>, vector<1x16xf32>,
        %parallel_loop3A_352 = vector.shape_cast %parallel_loop3A_351 : vector<1x16xf32> to vector<16xf32>
        %parallel_loop3A_353 = arith.index_cast %parallel_loop3A_114 : i32 to index
        %parallel_loop3A_354 = arith.constant 192 : index
        %parallel_loop3A_355 = tpu.vector_load %arg13[%parallel_loop3A_353, %parallel_loop3A_354] {strides = array<i32>} : memref<16x768xf32, #tpu.memory_space<vmem>>, vector<1x16xf32>,
        %parallel_loop3A_356 = vector.shape_cast %parallel_loop3A_355 : vector<1x16xf32> to vector<16xf32>
        %parallel_loop3A_357 = arith.addf %parallel_loop3A_352, %parallel_loop3A_356 : vector<16xf32>
        %parallel_loop3A_358 = arith.index_cast %parallel_loop3A_120 : i32 to index
        %parallel_loop3A_359 = arith.constant 192 : index
        %parallel_loop3A_360 = tpu.vector_load %arg18[%parallel_loop3A_358, %parallel_loop3A_359] {strides = array<i32>} : memref<2x768xf32, #tpu.memory_space<vmem>>, vector<1x16xf32>,
        %parallel_loop3A_361 = vector.shape_cast %parallel_loop3A_360 : vector<1x16xf32> to vector<16xf32>
        %parallel_loop3A_362 = arith.addf %parallel_loop3A_357, %parallel_loop3A_361 : vector<16xf32>
        %parallel_loop3A_363 = arith.index_cast %parallel_loop3A_114 : i32 to index
        %parallel_loop3A_364 = arith.constant 192 : index
        %parallel_loop3A_365 = tpu.vector_load %arg16[%parallel_loop3A_363, %parallel_loop3A_364] {strides = array<i32>} : memref<16x768xf32, #tpu.memory_space<vmem>>, vector<1x16xf32>,
        %parallel_loop3A_366 = vector.shape_cast %parallel_loop3A_365 : vector<1x16xf32> to vector<16xf32>
        %parallel_loop3A_367 = vector.shape_cast %parallel_loop3A_362 : vector<16xf32> to vector<1x16xf32>
        tpu.vector_store %arg16[%parallel_loop3A_363, %parallel_loop3A_364], %parallel_loop3A_367 {strides = array<i32>} : memref<16x768xf32, #tpu.memory_space<vmem>>, vector<1x16xf32>,
        %parallel_loop3A_368 = arith.index_cast %parallel_loop3A_114 : i32 to index
        %parallel_loop3A_369 = arith.constant 208 : index
        %parallel_loop3A_370 = tpu.vector_load %arg12[%parallel_loop3A_368, %parallel_loop3A_369] {strides = array<i32>} : memref<16x768xf32, #tpu.memory_space<vmem>>, vector<1x16xf32>,
        %parallel_loop3A_371 = vector.shape_cast %parallel_loop3A_370 : vector<1x16xf32> to vector<16xf32>
        %parallel_loop3A_372 = arith.index_cast %parallel_loop3A_114 : i32 to index
        %parallel_loop3A_373 = arith.constant 208 : index
        %parallel_loop3A_374 = tpu.vector_load %arg13[%parallel_loop3A_372, %parallel_loop3A_373] {strides = array<i32>} : memref<16x768xf32, #tpu.memory_space<vmem>>, vector<1x16xf32>,
        %parallel_loop3A_375 = vector.shape_cast %parallel_loop3A_374 : vector<1x16xf32> to vector<16xf32>
        %parallel_loop3A_376 = arith.addf %parallel_loop3A_371, %parallel_loop3A_375 : vector<16xf32>
        %parallel_loop3A_377 = arith.index_cast %parallel_loop3A_120 : i32 to index
        %parallel_loop3A_378 = arith.constant 208 : index
        %parallel_loop3A_379 = tpu.vector_load %arg18[%parallel_loop3A_377, %parallel_loop3A_378] {strides = array<i32>} : memref<2x768xf32, #tpu.memory_space<vmem>>, vector<1x16xf32>,
        %parallel_loop3A_380 = vector.shape_cast %parallel_loop3A_379 : vector<1x16xf32> to vector<16xf32>
        %parallel_loop3A_381 = arith.addf %parallel_loop3A_376, %parallel_loop3A_380 : vector<16xf32>
        %parallel_loop3A_382 = arith.index_cast %parallel_loop3A_114 : i32 to index
        %parallel_loop3A_383 = arith.constant 208 : index
        %parallel_loop3A_384 = tpu.vector_load %arg16[%parallel_loop3A_382, %parallel_loop3A_383] {strides = array<i32>} : memref<16x768xf32, #tpu.memory_space<vmem>>, vector<1x16xf32>,
        %parallel_loop3A_385 = vector.shape_cast %parallel_loop3A_384 : vector<1x16xf32> to vector<16xf32>
        %parallel_loop3A_386 = vector.shape_cast %parallel_loop3A_381 : vector<16xf32> to vector<1x16xf32>
        tpu.vector_store %arg16[%parallel_loop3A_382, %parallel_loop3A_383], %parallel_loop3A_386 {strides = array<i32>} : memref<16x768xf32, #tpu.memory_space<vmem>>, vector<1x16xf32>,
        %parallel_loop3A_387 = arith.index_cast %parallel_loop3A_114 : i32 to index
        %parallel_loop3A_388 = arith.constant 224 : index
        %parallel_loop3A_389 = tpu.vector_load %arg12[%parallel_loop3A_387, %parallel_loop3A_388] {strides = array<i32>} : memref<16x768xf32, #tpu.memory_space<vmem>>, vector<1x16xf32>,
        %parallel_loop3A_390 = vector.shape_cast %parallel_loop3A_389 : vector<1x16xf32> to vector<16xf32>
        %parallel_loop3A_391 = arith.index_cast %parallel_loop3A_114 : i32 to index
        %parallel_loop3A_392 = arith.constant 224 : index
        %parallel_loop3A_393 = tpu.vector_load %arg13[%parallel_loop3A_391, %parallel_loop3A_392] {strides = array<i32>} : memref<16x768xf32, #tpu.memory_space<vmem>>, vector<1x16xf32>,
        %parallel_loop3A_394 = vector.shape_cast %parallel_loop3A_393 : vector<1x16xf32> to vector<16xf32>
        %parallel_loop3A_395 = arith.addf %parallel_loop3A_390, %parallel_loop3A_394 : vector<16xf32>
        %parallel_loop3A_396 = arith.index_cast %parallel_loop3A_120 : i32 to index
        %parallel_loop3A_397 = arith.constant 224 : index
        %parallel_loop3A_398 = tpu.vector_load %arg18[%parallel_loop3A_396, %parallel_loop3A_397] {strides = array<i32>} : memref<2x768xf32, #tpu.memory_space<vmem>>, vector<1x16xf32>,
        %parallel_loop3A_399 = vector.shape_cast %parallel_loop3A_398 : vector<1x16xf32> to vector<16xf32>
        %parallel_loop3A_400 = arith.addf %parallel_loop3A_395, %parallel_loop3A_399 : vector<16xf32>
        %parallel_loop3A_401 = arith.index_cast %parallel_loop3A_114 : i32 to index
        %parallel_loop3A_402 = arith.constant 224 : index
        %parallel_loop3A_403 = tpu.vector_load %arg16[%parallel_loop3A_401, %parallel_loop3A_402] {strides = array<i32>} : memref<16x768xf32, #tpu.memory_space<vmem>>, vector<1x16xf32>,
        %parallel_loop3A_404 = vector.shape_cast %parallel_loop3A_403 : vector<1x16xf32> to vector<16xf32>
        %parallel_loop3A_405 = vector.shape_cast %parallel_loop3A_400 : vector<16xf32> to vector<1x16xf32>
        tpu.vector_store %arg16[%parallel_loop3A_401, %parallel_loop3A_402], %parallel_loop3A_405 {strides = array<i32>} : memref<16x768xf32, #tpu.memory_space<vmem>>, vector<1x16xf32>,
        %parallel_loop3A_406 = arith.index_cast %parallel_loop3A_114 : i32 to index
        %parallel_loop3A_407 = arith.constant 240 : index
        %parallel_loop3A_408 = tpu.vector_load %arg12[%parallel_loop3A_406, %parallel_loop3A_407] {strides = array<i32>} : memref<16x768xf32, #tpu.memory_space<vmem>>, vector<1x16xf32>,
        %parallel_loop3A_409 = vector.shape_cast %parallel_loop3A_408 : vector<1x16xf32> to vector<16xf32>
        %parallel_loop3A_410 = arith.index_cast %parallel_loop3A_114 : i32 to index
        %parallel_loop3A_411 = arith.constant 240 : index
        %parallel_loop3A_412 = tpu.vector_load %arg13[%parallel_loop3A_410, %parallel_loop3A_411] {strides = array<i32>} : memref<16x768xf32, #tpu.memory_space<vmem>>, vector<1x16xf32>,
        %parallel_loop3A_413 = vector.shape_cast %parallel_loop3A_412 : vector<1x16xf32> to vector<16xf32>
        %parallel_loop3A_414 = arith.addf %parallel_loop3A_409, %parallel_loop3A_413 : vector<16xf32>
        %parallel_loop3A_415 = arith.index_cast %parallel_loop3A_120 : i32 to index
        %parallel_loop3A_416 = arith.constant 240 : index
        %parallel_loop3A_417 = tpu.vector_load %arg18[%parallel_loop3A_415, %parallel_loop3A_416] {strides = array<i32>} : memref<2x768xf32, #tpu.memory_space<vmem>>, vector<1x16xf32>,
        %parallel_loop3A_418 = vector.shape_cast %parallel_loop3A_417 : vector<1x16xf32> to vector<16xf32>
        %parallel_loop3A_419 = arith.addf %parallel_loop3A_414, %parallel_loop3A_418 : vector<16xf32>
        %parallel_loop3A_420 = arith.index_cast %parallel_loop3A_114 : i32 to index
        %parallel_loop3A_421 = arith.constant 240 : index
        %parallel_loop3A_422 = tpu.vector_load %arg16[%parallel_loop3A_420, %parallel_loop3A_421] {strides = array<i32>} : memref<16x768xf32, #tpu.memory_space<vmem>>, vector<1x16xf32>,
        %parallel_loop3A_423 = vector.shape_cast %parallel_loop3A_422 : vector<1x16xf32> to vector<16xf32>
        %parallel_loop3A_424 = vector.shape_cast %parallel_loop3A_419 : vector<16xf32> to vector<1x16xf32>
        tpu.vector_store %arg16[%parallel_loop3A_420, %parallel_loop3A_421], %parallel_loop3A_424 {strides = array<i32>} : memref<16x768xf32, #tpu.memory_space<vmem>>, vector<1x16xf32>,
        %parallel_loop3A_425 = arith.index_cast %parallel_loop3A_114 : i32 to index
        %parallel_loop3A_426 = arith.constant 256 : index
        %parallel_loop3A_427 = tpu.vector_load %arg12[%parallel_loop3A_425, %parallel_loop3A_426] {strides = array<i32>} : memref<16x768xf32, #tpu.memory_space<vmem>>, vector<1x16xf32>,
        %parallel_loop3A_428 = vector.shape_cast %parallel_loop3A_427 : vector<1x16xf32> to vector<16xf32>
        %parallel_loop3A_429 = arith.index_cast %parallel_loop3A_114 : i32 to index
        %parallel_loop3A_430 = arith.constant 256 : index
        %parallel_loop3A_431 = tpu.vector_load %arg13[%parallel_loop3A_429, %parallel_loop3A_430] {strides = array<i32>} : memref<16x768xf32, #tpu.memory_space<vmem>>, vector<1x16xf32>,
        %parallel_loop3A_432 = vector.shape_cast %parallel_loop3A_431 : vector<1x16xf32> to vector<16xf32>
        %parallel_loop3A_433 = arith.addf %parallel_loop3A_428, %parallel_loop3A_432 : vector<16xf32>
        %parallel_loop3A_434 = arith.index_cast %parallel_loop3A_120 : i32 to index
        %parallel_loop3A_435 = arith.constant 256 : index
        %parallel_loop3A_436 = tpu.vector_load %arg18[%parallel_loop3A_434, %parallel_loop3A_435] {strides = array<i32>} : memref<2x768xf32, #tpu.memory_space<vmem>>, vector<1x16xf32>,
        %parallel_loop3A_437 = vector.shape_cast %parallel_loop3A_436 : vector<1x16xf32> to vector<16xf32>
        %parallel_loop3A_438 = arith.addf %parallel_loop3A_433, %parallel_loop3A_437 : vector<16xf32>
        %parallel_loop3A_439 = arith.index_cast %parallel_loop3A_114 : i32 to index
        %parallel_loop3A_440 = arith.constant 256 : index
        %parallel_loop3A_441 = tpu.vector_load %arg16[%parallel_loop3A_439, %parallel_loop3A_440] {strides = array<i32>} : memref<16x768xf32, #tpu.memory_space<vmem>>, vector<1x16xf32>,
        %parallel_loop3A_442 = vector.shape_cast %parallel_loop3A_441 : vector<1x16xf32> to vector<16xf32>
        %parallel_loop3A_443 = vector.shape_cast %parallel_loop3A_438 : vector<16xf32> to vector<1x16xf32>
        tpu.vector_store %arg16[%parallel_loop3A_439, %parallel_loop3A_440], %parallel_loop3A_443 {strides = array<i32>} : memref<16x768xf32, #tpu.memory_space<vmem>>, vector<1x16xf32>,
        %parallel_loop3A_444 = arith.index_cast %parallel_loop3A_114 : i32 to index
        %parallel_loop3A_445 = arith.constant 272 : index
        %parallel_loop3A_446 = tpu.vector_load %arg12[%parallel_loop3A_444, %parallel_loop3A_445] {strides = array<i32>} : memref<16x768xf32, #tpu.memory_space<vmem>>, vector<1x16xf32>,
        %parallel_loop3A_447 = vector.shape_cast %parallel_loop3A_446 : vector<1x16xf32> to vector<16xf32>
        %parallel_loop3A_448 = arith.index_cast %parallel_loop3A_114 : i32 to index
        %parallel_loop3A_449 = arith.constant 272 : index
        %parallel_loop3A_450 = tpu.vector_load %arg13[%parallel_loop3A_448, %parallel_loop3A_449] {strides = array<i32>} : memref<16x768xf32, #tpu.memory_space<vmem>>, vector<1x16xf32>,
        %parallel_loop3A_451 = vector.shape_cast %parallel_loop3A_450 : vector<1x16xf32> to vector<16xf32>
        %parallel_loop3A_452 = arith.addf %parallel_loop3A_447, %parallel_loop3A_451 : vector<16xf32>
        %parallel_loop3A_453 = arith.index_cast %parallel_loop3A_120 : i32 to index
        %parallel_loop3A_454 = arith.constant 272 : index
        %parallel_loop3A_455 = tpu.vector_load %arg18[%parallel_loop3A_453, %parallel_loop3A_454] {strides = array<i32>} : memref<2x768xf32, #tpu.memory_space<vmem>>, vector<1x16xf32>,
        %parallel_loop3A_456 = vector.shape_cast %parallel_loop3A_455 : vector<1x16xf32> to vector<16xf32>
        %parallel_loop3A_457 = arith.addf %parallel_loop3A_452, %parallel_loop3A_456 : vector<16xf32>
        %parallel_loop3A_458 = arith.index_cast %parallel_loop3A_114 : i32 to index
        %parallel_loop3A_459 = arith.constant 272 : index
        %parallel_loop3A_460 = tpu.vector_load %arg16[%parallel_loop3A_458, %parallel_loop3A_459] {strides = array<i32>} : memref<16x768xf32, #tpu.memory_space<vmem>>, vector<1x16xf32>,
        %parallel_loop3A_461 = vector.shape_cast %parallel_loop3A_460 : vector<1x16xf32> to vector<16xf32>
        %parallel_loop3A_462 = vector.shape_cast %parallel_loop3A_457 : vector<16xf32> to vector<1x16xf32>
        tpu.vector_store %arg16[%parallel_loop3A_458, %parallel_loop3A_459], %parallel_loop3A_462 {strides = array<i32>} : memref<16x768xf32, #tpu.memory_space<vmem>>, vector<1x16xf32>,
        %parallel_loop3A_463 = arith.index_cast %parallel_loop3A_114 : i32 to index
        %parallel_loop3A_464 = arith.constant 288 : index
        %parallel_loop3A_465 = tpu.vector_load %arg12[%parallel_loop3A_463, %parallel_loop3A_464] {strides = array<i32>} : memref<16x768xf32, #tpu.memory_space<vmem>>, vector<1x16xf32>,
        %parallel_loop3A_466 = vector.shape_cast %parallel_loop3A_465 : vector<1x16xf32> to vector<16xf32>
        %parallel_loop3A_467 = arith.index_cast %parallel_loop3A_114 : i32 to index
        %parallel_loop3A_468 = arith.constant 288 : index
        %parallel_loop3A_469 = tpu.vector_load %arg13[%parallel_loop3A_467, %parallel_loop3A_468] {strides = array<i32>} : memref<16x768xf32, #tpu.memory_space<vmem>>, vector<1x16xf32>,
        %parallel_loop3A_470 = vector.shape_cast %parallel_loop3A_469 : vector<1x16xf32> to vector<16xf32>
        %parallel_loop3A_471 = arith.addf %parallel_loop3A_466, %parallel_loop3A_470 : vector<16xf32>
        %parallel_loop3A_472 = arith.index_cast %parallel_loop3A_120 : i32 to index
        %parallel_loop3A_473 = arith.constant 288 : index
        %parallel_loop3A_474 = tpu.vector_load %arg18[%parallel_loop3A_472, %parallel_loop3A_473] {strides = array<i32>} : memref<2x768xf32, #tpu.memory_space<vmem>>, vector<1x16xf32>,
        %parallel_loop3A_475 = vector.shape_cast %parallel_loop3A_474 : vector<1x16xf32> to vector<16xf32>
        %parallel_loop3A_476 = arith.addf %parallel_loop3A_471, %parallel_loop3A_475 : vector<16xf32>
        %parallel_loop3A_477 = arith.index_cast %parallel_loop3A_114 : i32 to index
        %parallel_loop3A_478 = arith.constant 288 : index
        %parallel_loop3A_479 = tpu.vector_load %arg16[%parallel_loop3A_477, %parallel_loop3A_478] {strides = array<i32>} : memref<16x768xf32, #tpu.memory_space<vmem>>, vector<1x16xf32>,
        %parallel_loop3A_480 = vector.shape_cast %parallel_loop3A_479 : vector<1x16xf32> to vector<16xf32>
        %parallel_loop3A_481 = vector.shape_cast %parallel_loop3A_476 : vector<16xf32> to vector<1x16xf32>
        tpu.vector_store %arg16[%parallel_loop3A_477, %parallel_loop3A_478], %parallel_loop3A_481 {strides = array<i32>} : memref<16x768xf32, #tpu.memory_space<vmem>>, vector<1x16xf32>,
        %parallel_loop3A_482 = arith.index_cast %parallel_loop3A_114 : i32 to index
        %parallel_loop3A_483 = arith.constant 304 : index
        %parallel_loop3A_484 = tpu.vector_load %arg12[%parallel_loop3A_482, %parallel_loop3A_483] {strides = array<i32>} : memref<16x768xf32, #tpu.memory_space<vmem>>, vector<1x16xf32>,
        %parallel_loop3A_485 = vector.shape_cast %parallel_loop3A_484 : vector<1x16xf32> to vector<16xf32>
        %parallel_loop3A_486 = arith.index_cast %parallel_loop3A_114 : i32 to index
        %parallel_loop3A_487 = arith.constant 304 : index
        %parallel_loop3A_488 = tpu.vector_load %arg13[%parallel_loop3A_486, %parallel_loop3A_487] {strides = array<i32>} : memref<16x768xf32, #tpu.memory_space<vmem>>, vector<1x16xf32>,
        %parallel_loop3A_489 = vector.shape_cast %parallel_loop3A_488 : vector<1x16xf32> to vector<16xf32>
        %parallel_loop3A_490 = arith.addf %parallel_loop3A_485, %parallel_loop3A_489 : vector<16xf32>
        %parallel_loop3A_491 = arith.index_cast %parallel_loop3A_120 : i32 to index
        %parallel_loop3A_492 = arith.constant 304 : index
        %parallel_loop3A_493 = tpu.vector_load %arg18[%parallel_loop3A_491, %parallel_loop3A_492] {strides = array<i32>} : memref<2x768xf32, #tpu.memory_space<vmem>>, vector<1x16xf32>,
        %parallel_loop3A_494 = vector.shape_cast %parallel_loop3A_493 : vector<1x16xf32> to vector<16xf32>
        %parallel_loop3A_495 = arith.addf %parallel_loop3A_490, %parallel_loop3A_494 : vector<16xf32>
        %parallel_loop3A_496 = arith.index_cast %parallel_loop3A_114 : i32 to index
        %parallel_loop3A_497 = arith.constant 304 : index
        %parallel_loop3A_498 = tpu.vector_load %arg16[%parallel_loop3A_496, %parallel_loop3A_497] {strides = array<i32>} : memref<16x768xf32, #tpu.memory_space<vmem>>, vector<1x16xf32>,
        %parallel_loop3A_499 = vector.shape_cast %parallel_loop3A_498 : vector<1x16xf32> to vector<16xf32>
        %parallel_loop3A_500 = vector.shape_cast %parallel_loop3A_495 : vector<16xf32> to vector<1x16xf32>
        tpu.vector_store %arg16[%parallel_loop3A_496, %parallel_loop3A_497], %parallel_loop3A_500 {strides = array<i32>} : memref<16x768xf32, #tpu.memory_space<vmem>>, vector<1x16xf32>,
        %parallel_loop3A_501 = arith.index_cast %parallel_loop3A_114 : i32 to index
        %parallel_loop3A_502 = arith.constant 320 : index
        %parallel_loop3A_503 = tpu.vector_load %arg12[%parallel_loop3A_501, %parallel_loop3A_502] {strides = array<i32>} : memref<16x768xf32, #tpu.memory_space<vmem>>, vector<1x16xf32>,
        %parallel_loop3A_504 = vector.shape_cast %parallel_loop3A_503 : vector<1x16xf32> to vector<16xf32>
        %parallel_loop3A_505 = arith.index_cast %parallel_loop3A_114 : i32 to index
        %parallel_loop3A_506 = arith.constant 320 : index
        %parallel_loop3A_507 = tpu.vector_load %arg13[%parallel_loop3A_505, %parallel_loop3A_506] {strides = array<i32>} : memref<16x768xf32, #tpu.memory_space<vmem>>, vector<1x16xf32>,
        %parallel_loop3A_508 = vector.shape_cast %parallel_loop3A_507 : vector<1x16xf32> to vector<16xf32>
        %parallel_loop3A_509 = arith.addf %parallel_loop3A_504, %parallel_loop3A_508 : vector<16xf32>
        %parallel_loop3A_510 = arith.index_cast %parallel_loop3A_120 : i32 to index
        %parallel_loop3A_511 = arith.constant 320 : index
        %parallel_loop3A_512 = tpu.vector_load %arg18[%parallel_loop3A_510, %parallel_loop3A_511] {strides = array<i32>} : memref<2x768xf32, #tpu.memory_space<vmem>>, vector<1x16xf32>,
        %parallel_loop3A_513 = vector.shape_cast %parallel_loop3A_512 : vector<1x16xf32> to vector<16xf32>
        %parallel_loop3A_514 = arith.addf %parallel_loop3A_509, %parallel_loop3A_513 : vector<16xf32>
        %parallel_loop3A_515 = arith.index_cast %parallel_loop3A_114 : i32 to index
        %parallel_loop3A_516 = arith.constant 320 : index
        %parallel_loop3A_517 = tpu.vector_load %arg16[%parallel_loop3A_515, %parallel_loop3A_516] {strides = array<i32>} : memref<16x768xf32, #tpu.memory_space<vmem>>, vector<1x16xf32>,
        %parallel_loop3A_518 = vector.shape_cast %parallel_loop3A_517 : vector<1x16xf32> to vector<16xf32>
        %parallel_loop3A_519 = vector.shape_cast %parallel_loop3A_514 : vector<16xf32> to vector<1x16xf32>
        tpu.vector_store %arg16[%parallel_loop3A_515, %parallel_loop3A_516], %parallel_loop3A_519 {strides = array<i32>} : memref<16x768xf32, #tpu.memory_space<vmem>>, vector<1x16xf32>,
        %parallel_loop3A_520 = arith.index_cast %parallel_loop3A_114 : i32 to index
        %parallel_loop3A_521 = arith.constant 336 : index
        %parallel_loop3A_522 = tpu.vector_load %arg12[%parallel_loop3A_520, %parallel_loop3A_521] {strides = array<i32>} : memref<16x768xf32, #tpu.memory_space<vmem>>, vector<1x16xf32>,
        %parallel_loop3A_523 = vector.shape_cast %parallel_loop3A_522 : vector<1x16xf32> to vector<16xf32>
        %parallel_loop3A_524 = arith.index_cast %parallel_loop3A_114 : i32 to index
        %parallel_loop3A_525 = arith.constant 336 : index
        %parallel_loop3A_526 = tpu.vector_load %arg13[%parallel_loop3A_524, %parallel_loop3A_525] {strides = array<i32>} : memref<16x768xf32, #tpu.memory_space<vmem>>, vector<1x16xf32>,
        %parallel_loop3A_527 = vector.shape_cast %parallel_loop3A_526 : vector<1x16xf32> to vector<16xf32>
        %parallel_loop3A_528 = arith.addf %parallel_loop3A_523, %parallel_loop3A_527 : vector<16xf32>
        %parallel_loop3A_529 = arith.index_cast %parallel_loop3A_120 : i32 to index
        %parallel_loop3A_530 = arith.constant 336 : index
        %parallel_loop3A_531 = tpu.vector_load %arg18[%parallel_loop3A_529, %parallel_loop3A_530] {strides = array<i32>} : memref<2x768xf32, #tpu.memory_space<vmem>>, vector<1x16xf32>,
        %parallel_loop3A_532 = vector.shape_cast %parallel_loop3A_531 : vector<1x16xf32> to vector<16xf32>
        %parallel_loop3A_533 = arith.addf %parallel_loop3A_528, %parallel_loop3A_532 : vector<16xf32>
        %parallel_loop3A_534 = arith.index_cast %parallel_loop3A_114 : i32 to index
        %parallel_loop3A_535 = arith.constant 336 : index
        %parallel_loop3A_536 = tpu.vector_load %arg16[%parallel_loop3A_534, %parallel_loop3A_535] {strides = array<i32>} : memref<16x768xf32, #tpu.memory_space<vmem>>, vector<1x16xf32>,
        %parallel_loop3A_537 = vector.shape_cast %parallel_loop3A_536 : vector<1x16xf32> to vector<16xf32>
        %parallel_loop3A_538 = vector.shape_cast %parallel_loop3A_533 : vector<16xf32> to vector<1x16xf32>
        tpu.vector_store %arg16[%parallel_loop3A_534, %parallel_loop3A_535], %parallel_loop3A_538 {strides = array<i32>} : memref<16x768xf32, #tpu.memory_space<vmem>>, vector<1x16xf32>,
        %parallel_loop3A_539 = arith.index_cast %parallel_loop3A_114 : i32 to index
        %parallel_loop3A_540 = arith.constant 352 : index
        %parallel_loop3A_541 = tpu.vector_load %arg12[%parallel_loop3A_539, %parallel_loop3A_540] {strides = array<i32>} : memref<16x768xf32, #tpu.memory_space<vmem>>, vector<1x16xf32>,
        %parallel_loop3A_542 = vector.shape_cast %parallel_loop3A_541 : vector<1x16xf32> to vector<16xf32>
        %parallel_loop3A_543 = arith.index_cast %parallel_loop3A_114 : i32 to index
        %parallel_loop3A_544 = arith.constant 352 : index
        %parallel_loop3A_545 = tpu.vector_load %arg13[%parallel_loop3A_543, %parallel_loop3A_544] {strides = array<i32>} : memref<16x768xf32, #tpu.memory_space<vmem>>, vector<1x16xf32>,
        %parallel_loop3A_546 = vector.shape_cast %parallel_loop3A_545 : vector<1x16xf32> to vector<16xf32>
        %parallel_loop3A_547 = arith.addf %parallel_loop3A_542, %parallel_loop3A_546 : vector<16xf32>
        %parallel_loop3A_548 = arith.index_cast %parallel_loop3A_120 : i32 to index
        %parallel_loop3A_549 = arith.constant 352 : index
        %parallel_loop3A_550 = tpu.vector_load %arg18[%parallel_loop3A_548, %parallel_loop3A_549] {strides = array<i32>} : memref<2x768xf32, #tpu.memory_space<vmem>>, vector<1x16xf32>,
        %parallel_loop3A_551 = vector.shape_cast %parallel_loop3A_550 : vector<1x16xf32> to vector<16xf32>
        %parallel_loop3A_552 = arith.addf %parallel_loop3A_547, %parallel_loop3A_551 : vector<16xf32>
        %parallel_loop3A_553 = arith.index_cast %parallel_loop3A_114 : i32 to index
        %parallel_loop3A_554 = arith.constant 352 : index
        %parallel_loop3A_555 = tpu.vector_load %arg16[%parallel_loop3A_553, %parallel_loop3A_554] {strides = array<i32>} : memref<16x768xf32, #tpu.memory_space<vmem>>, vector<1x16xf32>,
        %parallel_loop3A_556 = vector.shape_cast %parallel_loop3A_555 : vector<1x16xf32> to vector<16xf32>
        %parallel_loop3A_557 = vector.shape_cast %parallel_loop3A_552 : vector<16xf32> to vector<1x16xf32>
        tpu.vector_store %arg16[%parallel_loop3A_553, %parallel_loop3A_554], %parallel_loop3A_557 {strides = array<i32>} : memref<16x768xf32, #tpu.memory_space<vmem>>, vector<1x16xf32>,
        %parallel_loop3A_558 = arith.index_cast %parallel_loop3A_114 : i32 to index
        %parallel_loop3A_559 = arith.constant 368 : index
        %parallel_loop3A_560 = tpu.vector_load %arg12[%parallel_loop3A_558, %parallel_loop3A_559] {strides = array<i32>} : memref<16x768xf32, #tpu.memory_space<vmem>>, vector<1x16xf32>,
        %parallel_loop3A_561 = vector.shape_cast %parallel_loop3A_560 : vector<1x16xf32> to vector<16xf32>
        %parallel_loop3A_562 = arith.index_cast %parallel_loop3A_114 : i32 to index
        %parallel_loop3A_563 = arith.constant 368 : index
        %parallel_loop3A_564 = tpu.vector_load %arg13[%parallel_loop3A_562, %parallel_loop3A_563] {strides = array<i32>} : memref<16x768xf32, #tpu.memory_space<vmem>>, vector<1x16xf32>,
        %parallel_loop3A_565 = vector.shape_cast %parallel_loop3A_564 : vector<1x16xf32> to vector<16xf32>
        %parallel_loop3A_566 = arith.addf %parallel_loop3A_561, %parallel_loop3A_565 : vector<16xf32>
        %parallel_loop3A_567 = arith.index_cast %parallel_loop3A_120 : i32 to index
        %parallel_loop3A_568 = arith.constant 368 : index
        %parallel_loop3A_569 = tpu.vector_load %arg18[%parallel_loop3A_567, %parallel_loop3A_568] {strides = array<i32>} : memref<2x768xf32, #tpu.memory_space<vmem>>, vector<1x16xf32>,
        %parallel_loop3A_570 = vector.shape_cast %parallel_loop3A_569 : vector<1x16xf32> to vector<16xf32>
        %parallel_loop3A_571 = arith.addf %parallel_loop3A_566, %parallel_loop3A_570 : vector<16xf32>
        %parallel_loop3A_572 = arith.index_cast %parallel_loop3A_114 : i32 to index
        %parallel_loop3A_573 = arith.constant 368 : index
        %parallel_loop3A_574 = tpu.vector_load %arg16[%parallel_loop3A_572, %parallel_loop3A_573] {strides = array<i32>} : memref<16x768xf32, #tpu.memory_space<vmem>>, vector<1x16xf32>,
        %parallel_loop3A_575 = vector.shape_cast %parallel_loop3A_574 : vector<1x16xf32> to vector<16xf32>
        %parallel_loop3A_576 = vector.shape_cast %parallel_loop3A_571 : vector<16xf32> to vector<1x16xf32>
        tpu.vector_store %arg16[%parallel_loop3A_572, %parallel_loop3A_573], %parallel_loop3A_576 {strides = array<i32>} : memref<16x768xf32, #tpu.memory_space<vmem>>, vector<1x16xf32>,
        %parallel_loop3A_577 = arith.index_cast %parallel_loop3A_114 : i32 to index
        %parallel_loop3A_578 = arith.constant 384 : index
        %parallel_loop3A_579 = tpu.vector_load %arg12[%parallel_loop3A_577, %parallel_loop3A_578] {strides = array<i32>} : memref<16x768xf32, #tpu.memory_space<vmem>>, vector<1x16xf32>,
        %parallel_loop3A_580 = vector.shape_cast %parallel_loop3A_579 : vector<1x16xf32> to vector<16xf32>
        %parallel_loop3A_581 = arith.index_cast %parallel_loop3A_114 : i32 to index
        %parallel_loop3A_582 = arith.constant 384 : index
        %parallel_loop3A_583 = tpu.vector_load %arg13[%parallel_loop3A_581, %parallel_loop3A_582] {strides = array<i32>} : memref<16x768xf32, #tpu.memory_space<vmem>>, vector<1x16xf32>,
        %parallel_loop3A_584 = vector.shape_cast %parallel_loop3A_583 : vector<1x16xf32> to vector<16xf32>
        %parallel_loop3A_585 = arith.addf %parallel_loop3A_580, %parallel_loop3A_584 : vector<16xf32>
        %parallel_loop3A_586 = arith.index_cast %parallel_loop3A_120 : i32 to index
        %parallel_loop3A_587 = arith.constant 384 : index
        %parallel_loop3A_588 = tpu.vector_load %arg18[%parallel_loop3A_586, %parallel_loop3A_587] {strides = array<i32>} : memref<2x768xf32, #tpu.memory_space<vmem>>, vector<1x16xf32>,
        %parallel_loop3A_589 = vector.shape_cast %parallel_loop3A_588 : vector<1x16xf32> to vector<16xf32>
        %parallel_loop3A_590 = arith.addf %parallel_loop3A_585, %parallel_loop3A_589 : vector<16xf32>
        %parallel_loop3A_591 = arith.index_cast %parallel_loop3A_114 : i32 to index
        %parallel_loop3A_592 = arith.constant 384 : index
        %parallel_loop3A_593 = tpu.vector_load %arg16[%parallel_loop3A_591, %parallel_loop3A_592] {strides = array<i32>} : memref<16x768xf32, #tpu.memory_space<vmem>>, vector<1x16xf32>,
        %parallel_loop3A_594 = vector.shape_cast %parallel_loop3A_593 : vector<1x16xf32> to vector<16xf32>
        %parallel_loop3A_595 = vector.shape_cast %parallel_loop3A_590 : vector<16xf32> to vector<1x16xf32>
        tpu.vector_store %arg16[%parallel_loop3A_591, %parallel_loop3A_592], %parallel_loop3A_595 {strides = array<i32>} : memref<16x768xf32, #tpu.memory_space<vmem>>, vector<1x16xf32>,
        %parallel_loop3A_596 = arith.index_cast %parallel_loop3A_114 : i32 to index
        %parallel_loop3A_597 = arith.constant 400 : index
        %parallel_loop3A_598 = tpu.vector_load %arg12[%parallel_loop3A_596, %parallel_loop3A_597] {strides = array<i32>} : memref<16x768xf32, #tpu.memory_space<vmem>>, vector<1x16xf32>,
        %parallel_loop3A_599 = vector.shape_cast %parallel_loop3A_598 : vector<1x16xf32> to vector<16xf32>
        %parallel_loop3A_600 = arith.index_cast %parallel_loop3A_114 : i32 to index
        %parallel_loop3A_601 = arith.constant 400 : index
        %parallel_loop3A_602 = tpu.vector_load %arg13[%parallel_loop3A_600, %parallel_loop3A_601] {strides = array<i32>} : memref<16x768xf32, #tpu.memory_space<vmem>>, vector<1x16xf32>,
        %parallel_loop3A_603 = vector.shape_cast %parallel_loop3A_602 : vector<1x16xf32> to vector<16xf32>
        %parallel_loop3A_604 = arith.addf %parallel_loop3A_599, %parallel_loop3A_603 : vector<16xf32>
        %parallel_loop3A_605 = arith.index_cast %parallel_loop3A_120 : i32 to index
        %parallel_loop3A_606 = arith.constant 400 : index
        %parallel_loop3A_607 = tpu.vector_load %arg18[%parallel_loop3A_605, %parallel_loop3A_606] {strides = array<i32>} : memref<2x768xf32, #tpu.memory_space<vmem>>, vector<1x16xf32>,
        %parallel_loop3A_608 = vector.shape_cast %parallel_loop3A_607 : vector<1x16xf32> to vector<16xf32>
        %parallel_loop3A_609 = arith.addf %parallel_loop3A_604, %parallel_loop3A_608 : vector<16xf32>
        %parallel_loop3A_610 = arith.index_cast %parallel_loop3A_114 : i32 to index
        %parallel_loop3A_611 = arith.constant 400 : index
        %parallel_loop3A_612 = tpu.vector_load %arg16[%parallel_loop3A_610, %parallel_loop3A_611] {strides = array<i32>} : memref<16x768xf32, #tpu.memory_space<vmem>>, vector<1x16xf32>,
        %parallel_loop3A_613 = vector.shape_cast %parallel_loop3A_612 : vector<1x16xf32> to vector<16xf32>
        %parallel_loop3A_614 = vector.shape_cast %parallel_loop3A_609 : vector<16xf32> to vector<1x16xf32>
        tpu.vector_store %arg16[%parallel_loop3A_610, %parallel_loop3A_611], %parallel_loop3A_614 {strides = array<i32>} : memref<16x768xf32, #tpu.memory_space<vmem>>, vector<1x16xf32>,
        %parallel_loop3A_615 = arith.index_cast %parallel_loop3A_114 : i32 to index
        %parallel_loop3A_616 = arith.constant 416 : index
        %parallel_loop3A_617 = tpu.vector_load %arg12[%parallel_loop3A_615, %parallel_loop3A_616] {strides = array<i32>} : memref<16x768xf32, #tpu.memory_space<vmem>>, vector<1x16xf32>,
        %parallel_loop3A_618 = vector.shape_cast %parallel_loop3A_617 : vector<1x16xf32> to vector<16xf32>
        %parallel_loop3A_619 = arith.index_cast %parallel_loop3A_114 : i32 to index
        %parallel_loop3A_620 = arith.constant 416 : index
        %parallel_loop3A_621 = tpu.vector_load %arg13[%parallel_loop3A_619, %parallel_loop3A_620] {strides = array<i32>} : memref<16x768xf32, #tpu.memory_space<vmem>>, vector<1x16xf32>,
        %parallel_loop3A_622 = vector.shape_cast %parallel_loop3A_621 : vector<1x16xf32> to vector<16xf32>
        %parallel_loop3A_623 = arith.addf %parallel_loop3A_618, %parallel_loop3A_622 : vector<16xf32>
        %parallel_loop3A_624 = arith.index_cast %parallel_loop3A_120 : i32 to index
        %parallel_loop3A_625 = arith.constant 416 : index
        %parallel_loop3A_626 = tpu.vector_load %arg18[%parallel_loop3A_624, %parallel_loop3A_625] {strides = array<i32>} : memref<2x768xf32, #tpu.memory_space<vmem>>, vector<1x16xf32>,
        %parallel_loop3A_627 = vector.shape_cast %parallel_loop3A_626 : vector<1x16xf32> to vector<16xf32>
        %parallel_loop3A_628 = arith.addf %parallel_loop3A_623, %parallel_loop3A_627 : vector<16xf32>
        %parallel_loop3A_629 = arith.index_cast %parallel_loop3A_114 : i32 to index
        %parallel_loop3A_630 = arith.constant 416 : index
        %parallel_loop3A_631 = tpu.vector_load %arg16[%parallel_loop3A_629, %parallel_loop3A_630] {strides = array<i32>} : memref<16x768xf32, #tpu.memory_space<vmem>>, vector<1x16xf32>,
        %parallel_loop3A_632 = vector.shape_cast %parallel_loop3A_631 : vector<1x16xf32> to vector<16xf32>
        %parallel_loop3A_633 = vector.shape_cast %parallel_loop3A_628 : vector<16xf32> to vector<1x16xf32>
        tpu.vector_store %arg16[%parallel_loop3A_629, %parallel_loop3A_630], %parallel_loop3A_633 {strides = array<i32>} : memref<16x768xf32, #tpu.memory_space<vmem>>, vector<1x16xf32>,
        %parallel_loop3A_634 = arith.index_cast %parallel_loop3A_114 : i32 to index
        %parallel_loop3A_635 = arith.constant 432 : index
        %parallel_loop3A_636 = tpu.vector_load %arg12[%parallel_loop3A_634, %parallel_loop3A_635] {strides = array<i32>} : memref<16x768xf32, #tpu.memory_space<vmem>>, vector<1x16xf32>,
        %parallel_loop3A_637 = vector.shape_cast %parallel_loop3A_636 : vector<1x16xf32> to vector<16xf32>
        %parallel_loop3A_638 = arith.index_cast %parallel_loop3A_114 : i32 to index
        %parallel_loop3A_639 = arith.constant 432 : index
        %parallel_loop3A_640 = tpu.vector_load %arg13[%parallel_loop3A_638, %parallel_loop3A_639] {strides = array<i32>} : memref<16x768xf32, #tpu.memory_space<vmem>>, vector<1x16xf32>,
        %parallel_loop3A_641 = vector.shape_cast %parallel_loop3A_640 : vector<1x16xf32> to vector<16xf32>
        %parallel_loop3A_642 = arith.addf %parallel_loop3A_637, %parallel_loop3A_641 : vector<16xf32>
        %parallel_loop3A_643 = arith.index_cast %parallel_loop3A_120 : i32 to index
        %parallel_loop3A_644 = arith.constant 432 : index
        %parallel_loop3A_645 = tpu.vector_load %arg18[%parallel_loop3A_643, %parallel_loop3A_644] {strides = array<i32>} : memref<2x768xf32, #tpu.memory_space<vmem>>, vector<1x16xf32>,
        %parallel_loop3A_646 = vector.shape_cast %parallel_loop3A_645 : vector<1x16xf32> to vector<16xf32>
        %parallel_loop3A_647 = arith.addf %parallel_loop3A_642, %parallel_loop3A_646 : vector<16xf32>
        %parallel_loop3A_648 = arith.index_cast %parallel_loop3A_114 : i32 to index
        %parallel_loop3A_649 = arith.constant 432 : index
        %parallel_loop3A_650 = tpu.vector_load %arg16[%parallel_loop3A_648, %parallel_loop3A_649] {strides = array<i32>} : memref<16x768xf32, #tpu.memory_space<vmem>>, vector<1x16xf32>,
        %parallel_loop3A_651 = vector.shape_cast %parallel_loop3A_650 : vector<1x16xf32> to vector<16xf32>
        %parallel_loop3A_652 = vector.shape_cast %parallel_loop3A_647 : vector<16xf32> to vector<1x16xf32>
        tpu.vector_store %arg16[%parallel_loop3A_648, %parallel_loop3A_649], %parallel_loop3A_652 {strides = array<i32>} : memref<16x768xf32, #tpu.memory_space<vmem>>, vector<1x16xf32>,
        %parallel_loop3A_653 = arith.index_cast %parallel_loop3A_114 : i32 to index
        %parallel_loop3A_654 = arith.constant 448 : index
        %parallel_loop3A_655 = tpu.vector_load %arg12[%parallel_loop3A_653, %parallel_loop3A_654] {strides = array<i32>} : memref<16x768xf32, #tpu.memory_space<vmem>>, vector<1x16xf32>,
        %parallel_loop3A_656 = vector.shape_cast %parallel_loop3A_655 : vector<1x16xf32> to vector<16xf32>
        %parallel_loop3A_657 = arith.index_cast %parallel_loop3A_114 : i32 to index
        %parallel_loop3A_658 = arith.constant 448 : index
        %parallel_loop3A_659 = tpu.vector_load %arg13[%parallel_loop3A_657, %parallel_loop3A_658] {strides = array<i32>} : memref<16x768xf32, #tpu.memory_space<vmem>>, vector<1x16xf32>,
        %parallel_loop3A_660 = vector.shape_cast %parallel_loop3A_659 : vector<1x16xf32> to vector<16xf32>
        %parallel_loop3A_661 = arith.addf %parallel_loop3A_656, %parallel_loop3A_660 : vector<16xf32>
        %parallel_loop3A_662 = arith.index_cast %parallel_loop3A_120 : i32 to index
        %parallel_loop3A_663 = arith.constant 448 : index
        %parallel_loop3A_664 = tpu.vector_load %arg18[%parallel_loop3A_662, %parallel_loop3A_663] {strides = array<i32>} : memref<2x768xf32, #tpu.memory_space<vmem>>, vector<1x16xf32>,
        %parallel_loop3A_665 = vector.shape_cast %parallel_loop3A_664 : vector<1x16xf32> to vector<16xf32>
        %parallel_loop3A_666 = arith.addf %parallel_loop3A_661, %parallel_loop3A_665 : vector<16xf32>
        %parallel_loop3A_667 = arith.index_cast %parallel_loop3A_114 : i32 to index
        %parallel_loop3A_668 = arith.constant 448 : index
        %parallel_loop3A_669 = tpu.vector_load %arg16[%parallel_loop3A_667, %parallel_loop3A_668] {strides = array<i32>} : memref<16x768xf32, #tpu.memory_space<vmem>>, vector<1x16xf32>,
        %parallel_loop3A_670 = vector.shape_cast %parallel_loop3A_669 : vector<1x16xf32> to vector<16xf32>
        %parallel_loop3A_671 = vector.shape_cast %parallel_loop3A_666 : vector<16xf32> to vector<1x16xf32>
        tpu.vector_store %arg16[%parallel_loop3A_667, %parallel_loop3A_668], %parallel_loop3A_671 {strides = array<i32>} : memref<16x768xf32, #tpu.memory_space<vmem>>, vector<1x16xf32>,
        %parallel_loop3A_672 = arith.index_cast %parallel_loop3A_114 : i32 to index
        %parallel_loop3A_673 = arith.constant 464 : index
        %parallel_loop3A_674 = tpu.vector_load %arg12[%parallel_loop3A_672, %parallel_loop3A_673] {strides = array<i32>} : memref<16x768xf32, #tpu.memory_space<vmem>>, vector<1x16xf32>,
        %parallel_loop3A_675 = vector.shape_cast %parallel_loop3A_674 : vector<1x16xf32> to vector<16xf32>
        %parallel_loop3A_676 = arith.index_cast %parallel_loop3A_114 : i32 to index
        %parallel_loop3A_677 = arith.constant 464 : index
        %parallel_loop3A_678 = tpu.vector_load %arg13[%parallel_loop3A_676, %parallel_loop3A_677] {strides = array<i32>} : memref<16x768xf32, #tpu.memory_space<vmem>>, vector<1x16xf32>,
        %parallel_loop3A_679 = vector.shape_cast %parallel_loop3A_678 : vector<1x16xf32> to vector<16xf32>
        %parallel_loop3A_680 = arith.addf %parallel_loop3A_675, %parallel_loop3A_679 : vector<16xf32>
        %parallel_loop3A_681 = arith.index_cast %parallel_loop3A_120 : i32 to index
        %parallel_loop3A_682 = arith.constant 464 : index
        %parallel_loop3A_683 = tpu.vector_load %arg18[%parallel_loop3A_681, %parallel_loop3A_682] {strides = array<i32>} : memref<2x768xf32, #tpu.memory_space<vmem>>, vector<1x16xf32>,
        %parallel_loop3A_684 = vector.shape_cast %parallel_loop3A_683 : vector<1x16xf32> to vector<16xf32>
        %parallel_loop3A_685 = arith.addf %parallel_loop3A_680, %parallel_loop3A_684 : vector<16xf32>
        %parallel_loop3A_686 = arith.index_cast %parallel_loop3A_114 : i32 to index
        %parallel_loop3A_687 = arith.constant 464 : index
        %parallel_loop3A_688 = tpu.vector_load %arg16[%parallel_loop3A_686, %parallel_loop3A_687] {strides = array<i32>} : memref<16x768xf32, #tpu.memory_space<vmem>>, vector<1x16xf32>,
        %parallel_loop3A_689 = vector.shape_cast %parallel_loop3A_688 : vector<1x16xf32> to vector<16xf32>
        %parallel_loop3A_690 = vector.shape_cast %parallel_loop3A_685 : vector<16xf32> to vector<1x16xf32>
        tpu.vector_store %arg16[%parallel_loop3A_686, %parallel_loop3A_687], %parallel_loop3A_690 {strides = array<i32>} : memref<16x768xf32, #tpu.memory_space<vmem>>, vector<1x16xf32>,
        %parallel_loop3A_691 = arith.index_cast %parallel_loop3A_114 : i32 to index
        %parallel_loop3A_692 = arith.constant 480 : index
        %parallel_loop3A_693 = tpu.vector_load %arg12[%parallel_loop3A_691, %parallel_loop3A_692] {strides = array<i32>} : memref<16x768xf32, #tpu.memory_space<vmem>>, vector<1x16xf32>,
        %parallel_loop3A_694 = vector.shape_cast %parallel_loop3A_693 : vector<1x16xf32> to vector<16xf32>
        %parallel_loop3A_695 = arith.index_cast %parallel_loop3A_114 : i32 to index
        %parallel_loop3A_696 = arith.constant 480 : index
        %parallel_loop3A_697 = tpu.vector_load %arg13[%parallel_loop3A_695, %parallel_loop3A_696] {strides = array<i32>} : memref<16x768xf32, #tpu.memory_space<vmem>>, vector<1x16xf32>,
        %parallel_loop3A_698 = vector.shape_cast %parallel_loop3A_697 : vector<1x16xf32> to vector<16xf32>
        %parallel_loop3A_699 = arith.addf %parallel_loop3A_694, %parallel_loop3A_698 : vector<16xf32>
        %parallel_loop3A_700 = arith.index_cast %parallel_loop3A_120 : i32 to index
        %parallel_loop3A_701 = arith.constant 480 : index
        %parallel_loop3A_702 = tpu.vector_load %arg18[%parallel_loop3A_700, %parallel_loop3A_701] {strides = array<i32>} : memref<2x768xf32, #tpu.memory_space<vmem>>, vector<1x16xf32>,
        %parallel_loop3A_703 = vector.shape_cast %parallel_loop3A_702 : vector<1x16xf32> to vector<16xf32>
        %parallel_loop3A_704 = arith.addf %parallel_loop3A_699, %parallel_loop3A_703 : vector<16xf32>
        %parallel_loop3A_705 = arith.index_cast %parallel_loop3A_114 : i32 to index
        %parallel_loop3A_706 = arith.constant 480 : index
        %parallel_loop3A_707 = tpu.vector_load %arg16[%parallel_loop3A_705, %parallel_loop3A_706] {strides = array<i32>} : memref<16x768xf32, #tpu.memory_space<vmem>>, vector<1x16xf32>,
        %parallel_loop3A_708 = vector.shape_cast %parallel_loop3A_707 : vector<1x16xf32> to vector<16xf32>
        %parallel_loop3A_709 = vector.shape_cast %parallel_loop3A_704 : vector<16xf32> to vector<1x16xf32>
        tpu.vector_store %arg16[%parallel_loop3A_705, %parallel_loop3A_706], %parallel_loop3A_709 {strides = array<i32>} : memref<16x768xf32, #tpu.memory_space<vmem>>, vector<1x16xf32>,
        %parallel_loop3A_710 = arith.index_cast %parallel_loop3A_114 : i32 to index
        %parallel_loop3A_711 = arith.constant 496 : index
        %parallel_loop3A_712 = tpu.vector_load %arg12[%parallel_loop3A_710, %parallel_loop3A_711] {strides = array<i32>} : memref<16x768xf32, #tpu.memory_space<vmem>>, vector<1x16xf32>,
        %parallel_loop3A_713 = vector.shape_cast %parallel_loop3A_712 : vector<1x16xf32> to vector<16xf32>
        %parallel_loop3A_714 = arith.index_cast %parallel_loop3A_114 : i32 to index
        %parallel_loop3A_715 = arith.constant 496 : index
        %parallel_loop3A_716 = tpu.vector_load %arg13[%parallel_loop3A_714, %parallel_loop3A_715] {strides = array<i32>} : memref<16x768xf32, #tpu.memory_space<vmem>>, vector<1x16xf32>,
        %parallel_loop3A_717 = vector.shape_cast %parallel_loop3A_716 : vector<1x16xf32> to vector<16xf32>
        %parallel_loop3A_718 = arith.addf %parallel_loop3A_713, %parallel_loop3A_717 : vector<16xf32>
        %parallel_loop3A_719 = arith.index_cast %parallel_loop3A_120 : i32 to index
        %parallel_loop3A_720 = arith.constant 496 : index
        %parallel_loop3A_721 = tpu.vector_load %arg18[%parallel_loop3A_719, %parallel_loop3A_720] {strides = array<i32>} : memref<2x768xf32, #tpu.memory_space<vmem>>, vector<1x16xf32>,
        %parallel_loop3A_722 = vector.shape_cast %parallel_loop3A_721 : vector<1x16xf32> to vector<16xf32>
        %parallel_loop3A_723 = arith.addf %parallel_loop3A_718, %parallel_loop3A_722 : vector<16xf32>
        %parallel_loop3A_724 = arith.index_cast %parallel_loop3A_114 : i32 to index
        %parallel_loop3A_725 = arith.constant 496 : index
        %parallel_loop3A_726 = tpu.vector_load %arg16[%parallel_loop3A_724, %parallel_loop3A_725] {strides = array<i32>} : memref<16x768xf32, #tpu.memory_space<vmem>>, vector<1x16xf32>,
        %parallel_loop3A_727 = vector.shape_cast %parallel_loop3A_726 : vector<1x16xf32> to vector<16xf32>
        %parallel_loop3A_728 = vector.shape_cast %parallel_loop3A_723 : vector<16xf32> to vector<1x16xf32>
        tpu.vector_store %arg16[%parallel_loop3A_724, %parallel_loop3A_725], %parallel_loop3A_728 {strides = array<i32>} : memref<16x768xf32, #tpu.memory_space<vmem>>, vector<1x16xf32>,
        %parallel_loop3A_729 = arith.index_cast %parallel_loop3A_114 : i32 to index
        %parallel_loop3A_730 = arith.constant 512 : index
        %parallel_loop3A_731 = tpu.vector_load %arg12[%parallel_loop3A_729, %parallel_loop3A_730] {strides = array<i32>} : memref<16x768xf32, #tpu.memory_space<vmem>>, vector<1x16xf32>,
        %parallel_loop3A_732 = vector.shape_cast %parallel_loop3A_731 : vector<1x16xf32> to vector<16xf32>
        %parallel_loop3A_733 = arith.index_cast %parallel_loop3A_114 : i32 to index
        %parallel_loop3A_734 = arith.constant 512 : index
        %parallel_loop3A_735 = tpu.vector_load %arg13[%parallel_loop3A_733, %parallel_loop3A_734] {strides = array<i32>} : memref<16x768xf32, #tpu.memory_space<vmem>>, vector<1x16xf32>,
        %parallel_loop3A_736 = vector.shape_cast %parallel_loop3A_735 : vector<1x16xf32> to vector<16xf32>
        %parallel_loop3A_737 = arith.addf %parallel_loop3A_732, %parallel_loop3A_736 : vector<16xf32>
        %parallel_loop3A_738 = arith.index_cast %parallel_loop3A_120 : i32 to index
        %parallel_loop3A_739 = arith.constant 512 : index
        %parallel_loop3A_740 = tpu.vector_load %arg18[%parallel_loop3A_738, %parallel_loop3A_739] {strides = array<i32>} : memref<2x768xf32, #tpu.memory_space<vmem>>, vector<1x16xf32>,
        %parallel_loop3A_741 = vector.shape_cast %parallel_loop3A_740 : vector<1x16xf32> to vector<16xf32>
        %parallel_loop3A_742 = arith.addf %parallel_loop3A_737, %parallel_loop3A_741 : vector<16xf32>
        %parallel_loop3A_743 = arith.index_cast %parallel_loop3A_114 : i32 to index
        %parallel_loop3A_744 = arith.constant 512 : index
        %parallel_loop3A_745 = tpu.vector_load %arg16[%parallel_loop3A_743, %parallel_loop3A_744] {strides = array<i32>} : memref<16x768xf32, #tpu.memory_space<vmem>>, vector<1x16xf32>,
        %parallel_loop3A_746 = vector.shape_cast %parallel_loop3A_745 : vector<1x16xf32> to vector<16xf32>
        %parallel_loop3A_747 = vector.shape_cast %parallel_loop3A_742 : vector<16xf32> to vector<1x16xf32>
        tpu.vector_store %arg16[%parallel_loop3A_743, %parallel_loop3A_744], %parallel_loop3A_747 {strides = array<i32>} : memref<16x768xf32, #tpu.memory_space<vmem>>, vector<1x16xf32>,
        %parallel_loop3A_748 = arith.index_cast %parallel_loop3A_114 : i32 to index
        %parallel_loop3A_749 = arith.constant 528 : index
        %parallel_loop3A_750 = tpu.vector_load %arg12[%parallel_loop3A_748, %parallel_loop3A_749] {strides = array<i32>} : memref<16x768xf32, #tpu.memory_space<vmem>>, vector<1x16xf32>,
        %parallel_loop3A_751 = vector.shape_cast %parallel_loop3A_750 : vector<1x16xf32> to vector<16xf32>
        %parallel_loop3A_752 = arith.index_cast %parallel_loop3A_114 : i32 to index
        %parallel_loop3A_753 = arith.constant 528 : index
        %parallel_loop3A_754 = tpu.vector_load %arg13[%parallel_loop3A_752, %parallel_loop3A_753] {strides = array<i32>} : memref<16x768xf32, #tpu.memory_space<vmem>>, vector<1x16xf32>,
        %parallel_loop3A_755 = vector.shape_cast %parallel_loop3A_754 : vector<1x16xf32> to vector<16xf32>
        %parallel_loop3A_756 = arith.addf %parallel_loop3A_751, %parallel_loop3A_755 : vector<16xf32>
        %parallel_loop3A_757 = arith.index_cast %parallel_loop3A_120 : i32 to index
        %parallel_loop3A_758 = arith.constant 528 : index
        %parallel_loop3A_759 = tpu.vector_load %arg18[%parallel_loop3A_757, %parallel_loop3A_758] {strides = array<i32>} : memref<2x768xf32, #tpu.memory_space<vmem>>, vector<1x16xf32>,
        %parallel_loop3A_760 = vector.shape_cast %parallel_loop3A_759 : vector<1x16xf32> to vector<16xf32>
        %parallel_loop3A_761 = arith.addf %parallel_loop3A_756, %parallel_loop3A_760 : vector<16xf32>
        %parallel_loop3A_762 = arith.index_cast %parallel_loop3A_114 : i32 to index
        %parallel_loop3A_763 = arith.constant 528 : index
        %parallel_loop3A_764 = tpu.vector_load %arg16[%parallel_loop3A_762, %parallel_loop3A_763] {strides = array<i32>} : memref<16x768xf32, #tpu.memory_space<vmem>>, vector<1x16xf32>,
        %parallel_loop3A_765 = vector.shape_cast %parallel_loop3A_764 : vector<1x16xf32> to vector<16xf32>
        %parallel_loop3A_766 = vector.shape_cast %parallel_loop3A_761 : vector<16xf32> to vector<1x16xf32>
        tpu.vector_store %arg16[%parallel_loop3A_762, %parallel_loop3A_763], %parallel_loop3A_766 {strides = array<i32>} : memref<16x768xf32, #tpu.memory_space<vmem>>, vector<1x16xf32>,
        %parallel_loop3A_767 = arith.index_cast %parallel_loop3A_114 : i32 to index
        %parallel_loop3A_768 = arith.constant 544 : index
        %parallel_loop3A_769 = tpu.vector_load %arg12[%parallel_loop3A_767, %parallel_loop3A_768] {strides = array<i32>} : memref<16x768xf32, #tpu.memory_space<vmem>>, vector<1x16xf32>,
        %parallel_loop3A_770 = vector.shape_cast %parallel_loop3A_769 : vector<1x16xf32> to vector<16xf32>
        %parallel_loop3A_771 = arith.index_cast %parallel_loop3A_114 : i32 to index
        %parallel_loop3A_772 = arith.constant 544 : index
        %parallel_loop3A_773 = tpu.vector_load %arg13[%parallel_loop3A_771, %parallel_loop3A_772] {strides = array<i32>} : memref<16x768xf32, #tpu.memory_space<vmem>>, vector<1x16xf32>,
        %parallel_loop3A_774 = vector.shape_cast %parallel_loop3A_773 : vector<1x16xf32> to vector<16xf32>
        %parallel_loop3A_775 = arith.addf %parallel_loop3A_770, %parallel_loop3A_774 : vector<16xf32>
        %parallel_loop3A_776 = arith.index_cast %parallel_loop3A_120 : i32 to index
        %parallel_loop3A_777 = arith.constant 544 : index
        %parallel_loop3A_778 = tpu.vector_load %arg18[%parallel_loop3A_776, %parallel_loop3A_777] {strides = array<i32>} : memref<2x768xf32, #tpu.memory_space<vmem>>, vector<1x16xf32>,
        %parallel_loop3A_779 = vector.shape_cast %parallel_loop3A_778 : vector<1x16xf32> to vector<16xf32>
        %parallel_loop3A_780 = arith.addf %parallel_loop3A_775, %parallel_loop3A_779 : vector<16xf32>
        %parallel_loop3A_781 = arith.index_cast %parallel_loop3A_114 : i32 to index
        %parallel_loop3A_782 = arith.constant 544 : index
        %parallel_loop3A_783 = tpu.vector_load %arg16[%parallel_loop3A_781, %parallel_loop3A_782] {strides = array<i32>} : memref<16x768xf32, #tpu.memory_space<vmem>>, vector<1x16xf32>,
        %parallel_loop3A_784 = vector.shape_cast %parallel_loop3A_783 : vector<1x16xf32> to vector<16xf32>
        %parallel_loop3A_785 = vector.shape_cast %parallel_loop3A_780 : vector<16xf32> to vector<1x16xf32>
        tpu.vector_store %arg16[%parallel_loop3A_781, %parallel_loop3A_782], %parallel_loop3A_785 {strides = array<i32>} : memref<16x768xf32, #tpu.memory_space<vmem>>, vector<1x16xf32>,
        %parallel_loop3A_786 = arith.index_cast %parallel_loop3A_114 : i32 to index
        %parallel_loop3A_787 = arith.constant 560 : index
        %parallel_loop3A_788 = tpu.vector_load %arg12[%parallel_loop3A_786, %parallel_loop3A_787] {strides = array<i32>} : memref<16x768xf32, #tpu.memory_space<vmem>>, vector<1x16xf32>,
        %parallel_loop3A_789 = vector.shape_cast %parallel_loop3A_788 : vector<1x16xf32> to vector<16xf32>
        %parallel_loop3A_790 = arith.index_cast %parallel_loop3A_114 : i32 to index
        %parallel_loop3A_791 = arith.constant 560 : index
        %parallel_loop3A_792 = tpu.vector_load %arg13[%parallel_loop3A_790, %parallel_loop3A_791] {strides = array<i32>} : memref<16x768xf32, #tpu.memory_space<vmem>>, vector<1x16xf32>,
        %parallel_loop3A_793 = vector.shape_cast %parallel_loop3A_792 : vector<1x16xf32> to vector<16xf32>
        %parallel_loop3A_794 = arith.addf %parallel_loop3A_789, %parallel_loop3A_793 : vector<16xf32>
        %parallel_loop3A_795 = arith.index_cast %parallel_loop3A_120 : i32 to index
        %parallel_loop3A_796 = arith.constant 560 : index
        %parallel_loop3A_797 = tpu.vector_load %arg18[%parallel_loop3A_795, %parallel_loop3A_796] {strides = array<i32>} : memref<2x768xf32, #tpu.memory_space<vmem>>, vector<1x16xf32>,
        %parallel_loop3A_798 = vector.shape_cast %parallel_loop3A_797 : vector<1x16xf32> to vector<16xf32>
        %parallel_loop3A_799 = arith.addf %parallel_loop3A_794, %parallel_loop3A_798 : vector<16xf32>
        %parallel_loop3A_800 = arith.index_cast %parallel_loop3A_114 : i32 to index
        %parallel_loop3A_801 = arith.constant 560 : index
        %parallel_loop3A_802 = tpu.vector_load %arg16[%parallel_loop3A_800, %parallel_loop3A_801] {strides = array<i32>} : memref<16x768xf32, #tpu.memory_space<vmem>>, vector<1x16xf32>,
        %parallel_loop3A_803 = vector.shape_cast %parallel_loop3A_802 : vector<1x16xf32> to vector<16xf32>
        %parallel_loop3A_804 = vector.shape_cast %parallel_loop3A_799 : vector<16xf32> to vector<1x16xf32>
        tpu.vector_store %arg16[%parallel_loop3A_800, %parallel_loop3A_801], %parallel_loop3A_804 {strides = array<i32>} : memref<16x768xf32, #tpu.memory_space<vmem>>, vector<1x16xf32>,
        %parallel_loop3A_805 = arith.index_cast %parallel_loop3A_114 : i32 to index
        %parallel_loop3A_806 = arith.constant 576 : index
        %parallel_loop3A_807 = tpu.vector_load %arg12[%parallel_loop3A_805, %parallel_loop3A_806] {strides = array<i32>} : memref<16x768xf32, #tpu.memory_space<vmem>>, vector<1x16xf32>,
        %parallel_loop3A_808 = vector.shape_cast %parallel_loop3A_807 : vector<1x16xf32> to vector<16xf32>
        %parallel_loop3A_809 = arith.index_cast %parallel_loop3A_114 : i32 to index
        %parallel_loop3A_810 = arith.constant 576 : index
        %parallel_loop3A_811 = tpu.vector_load %arg13[%parallel_loop3A_809, %parallel_loop3A_810] {strides = array<i32>} : memref<16x768xf32, #tpu.memory_space<vmem>>, vector<1x16xf32>,
        %parallel_loop3A_812 = vector.shape_cast %parallel_loop3A_811 : vector<1x16xf32> to vector<16xf32>
        %parallel_loop3A_813 = arith.addf %parallel_loop3A_808, %parallel_loop3A_812 : vector<16xf32>
        %parallel_loop3A_814 = arith.index_cast %parallel_loop3A_120 : i32 to index
        %parallel_loop3A_815 = arith.constant 576 : index
        %parallel_loop3A_816 = tpu.vector_load %arg18[%parallel_loop3A_814, %parallel_loop3A_815] {strides = array<i32>} : memref<2x768xf32, #tpu.memory_space<vmem>>, vector<1x16xf32>,
        %parallel_loop3A_817 = vector.shape_cast %parallel_loop3A_816 : vector<1x16xf32> to vector<16xf32>
        %parallel_loop3A_818 = arith.addf %parallel_loop3A_813, %parallel_loop3A_817 : vector<16xf32>
        %parallel_loop3A_819 = arith.index_cast %parallel_loop3A_114 : i32 to index
        %parallel_loop3A_820 = arith.constant 576 : index
        %parallel_loop3A_821 = tpu.vector_load %arg16[%parallel_loop3A_819, %parallel_loop3A_820] {strides = array<i32>} : memref<16x768xf32, #tpu.memory_space<vmem>>, vector<1x16xf32>,
        %parallel_loop3A_822 = vector.shape_cast %parallel_loop3A_821 : vector<1x16xf32> to vector<16xf32>
        %parallel_loop3A_823 = vector.shape_cast %parallel_loop3A_818 : vector<16xf32> to vector<1x16xf32>
        tpu.vector_store %arg16[%parallel_loop3A_819, %parallel_loop3A_820], %parallel_loop3A_823 {strides = array<i32>} : memref<16x768xf32, #tpu.memory_space<vmem>>, vector<1x16xf32>,
        %parallel_loop3A_824 = arith.index_cast %parallel_loop3A_114 : i32 to index
        %parallel_loop3A_825 = arith.constant 592 : index
        %parallel_loop3A_826 = tpu.vector_load %arg12[%parallel_loop3A_824, %parallel_loop3A_825] {strides = array<i32>} : memref<16x768xf32, #tpu.memory_space<vmem>>, vector<1x16xf32>,
        %parallel_loop3A_827 = vector.shape_cast %parallel_loop3A_826 : vector<1x16xf32> to vector<16xf32>
        %parallel_loop3A_828 = arith.index_cast %parallel_loop3A_114 : i32 to index
        %parallel_loop3A_829 = arith.constant 592 : index
        %parallel_loop3A_830 = tpu.vector_load %arg13[%parallel_loop3A_828, %parallel_loop3A_829] {strides = array<i32>} : memref<16x768xf32, #tpu.memory_space<vmem>>, vector<1x16xf32>,
        %parallel_loop3A_831 = vector.shape_cast %parallel_loop3A_830 : vector<1x16xf32> to vector<16xf32>
        %parallel_loop3A_832 = arith.addf %parallel_loop3A_827, %parallel_loop3A_831 : vector<16xf32>
        %parallel_loop3A_833 = arith.index_cast %parallel_loop3A_120 : i32 to index
        %parallel_loop3A_834 = arith.constant 592 : index
        %parallel_loop3A_835 = tpu.vector_load %arg18[%parallel_loop3A_833, %parallel_loop3A_834] {strides = array<i32>} : memref<2x768xf32, #tpu.memory_space<vmem>>, vector<1x16xf32>,
        %parallel_loop3A_836 = vector.shape_cast %parallel_loop3A_835 : vector<1x16xf32> to vector<16xf32>
        %parallel_loop3A_837 = arith.addf %parallel_loop3A_832, %parallel_loop3A_836 : vector<16xf32>
        %parallel_loop3A_838 = arith.index_cast %parallel_loop3A_114 : i32 to index
        %parallel_loop3A_839 = arith.constant 592 : index
        %parallel_loop3A_840 = tpu.vector_load %arg16[%parallel_loop3A_838, %parallel_loop3A_839] {strides = array<i32>} : memref<16x768xf32, #tpu.memory_space<vmem>>, vector<1x16xf32>,
        %parallel_loop3A_841 = vector.shape_cast %parallel_loop3A_840 : vector<1x16xf32> to vector<16xf32>
        %parallel_loop3A_842 = vector.shape_cast %parallel_loop3A_837 : vector<16xf32> to vector<1x16xf32>
        tpu.vector_store %arg16[%parallel_loop3A_838, %parallel_loop3A_839], %parallel_loop3A_842 {strides = array<i32>} : memref<16x768xf32, #tpu.memory_space<vmem>>, vector<1x16xf32>,
        %parallel_loop3A_843 = arith.index_cast %parallel_loop3A_114 : i32 to index
        %parallel_loop3A_844 = arith.constant 608 : index
        %parallel_loop3A_845 = tpu.vector_load %arg12[%parallel_loop3A_843, %parallel_loop3A_844] {strides = array<i32>} : memref<16x768xf32, #tpu.memory_space<vmem>>, vector<1x16xf32>,
        %parallel_loop3A_846 = vector.shape_cast %parallel_loop3A_845 : vector<1x16xf32> to vector<16xf32>
        %parallel_loop3A_847 = arith.index_cast %parallel_loop3A_114 : i32 to index
        %parallel_loop3A_848 = arith.constant 608 : index
        %parallel_loop3A_849 = tpu.vector_load %arg13[%parallel_loop3A_847, %parallel_loop3A_848] {strides = array<i32>} : memref<16x768xf32, #tpu.memory_space<vmem>>, vector<1x16xf32>,
        %parallel_loop3A_850 = vector.shape_cast %parallel_loop3A_849 : vector<1x16xf32> to vector<16xf32>
        %parallel_loop3A_851 = arith.addf %parallel_loop3A_846, %parallel_loop3A_850 : vector<16xf32>
        %parallel_loop3A_852 = arith.index_cast %parallel_loop3A_120 : i32 to index
        %parallel_loop3A_853 = arith.constant 608 : index
        %parallel_loop3A_854 = tpu.vector_load %arg18[%parallel_loop3A_852, %parallel_loop3A_853] {strides = array<i32>} : memref<2x768xf32, #tpu.memory_space<vmem>>, vector<1x16xf32>,
        %parallel_loop3A_855 = vector.shape_cast %parallel_loop3A_854 : vector<1x16xf32> to vector<16xf32>
        %parallel_loop3A_856 = arith.addf %parallel_loop3A_851, %parallel_loop3A_855 : vector<16xf32>
        %parallel_loop3A_857 = arith.index_cast %parallel_loop3A_114 : i32 to index
        %parallel_loop3A_858 = arith.constant 608 : index
        %parallel_loop3A_859 = tpu.vector_load %arg16[%parallel_loop3A_857, %parallel_loop3A_858] {strides = array<i32>} : memref<16x768xf32, #tpu.memory_space<vmem>>, vector<1x16xf32>,
        %parallel_loop3A_860 = vector.shape_cast %parallel_loop3A_859 : vector<1x16xf32> to vector<16xf32>
        %parallel_loop3A_861 = vector.shape_cast %parallel_loop3A_856 : vector<16xf32> to vector<1x16xf32>
        tpu.vector_store %arg16[%parallel_loop3A_857, %parallel_loop3A_858], %parallel_loop3A_861 {strides = array<i32>} : memref<16x768xf32, #tpu.memory_space<vmem>>, vector<1x16xf32>,
        %parallel_loop3A_862 = arith.index_cast %parallel_loop3A_114 : i32 to index
        %parallel_loop3A_863 = arith.constant 624 : index
        %parallel_loop3A_864 = tpu.vector_load %arg12[%parallel_loop3A_862, %parallel_loop3A_863] {strides = array<i32>} : memref<16x768xf32, #tpu.memory_space<vmem>>, vector<1x16xf32>,
        %parallel_loop3A_865 = vector.shape_cast %parallel_loop3A_864 : vector<1x16xf32> to vector<16xf32>
        %parallel_loop3A_866 = arith.index_cast %parallel_loop3A_114 : i32 to index
        %parallel_loop3A_867 = arith.constant 624 : index
        %parallel_loop3A_868 = tpu.vector_load %arg13[%parallel_loop3A_866, %parallel_loop3A_867] {strides = array<i32>} : memref<16x768xf32, #tpu.memory_space<vmem>>, vector<1x16xf32>,
        %parallel_loop3A_869 = vector.shape_cast %parallel_loop3A_868 : vector<1x16xf32> to vector<16xf32>
        %parallel_loop3A_870 = arith.addf %parallel_loop3A_865, %parallel_loop3A_869 : vector<16xf32>
        %parallel_loop3A_871 = arith.index_cast %parallel_loop3A_120 : i32 to index
        %parallel_loop3A_872 = arith.constant 624 : index
        %parallel_loop3A_873 = tpu.vector_load %arg18[%parallel_loop3A_871, %parallel_loop3A_872] {strides = array<i32>} : memref<2x768xf32, #tpu.memory_space<vmem>>, vector<1x16xf32>,
        %parallel_loop3A_874 = vector.shape_cast %parallel_loop3A_873 : vector<1x16xf32> to vector<16xf32>
        %parallel_loop3A_875 = arith.addf %parallel_loop3A_870, %parallel_loop3A_874 : vector<16xf32>
        %parallel_loop3A_876 = arith.index_cast %parallel_loop3A_114 : i32 to index
        %parallel_loop3A_877 = arith.constant 624 : index
        %parallel_loop3A_878 = tpu.vector_load %arg16[%parallel_loop3A_876, %parallel_loop3A_877] {strides = array<i32>} : memref<16x768xf32, #tpu.memory_space<vmem>>, vector<1x16xf32>,
        %parallel_loop3A_879 = vector.shape_cast %parallel_loop3A_878 : vector<1x16xf32> to vector<16xf32>
        %parallel_loop3A_880 = vector.shape_cast %parallel_loop3A_875 : vector<16xf32> to vector<1x16xf32>
        tpu.vector_store %arg16[%parallel_loop3A_876, %parallel_loop3A_877], %parallel_loop3A_880 {strides = array<i32>} : memref<16x768xf32, #tpu.memory_space<vmem>>, vector<1x16xf32>,
        %parallel_loop3A_881 = arith.index_cast %parallel_loop3A_114 : i32 to index
        %parallel_loop3A_882 = arith.constant 640 : index
        %parallel_loop3A_883 = tpu.vector_load %arg12[%parallel_loop3A_881, %parallel_loop3A_882] {strides = array<i32>} : memref<16x768xf32, #tpu.memory_space<vmem>>, vector<1x16xf32>,
        %parallel_loop3A_884 = vector.shape_cast %parallel_loop3A_883 : vector<1x16xf32> to vector<16xf32>
        %parallel_loop3A_885 = arith.index_cast %parallel_loop3A_114 : i32 to index
        %parallel_loop3A_886 = arith.constant 640 : index
        %parallel_loop3A_887 = tpu.vector_load %arg13[%parallel_loop3A_885, %parallel_loop3A_886] {strides = array<i32>} : memref<16x768xf32, #tpu.memory_space<vmem>>, vector<1x16xf32>,
        %parallel_loop3A_888 = vector.shape_cast %parallel_loop3A_887 : vector<1x16xf32> to vector<16xf32>
        %parallel_loop3A_889 = arith.addf %parallel_loop3A_884, %parallel_loop3A_888 : vector<16xf32>
        %parallel_loop3A_890 = arith.index_cast %parallel_loop3A_120 : i32 to index
        %parallel_loop3A_891 = arith.constant 640 : index
        %parallel_loop3A_892 = tpu.vector_load %arg18[%parallel_loop3A_890, %parallel_loop3A_891] {strides = array<i32>} : memref<2x768xf32, #tpu.memory_space<vmem>>, vector<1x16xf32>,
        %parallel_loop3A_893 = vector.shape_cast %parallel_loop3A_892 : vector<1x16xf32> to vector<16xf32>
        %parallel_loop3A_894 = arith.addf %parallel_loop3A_889, %parallel_loop3A_893 : vector<16xf32>
        %parallel_loop3A_895 = arith.index_cast %parallel_loop3A_114 : i32 to index
        %parallel_loop3A_896 = arith.constant 640 : index
        %parallel_loop3A_897 = tpu.vector_load %arg16[%parallel_loop3A_895, %parallel_loop3A_896] {strides = array<i32>} : memref<16x768xf32, #tpu.memory_space<vmem>>, vector<1x16xf32>,
        %parallel_loop3A_898 = vector.shape_cast %parallel_loop3A_897 : vector<1x16xf32> to vector<16xf32>
        %parallel_loop3A_899 = vector.shape_cast %parallel_loop3A_894 : vector<16xf32> to vector<1x16xf32>
        tpu.vector_store %arg16[%parallel_loop3A_895, %parallel_loop3A_896], %parallel_loop3A_899 {strides = array<i32>} : memref<16x768xf32, #tpu.memory_space<vmem>>, vector<1x16xf32>,
        %parallel_loop3A_900 = arith.index_cast %parallel_loop3A_114 : i32 to index
        %parallel_loop3A_901 = arith.constant 656 : index
        %parallel_loop3A_902 = tpu.vector_load %arg12[%parallel_loop3A_900, %parallel_loop3A_901] {strides = array<i32>} : memref<16x768xf32, #tpu.memory_space<vmem>>, vector<1x16xf32>,
        %parallel_loop3A_903 = vector.shape_cast %parallel_loop3A_902 : vector<1x16xf32> to vector<16xf32>
        %parallel_loop3A_904 = arith.index_cast %parallel_loop3A_114 : i32 to index
        %parallel_loop3A_905 = arith.constant 656 : index
        %parallel_loop3A_906 = tpu.vector_load %arg13[%parallel_loop3A_904, %parallel_loop3A_905] {strides = array<i32>} : memref<16x768xf32, #tpu.memory_space<vmem>>, vector<1x16xf32>,
        %parallel_loop3A_907 = vector.shape_cast %parallel_loop3A_906 : vector<1x16xf32> to vector<16xf32>
        %parallel_loop3A_908 = arith.addf %parallel_loop3A_903, %parallel_loop3A_907 : vector<16xf32>
        %parallel_loop3A_909 = arith.index_cast %parallel_loop3A_120 : i32 to index
        %parallel_loop3A_910 = arith.constant 656 : index
        %parallel_loop3A_911 = tpu.vector_load %arg18[%parallel_loop3A_909, %parallel_loop3A_910] {strides = array<i32>} : memref<2x768xf32, #tpu.memory_space<vmem>>, vector<1x16xf32>,
        %parallel_loop3A_912 = vector.shape_cast %parallel_loop3A_911 : vector<1x16xf32> to vector<16xf32>
        %parallel_loop3A_913 = arith.addf %parallel_loop3A_908, %parallel_loop3A_912 : vector<16xf32>
        %parallel_loop3A_914 = arith.index_cast %parallel_loop3A_114 : i32 to index
        %parallel_loop3A_915 = arith.constant 656 : index
        %parallel_loop3A_916 = tpu.vector_load %arg16[%parallel_loop3A_914, %parallel_loop3A_915] {strides = array<i32>} : memref<16x768xf32, #tpu.memory_space<vmem>>, vector<1x16xf32>,
        %parallel_loop3A_917 = vector.shape_cast %parallel_loop3A_916 : vector<1x16xf32> to vector<16xf32>
        %parallel_loop3A_918 = vector.shape_cast %parallel_loop3A_913 : vector<16xf32> to vector<1x16xf32>
        tpu.vector_store %arg16[%parallel_loop3A_914, %parallel_loop3A_915], %parallel_loop3A_918 {strides = array<i32>} : memref<16x768xf32, #tpu.memory_space<vmem>>, vector<1x16xf32>,
        %parallel_loop3A_919 = arith.index_cast %parallel_loop3A_114 : i32 to index
        %parallel_loop3A_920 = arith.constant 672 : index
        %parallel_loop3A_921 = tpu.vector_load %arg12[%parallel_loop3A_919, %parallel_loop3A_920] {strides = array<i32>} : memref<16x768xf32, #tpu.memory_space<vmem>>, vector<1x16xf32>,
        %parallel_loop3A_922 = vector.shape_cast %parallel_loop3A_921 : vector<1x16xf32> to vector<16xf32>
        %parallel_loop3A_923 = arith.index_cast %parallel_loop3A_114 : i32 to index
        %parallel_loop3A_924 = arith.constant 672 : index
        %parallel_loop3A_925 = tpu.vector_load %arg13[%parallel_loop3A_923, %parallel_loop3A_924] {strides = array<i32>} : memref<16x768xf32, #tpu.memory_space<vmem>>, vector<1x16xf32>,
        %parallel_loop3A_926 = vector.shape_cast %parallel_loop3A_925 : vector<1x16xf32> to vector<16xf32>
        %parallel_loop3A_927 = arith.addf %parallel_loop3A_922, %parallel_loop3A_926 : vector<16xf32>
        %parallel_loop3A_928 = arith.index_cast %parallel_loop3A_120 : i32 to index
        %parallel_loop3A_929 = arith.constant 672 : index
        %parallel_loop3A_930 = tpu.vector_load %arg18[%parallel_loop3A_928, %parallel_loop3A_929] {strides = array<i32>} : memref<2x768xf32, #tpu.memory_space<vmem>>, vector<1x16xf32>,
        %parallel_loop3A_931 = vector.shape_cast %parallel_loop3A_930 : vector<1x16xf32> to vector<16xf32>
        %parallel_loop3A_932 = arith.addf %parallel_loop3A_927, %parallel_loop3A_931 : vector<16xf32>
        %parallel_loop3A_933 = arith.index_cast %parallel_loop3A_114 : i32 to index
        %parallel_loop3A_934 = arith.constant 672 : index
        %parallel_loop3A_935 = tpu.vector_load %arg16[%parallel_loop3A_933, %parallel_loop3A_934] {strides = array<i32>} : memref<16x768xf32, #tpu.memory_space<vmem>>, vector<1x16xf32>,
        %parallel_loop3A_936 = vector.shape_cast %parallel_loop3A_935 : vector<1x16xf32> to vector<16xf32>
        %parallel_loop3A_937 = vector.shape_cast %parallel_loop3A_932 : vector<16xf32> to vector<1x16xf32>
        tpu.vector_store %arg16[%parallel_loop3A_933, %parallel_loop3A_934], %parallel_loop3A_937 {strides = array<i32>} : memref<16x768xf32, #tpu.memory_space<vmem>>, vector<1x16xf32>,
        %parallel_loop3A_938 = arith.index_cast %parallel_loop3A_114 : i32 to index
        %parallel_loop3A_939 = arith.constant 688 : index
        %parallel_loop3A_940 = tpu.vector_load %arg12[%parallel_loop3A_938, %parallel_loop3A_939] {strides = array<i32>} : memref<16x768xf32, #tpu.memory_space<vmem>>, vector<1x16xf32>,
        %parallel_loop3A_941 = vector.shape_cast %parallel_loop3A_940 : vector<1x16xf32> to vector<16xf32>
        %parallel_loop3A_942 = arith.index_cast %parallel_loop3A_114 : i32 to index
        %parallel_loop3A_943 = arith.constant 688 : index
        %parallel_loop3A_944 = tpu.vector_load %arg13[%parallel_loop3A_942, %parallel_loop3A_943] {strides = array<i32>} : memref<16x768xf32, #tpu.memory_space<vmem>>, vector<1x16xf32>,
        %parallel_loop3A_945 = vector.shape_cast %parallel_loop3A_944 : vector<1x16xf32> to vector<16xf32>
        %parallel_loop3A_946 = arith.addf %parallel_loop3A_941, %parallel_loop3A_945 : vector<16xf32>
        %parallel_loop3A_947 = arith.index_cast %parallel_loop3A_120 : i32 to index
        %parallel_loop3A_948 = arith.constant 688 : index
        %parallel_loop3A_949 = tpu.vector_load %arg18[%parallel_loop3A_947, %parallel_loop3A_948] {strides = array<i32>} : memref<2x768xf32, #tpu.memory_space<vmem>>, vector<1x16xf32>,
        %parallel_loop3A_950 = vector.shape_cast %parallel_loop3A_949 : vector<1x16xf32> to vector<16xf32>
        %parallel_loop3A_951 = arith.addf %parallel_loop3A_946, %parallel_loop3A_950 : vector<16xf32>
        %parallel_loop3A_952 = arith.index_cast %parallel_loop3A_114 : i32 to index
        %parallel_loop3A_953 = arith.constant 688 : index
        %parallel_loop3A_954 = tpu.vector_load %arg16[%parallel_loop3A_952, %parallel_loop3A_953] {strides = array<i32>} : memref<16x768xf32, #tpu.memory_space<vmem>>, vector<1x16xf32>,
        %parallel_loop3A_955 = vector.shape_cast %parallel_loop3A_954 : vector<1x16xf32> to vector<16xf32>
        %parallel_loop3A_956 = vector.shape_cast %parallel_loop3A_951 : vector<16xf32> to vector<1x16xf32>
        tpu.vector_store %arg16[%parallel_loop3A_952, %parallel_loop3A_953], %parallel_loop3A_956 {strides = array<i32>} : memref<16x768xf32, #tpu.memory_space<vmem>>, vector<1x16xf32>,
        %parallel_loop3A_957 = arith.index_cast %parallel_loop3A_114 : i32 to index
        %parallel_loop3A_958 = arith.constant 704 : index
        %parallel_loop3A_959 = tpu.vector_load %arg12[%parallel_loop3A_957, %parallel_loop3A_958] {strides = array<i32>} : memref<16x768xf32, #tpu.memory_space<vmem>>, vector<1x16xf32>,
        %parallel_loop3A_960 = vector.shape_cast %parallel_loop3A_959 : vector<1x16xf32> to vector<16xf32>
        %parallel_loop3A_961 = arith.index_cast %parallel_loop3A_114 : i32 to index
        %parallel_loop3A_962 = arith.constant 704 : index
        %parallel_loop3A_963 = tpu.vector_load %arg13[%parallel_loop3A_961, %parallel_loop3A_962] {strides = array<i32>} : memref<16x768xf32, #tpu.memory_space<vmem>>, vector<1x16xf32>,
        %parallel_loop3A_964 = vector.shape_cast %parallel_loop3A_963 : vector<1x16xf32> to vector<16xf32>
        %parallel_loop3A_965 = arith.addf %parallel_loop3A_960, %parallel_loop3A_964 : vector<16xf32>
        %parallel_loop3A_966 = arith.index_cast %parallel_loop3A_120 : i32 to index
        %parallel_loop3A_967 = arith.constant 704 : index
        %parallel_loop3A_968 = tpu.vector_load %arg18[%parallel_loop3A_966, %parallel_loop3A_967] {strides = array<i32>} : memref<2x768xf32, #tpu.memory_space<vmem>>, vector<1x16xf32>,
        %parallel_loop3A_969 = vector.shape_cast %parallel_loop3A_968 : vector<1x16xf32> to vector<16xf32>
        %parallel_loop3A_970 = arith.addf %parallel_loop3A_965, %parallel_loop3A_969 : vector<16xf32>
        %parallel_loop3A_971 = arith.index_cast %parallel_loop3A_114 : i32 to index
        %parallel_loop3A_972 = arith.constant 704 : index
        %parallel_loop3A_973 = tpu.vector_load %arg16[%parallel_loop3A_971, %parallel_loop3A_972] {strides = array<i32>} : memref<16x768xf32, #tpu.memory_space<vmem>>, vector<1x16xf32>,
        %parallel_loop3A_974 = vector.shape_cast %parallel_loop3A_973 : vector<1x16xf32> to vector<16xf32>
        %parallel_loop3A_975 = vector.shape_cast %parallel_loop3A_970 : vector<16xf32> to vector<1x16xf32>
        tpu.vector_store %arg16[%parallel_loop3A_971, %parallel_loop3A_972], %parallel_loop3A_975 {strides = array<i32>} : memref<16x768xf32, #tpu.memory_space<vmem>>, vector<1x16xf32>,
        %parallel_loop3A_976 = arith.index_cast %parallel_loop3A_114 : i32 to index
        %parallel_loop3A_977 = arith.constant 720 : index
        %parallel_loop3A_978 = tpu.vector_load %arg12[%parallel_loop3A_976, %parallel_loop3A_977] {strides = array<i32>} : memref<16x768xf32, #tpu.memory_space<vmem>>, vector<1x16xf32>,
        %parallel_loop3A_979 = vector.shape_cast %parallel_loop3A_978 : vector<1x16xf32> to vector<16xf32>
        %parallel_loop3A_980 = arith.index_cast %parallel_loop3A_114 : i32 to index
        %parallel_loop3A_981 = arith.constant 720 : index
        %parallel_loop3A_982 = tpu.vector_load %arg13[%parallel_loop3A_980, %parallel_loop3A_981] {strides = array<i32>} : memref<16x768xf32, #tpu.memory_space<vmem>>, vector<1x16xf32>,
        %parallel_loop3A_983 = vector.shape_cast %parallel_loop3A_982 : vector<1x16xf32> to vector<16xf32>
        %parallel_loop3A_984 = arith.addf %parallel_loop3A_979, %parallel_loop3A_983 : vector<16xf32>
        %parallel_loop3A_985 = arith.index_cast %parallel_loop3A_120 : i32 to index
        %parallel_loop3A_986 = arith.constant 720 : index
        %parallel_loop3A_987 = tpu.vector_load %arg18[%parallel_loop3A_985, %parallel_loop3A_986] {strides = array<i32>} : memref<2x768xf32, #tpu.memory_space<vmem>>, vector<1x16xf32>,
        %parallel_loop3A_988 = vector.shape_cast %parallel_loop3A_987 : vector<1x16xf32> to vector<16xf32>
        %parallel_loop3A_989 = arith.addf %parallel_loop3A_984, %parallel_loop3A_988 : vector<16xf32>
        %parallel_loop3A_990 = arith.index_cast %parallel_loop3A_114 : i32 to index
        %parallel_loop3A_991 = arith.constant 720 : index
        %parallel_loop3A_992 = tpu.vector_load %arg16[%parallel_loop3A_990, %parallel_loop3A_991] {strides = array<i32>} : memref<16x768xf32, #tpu.memory_space<vmem>>, vector<1x16xf32>,
        %parallel_loop3A_993 = vector.shape_cast %parallel_loop3A_992 : vector<1x16xf32> to vector<16xf32>
        %parallel_loop3A_994 = vector.shape_cast %parallel_loop3A_989 : vector<16xf32> to vector<1x16xf32>
        tpu.vector_store %arg16[%parallel_loop3A_990, %parallel_loop3A_991], %parallel_loop3A_994 {strides = array<i32>} : memref<16x768xf32, #tpu.memory_space<vmem>>, vector<1x16xf32>,
        %parallel_loop3A_995 = arith.index_cast %parallel_loop3A_114 : i32 to index
        %parallel_loop3A_996 = arith.constant 736 : index
        %parallel_loop3A_997 = tpu.vector_load %arg12[%parallel_loop3A_995, %parallel_loop3A_996] {strides = array<i32>} : memref<16x768xf32, #tpu.memory_space<vmem>>, vector<1x16xf32>,
        %parallel_loop3A_998 = vector.shape_cast %parallel_loop3A_997 : vector<1x16xf32> to vector<16xf32>
        %parallel_loop3A_999 = arith.index_cast %parallel_loop3A_114 : i32 to index
        %parallel_loop3A_1000 = arith.constant 736 : index
        %parallel_loop3A_1001 = tpu.vector_load %arg13[%parallel_loop3A_999, %parallel_loop3A_1000] {strides = array<i32>} : memref<16x768xf32, #tpu.memory_space<vmem>>, vector<1x16xf32>,
        %parallel_loop3A_1002 = vector.shape_cast %parallel_loop3A_1001 : vector<1x16xf32> to vector<16xf32>
        %parallel_loop3A_1003 = arith.addf %parallel_loop3A_998, %parallel_loop3A_1002 : vector<16xf32>
        %parallel_loop3A_1004 = arith.index_cast %parallel_loop3A_120 : i32 to index
        %parallel_loop3A_1005 = arith.constant 736 : index
        %parallel_loop3A_1006 = tpu.vector_load %arg18[%parallel_loop3A_1004, %parallel_loop3A_1005] {strides = array<i32>} : memref<2x768xf32, #tpu.memory_space<vmem>>, vector<1x16xf32>,
        %parallel_loop3A_1007 = vector.shape_cast %parallel_loop3A_1006 : vector<1x16xf32> to vector<16xf32>
        %parallel_loop3A_1008 = arith.addf %parallel_loop3A_1003, %parallel_loop3A_1007 : vector<16xf32>
        %parallel_loop3A_1009 = arith.index_cast %parallel_loop3A_114 : i32 to index
        %parallel_loop3A_1010 = arith.constant 736 : index
        %parallel_loop3A_1011 = tpu.vector_load %arg16[%parallel_loop3A_1009, %parallel_loop3A_1010] {strides = array<i32>} : memref<16x768xf32, #tpu.memory_space<vmem>>, vector<1x16xf32>,
        %parallel_loop3A_1012 = vector.shape_cast %parallel_loop3A_1011 : vector<1x16xf32> to vector<16xf32>
        %parallel_loop3A_1013 = vector.shape_cast %parallel_loop3A_1008 : vector<16xf32> to vector<1x16xf32>
        tpu.vector_store %arg16[%parallel_loop3A_1009, %parallel_loop3A_1010], %parallel_loop3A_1013 {strides = array<i32>} : memref<16x768xf32, #tpu.memory_space<vmem>>, vector<1x16xf32>,
        %parallel_loop3A_1014 = arith.index_cast %parallel_loop3A_114 : i32 to index
        %parallel_loop3A_1015 = arith.constant 752 : index
        %parallel_loop3A_1016 = tpu.vector_load %arg12[%parallel_loop3A_1014, %parallel_loop3A_1015] {strides = array<i32>} : memref<16x768xf32, #tpu.memory_space<vmem>>, vector<1x16xf32>,
        %parallel_loop3A_1017 = vector.shape_cast %parallel_loop3A_1016 : vector<1x16xf32> to vector<16xf32>
        %parallel_loop3A_1018 = arith.index_cast %parallel_loop3A_114 : i32 to index
        %parallel_loop3A_1019 = arith.constant 752 : index
        %parallel_loop3A_1020 = tpu.vector_load %arg13[%parallel_loop3A_1018, %parallel_loop3A_1019] {strides = array<i32>} : memref<16x768xf32, #tpu.memory_space<vmem>>, vector<1x16xf32>,
        %parallel_loop3A_1021 = vector.shape_cast %parallel_loop3A_1020 : vector<1x16xf32> to vector<16xf32>
        %parallel_loop3A_1022 = arith.addf %parallel_loop3A_1017, %parallel_loop3A_1021 : vector<16xf32>
        %parallel_loop3A_1023 = arith.index_cast %parallel_loop3A_120 : i32 to index
        %parallel_loop3A_1024 = arith.constant 752 : index
        %parallel_loop3A_1025 = tpu.vector_load %arg18[%parallel_loop3A_1023, %parallel_loop3A_1024] {strides = array<i32>} : memref<2x768xf32, #tpu.memory_space<vmem>>, vector<1x16xf32>,
        %parallel_loop3A_1026 = vector.shape_cast %parallel_loop3A_1025 : vector<1x16xf32> to vector<16xf32>
        %parallel_loop3A_1027 = arith.addf %parallel_loop3A_1022, %parallel_loop3A_1026 : vector<16xf32>
        %parallel_loop3A_1028 = arith.index_cast %parallel_loop3A_114 : i32 to index
        %parallel_loop3A_1029 = arith.constant 752 : index
        %parallel_loop3A_1030 = tpu.vector_load %arg16[%parallel_loop3A_1028, %parallel_loop3A_1029] {strides = array<i32>} : memref<16x768xf32, #tpu.memory_space<vmem>>, vector<1x16xf32>,
        %parallel_loop3A_1031 = vector.shape_cast %parallel_loop3A_1030 : vector<1x16xf32> to vector<16xf32>
        %parallel_loop3A_1032 = vector.shape_cast %parallel_loop3A_1027 : vector<16xf32> to vector<1x16xf32>
        tpu.vector_store %arg16[%parallel_loop3A_1028, %parallel_loop3A_1029], %parallel_loop3A_1032 {strides = array<i32>} : memref<16x768xf32, #tpu.memory_space<vmem>>, vector<1x16xf32>,
      } {sc.loop_unroll_factor = 4 : i64, sc.parallel_access}
      %mul3A_61 = arith.constant 16 : i32
      %mul3A_62 = arith.muli %add3A_42, %mul3A_61 : i32
      %add3A_63 = arith.addi %mul3A_2, %mul3A_62 : i32
      %dma_start3A_64 = arith.constant 0 : i32
      %dma_start3A_65 = tpu.memref_slice %arg8[%add3A_63, %dma_start3A_64] : memref<32768x768xf32, #tpu.memory_space<hbm>> -> memref<16x768xf32, #tpu.memory_space<hbm>>
      %dma_start3A_66 = arith.constant 0 : i32
      %dma_start3A_67 = tpu.memref_slice %arg8[%add3A_63, %dma_start3A_66] : memref<32768x768xf32, #tpu.memory_space<hbm>> -> memref<16x768xf32, #tpu.memory_space<hbm>>
      tpu.enqueue_dma source(%arg16 : memref<16x768xf32, #tpu.memory_space<vmem>>) target(%dma_start3A_67 : memref<16x768xf32, #tpu.memory_space<hbm>>) target_semaphore(%arg21 : memref<!tpu.dma_semaphore, #tpu.memory_space<semaphore_mem>>)
      %add3A_68 = arith.constant 2 : i32
      %add3A_69 = arith.addi %add3A_42, %add3A_68 : i32
      %lt3A = arith.constant 64 : i32
      %lt3A_70 = arith.cmpi slt, %add3A_69, %lt3A : i32
      %convert_element_type3A_71 = arith.extui %lt3A_70 : i1 to i32
      %cond3A_72 = arith.constant 0 : i32
      %cond3A_73 = arith.cmpi ne, %convert_element_type3A_71, %cond3A_72 : i32
      scf.if %cond3A_73 {
        %add3A_114 = arith.constant 2 : i32
        %add3A_115 = arith.addi %add3A_42, %add3A_114 : i32
        %mul3A_116 = arith.constant 16 : i32
        %mul3A_117 = arith.muli %add3A_115, %mul3A_116 : i32
        %dma_start3A_118 = tpu.memref_slice %arg9[%mul3A_117] : memref<1024xi32, #tpu.memory_space<vmem>> -> memref<16xi32, #tpu.memory_space<vmem>>
        %dma_start3A_119 = arith.constant 0 : i32
        %dma_start3A_120 = arith.constant 0 : i32
        %dma_start3A_121 = tpu.memref_slice %arg2[%dma_start3A_119, %dma_start3A_120] : memref<30522x768xf32, #tpu.memory_space<hbm>> -> memref<30522x768xf32, #tpu.memory_space<hbm>>
        tpu.enqueue_indirect_dma source(%dma_start3A_121 : memref<30522x768xf32, #tpu.memory_space<hbm>>) target(%arg12 : memref<16x768xf32, #tpu.memory_space<vmem>>) offsets(%dma_start3A_118 : memref<16xi32, #tpu.memory_space<vmem>>) semaphore(%arg19 : memref<!tpu.dma_semaphore, #tpu.memory_space<semaphore_mem>>)
        %dma_start3A_122 = tpu.memref_slice %arg11[%mul3A_117] : memref<1024xi32, #tpu.memory_space<vmem>> -> memref<16xi32, #tpu.memory_space<vmem>>
        %dma_start3A_123 = arith.constant 0 : i32
        %dma_start3A_124 = arith.constant 0 : i32
        %dma_start3A_125 = tpu.memref_slice %arg4[%dma_start3A_123, %dma_start3A_124] : memref<8192x768xf32, #tpu.memory_space<hbm>> -> memref<8192x768xf32, #tpu.memory_space<hbm>>
        tpu.enqueue_indirect_dma source(%dma_start3A_125 : memref<8192x768xf32, #tpu.memory_space<hbm>>) target(%arg13 : memref<16x768xf32, #tpu.memory_space<vmem>>) offsets(%dma_start3A_122 : memref<16xi32, #tpu.memory_space<vmem>>) semaphore(%arg19 : memref<!tpu.dma_semaphore, #tpu.memory_space<semaphore_mem>>)
      } else {
      }
      %mul3A_74 = arith.constant 2 : i32
      %mul3A_75 = arith.muli %scan3A_38, %mul3A_74 : i32
      %add3A_76 = arith.constant 1 : i32
      %add3A_77 = arith.addi %mul3A_75, %add3A_76 : i32
      %dma_wait3A_78 = arith.constant 0 : i32
      %dma_wait3A_79 = arith.constant 0 : i32
      %dma_wait3A_80 = tpu.memref_slice %arg2[%dma_wait3A_78, %dma_wait3A_79] : memref<30522x768xf32, #tpu.memory_space<hbm>> -> memref<16x768xf32, #tpu.memory_space<hbm>>
      %dma_wait3A_81 = arith.constant 0 : i32
      %dma_wait3A_82 = arith.constant 0 : i32
      %dma_wait3A_83 = tpu.memref_slice %arg2[%dma_wait3A_81, %dma_wait3A_82] : memref<30522x768xf32, #tpu.memory_space<hbm>> -> memref<16x768xf32, #tpu.memory_space<hbm>>
      tpu.wait_dma2 semaphore(%arg20 : memref<!tpu.dma_semaphore, #tpu.memory_space<semaphore_mem>>) src(%dma_wait3A_83 : memref<16x768xf32, #tpu.memory_space<hbm>>) dst(%arg14 : memref<16x768xf32, #tpu.memory_space<vmem>>)
      %dma_wait3A_84 = arith.constant 0 : i32
      %dma_wait3A_85 = arith.constant 0 : i32
      %dma_wait3A_86 = tpu.memref_slice %arg4[%dma_wait3A_84, %dma_wait3A_85] : memref<8192x768xf32, #tpu.memory_space<hbm>> -> memref<16x768xf32, #tpu.memory_space<hbm>>
      %dma_wait3A_87 = arith.constant 0 : i32
      %dma_wait3A_88 = arith.constant 0 : i32
      %dma_wait3A_89 = tpu.memref_slice %arg4[%dma_wait3A_87, %dma_wait3A_88] : memref<8192x768xf32, #tpu.memory_space<hbm>> -> memref<16x768xf32, #tpu.memory_space<hbm>>
      tpu.wait_dma2 semaphore(%arg20 : memref<!tpu.dma_semaphore, #tpu.memory_space<semaphore_mem>>) src(%dma_wait3A_89 : memref<16x768xf32, #tpu.memory_space<hbm>>) dst(%arg15 : memref<16x768xf32, #tpu.memory_space<vmem>>)
      %gt3A_90 = arith.constant 1 : i32
      %gt3A_91 = arith.cmpi sgt, %add3A_77, %gt3A_90 : i32
      %convert_element_type3A_92 = arith.extui %gt3A_91 : i1 to i32
      %cond3A_93 = arith.constant 0 : i32
      %cond3A_94 = arith.cmpi ne, %convert_element_type3A_92, %cond3A_93 : i32
      scf.if %cond3A_94 {
        %dma_wait3A_114 = arith.constant 0 : i32
        %dma_wait3A_115 = arith.constant 0 : i32
        %dma_wait3A_116 = tpu.memref_slice %arg8[%dma_wait3A_114, %dma_wait3A_115] : memref<32768x768xf32, #tpu.memory_space<hbm>> -> memref<16x768xf32, #tpu.memory_space<hbm>>
        %dma_wait3A_117 = arith.constant 0 : i32
        %dma_wait3A_118 = arith.constant 0 : i32
        %dma_wait3A_119 = tpu.memref_slice %arg8[%dma_wait3A_117, %dma_wait3A_118] : memref<32768x768xf32, #tpu.memory_space<hbm>> -> memref<16x768xf32, #tpu.memory_space<hbm>>
        tpu.wait_dma2 semaphore(%arg22 : memref<!tpu.dma_semaphore, #tpu.memory_space<semaphore_mem>>) src(%arg17 : memref<16x768xf32, #tpu.memory_space<vmem>>) dst(%dma_wait3A_119 : memref<16x768xf32, #tpu.memory_space<hbm>>)
      } else {
      }
      %mul3A_95 = arith.constant 16 : i32
      %mul3A_96 = arith.muli %add3A_77, %mul3A_95 : i32
      %parallel_loop3A_97 = arith.constant 0 : i32
      %parallel_loop3A_98 = arith.constant 16 : i32
      %parallel_loop3A_99 = arith.constant 1 : i32
      scf.for %parallel_loop3A_114 = %parallel_loop3A_97 to %parallel_loop3A_98 step %parallel_loop3A_99  : i32 {
        %parallel_loop3A_115 = arith.addi %mul3A_96, %parallel_loop3A_114 : i32
        %parallel_loop3A_116 = arith.index_cast %parallel_loop3A_115 : i32 to index
        %parallel_loop3A_117 = tpu.vector_load %arg10[%parallel_loop3A_116] {strides = array<i32>} : memref<1040xi32, #tpu.memory_space<vmem>>, vector<16xi32>,
        %parallel_loop3A_118 = vector.shape_cast %parallel_loop3A_117 : vector<16xi32> to vector<16xi32>
        %parallel_loop3A_119 = vector.extract_strided_slice %parallel_loop3A_118 {offsets = [0], sizes = [1], strides = [1]} : vector<16xi32> to vector<1xi32>
        %parallel_loop3A_120 = vector.extract %parallel_loop3A_119[0] : i32 from vector<1xi32>
        %parallel_loop3A_121 = arith.index_cast %parallel_loop3A_114 : i32 to index
        %parallel_loop3A_122 = arith.constant 0 : index
        %parallel_loop3A_123 = tpu.vector_load %arg14[%parallel_loop3A_121, %parallel_loop3A_122] {strides = array<i32>} : memref<16x768xf32, #tpu.memory_space<vmem>>, vector<1x16xf32>,
        %parallel_loop3A_124 = vector.shape_cast %parallel_loop3A_123 : vector<1x16xf32> to vector<16xf32>
        %parallel_loop3A_125 = arith.index_cast %parallel_loop3A_114 : i32 to index
        %parallel_loop3A_126 = arith.constant 0 : index
        %parallel_loop3A_127 = tpu.vector_load %arg15[%parallel_loop3A_125, %parallel_loop3A_126] {strides = array<i32>} : memref<16x768xf32, #tpu.memory_space<vmem>>, vector<1x16xf32>,
        %parallel_loop3A_128 = vector.shape_cast %parallel_loop3A_127 : vector<1x16xf32> to vector<16xf32>
        %parallel_loop3A_129 = arith.addf %parallel_loop3A_124, %parallel_loop3A_128 : vector<16xf32>
        %parallel_loop3A_130 = arith.index_cast %parallel_loop3A_120 : i32 to index
        %parallel_loop3A_131 = arith.constant 0 : index
        %parallel_loop3A_132 = tpu.vector_load %arg18[%parallel_loop3A_130, %parallel_loop3A_131] {strides = array<i32>} : memref<2x768xf32, #tpu.memory_space<vmem>>, vector<1x16xf32>,
        %parallel_loop3A_133 = vector.shape_cast %parallel_loop3A_132 : vector<1x16xf32> to vector<16xf32>
        %parallel_loop3A_134 = arith.addf %parallel_loop3A_129, %parallel_loop3A_133 : vector<16xf32>
        %parallel_loop3A_135 = arith.index_cast %parallel_loop3A_114 : i32 to index
        %parallel_loop3A_136 = arith.constant 0 : index
        %parallel_loop3A_137 = tpu.vector_load %arg17[%parallel_loop3A_135, %parallel_loop3A_136] {strides = array<i32>} : memref<16x768xf32, #tpu.memory_space<vmem>>, vector<1x16xf32>,
        %parallel_loop3A_138 = vector.shape_cast %parallel_loop3A_137 : vector<1x16xf32> to vector<16xf32>
        %parallel_loop3A_139 = vector.shape_cast %parallel_loop3A_134 : vector<16xf32> to vector<1x16xf32>
        tpu.vector_store %arg17[%parallel_loop3A_135, %parallel_loop3A_136], %parallel_loop3A_139 {strides = array<i32>} : memref<16x768xf32, #tpu.memory_space<vmem>>, vector<1x16xf32>,
        %parallel_loop3A_140 = arith.index_cast %parallel_loop3A_114 : i32 to index
        %parallel_loop3A_141 = arith.constant 16 : index
        %parallel_loop3A_142 = tpu.vector_load %arg14[%parallel_loop3A_140, %parallel_loop3A_141] {strides = array<i32>} : memref<16x768xf32, #tpu.memory_space<vmem>>, vector<1x16xf32>,
        %parallel_loop3A_143 = vector.shape_cast %parallel_loop3A_142 : vector<1x16xf32> to vector<16xf32>
        %parallel_loop3A_144 = arith.index_cast %parallel_loop3A_114 : i32 to index
        %parallel_loop3A_145 = arith.constant 16 : index
        %parallel_loop3A_146 = tpu.vector_load %arg15[%parallel_loop3A_144, %parallel_loop3A_145] {strides = array<i32>} : memref<16x768xf32, #tpu.memory_space<vmem>>, vector<1x16xf32>,
        %parallel_loop3A_147 = vector.shape_cast %parallel_loop3A_146 : vector<1x16xf32> to vector<16xf32>
        %parallel_loop3A_148 = arith.addf %parallel_loop3A_143, %parallel_loop3A_147 : vector<16xf32>
        %parallel_loop3A_149 = arith.index_cast %parallel_loop3A_120 : i32 to index
        %parallel_loop3A_150 = arith.constant 16 : index
        %parallel_loop3A_151 = tpu.vector_load %arg18[%parallel_loop3A_149, %parallel_loop3A_150] {strides = array<i32>} : memref<2x768xf32, #tpu.memory_space<vmem>>, vector<1x16xf32>,
        %parallel_loop3A_152 = vector.shape_cast %parallel_loop3A_151 : vector<1x16xf32> to vector<16xf32>
        %parallel_loop3A_153 = arith.addf %parallel_loop3A_148, %parallel_loop3A_152 : vector<16xf32>
        %parallel_loop3A_154 = arith.index_cast %parallel_loop3A_114 : i32 to index
        %parallel_loop3A_155 = arith.constant 16 : index
        %parallel_loop3A_156 = tpu.vector_load %arg17[%parallel_loop3A_154, %parallel_loop3A_155] {strides = array<i32>} : memref<16x768xf32, #tpu.memory_space<vmem>>, vector<1x16xf32>,
        %parallel_loop3A_157 = vector.shape_cast %parallel_loop3A_156 : vector<1x16xf32> to vector<16xf32>
        %parallel_loop3A_158 = vector.shape_cast %parallel_loop3A_153 : vector<16xf32> to vector<1x16xf32>
        tpu.vector_store %arg17[%parallel_loop3A_154, %parallel_loop3A_155], %parallel_loop3A_158 {strides = array<i32>} : memref<16x768xf32, #tpu.memory_space<vmem>>, vector<1x16xf32>,
        %parallel_loop3A_159 = arith.index_cast %parallel_loop3A_114 : i32 to index
        %parallel_loop3A_160 = arith.constant 32 : index
        %parallel_loop3A_161 = tpu.vector_load %arg14[%parallel_loop3A_159, %parallel_loop3A_160] {strides = array<i32>} : memref<16x768xf32, #tpu.memory_space<vmem>>, vector<1x16xf32>,
        %parallel_loop3A_162 = vector.shape_cast %parallel_loop3A_161 : vector<1x16xf32> to vector<16xf32>
        %parallel_loop3A_163 = arith.index_cast %parallel_loop3A_114 : i32 to index
        %parallel_loop3A_164 = arith.constant 32 : index
        %parallel_loop3A_165 = tpu.vector_load %arg15[%parallel_loop3A_163, %parallel_loop3A_164] {strides = array<i32>} : memref<16x768xf32, #tpu.memory_space<vmem>>, vector<1x16xf32>,
        %parallel_loop3A_166 = vector.shape_cast %parallel_loop3A_165 : vector<1x16xf32> to vector<16xf32>
        %parallel_loop3A_167 = arith.addf %parallel_loop3A_162, %parallel_loop3A_166 : vector<16xf32>
        %parallel_loop3A_168 = arith.index_cast %parallel_loop3A_120 : i32 to index
        %parallel_loop3A_169 = arith.constant 32 : index
        %parallel_loop3A_170 = tpu.vector_load %arg18[%parallel_loop3A_168, %parallel_loop3A_169] {strides = array<i32>} : memref<2x768xf32, #tpu.memory_space<vmem>>, vector<1x16xf32>,
        %parallel_loop3A_171 = vector.shape_cast %parallel_loop3A_170 : vector<1x16xf32> to vector<16xf32>
        %parallel_loop3A_172 = arith.addf %parallel_loop3A_167, %parallel_loop3A_171 : vector<16xf32>
        %parallel_loop3A_173 = arith.index_cast %parallel_loop3A_114 : i32 to index
        %parallel_loop3A_174 = arith.constant 32 : index
        %parallel_loop3A_175 = tpu.vector_load %arg17[%parallel_loop3A_173, %parallel_loop3A_174] {strides = array<i32>} : memref<16x768xf32, #tpu.memory_space<vmem>>, vector<1x16xf32>,
        %parallel_loop3A_176 = vector.shape_cast %parallel_loop3A_175 : vector<1x16xf32> to vector<16xf32>
        %parallel_loop3A_177 = vector.shape_cast %parallel_loop3A_172 : vector<16xf32> to vector<1x16xf32>
        tpu.vector_store %arg17[%parallel_loop3A_173, %parallel_loop3A_174], %parallel_loop3A_177 {strides = array<i32>} : memref<16x768xf32, #tpu.memory_space<vmem>>, vector<1x16xf32>,
        %parallel_loop3A_178 = arith.index_cast %parallel_loop3A_114 : i32 to index
        %parallel_loop3A_179 = arith.constant 48 : index
        %parallel_loop3A_180 = tpu.vector_load %arg14[%parallel_loop3A_178, %parallel_loop3A_179] {strides = array<i32>} : memref<16x768xf32, #tpu.memory_space<vmem>>, vector<1x16xf32>,
        %parallel_loop3A_181 = vector.shape_cast %parallel_loop3A_180 : vector<1x16xf32> to vector<16xf32>
        %parallel_loop3A_182 = arith.index_cast %parallel_loop3A_114 : i32 to index
        %parallel_loop3A_183 = arith.constant 48 : index
        %parallel_loop3A_184 = tpu.vector_load %arg15[%parallel_loop3A_182, %parallel_loop3A_183] {strides = array<i32>} : memref<16x768xf32, #tpu.memory_space<vmem>>, vector<1x16xf32>,
        %parallel_loop3A_185 = vector.shape_cast %parallel_loop3A_184 : vector<1x16xf32> to vector<16xf32>
        %parallel_loop3A_186 = arith.addf %parallel_loop3A_181, %parallel_loop3A_185 : vector<16xf32>
        %parallel_loop3A_187 = arith.index_cast %parallel_loop3A_120 : i32 to index
        %parallel_loop3A_188 = arith.constant 48 : index
        %parallel_loop3A_189 = tpu.vector_load %arg18[%parallel_loop3A_187, %parallel_loop3A_188] {strides = array<i32>} : memref<2x768xf32, #tpu.memory_space<vmem>>, vector<1x16xf32>,
        %parallel_loop3A_190 = vector.shape_cast %parallel_loop3A_189 : vector<1x16xf32> to vector<16xf32>
        %parallel_loop3A_191 = arith.addf %parallel_loop3A_186, %parallel_loop3A_190 : vector<16xf32>
        %parallel_loop3A_192 = arith.index_cast %parallel_loop3A_114 : i32 to index
        %parallel_loop3A_193 = arith.constant 48 : index
        %parallel_loop3A_194 = tpu.vector_load %arg17[%parallel_loop3A_192, %parallel_loop3A_193] {strides = array<i32>} : memref<16x768xf32, #tpu.memory_space<vmem>>, vector<1x16xf32>,
        %parallel_loop3A_195 = vector.shape_cast %parallel_loop3A_194 : vector<1x16xf32> to vector<16xf32>
        %parallel_loop3A_196 = vector.shape_cast %parallel_loop3A_191 : vector<16xf32> to vector<1x16xf32>
        tpu.vector_store %arg17[%parallel_loop3A_192, %parallel_loop3A_193], %parallel_loop3A_196 {strides = array<i32>} : memref<16x768xf32, #tpu.memory_space<vmem>>, vector<1x16xf32>,
        %parallel_loop3A_197 = arith.index_cast %parallel_loop3A_114 : i32 to index
        %parallel_loop3A_198 = arith.constant 64 : index
        %parallel_loop3A_199 = tpu.vector_load %arg14[%parallel_loop3A_197, %parallel_loop3A_198] {strides = array<i32>} : memref<16x768xf32, #tpu.memory_space<vmem>>, vector<1x16xf32>,
        %parallel_loop3A_200 = vector.shape_cast %parallel_loop3A_199 : vector<1x16xf32> to vector<16xf32>
        %parallel_loop3A_201 = arith.index_cast %parallel_loop3A_114 : i32 to index
        %parallel_loop3A_202 = arith.constant 64 : index
        %parallel_loop3A_203 = tpu.vector_load %arg15[%parallel_loop3A_201, %parallel_loop3A_202] {strides = array<i32>} : memref<16x768xf32, #tpu.memory_space<vmem>>, vector<1x16xf32>,
        %parallel_loop3A_204 = vector.shape_cast %parallel_loop3A_203 : vector<1x16xf32> to vector<16xf32>
        %parallel_loop3A_205 = arith.addf %parallel_loop3A_200, %parallel_loop3A_204 : vector<16xf32>
        %parallel_loop3A_206 = arith.index_cast %parallel_loop3A_120 : i32 to index
        %parallel_loop3A_207 = arith.constant 64 : index
        %parallel_loop3A_208 = tpu.vector_load %arg18[%parallel_loop3A_206, %parallel_loop3A_207] {strides = array<i32>} : memref<2x768xf32, #tpu.memory_space<vmem>>, vector<1x16xf32>,
        %parallel_loop3A_209 = vector.shape_cast %parallel_loop3A_208 : vector<1x16xf32> to vector<16xf32>
        %parallel_loop3A_210 = arith.addf %parallel_loop3A_205, %parallel_loop3A_209 : vector<16xf32>
        %parallel_loop3A_211 = arith.index_cast %parallel_loop3A_114 : i32 to index
        %parallel_loop3A_212 = arith.constant 64 : index
        %parallel_loop3A_213 = tpu.vector_load %arg17[%parallel_loop3A_211, %parallel_loop3A_212] {strides = array<i32>} : memref<16x768xf32, #tpu.memory_space<vmem>>, vector<1x16xf32>,
        %parallel_loop3A_214 = vector.shape_cast %parallel_loop3A_213 : vector<1x16xf32> to vector<16xf32>
        %parallel_loop3A_215 = vector.shape_cast %parallel_loop3A_210 : vector<16xf32> to vector<1x16xf32>
        tpu.vector_store %arg17[%parallel_loop3A_211, %parallel_loop3A_212], %parallel_loop3A_215 {strides = array<i32>} : memref<16x768xf32, #tpu.memory_space<vmem>>, vector<1x16xf32>,
        %parallel_loop3A_216 = arith.index_cast %parallel_loop3A_114 : i32 to index
        %parallel_loop3A_217 = arith.constant 80 : index
        %parallel_loop3A_218 = tpu.vector_load %arg14[%parallel_loop3A_216, %parallel_loop3A_217] {strides = array<i32>} : memref<16x768xf32, #tpu.memory_space<vmem>>, vector<1x16xf32>,
        %parallel_loop3A_219 = vector.shape_cast %parallel_loop3A_218 : vector<1x16xf32> to vector<16xf32>
        %parallel_loop3A_220 = arith.index_cast %parallel_loop3A_114 : i32 to index
        %parallel_loop3A_221 = arith.constant 80 : index
        %parallel_loop3A_222 = tpu.vector_load %arg15[%parallel_loop3A_220, %parallel_loop3A_221] {strides = array<i32>} : memref<16x768xf32, #tpu.memory_space<vmem>>, vector<1x16xf32>,
        %parallel_loop3A_223 = vector.shape_cast %parallel_loop3A_222 : vector<1x16xf32> to vector<16xf32>
        %parallel_loop3A_224 = arith.addf %parallel_loop3A_219, %parallel_loop3A_223 : vector<16xf32>
        %parallel_loop3A_225 = arith.index_cast %parallel_loop3A_120 : i32 to index
        %parallel_loop3A_226 = arith.constant 80 : index
        %parallel_loop3A_227 = tpu.vector_load %arg18[%parallel_loop3A_225, %parallel_loop3A_226] {strides = array<i32>} : memref<2x768xf32, #tpu.memory_space<vmem>>, vector<1x16xf32>,
        %parallel_loop3A_228 = vector.shape_cast %parallel_loop3A_227 : vector<1x16xf32> to vector<16xf32>
        %parallel_loop3A_229 = arith.addf %parallel_loop3A_224, %parallel_loop3A_228 : vector<16xf32>
        %parallel_loop3A_230 = arith.index_cast %parallel_loop3A_114 : i32 to index
        %parallel_loop3A_231 = arith.constant 80 : index
        %parallel_loop3A_232 = tpu.vector_load %arg17[%parallel_loop3A_230, %parallel_loop3A_231] {strides = array<i32>} : memref<16x768xf32, #tpu.memory_space<vmem>>, vector<1x16xf32>,
        %parallel_loop3A_233 = vector.shape_cast %parallel_loop3A_232 : vector<1x16xf32> to vector<16xf32>
        %parallel_loop3A_234 = vector.shape_cast %parallel_loop3A_229 : vector<16xf32> to vector<1x16xf32>
        tpu.vector_store %arg17[%parallel_loop3A_230, %parallel_loop3A_231], %parallel_loop3A_234 {strides = array<i32>} : memref<16x768xf32, #tpu.memory_space<vmem>>, vector<1x16xf32>,
        %parallel_loop3A_235 = arith.index_cast %parallel_loop3A_114 : i32 to index
        %parallel_loop3A_236 = arith.constant 96 : index
        %parallel_loop3A_237 = tpu.vector_load %arg14[%parallel_loop3A_235, %parallel_loop3A_236] {strides = array<i32>} : memref<16x768xf32, #tpu.memory_space<vmem>>, vector<1x16xf32>,
        %parallel_loop3A_238 = vector.shape_cast %parallel_loop3A_237 : vector<1x16xf32> to vector<16xf32>
        %parallel_loop3A_239 = arith.index_cast %parallel_loop3A_114 : i32 to index
        %parallel_loop3A_240 = arith.constant 96 : index
        %parallel_loop3A_241 = tpu.vector_load %arg15[%parallel_loop3A_239, %parallel_loop3A_240] {strides = array<i32>} : memref<16x768xf32, #tpu.memory_space<vmem>>, vector<1x16xf32>,
        %parallel_loop3A_242 = vector.shape_cast %parallel_loop3A_241 : vector<1x16xf32> to vector<16xf32>
        %parallel_loop3A_243 = arith.addf %parallel_loop3A_238, %parallel_loop3A_242 : vector<16xf32>
        %parallel_loop3A_244 = arith.index_cast %parallel_loop3A_120 : i32 to index
        %parallel_loop3A_245 = arith.constant 96 : index
        %parallel_loop3A_246 = tpu.vector_load %arg18[%parallel_loop3A_244, %parallel_loop3A_245] {strides = array<i32>} : memref<2x768xf32, #tpu.memory_space<vmem>>, vector<1x16xf32>,
        %parallel_loop3A_247 = vector.shape_cast %parallel_loop3A_246 : vector<1x16xf32> to vector<16xf32>
        %parallel_loop3A_248 = arith.addf %parallel_loop3A_243, %parallel_loop3A_247 : vector<16xf32>
        %parallel_loop3A_249 = arith.index_cast %parallel_loop3A_114 : i32 to index
        %parallel_loop3A_250 = arith.constant 96 : index
        %parallel_loop3A_251 = tpu.vector_load %arg17[%parallel_loop3A_249, %parallel_loop3A_250] {strides = array<i32>} : memref<16x768xf32, #tpu.memory_space<vmem>>, vector<1x16xf32>,
        %parallel_loop3A_252 = vector.shape_cast %parallel_loop3A_251 : vector<1x16xf32> to vector<16xf32>
        %parallel_loop3A_253 = vector.shape_cast %parallel_loop3A_248 : vector<16xf32> to vector<1x16xf32>
        tpu.vector_store %arg17[%parallel_loop3A_249, %parallel_loop3A_250], %parallel_loop3A_253 {strides = array<i32>} : memref<16x768xf32, #tpu.memory_space<vmem>>, vector<1x16xf32>,
        %parallel_loop3A_254 = arith.index_cast %parallel_loop3A_114 : i32 to index
        %parallel_loop3A_255 = arith.constant 112 : index
        %parallel_loop3A_256 = tpu.vector_load %arg14[%parallel_loop3A_254, %parallel_loop3A_255] {strides = array<i32>} : memref<16x768xf32, #tpu.memory_space<vmem>>, vector<1x16xf32>,
        %parallel_loop3A_257 = vector.shape_cast %parallel_loop3A_256 : vector<1x16xf32> to vector<16xf32>
        %parallel_loop3A_258 = arith.index_cast %parallel_loop3A_114 : i32 to index
        %parallel_loop3A_259 = arith.constant 112 : index
        %parallel_loop3A_260 = tpu.vector_load %arg15[%parallel_loop3A_258, %parallel_loop3A_259] {strides = array<i32>} : memref<16x768xf32, #tpu.memory_space<vmem>>, vector<1x16xf32>,
        %parallel_loop3A_261 = vector.shape_cast %parallel_loop3A_260 : vector<1x16xf32> to vector<16xf32>
        %parallel_loop3A_262 = arith.addf %parallel_loop3A_257, %parallel_loop3A_261 : vector<16xf32>
        %parallel_loop3A_263 = arith.index_cast %parallel_loop3A_120 : i32 to index
        %parallel_loop3A_264 = arith.constant 112 : index
        %parallel_loop3A_265 = tpu.vector_load %arg18[%parallel_loop3A_263, %parallel_loop3A_264] {strides = array<i32>} : memref<2x768xf32, #tpu.memory_space<vmem>>, vector<1x16xf32>,
        %parallel_loop3A_266 = vector.shape_cast %parallel_loop3A_265 : vector<1x16xf32> to vector<16xf32>
        %parallel_loop3A_267 = arith.addf %parallel_loop3A_262, %parallel_loop3A_266 : vector<16xf32>
        %parallel_loop3A_268 = arith.index_cast %parallel_loop3A_114 : i32 to index
        %parallel_loop3A_269 = arith.constant 112 : index
        %parallel_loop3A_270 = tpu.vector_load %arg17[%parallel_loop3A_268, %parallel_loop3A_269] {strides = array<i32>} : memref<16x768xf32, #tpu.memory_space<vmem>>, vector<1x16xf32>,
        %parallel_loop3A_271 = vector.shape_cast %parallel_loop3A_270 : vector<1x16xf32> to vector<16xf32>
        %parallel_loop3A_272 = vector.shape_cast %parallel_loop3A_267 : vector<16xf32> to vector<1x16xf32>
        tpu.vector_store %arg17[%parallel_loop3A_268, %parallel_loop3A_269], %parallel_loop3A_272 {strides = array<i32>} : memref<16x768xf32, #tpu.memory_space<vmem>>, vector<1x16xf32>,
        %parallel_loop3A_273 = arith.index_cast %parallel_loop3A_114 : i32 to index
        %parallel_loop3A_274 = arith.constant 128 : index
        %parallel_loop3A_275 = tpu.vector_load %arg14[%parallel_loop3A_273, %parallel_loop3A_274] {strides = array<i32>} : memref<16x768xf32, #tpu.memory_space<vmem>>, vector<1x16xf32>,
        %parallel_loop3A_276 = vector.shape_cast %parallel_loop3A_275 : vector<1x16xf32> to vector<16xf32>
        %parallel_loop3A_277 = arith.index_cast %parallel_loop3A_114 : i32 to index
        %parallel_loop3A_278 = arith.constant 128 : index
        %parallel_loop3A_279 = tpu.vector_load %arg15[%parallel_loop3A_277, %parallel_loop3A_278] {strides = array<i32>} : memref<16x768xf32, #tpu.memory_space<vmem>>, vector<1x16xf32>,
        %parallel_loop3A_280 = vector.shape_cast %parallel_loop3A_279 : vector<1x16xf32> to vector<16xf32>
        %parallel_loop3A_281 = arith.addf %parallel_loop3A_276, %parallel_loop3A_280 : vector<16xf32>
        %parallel_loop3A_282 = arith.index_cast %parallel_loop3A_120 : i32 to index
        %parallel_loop3A_283 = arith.constant 128 : index
        %parallel_loop3A_284 = tpu.vector_load %arg18[%parallel_loop3A_282, %parallel_loop3A_283] {strides = array<i32>} : memref<2x768xf32, #tpu.memory_space<vmem>>, vector<1x16xf32>,
        %parallel_loop3A_285 = vector.shape_cast %parallel_loop3A_284 : vector<1x16xf32> to vector<16xf32>
        %parallel_loop3A_286 = arith.addf %parallel_loop3A_281, %parallel_loop3A_285 : vector<16xf32>
        %parallel_loop3A_287 = arith.index_cast %parallel_loop3A_114 : i32 to index
        %parallel_loop3A_288 = arith.constant 128 : index
        %parallel_loop3A_289 = tpu.vector_load %arg17[%parallel_loop3A_287, %parallel_loop3A_288] {strides = array<i32>} : memref<16x768xf32, #tpu.memory_space<vmem>>, vector<1x16xf32>,
        %parallel_loop3A_290 = vector.shape_cast %parallel_loop3A_289 : vector<1x16xf32> to vector<16xf32>
        %parallel_loop3A_291 = vector.shape_cast %parallel_loop3A_286 : vector<16xf32> to vector<1x16xf32>
        tpu.vector_store %arg17[%parallel_loop3A_287, %parallel_loop3A_288], %parallel_loop3A_291 {strides = array<i32>} : memref<16x768xf32, #tpu.memory_space<vmem>>, vector<1x16xf32>,
        %parallel_loop3A_292 = arith.index_cast %parallel_loop3A_114 : i32 to index
        %parallel_loop3A_293 = arith.constant 144 : index
        %parallel_loop3A_294 = tpu.vector_load %arg14[%parallel_loop3A_292, %parallel_loop3A_293] {strides = array<i32>} : memref<16x768xf32, #tpu.memory_space<vmem>>, vector<1x16xf32>,
        %parallel_loop3A_295 = vector.shape_cast %parallel_loop3A_294 : vector<1x16xf32> to vector<16xf32>
        %parallel_loop3A_296 = arith.index_cast %parallel_loop3A_114 : i32 to index
        %parallel_loop3A_297 = arith.constant 144 : index
        %parallel_loop3A_298 = tpu.vector_load %arg15[%parallel_loop3A_296, %parallel_loop3A_297] {strides = array<i32>} : memref<16x768xf32, #tpu.memory_space<vmem>>, vector<1x16xf32>,
        %parallel_loop3A_299 = vector.shape_cast %parallel_loop3A_298 : vector<1x16xf32> to vector<16xf32>
        %parallel_loop3A_300 = arith.addf %parallel_loop3A_295, %parallel_loop3A_299 : vector<16xf32>
        %parallel_loop3A_301 = arith.index_cast %parallel_loop3A_120 : i32 to index
        %parallel_loop3A_302 = arith.constant 144 : index
        %parallel_loop3A_303 = tpu.vector_load %arg18[%parallel_loop3A_301, %parallel_loop3A_302] {strides = array<i32>} : memref<2x768xf32, #tpu.memory_space<vmem>>, vector<1x16xf32>,
        %parallel_loop3A_304 = vector.shape_cast %parallel_loop3A_303 : vector<1x16xf32> to vector<16xf32>
        %parallel_loop3A_305 = arith.addf %parallel_loop3A_300, %parallel_loop3A_304 : vector<16xf32>
        %parallel_loop3A_306 = arith.index_cast %parallel_loop3A_114 : i32 to index
        %parallel_loop3A_307 = arith.constant 144 : index
        %parallel_loop3A_308 = tpu.vector_load %arg17[%parallel_loop3A_306, %parallel_loop3A_307] {strides = array<i32>} : memref<16x768xf32, #tpu.memory_space<vmem>>, vector<1x16xf32>,
        %parallel_loop3A_309 = vector.shape_cast %parallel_loop3A_308 : vector<1x16xf32> to vector<16xf32>
        %parallel_loop3A_310 = vector.shape_cast %parallel_loop3A_305 : vector<16xf32> to vector<1x16xf32>
        tpu.vector_store %arg17[%parallel_loop3A_306, %parallel_loop3A_307], %parallel_loop3A_310 {strides = array<i32>} : memref<16x768xf32, #tpu.memory_space<vmem>>, vector<1x16xf32>,
        %parallel_loop3A_311 = arith.index_cast %parallel_loop3A_114 : i32 to index
        %parallel_loop3A_312 = arith.constant 160 : index
        %parallel_loop3A_313 = tpu.vector_load %arg14[%parallel_loop3A_311, %parallel_loop3A_312] {strides = array<i32>} : memref<16x768xf32, #tpu.memory_space<vmem>>, vector<1x16xf32>,
        %parallel_loop3A_314 = vector.shape_cast %parallel_loop3A_313 : vector<1x16xf32> to vector<16xf32>
        %parallel_loop3A_315 = arith.index_cast %parallel_loop3A_114 : i32 to index
        %parallel_loop3A_316 = arith.constant 160 : index
        %parallel_loop3A_317 = tpu.vector_load %arg15[%parallel_loop3A_315, %parallel_loop3A_316] {strides = array<i32>} : memref<16x768xf32, #tpu.memory_space<vmem>>, vector<1x16xf32>,
        %parallel_loop3A_318 = vector.shape_cast %parallel_loop3A_317 : vector<1x16xf32> to vector<16xf32>
        %parallel_loop3A_319 = arith.addf %parallel_loop3A_314, %parallel_loop3A_318 : vector<16xf32>
        %parallel_loop3A_320 = arith.index_cast %parallel_loop3A_120 : i32 to index
        %parallel_loop3A_321 = arith.constant 160 : index
        %parallel_loop3A_322 = tpu.vector_load %arg18[%parallel_loop3A_320, %parallel_loop3A_321] {strides = array<i32>} : memref<2x768xf32, #tpu.memory_space<vmem>>, vector<1x16xf32>,
        %parallel_loop3A_323 = vector.shape_cast %parallel_loop3A_322 : vector<1x16xf32> to vector<16xf32>
        %parallel_loop3A_324 = arith.addf %parallel_loop3A_319, %parallel_loop3A_323 : vector<16xf32>
        %parallel_loop3A_325 = arith.index_cast %parallel_loop3A_114 : i32 to index
        %parallel_loop3A_326 = arith.constant 160 : index
        %parallel_loop3A_327 = tpu.vector_load %arg17[%parallel_loop3A_325, %parallel_loop3A_326] {strides = array<i32>} : memref<16x768xf32, #tpu.memory_space<vmem>>, vector<1x16xf32>,
        %parallel_loop3A_328 = vector.shape_cast %parallel_loop3A_327 : vector<1x16xf32> to vector<16xf32>
        %parallel_loop3A_329 = vector.shape_cast %parallel_loop3A_324 : vector<16xf32> to vector<1x16xf32>
        tpu.vector_store %arg17[%parallel_loop3A_325, %parallel_loop3A_326], %parallel_loop3A_329 {strides = array<i32>} : memref<16x768xf32, #tpu.memory_space<vmem>>, vector<1x16xf32>,
        %parallel_loop3A_330 = arith.index_cast %parallel_loop3A_114 : i32 to index
        %parallel_loop3A_331 = arith.constant 176 : index
        %parallel_loop3A_332 = tpu.vector_load %arg14[%parallel_loop3A_330, %parallel_loop3A_331] {strides = array<i32>} : memref<16x768xf32, #tpu.memory_space<vmem>>, vector<1x16xf32>,
        %parallel_loop3A_333 = vector.shape_cast %parallel_loop3A_332 : vector<1x16xf32> to vector<16xf32>
        %parallel_loop3A_334 = arith.index_cast %parallel_loop3A_114 : i32 to index
        %parallel_loop3A_335 = arith.constant 176 : index
        %parallel_loop3A_336 = tpu.vector_load %arg15[%parallel_loop3A_334, %parallel_loop3A_335] {strides = array<i32>} : memref<16x768xf32, #tpu.memory_space<vmem>>, vector<1x16xf32>,
        %parallel_loop3A_337 = vector.shape_cast %parallel_loop3A_336 : vector<1x16xf32> to vector<16xf32>
        %parallel_loop3A_338 = arith.addf %parallel_loop3A_333, %parallel_loop3A_337 : vector<16xf32>
        %parallel_loop3A_339 = arith.index_cast %parallel_loop3A_120 : i32 to index
        %parallel_loop3A_340 = arith.constant 176 : index
        %parallel_loop3A_341 = tpu.vector_load %arg18[%parallel_loop3A_339, %parallel_loop3A_340] {strides = array<i32>} : memref<2x768xf32, #tpu.memory_space<vmem>>, vector<1x16xf32>,
        %parallel_loop3A_342 = vector.shape_cast %parallel_loop3A_341 : vector<1x16xf32> to vector<16xf32>
        %parallel_loop3A_343 = arith.addf %parallel_loop3A_338, %parallel_loop3A_342 : vector<16xf32>
        %parallel_loop3A_344 = arith.index_cast %parallel_loop3A_114 : i32 to index
        %parallel_loop3A_345 = arith.constant 176 : index
        %parallel_loop3A_346 = tpu.vector_load %arg17[%parallel_loop3A_344, %parallel_loop3A_345] {strides = array<i32>} : memref<16x768xf32, #tpu.memory_space<vmem>>, vector<1x16xf32>,
        %parallel_loop3A_347 = vector.shape_cast %parallel_loop3A_346 : vector<1x16xf32> to vector<16xf32>
        %parallel_loop3A_348 = vector.shape_cast %parallel_loop3A_343 : vector<16xf32> to vector<1x16xf32>
        tpu.vector_store %arg17[%parallel_loop3A_344, %parallel_loop3A_345], %parallel_loop3A_348 {strides = array<i32>} : memref<16x768xf32, #tpu.memory_space<vmem>>, vector<1x16xf32>,
        %parallel_loop3A_349 = arith.index_cast %parallel_loop3A_114 : i32 to index
        %parallel_loop3A_350 = arith.constant 192 : index
        %parallel_loop3A_351 = tpu.vector_load %arg14[%parallel_loop3A_349, %parallel_loop3A_350] {strides = array<i32>} : memref<16x768xf32, #tpu.memory_space<vmem>>, vector<1x16xf32>,
        %parallel_loop3A_352 = vector.shape_cast %parallel_loop3A_351 : vector<1x16xf32> to vector<16xf32>
        %parallel_loop3A_353 = arith.index_cast %parallel_loop3A_114 : i32 to index
        %parallel_loop3A_354 = arith.constant 192 : index
        %parallel_loop3A_355 = tpu.vector_load %arg15[%parallel_loop3A_353, %parallel_loop3A_354] {strides = array<i32>} : memref<16x768xf32, #tpu.memory_space<vmem>>, vector<1x16xf32>,
        %parallel_loop3A_356 = vector.shape_cast %parallel_loop3A_355 : vector<1x16xf32> to vector<16xf32>
        %parallel_loop3A_357 = arith.addf %parallel_loop3A_352, %parallel_loop3A_356 : vector<16xf32>
        %parallel_loop3A_358 = arith.index_cast %parallel_loop3A_120 : i32 to index
        %parallel_loop3A_359 = arith.constant 192 : index
        %parallel_loop3A_360 = tpu.vector_load %arg18[%parallel_loop3A_358, %parallel_loop3A_359] {strides = array<i32>} : memref<2x768xf32, #tpu.memory_space<vmem>>, vector<1x16xf32>,
        %parallel_loop3A_361 = vector.shape_cast %parallel_loop3A_360 : vector<1x16xf32> to vector<16xf32>
        %parallel_loop3A_362 = arith.addf %parallel_loop3A_357, %parallel_loop3A_361 : vector<16xf32>
        %parallel_loop3A_363 = arith.index_cast %parallel_loop3A_114 : i32 to index
        %parallel_loop3A_364 = arith.constant 192 : index
        %parallel_loop3A_365 = tpu.vector_load %arg17[%parallel_loop3A_363, %parallel_loop3A_364] {strides = array<i32>} : memref<16x768xf32, #tpu.memory_space<vmem>>, vector<1x16xf32>,
        %parallel_loop3A_366 = vector.shape_cast %parallel_loop3A_365 : vector<1x16xf32> to vector<16xf32>
        %parallel_loop3A_367 = vector.shape_cast %parallel_loop3A_362 : vector<16xf32> to vector<1x16xf32>
        tpu.vector_store %arg17[%parallel_loop3A_363, %parallel_loop3A_364], %parallel_loop3A_367 {strides = array<i32>} : memref<16x768xf32, #tpu.memory_space<vmem>>, vector<1x16xf32>,
        %parallel_loop3A_368 = arith.index_cast %parallel_loop3A_114 : i32 to index
        %parallel_loop3A_369 = arith.constant 208 : index
        %parallel_loop3A_370 = tpu.vector_load %arg14[%parallel_loop3A_368, %parallel_loop3A_369] {strides = array<i32>} : memref<16x768xf32, #tpu.memory_space<vmem>>, vector<1x16xf32>,
        %parallel_loop3A_371 = vector.shape_cast %parallel_loop3A_370 : vector<1x16xf32> to vector<16xf32>
        %parallel_loop3A_372 = arith.index_cast %parallel_loop3A_114 : i32 to index
        %parallel_loop3A_373 = arith.constant 208 : index
        %parallel_loop3A_374 = tpu.vector_load %arg15[%parallel_loop3A_372, %parallel_loop3A_373] {strides = array<i32>} : memref<16x768xf32, #tpu.memory_space<vmem>>, vector<1x16xf32>,
        %parallel_loop3A_375 = vector.shape_cast %parallel_loop3A_374 : vector<1x16xf32> to vector<16xf32>
        %parallel_loop3A_376 = arith.addf %parallel_loop3A_371, %parallel_loop3A_375 : vector<16xf32>
        %parallel_loop3A_377 = arith.index_cast %parallel_loop3A_120 : i32 to index
        %parallel_loop3A_378 = arith.constant 208 : index
        %parallel_loop3A_379 = tpu.vector_load %arg18[%parallel_loop3A_377, %parallel_loop3A_378] {strides = array<i32>} : memref<2x768xf32, #tpu.memory_space<vmem>>, vector<1x16xf32>,
        %parallel_loop3A_380 = vector.shape_cast %parallel_loop3A_379 : vector<1x16xf32> to vector<16xf32>
        %parallel_loop3A_381 = arith.addf %parallel_loop3A_376, %parallel_loop3A_380 : vector<16xf32>
        %parallel_loop3A_382 = arith.index_cast %parallel_loop3A_114 : i32 to index
        %parallel_loop3A_383 = arith.constant 208 : index
        %parallel_loop3A_384 = tpu.vector_load %arg17[%parallel_loop3A_382, %parallel_loop3A_383] {strides = array<i32>} : memref<16x768xf32, #tpu.memory_space<vmem>>, vector<1x16xf32>,
        %parallel_loop3A_385 = vector.shape_cast %parallel_loop3A_384 : vector<1x16xf32> to vector<16xf32>
        %parallel_loop3A_386 = vector.shape_cast %parallel_loop3A_381 : vector<16xf32> to vector<1x16xf32>
        tpu.vector_store %arg17[%parallel_loop3A_382, %parallel_loop3A_383], %parallel_loop3A_386 {strides = array<i32>} : memref<16x768xf32, #tpu.memory_space<vmem>>, vector<1x16xf32>,
        %parallel_loop3A_387 = arith.index_cast %parallel_loop3A_114 : i32 to index
        %parallel_loop3A_388 = arith.constant 224 : index
        %parallel_loop3A_389 = tpu.vector_load %arg14[%parallel_loop3A_387, %parallel_loop3A_388] {strides = array<i32>} : memref<16x768xf32, #tpu.memory_space<vmem>>, vector<1x16xf32>,
        %parallel_loop3A_390 = vector.shape_cast %parallel_loop3A_389 : vector<1x16xf32> to vector<16xf32>
        %parallel_loop3A_391 = arith.index_cast %parallel_loop3A_114 : i32 to index
        %parallel_loop3A_392 = arith.constant 224 : index
        %parallel_loop3A_393 = tpu.vector_load %arg15[%parallel_loop3A_391, %parallel_loop3A_392] {strides = array<i32>} : memref<16x768xf32, #tpu.memory_space<vmem>>, vector<1x16xf32>,
        %parallel_loop3A_394 = vector.shape_cast %parallel_loop3A_393 : vector<1x16xf32> to vector<16xf32>
        %parallel_loop3A_395 = arith.addf %parallel_loop3A_390, %parallel_loop3A_394 : vector<16xf32>
        %parallel_loop3A_396 = arith.index_cast %parallel_loop3A_120 : i32 to index
        %parallel_loop3A_397 = arith.constant 224 : index
        %parallel_loop3A_398 = tpu.vector_load %arg18[%parallel_loop3A_396, %parallel_loop3A_397] {strides = array<i32>} : memref<2x768xf32, #tpu.memory_space<vmem>>, vector<1x16xf32>,
        %parallel_loop3A_399 = vector.shape_cast %parallel_loop3A_398 : vector<1x16xf32> to vector<16xf32>
        %parallel_loop3A_400 = arith.addf %parallel_loop3A_395, %parallel_loop3A_399 : vector<16xf32>
        %parallel_loop3A_401 = arith.index_cast %parallel_loop3A_114 : i32 to index
        %parallel_loop3A_402 = arith.constant 224 : index
        %parallel_loop3A_403 = tpu.vector_load %arg17[%parallel_loop3A_401, %parallel_loop3A_402] {strides = array<i32>} : memref<16x768xf32, #tpu.memory_space<vmem>>, vector<1x16xf32>,
        %parallel_loop3A_404 = vector.shape_cast %parallel_loop3A_403 : vector<1x16xf32> to vector<16xf32>
        %parallel_loop3A_405 = vector.shape_cast %parallel_loop3A_400 : vector<16xf32> to vector<1x16xf32>
        tpu.vector_store %arg17[%parallel_loop3A_401, %parallel_loop3A_402], %parallel_loop3A_405 {strides = array<i32>} : memref<16x768xf32, #tpu.memory_space<vmem>>, vector<1x16xf32>,
        %parallel_loop3A_406 = arith.index_cast %parallel_loop3A_114 : i32 to index
        %parallel_loop3A_407 = arith.constant 240 : index
        %parallel_loop3A_408 = tpu.vector_load %arg14[%parallel_loop3A_406, %parallel_loop3A_407] {strides = array<i32>} : memref<16x768xf32, #tpu.memory_space<vmem>>, vector<1x16xf32>,
        %parallel_loop3A_409 = vector.shape_cast %parallel_loop3A_408 : vector<1x16xf32> to vector<16xf32>
        %parallel_loop3A_410 = arith.index_cast %parallel_loop3A_114 : i32 to index
        %parallel_loop3A_411 = arith.constant 240 : index
        %parallel_loop3A_412 = tpu.vector_load %arg15[%parallel_loop3A_410, %parallel_loop3A_411] {strides = array<i32>} : memref<16x768xf32, #tpu.memory_space<vmem>>, vector<1x16xf32>,
        %parallel_loop3A_413 = vector.shape_cast %parallel_loop3A_412 : vector<1x16xf32> to vector<16xf32>
        %parallel_loop3A_414 = arith.addf %parallel_loop3A_409, %parallel_loop3A_413 : vector<16xf32>
        %parallel_loop3A_415 = arith.index_cast %parallel_loop3A_120 : i32 to index
        %parallel_loop3A_416 = arith.constant 240 : index
        %parallel_loop3A_417 = tpu.vector_load %arg18[%parallel_loop3A_415, %parallel_loop3A_416] {strides = array<i32>} : memref<2x768xf32, #tpu.memory_space<vmem>>, vector<1x16xf32>,
        %parallel_loop3A_418 = vector.shape_cast %parallel_loop3A_417 : vector<1x16xf32> to vector<16xf32>
        %parallel_loop3A_419 = arith.addf %parallel_loop3A_414, %parallel_loop3A_418 : vector<16xf32>
        %parallel_loop3A_420 = arith.index_cast %parallel_loop3A_114 : i32 to index
        %parallel_loop3A_421 = arith.constant 240 : index
        %parallel_loop3A_422 = tpu.vector_load %arg17[%parallel_loop3A_420, %parallel_loop3A_421] {strides = array<i32>} : memref<16x768xf32, #tpu.memory_space<vmem>>, vector<1x16xf32>,
        %parallel_loop3A_423 = vector.shape_cast %parallel_loop3A_422 : vector<1x16xf32> to vector<16xf32>
        %parallel_loop3A_424 = vector.shape_cast %parallel_loop3A_419 : vector<16xf32> to vector<1x16xf32>
        tpu.vector_store %arg17[%parallel_loop3A_420, %parallel_loop3A_421], %parallel_loop3A_424 {strides = array<i32>} : memref<16x768xf32, #tpu.memory_space<vmem>>, vector<1x16xf32>,
        %parallel_loop3A_425 = arith.index_cast %parallel_loop3A_114 : i32 to index
        %parallel_loop3A_426 = arith.constant 256 : index
        %parallel_loop3A_427 = tpu.vector_load %arg14[%parallel_loop3A_425, %parallel_loop3A_426] {strides = array<i32>} : memref<16x768xf32, #tpu.memory_space<vmem>>, vector<1x16xf32>,
        %parallel_loop3A_428 = vector.shape_cast %parallel_loop3A_427 : vector<1x16xf32> to vector<16xf32>
        %parallel_loop3A_429 = arith.index_cast %parallel_loop3A_114 : i32 to index
        %parallel_loop3A_430 = arith.constant 256 : index
        %parallel_loop3A_431 = tpu.vector_load %arg15[%parallel_loop3A_429, %parallel_loop3A_430] {strides = array<i32>} : memref<16x768xf32, #tpu.memory_space<vmem>>, vector<1x16xf32>,
        %parallel_loop3A_432 = vector.shape_cast %parallel_loop3A_431 : vector<1x16xf32> to vector<16xf32>
        %parallel_loop3A_433 = arith.addf %parallel_loop3A_428, %parallel_loop3A_432 : vector<16xf32>
        %parallel_loop3A_434 = arith.index_cast %parallel_loop3A_120 : i32 to index
        %parallel_loop3A_435 = arith.constant 256 : index
        %parallel_loop3A_436 = tpu.vector_load %arg18[%parallel_loop3A_434, %parallel_loop3A_435] {strides = array<i32>} : memref<2x768xf32, #tpu.memory_space<vmem>>, vector<1x16xf32>,
        %parallel_loop3A_437 = vector.shape_cast %parallel_loop3A_436 : vector<1x16xf32> to vector<16xf32>
        %parallel_loop3A_438 = arith.addf %parallel_loop3A_433, %parallel_loop3A_437 : vector<16xf32>
        %parallel_loop3A_439 = arith.index_cast %parallel_loop3A_114 : i32 to index
        %parallel_loop3A_440 = arith.constant 256 : index
        %parallel_loop3A_441 = tpu.vector_load %arg17[%parallel_loop3A_439, %parallel_loop3A_440] {strides = array<i32>} : memref<16x768xf32, #tpu.memory_space<vmem>>, vector<1x16xf32>,
        %parallel_loop3A_442 = vector.shape_cast %parallel_loop3A_441 : vector<1x16xf32> to vector<16xf32>
        %parallel_loop3A_443 = vector.shape_cast %parallel_loop3A_438 : vector<16xf32> to vector<1x16xf32>
        tpu.vector_store %arg17[%parallel_loop3A_439, %parallel_loop3A_440], %parallel_loop3A_443 {strides = array<i32>} : memref<16x768xf32, #tpu.memory_space<vmem>>, vector<1x16xf32>,
        %parallel_loop3A_444 = arith.index_cast %parallel_loop3A_114 : i32 to index
        %parallel_loop3A_445 = arith.constant 272 : index
        %parallel_loop3A_446 = tpu.vector_load %arg14[%parallel_loop3A_444, %parallel_loop3A_445] {strides = array<i32>} : memref<16x768xf32, #tpu.memory_space<vmem>>, vector<1x16xf32>,
        %parallel_loop3A_447 = vector.shape_cast %parallel_loop3A_446 : vector<1x16xf32> to vector<16xf32>
        %parallel_loop3A_448 = arith.index_cast %parallel_loop3A_114 : i32 to index
        %parallel_loop3A_449 = arith.constant 272 : index
        %parallel_loop3A_450 = tpu.vector_load %arg15[%parallel_loop3A_448, %parallel_loop3A_449] {strides = array<i32>} : memref<16x768xf32, #tpu.memory_space<vmem>>, vector<1x16xf32>,
        %parallel_loop3A_451 = vector.shape_cast %parallel_loop3A_450 : vector<1x16xf32> to vector<16xf32>
        %parallel_loop3A_452 = arith.addf %parallel_loop3A_447, %parallel_loop3A_451 : vector<16xf32>
        %parallel_loop3A_453 = arith.index_cast %parallel_loop3A_120 : i32 to index
        %parallel_loop3A_454 = arith.constant 272 : index
        %parallel_loop3A_455 = tpu.vector_load %arg18[%parallel_loop3A_453, %parallel_loop3A_454] {strides = array<i32>} : memref<2x768xf32, #tpu.memory_space<vmem>>, vector<1x16xf32>,
        %parallel_loop3A_456 = vector.shape_cast %parallel_loop3A_455 : vector<1x16xf32> to vector<16xf32>
        %parallel_loop3A_457 = arith.addf %parallel_loop3A_452, %parallel_loop3A_456 : vector<16xf32>
        %parallel_loop3A_458 = arith.index_cast %parallel_loop3A_114 : i32 to index
        %parallel_loop3A_459 = arith.constant 272 : index
        %parallel_loop3A_460 = tpu.vector_load %arg17[%parallel_loop3A_458, %parallel_loop3A_459] {strides = array<i32>} : memref<16x768xf32, #tpu.memory_space<vmem>>, vector<1x16xf32>,
        %parallel_loop3A_461 = vector.shape_cast %parallel_loop3A_460 : vector<1x16xf32> to vector<16xf32>
        %parallel_loop3A_462 = vector.shape_cast %parallel_loop3A_457 : vector<16xf32> to vector<1x16xf32>
        tpu.vector_store %arg17[%parallel_loop3A_458, %parallel_loop3A_459], %parallel_loop3A_462 {strides = array<i32>} : memref<16x768xf32, #tpu.memory_space<vmem>>, vector<1x16xf32>,
        %parallel_loop3A_463 = arith.index_cast %parallel_loop3A_114 : i32 to index
        %parallel_loop3A_464 = arith.constant 288 : index
        %parallel_loop3A_465 = tpu.vector_load %arg14[%parallel_loop3A_463, %parallel_loop3A_464] {strides = array<i32>} : memref<16x768xf32, #tpu.memory_space<vmem>>, vector<1x16xf32>,
        %parallel_loop3A_466 = vector.shape_cast %parallel_loop3A_465 : vector<1x16xf32> to vector<16xf32>
        %parallel_loop3A_467 = arith.index_cast %parallel_loop3A_114 : i32 to index
        %parallel_loop3A_468 = arith.constant 288 : index
        %parallel_loop3A_469 = tpu.vector_load %arg15[%parallel_loop3A_467, %parallel_loop3A_468] {strides = array<i32>} : memref<16x768xf32, #tpu.memory_space<vmem>>, vector<1x16xf32>,
        %parallel_loop3A_470 = vector.shape_cast %parallel_loop3A_469 : vector<1x16xf32> to vector<16xf32>
        %parallel_loop3A_471 = arith.addf %parallel_loop3A_466, %parallel_loop3A_470 : vector<16xf32>
        %parallel_loop3A_472 = arith.index_cast %parallel_loop3A_120 : i32 to index
        %parallel_loop3A_473 = arith.constant 288 : index
        %parallel_loop3A_474 = tpu.vector_load %arg18[%parallel_loop3A_472, %parallel_loop3A_473] {strides = array<i32>} : memref<2x768xf32, #tpu.memory_space<vmem>>, vector<1x16xf32>,
        %parallel_loop3A_475 = vector.shape_cast %parallel_loop3A_474 : vector<1x16xf32> to vector<16xf32>
        %parallel_loop3A_476 = arith.addf %parallel_loop3A_471, %parallel_loop3A_475 : vector<16xf32>
        %parallel_loop3A_477 = arith.index_cast %parallel_loop3A_114 : i32 to index
        %parallel_loop3A_478 = arith.constant 288 : index
        %parallel_loop3A_479 = tpu.vector_load %arg17[%parallel_loop3A_477, %parallel_loop3A_478] {strides = array<i32>} : memref<16x768xf32, #tpu.memory_space<vmem>>, vector<1x16xf32>,
        %parallel_loop3A_480 = vector.shape_cast %parallel_loop3A_479 : vector<1x16xf32> to vector<16xf32>
        %parallel_loop3A_481 = vector.shape_cast %parallel_loop3A_476 : vector<16xf32> to vector<1x16xf32>
        tpu.vector_store %arg17[%parallel_loop3A_477, %parallel_loop3A_478], %parallel_loop3A_481 {strides = array<i32>} : memref<16x768xf32, #tpu.memory_space<vmem>>, vector<1x16xf32>,
        %parallel_loop3A_482 = arith.index_cast %parallel_loop3A_114 : i32 to index
        %parallel_loop3A_483 = arith.constant 304 : index
        %parallel_loop3A_484 = tpu.vector_load %arg14[%parallel_loop3A_482, %parallel_loop3A_483] {strides = array<i32>} : memref<16x768xf32, #tpu.memory_space<vmem>>, vector<1x16xf32>,
        %parallel_loop3A_485 = vector.shape_cast %parallel_loop3A_484 : vector<1x16xf32> to vector<16xf32>
        %parallel_loop3A_486 = arith.index_cast %parallel_loop3A_114 : i32 to index
        %parallel_loop3A_487 = arith.constant 304 : index
        %parallel_loop3A_488 = tpu.vector_load %arg15[%parallel_loop3A_486, %parallel_loop3A_487] {strides = array<i32>} : memref<16x768xf32, #tpu.memory_space<vmem>>, vector<1x16xf32>,
        %parallel_loop3A_489 = vector.shape_cast %parallel_loop3A_488 : vector<1x16xf32> to vector<16xf32>
        %parallel_loop3A_490 = arith.addf %parallel_loop3A_485, %parallel_loop3A_489 : vector<16xf32>
        %parallel_loop3A_491 = arith.index_cast %parallel_loop3A_120 : i32 to index
        %parallel_loop3A_492 = arith.constant 304 : index
        %parallel_loop3A_493 = tpu.vector_load %arg18[%parallel_loop3A_491, %parallel_loop3A_492] {strides = array<i32>} : memref<2x768xf32, #tpu.memory_space<vmem>>, vector<1x16xf32>,
        %parallel_loop3A_494 = vector.shape_cast %parallel_loop3A_493 : vector<1x16xf32> to vector<16xf32>
        %parallel_loop3A_495 = arith.addf %parallel_loop3A_490, %parallel_loop3A_494 : vector<16xf32>
        %parallel_loop3A_496 = arith.index_cast %parallel_loop3A_114 : i32 to index
        %parallel_loop3A_497 = arith.constant 304 : index
        %parallel_loop3A_498 = tpu.vector_load %arg17[%parallel_loop3A_496, %parallel_loop3A_497] {strides = array<i32>} : memref<16x768xf32, #tpu.memory_space<vmem>>, vector<1x16xf32>,
        %parallel_loop3A_499 = vector.shape_cast %parallel_loop3A_498 : vector<1x16xf32> to vector<16xf32>
        %parallel_loop3A_500 = vector.shape_cast %parallel_loop3A_495 : vector<16xf32> to vector<1x16xf32>
        tpu.vector_store %arg17[%parallel_loop3A_496, %parallel_loop3A_497], %parallel_loop3A_500 {strides = array<i32>} : memref<16x768xf32, #tpu.memory_space<vmem>>, vector<1x16xf32>,
        %parallel_loop3A_501 = arith.index_cast %parallel_loop3A_114 : i32 to index
        %parallel_loop3A_502 = arith.constant 320 : index
        %parallel_loop3A_503 = tpu.vector_load %arg14[%parallel_loop3A_501, %parallel_loop3A_502] {strides = array<i32>} : memref<16x768xf32, #tpu.memory_space<vmem>>, vector<1x16xf32>,
        %parallel_loop3A_504 = vector.shape_cast %parallel_loop3A_503 : vector<1x16xf32> to vector<16xf32>
        %parallel_loop3A_505 = arith.index_cast %parallel_loop3A_114 : i32 to index
        %parallel_loop3A_506 = arith.constant 320 : index
        %parallel_loop3A_507 = tpu.vector_load %arg15[%parallel_loop3A_505, %parallel_loop3A_506] {strides = array<i32>} : memref<16x768xf32, #tpu.memory_space<vmem>>, vector<1x16xf32>,
        %parallel_loop3A_508 = vector.shape_cast %parallel_loop3A_507 : vector<1x16xf32> to vector<16xf32>
        %parallel_loop3A_509 = arith.addf %parallel_loop3A_504, %parallel_loop3A_508 : vector<16xf32>
        %parallel_loop3A_510 = arith.index_cast %parallel_loop3A_120 : i32 to index
        %parallel_loop3A_511 = arith.constant 320 : index
        %parallel_loop3A_512 = tpu.vector_load %arg18[%parallel_loop3A_510, %parallel_loop3A_511] {strides = array<i32>} : memref<2x768xf32, #tpu.memory_space<vmem>>, vector<1x16xf32>,
        %parallel_loop3A_513 = vector.shape_cast %parallel_loop3A_512 : vector<1x16xf32> to vector<16xf32>
        %parallel_loop3A_514 = arith.addf %parallel_loop3A_509, %parallel_loop3A_513 : vector<16xf32>
        %parallel_loop3A_515 = arith.index_cast %parallel_loop3A_114 : i32 to index
        %parallel_loop3A_516 = arith.constant 320 : index
        %parallel_loop3A_517 = tpu.vector_load %arg17[%parallel_loop3A_515, %parallel_loop3A_516] {strides = array<i32>} : memref<16x768xf32, #tpu.memory_space<vmem>>, vector<1x16xf32>,
        %parallel_loop3A_518 = vector.shape_cast %parallel_loop3A_517 : vector<1x16xf32> to vector<16xf32>
        %parallel_loop3A_519 = vector.shape_cast %parallel_loop3A_514 : vector<16xf32> to vector<1x16xf32>
        tpu.vector_store %arg17[%parallel_loop3A_515, %parallel_loop3A_516], %parallel_loop3A_519 {strides = array<i32>} : memref<16x768xf32, #tpu.memory_space<vmem>>, vector<1x16xf32>,
        %parallel_loop3A_520 = arith.index_cast %parallel_loop3A_114 : i32 to index
        %parallel_loop3A_521 = arith.constant 336 : index
        %parallel_loop3A_522 = tpu.vector_load %arg14[%parallel_loop3A_520, %parallel_loop3A_521] {strides = array<i32>} : memref<16x768xf32, #tpu.memory_space<vmem>>, vector<1x16xf32>,
        %parallel_loop3A_523 = vector.shape_cast %parallel_loop3A_522 : vector<1x16xf32> to vector<16xf32>
        %parallel_loop3A_524 = arith.index_cast %parallel_loop3A_114 : i32 to index
        %parallel_loop3A_525 = arith.constant 336 : index
        %parallel_loop3A_526 = tpu.vector_load %arg15[%parallel_loop3A_524, %parallel_loop3A_525] {strides = array<i32>} : memref<16x768xf32, #tpu.memory_space<vmem>>, vector<1x16xf32>,
        %parallel_loop3A_527 = vector.shape_cast %parallel_loop3A_526 : vector<1x16xf32> to vector<16xf32>
        %parallel_loop3A_528 = arith.addf %parallel_loop3A_523, %parallel_loop3A_527 : vector<16xf32>
        %parallel_loop3A_529 = arith.index_cast %parallel_loop3A_120 : i32 to index
        %parallel_loop3A_530 = arith.constant 336 : index
        %parallel_loop3A_531 = tpu.vector_load %arg18[%parallel_loop3A_529, %parallel_loop3A_530] {strides = array<i32>} : memref<2x768xf32, #tpu.memory_space<vmem>>, vector<1x16xf32>,
        %parallel_loop3A_532 = vector.shape_cast %parallel_loop3A_531 : vector<1x16xf32> to vector<16xf32>
        %parallel_loop3A_533 = arith.addf %parallel_loop3A_528, %parallel_loop3A_532 : vector<16xf32>
        %parallel_loop3A_534 = arith.index_cast %parallel_loop3A_114 : i32 to index
        %parallel_loop3A_535 = arith.constant 336 : index
        %parallel_loop3A_536 = tpu.vector_load %arg17[%parallel_loop3A_534, %parallel_loop3A_535] {strides = array<i32>} : memref<16x768xf32, #tpu.memory_space<vmem>>, vector<1x16xf32>,
        %parallel_loop3A_537 = vector.shape_cast %parallel_loop3A_536 : vector<1x16xf32> to vector<16xf32>
        %parallel_loop3A_538 = vector.shape_cast %parallel_loop3A_533 : vector<16xf32> to vector<1x16xf32>
        tpu.vector_store %arg17[%parallel_loop3A_534, %parallel_loop3A_535], %parallel_loop3A_538 {strides = array<i32>} : memref<16x768xf32, #tpu.memory_space<vmem>>, vector<1x16xf32>,
        %parallel_loop3A_539 = arith.index_cast %parallel_loop3A_114 : i32 to index
        %parallel_loop3A_540 = arith.constant 352 : index
        %parallel_loop3A_541 = tpu.vector_load %arg14[%parallel_loop3A_539, %parallel_loop3A_540] {strides = array<i32>} : memref<16x768xf32, #tpu.memory_space<vmem>>, vector<1x16xf32>,
        %parallel_loop3A_542 = vector.shape_cast %parallel_loop3A_541 : vector<1x16xf32> to vector<16xf32>
        %parallel_loop3A_543 = arith.index_cast %parallel_loop3A_114 : i32 to index
        %parallel_loop3A_544 = arith.constant 352 : index
        %parallel_loop3A_545 = tpu.vector_load %arg15[%parallel_loop3A_543, %parallel_loop3A_544] {strides = array<i32>} : memref<16x768xf32, #tpu.memory_space<vmem>>, vector<1x16xf32>,
        %parallel_loop3A_546 = vector.shape_cast %parallel_loop3A_545 : vector<1x16xf32> to vector<16xf32>
        %parallel_loop3A_547 = arith.addf %parallel_loop3A_542, %parallel_loop3A_546 : vector<16xf32>
        %parallel_loop3A_548 = arith.index_cast %parallel_loop3A_120 : i32 to index
        %parallel_loop3A_549 = arith.constant 352 : index
        %parallel_loop3A_550 = tpu.vector_load %arg18[%parallel_loop3A_548, %parallel_loop3A_549] {strides = array<i32>} : memref<2x768xf32, #tpu.memory_space<vmem>>, vector<1x16xf32>,
        %parallel_loop3A_551 = vector.shape_cast %parallel_loop3A_550 : vector<1x16xf32> to vector<16xf32>
        %parallel_loop3A_552 = arith.addf %parallel_loop3A_547, %parallel_loop3A_551 : vector<16xf32>
        %parallel_loop3A_553 = arith.index_cast %parallel_loop3A_114 : i32 to index
        %parallel_loop3A_554 = arith.constant 352 : index
        %parallel_loop3A_555 = tpu.vector_load %arg17[%parallel_loop3A_553, %parallel_loop3A_554] {strides = array<i32>} : memref<16x768xf32, #tpu.memory_space<vmem>>, vector<1x16xf32>,
        %parallel_loop3A_556 = vector.shape_cast %parallel_loop3A_555 : vector<1x16xf32> to vector<16xf32>
        %parallel_loop3A_557 = vector.shape_cast %parallel_loop3A_552 : vector<16xf32> to vector<1x16xf32>
        tpu.vector_store %arg17[%parallel_loop3A_553, %parallel_loop3A_554], %parallel_loop3A_557 {strides = array<i32>} : memref<16x768xf32, #tpu.memory_space<vmem>>, vector<1x16xf32>,
        %parallel_loop3A_558 = arith.index_cast %parallel_loop3A_114 : i32 to index
        %parallel_loop3A_559 = arith.constant 368 : index
        %parallel_loop3A_560 = tpu.vector_load %arg14[%parallel_loop3A_558, %parallel_loop3A_559] {strides = array<i32>} : memref<16x768xf32, #tpu.memory_space<vmem>>, vector<1x16xf32>,
        %parallel_loop3A_561 = vector.shape_cast %parallel_loop3A_560 : vector<1x16xf32> to vector<16xf32>
        %parallel_loop3A_562 = arith.index_cast %parallel_loop3A_114 : i32 to index
        %parallel_loop3A_563 = arith.constant 368 : index
        %parallel_loop3A_564 = tpu.vector_load %arg15[%parallel_loop3A_562, %parallel_loop3A_563] {strides = array<i32>} : memref<16x768xf32, #tpu.memory_space<vmem>>, vector<1x16xf32>,
        %parallel_loop3A_565 = vector.shape_cast %parallel_loop3A_564 : vector<1x16xf32> to vector<16xf32>
        %parallel_loop3A_566 = arith.addf %parallel_loop3A_561, %parallel_loop3A_565 : vector<16xf32>
        %parallel_loop3A_567 = arith.index_cast %parallel_loop3A_120 : i32 to index
        %parallel_loop3A_568 = arith.constant 368 : index
        %parallel_loop3A_569 = tpu.vector_load %arg18[%parallel_loop3A_567, %parallel_loop3A_568] {strides = array<i32>} : memref<2x768xf32, #tpu.memory_space<vmem>>, vector<1x16xf32>,
        %parallel_loop3A_570 = vector.shape_cast %parallel_loop3A_569 : vector<1x16xf32> to vector<16xf32>
        %parallel_loop3A_571 = arith.addf %parallel_loop3A_566, %parallel_loop3A_570 : vector<16xf32>
        %parallel_loop3A_572 = arith.index_cast %parallel_loop3A_114 : i32 to index
        %parallel_loop3A_573 = arith.constant 368 : index
        %parallel_loop3A_574 = tpu.vector_load %arg17[%parallel_loop3A_572, %parallel_loop3A_573] {strides = array<i32>} : memref<16x768xf32, #tpu.memory_space<vmem>>, vector<1x16xf32>,
        %parallel_loop3A_575 = vector.shape_cast %parallel_loop3A_574 : vector<1x16xf32> to vector<16xf32>
        %parallel_loop3A_576 = vector.shape_cast %parallel_loop3A_571 : vector<16xf32> to vector<1x16xf32>
        tpu.vector_store %arg17[%parallel_loop3A_572, %parallel_loop3A_573], %parallel_loop3A_576 {strides = array<i32>} : memref<16x768xf32, #tpu.memory_space<vmem>>, vector<1x16xf32>,
        %parallel_loop3A_577 = arith.index_cast %parallel_loop3A_114 : i32 to index
        %parallel_loop3A_578 = arith.constant 384 : index
        %parallel_loop3A_579 = tpu.vector_load %arg14[%parallel_loop3A_577, %parallel_loop3A_578] {strides = array<i32>} : memref<16x768xf32, #tpu.memory_space<vmem>>, vector<1x16xf32>,
        %parallel_loop3A_580 = vector.shape_cast %parallel_loop3A_579 : vector<1x16xf32> to vector<16xf32>
        %parallel_loop3A_581 = arith.index_cast %parallel_loop3A_114 : i32 to index
        %parallel_loop3A_582 = arith.constant 384 : index
        %parallel_loop3A_583 = tpu.vector_load %arg15[%parallel_loop3A_581, %parallel_loop3A_582] {strides = array<i32>} : memref<16x768xf32, #tpu.memory_space<vmem>>, vector<1x16xf32>,
        %parallel_loop3A_584 = vector.shape_cast %parallel_loop3A_583 : vector<1x16xf32> to vector<16xf32>
        %parallel_loop3A_585 = arith.addf %parallel_loop3A_580, %parallel_loop3A_584 : vector<16xf32>
        %parallel_loop3A_586 = arith.index_cast %parallel_loop3A_120 : i32 to index
        %parallel_loop3A_587 = arith.constant 384 : index
        %parallel_loop3A_588 = tpu.vector_load %arg18[%parallel_loop3A_586, %parallel_loop3A_587] {strides = array<i32>} : memref<2x768xf32, #tpu.memory_space<vmem>>, vector<1x16xf32>,
        %parallel_loop3A_589 = vector.shape_cast %parallel_loop3A_588 : vector<1x16xf32> to vector<16xf32>
        %parallel_loop3A_590 = arith.addf %parallel_loop3A_585, %parallel_loop3A_589 : vector<16xf32>
        %parallel_loop3A_591 = arith.index_cast %parallel_loop3A_114 : i32 to index
        %parallel_loop3A_592 = arith.constant 384 : index
        %parallel_loop3A_593 = tpu.vector_load %arg17[%parallel_loop3A_591, %parallel_loop3A_592] {strides = array<i32>} : memref<16x768xf32, #tpu.memory_space<vmem>>, vector<1x16xf32>,
        %parallel_loop3A_594 = vector.shape_cast %parallel_loop3A_593 : vector<1x16xf32> to vector<16xf32>
        %parallel_loop3A_595 = vector.shape_cast %parallel_loop3A_590 : vector<16xf32> to vector<1x16xf32>
        tpu.vector_store %arg17[%parallel_loop3A_591, %parallel_loop3A_592], %parallel_loop3A_595 {strides = array<i32>} : memref<16x768xf32, #tpu.memory_space<vmem>>, vector<1x16xf32>,
        %parallel_loop3A_596 = arith.index_cast %parallel_loop3A_114 : i32 to index
        %parallel_loop3A_597 = arith.constant 400 : index
        %parallel_loop3A_598 = tpu.vector_load %arg14[%parallel_loop3A_596, %parallel_loop3A_597] {strides = array<i32>} : memref<16x768xf32, #tpu.memory_space<vmem>>, vector<1x16xf32>,
        %parallel_loop3A_599 = vector.shape_cast %parallel_loop3A_598 : vector<1x16xf32> to vector<16xf32>
        %parallel_loop3A_600 = arith.index_cast %parallel_loop3A_114 : i32 to index
        %parallel_loop3A_601 = arith.constant 400 : index
        %parallel_loop3A_602 = tpu.vector_load %arg15[%parallel_loop3A_600, %parallel_loop3A_601] {strides = array<i32>} : memref<16x768xf32, #tpu.memory_space<vmem>>, vector<1x16xf32>,
        %parallel_loop3A_603 = vector.shape_cast %parallel_loop3A_602 : vector<1x16xf32> to vector<16xf32>
        %parallel_loop3A_604 = arith.addf %parallel_loop3A_599, %parallel_loop3A_603 : vector<16xf32>
        %parallel_loop3A_605 = arith.index_cast %parallel_loop3A_120 : i32 to index
        %parallel_loop3A_606 = arith.constant 400 : index
        %parallel_loop3A_607 = tpu.vector_load %arg18[%parallel_loop3A_605, %parallel_loop3A_606] {strides = array<i32>} : memref<2x768xf32, #tpu.memory_space<vmem>>, vector<1x16xf32>,
        %parallel_loop3A_608 = vector.shape_cast %parallel_loop3A_607 : vector<1x16xf32> to vector<16xf32>
        %parallel_loop3A_609 = arith.addf %parallel_loop3A_604, %parallel_loop3A_608 : vector<16xf32>
        %parallel_loop3A_610 = arith.index_cast %parallel_loop3A_114 : i32 to index
        %parallel_loop3A_611 = arith.constant 400 : index
        %parallel_loop3A_612 = tpu.vector_load %arg17[%parallel_loop3A_610, %parallel_loop3A_611] {strides = array<i32>} : memref<16x768xf32, #tpu.memory_space<vmem>>, vector<1x16xf32>,
        %parallel_loop3A_613 = vector.shape_cast %parallel_loop3A_612 : vector<1x16xf32> to vector<16xf32>
        %parallel_loop3A_614 = vector.shape_cast %parallel_loop3A_609 : vector<16xf32> to vector<1x16xf32>
        tpu.vector_store %arg17[%parallel_loop3A_610, %parallel_loop3A_611], %parallel_loop3A_614 {strides = array<i32>} : memref<16x768xf32, #tpu.memory_space<vmem>>, vector<1x16xf32>,
        %parallel_loop3A_615 = arith.index_cast %parallel_loop3A_114 : i32 to index
        %parallel_loop3A_616 = arith.constant 416 : index
        %parallel_loop3A_617 = tpu.vector_load %arg14[%parallel_loop3A_615, %parallel_loop3A_616] {strides = array<i32>} : memref<16x768xf32, #tpu.memory_space<vmem>>, vector<1x16xf32>,
        %parallel_loop3A_618 = vector.shape_cast %parallel_loop3A_617 : vector<1x16xf32> to vector<16xf32>
        %parallel_loop3A_619 = arith.index_cast %parallel_loop3A_114 : i32 to index
        %parallel_loop3A_620 = arith.constant 416 : index
        %parallel_loop3A_621 = tpu.vector_load %arg15[%parallel_loop3A_619, %parallel_loop3A_620] {strides = array<i32>} : memref<16x768xf32, #tpu.memory_space<vmem>>, vector<1x16xf32>,
        %parallel_loop3A_622 = vector.shape_cast %parallel_loop3A_621 : vector<1x16xf32> to vector<16xf32>
        %parallel_loop3A_623 = arith.addf %parallel_loop3A_618, %parallel_loop3A_622 : vector<16xf32>
        %parallel_loop3A_624 = arith.index_cast %parallel_loop3A_120 : i32 to index
        %parallel_loop3A_625 = arith.constant 416 : index
        %parallel_loop3A_626 = tpu.vector_load %arg18[%parallel_loop3A_624, %parallel_loop3A_625] {strides = array<i32>} : memref<2x768xf32, #tpu.memory_space<vmem>>, vector<1x16xf32>,
        %parallel_loop3A_627 = vector.shape_cast %parallel_loop3A_626 : vector<1x16xf32> to vector<16xf32>
        %parallel_loop3A_628 = arith.addf %parallel_loop3A_623, %parallel_loop3A_627 : vector<16xf32>
        %parallel_loop3A_629 = arith.index_cast %parallel_loop3A_114 : i32 to index
        %parallel_loop3A_630 = arith.constant 416 : index
        %parallel_loop3A_631 = tpu.vector_load %arg17[%parallel_loop3A_629, %parallel_loop3A_630] {strides = array<i32>} : memref<16x768xf32, #tpu.memory_space<vmem>>, vector<1x16xf32>,
        %parallel_loop3A_632 = vector.shape_cast %parallel_loop3A_631 : vector<1x16xf32> to vector<16xf32>
        %parallel_loop3A_633 = vector.shape_cast %parallel_loop3A_628 : vector<16xf32> to vector<1x16xf32>
        tpu.vector_store %arg17[%parallel_loop3A_629, %parallel_loop3A_630], %parallel_loop3A_633 {strides = array<i32>} : memref<16x768xf32, #tpu.memory_space<vmem>>, vector<1x16xf32>,
        %parallel_loop3A_634 = arith.index_cast %parallel_loop3A_114 : i32 to index
        %parallel_loop3A_635 = arith.constant 432 : index
        %parallel_loop3A_636 = tpu.vector_load %arg14[%parallel_loop3A_634, %parallel_loop3A_635] {strides = array<i32>} : memref<16x768xf32, #tpu.memory_space<vmem>>, vector<1x16xf32>,
        %parallel_loop3A_637 = vector.shape_cast %parallel_loop3A_636 : vector<1x16xf32> to vector<16xf32>
        %parallel_loop3A_638 = arith.index_cast %parallel_loop3A_114 : i32 to index
        %parallel_loop3A_639 = arith.constant 432 : index
        %parallel_loop3A_640 = tpu.vector_load %arg15[%parallel_loop3A_638, %parallel_loop3A_639] {strides = array<i32>} : memref<16x768xf32, #tpu.memory_space<vmem>>, vector<1x16xf32>,
        %parallel_loop3A_641 = vector.shape_cast %parallel_loop3A_640 : vector<1x16xf32> to vector<16xf32>
        %parallel_loop3A_642 = arith.addf %parallel_loop3A_637, %parallel_loop3A_641 : vector<16xf32>
        %parallel_loop3A_643 = arith.index_cast %parallel_loop3A_120 : i32 to index
        %parallel_loop3A_644 = arith.constant 432 : index
        %parallel_loop3A_645 = tpu.vector_load %arg18[%parallel_loop3A_643, %parallel_loop3A_644] {strides = array<i32>} : memref<2x768xf32, #tpu.memory_space<vmem>>, vector<1x16xf32>,
        %parallel_loop3A_646 = vector.shape_cast %parallel_loop3A_645 : vector<1x16xf32> to vector<16xf32>
        %parallel_loop3A_647 = arith.addf %parallel_loop3A_642, %parallel_loop3A_646 : vector<16xf32>
        %parallel_loop3A_648 = arith.index_cast %parallel_loop3A_114 : i32 to index
        %parallel_loop3A_649 = arith.constant 432 : index
        %parallel_loop3A_650 = tpu.vector_load %arg17[%parallel_loop3A_648, %parallel_loop3A_649] {strides = array<i32>} : memref<16x768xf32, #tpu.memory_space<vmem>>, vector<1x16xf32>,
        %parallel_loop3A_651 = vector.shape_cast %parallel_loop3A_650 : vector<1x16xf32> to vector<16xf32>
        %parallel_loop3A_652 = vector.shape_cast %parallel_loop3A_647 : vector<16xf32> to vector<1x16xf32>
        tpu.vector_store %arg17[%parallel_loop3A_648, %parallel_loop3A_649], %parallel_loop3A_652 {strides = array<i32>} : memref<16x768xf32, #tpu.memory_space<vmem>>, vector<1x16xf32>,
        %parallel_loop3A_653 = arith.index_cast %parallel_loop3A_114 : i32 to index
        %parallel_loop3A_654 = arith.constant 448 : index
        %parallel_loop3A_655 = tpu.vector_load %arg14[%parallel_loop3A_653, %parallel_loop3A_654] {strides = array<i32>} : memref<16x768xf32, #tpu.memory_space<vmem>>, vector<1x16xf32>,
        %parallel_loop3A_656 = vector.shape_cast %parallel_loop3A_655 : vector<1x16xf32> to vector<16xf32>
        %parallel_loop3A_657 = arith.index_cast %parallel_loop3A_114 : i32 to index
        %parallel_loop3A_658 = arith.constant 448 : index
        %parallel_loop3A_659 = tpu.vector_load %arg15[%parallel_loop3A_657, %parallel_loop3A_658] {strides = array<i32>} : memref<16x768xf32, #tpu.memory_space<vmem>>, vector<1x16xf32>,
        %parallel_loop3A_660 = vector.shape_cast %parallel_loop3A_659 : vector<1x16xf32> to vector<16xf32>
        %parallel_loop3A_661 = arith.addf %parallel_loop3A_656, %parallel_loop3A_660 : vector<16xf32>
        %parallel_loop3A_662 = arith.index_cast %parallel_loop3A_120 : i32 to index
        %parallel_loop3A_663 = arith.constant 448 : index
        %parallel_loop3A_664 = tpu.vector_load %arg18[%parallel_loop3A_662, %parallel_loop3A_663] {strides = array<i32>} : memref<2x768xf32, #tpu.memory_space<vmem>>, vector<1x16xf32>,
        %parallel_loop3A_665 = vector.shape_cast %parallel_loop3A_664 : vector<1x16xf32> to vector<16xf32>
        %parallel_loop3A_666 = arith.addf %parallel_loop3A_661, %parallel_loop3A_665 : vector<16xf32>
        %parallel_loop3A_667 = arith.index_cast %parallel_loop3A_114 : i32 to index
        %parallel_loop3A_668 = arith.constant 448 : index
        %parallel_loop3A_669 = tpu.vector_load %arg17[%parallel_loop3A_667, %parallel_loop3A_668] {strides = array<i32>} : memref<16x768xf32, #tpu.memory_space<vmem>>, vector<1x16xf32>,
        %parallel_loop3A_670 = vector.shape_cast %parallel_loop3A_669 : vector<1x16xf32> to vector<16xf32>
        %parallel_loop3A_671 = vector.shape_cast %parallel_loop3A_666 : vector<16xf32> to vector<1x16xf32>
        tpu.vector_store %arg17[%parallel_loop3A_667, %parallel_loop3A_668], %parallel_loop3A_671 {strides = array<i32>} : memref<16x768xf32, #tpu.memory_space<vmem>>, vector<1x16xf32>,
        %parallel_loop3A_672 = arith.index_cast %parallel_loop3A_114 : i32 to index
        %parallel_loop3A_673 = arith.constant 464 : index
        %parallel_loop3A_674 = tpu.vector_load %arg14[%parallel_loop3A_672, %parallel_loop3A_673] {strides = array<i32>} : memref<16x768xf32, #tpu.memory_space<vmem>>, vector<1x16xf32>,
        %parallel_loop3A_675 = vector.shape_cast %parallel_loop3A_674 : vector<1x16xf32> to vector<16xf32>
        %parallel_loop3A_676 = arith.index_cast %parallel_loop3A_114 : i32 to index
        %parallel_loop3A_677 = arith.constant 464 : index
        %parallel_loop3A_678 = tpu.vector_load %arg15[%parallel_loop3A_676, %parallel_loop3A_677] {strides = array<i32>} : memref<16x768xf32, #tpu.memory_space<vmem>>, vector<1x16xf32>,
        %parallel_loop3A_679 = vector.shape_cast %parallel_loop3A_678 : vector<1x16xf32> to vector<16xf32>
        %parallel_loop3A_680 = arith.addf %parallel_loop3A_675, %parallel_loop3A_679 : vector<16xf32>
        %parallel_loop3A_681 = arith.index_cast %parallel_loop3A_120 : i32 to index
        %parallel_loop3A_682 = arith.constant 464 : index
        %parallel_loop3A_683 = tpu.vector_load %arg18[%parallel_loop3A_681, %parallel_loop3A_682] {strides = array<i32>} : memref<2x768xf32, #tpu.memory_space<vmem>>, vector<1x16xf32>,
        %parallel_loop3A_684 = vector.shape_cast %parallel_loop3A_683 : vector<1x16xf32> to vector<16xf32>
        %parallel_loop3A_685 = arith.addf %parallel_loop3A_680, %parallel_loop3A_684 : vector<16xf32>
        %parallel_loop3A_686 = arith.index_cast %parallel_loop3A_114 : i32 to index
        %parallel_loop3A_687 = arith.constant 464 : index
        %parallel_loop3A_688 = tpu.vector_load %arg17[%parallel_loop3A_686, %parallel_loop3A_687] {strides = array<i32>} : memref<16x768xf32, #tpu.memory_space<vmem>>, vector<1x16xf32>,
        %parallel_loop3A_689 = vector.shape_cast %parallel_loop3A_688 : vector<1x16xf32> to vector<16xf32>
        %parallel_loop3A_690 = vector.shape_cast %parallel_loop3A_685 : vector<16xf32> to vector<1x16xf32>
        tpu.vector_store %arg17[%parallel_loop3A_686, %parallel_loop3A_687], %parallel_loop3A_690 {strides = array<i32>} : memref<16x768xf32, #tpu.memory_space<vmem>>, vector<1x16xf32>,
        %parallel_loop3A_691 = arith.index_cast %parallel_loop3A_114 : i32 to index
        %parallel_loop3A_692 = arith.constant 480 : index
        %parallel_loop3A_693 = tpu.vector_load %arg14[%parallel_loop3A_691, %parallel_loop3A_692] {strides = array<i32>} : memref<16x768xf32, #tpu.memory_space<vmem>>, vector<1x16xf32>,
        %parallel_loop3A_694 = vector.shape_cast %parallel_loop3A_693 : vector<1x16xf32> to vector<16xf32>
        %parallel_loop3A_695 = arith.index_cast %parallel_loop3A_114 : i32 to index
        %parallel_loop3A_696 = arith.constant 480 : index
        %parallel_loop3A_697 = tpu.vector_load %arg15[%parallel_loop3A_695, %parallel_loop3A_696] {strides = array<i32>} : memref<16x768xf32, #tpu.memory_space<vmem>>, vector<1x16xf32>,
        %parallel_loop3A_698 = vector.shape_cast %parallel_loop3A_697 : vector<1x16xf32> to vector<16xf32>
        %parallel_loop3A_699 = arith.addf %parallel_loop3A_694, %parallel_loop3A_698 : vector<16xf32>
        %parallel_loop3A_700 = arith.index_cast %parallel_loop3A_120 : i32 to index
        %parallel_loop3A_701 = arith.constant 480 : index
        %parallel_loop3A_702 = tpu.vector_load %arg18[%parallel_loop3A_700, %parallel_loop3A_701] {strides = array<i32>} : memref<2x768xf32, #tpu.memory_space<vmem>>, vector<1x16xf32>,
        %parallel_loop3A_703 = vector.shape_cast %parallel_loop3A_702 : vector<1x16xf32> to vector<16xf32>
        %parallel_loop3A_704 = arith.addf %parallel_loop3A_699, %parallel_loop3A_703 : vector<16xf32>
        %parallel_loop3A_705 = arith.index_cast %parallel_loop3A_114 : i32 to index
        %parallel_loop3A_706 = arith.constant 480 : index
        %parallel_loop3A_707 = tpu.vector_load %arg17[%parallel_loop3A_705, %parallel_loop3A_706] {strides = array<i32>} : memref<16x768xf32, #tpu.memory_space<vmem>>, vector<1x16xf32>,
        %parallel_loop3A_708 = vector.shape_cast %parallel_loop3A_707 : vector<1x16xf32> to vector<16xf32>
        %parallel_loop3A_709 = vector.shape_cast %parallel_loop3A_704 : vector<16xf32> to vector<1x16xf32>
        tpu.vector_store %arg17[%parallel_loop3A_705, %parallel_loop3A_706], %parallel_loop3A_709 {strides = array<i32>} : memref<16x768xf32, #tpu.memory_space<vmem>>, vector<1x16xf32>,
        %parallel_loop3A_710 = arith.index_cast %parallel_loop3A_114 : i32 to index
        %parallel_loop3A_711 = arith.constant 496 : index
        %parallel_loop3A_712 = tpu.vector_load %arg14[%parallel_loop3A_710, %parallel_loop3A_711] {strides = array<i32>} : memref<16x768xf32, #tpu.memory_space<vmem>>, vector<1x16xf32>,
        %parallel_loop3A_713 = vector.shape_cast %parallel_loop3A_712 : vector<1x16xf32> to vector<16xf32>
        %parallel_loop3A_714 = arith.index_cast %parallel_loop3A_114 : i32 to index
        %parallel_loop3A_715 = arith.constant 496 : index
        %parallel_loop3A_716 = tpu.vector_load %arg15[%parallel_loop3A_714, %parallel_loop3A_715] {strides = array<i32>} : memref<16x768xf32, #tpu.memory_space<vmem>>, vector<1x16xf32>,
        %parallel_loop3A_717 = vector.shape_cast %parallel_loop3A_716 : vector<1x16xf32> to vector<16xf32>
        %parallel_loop3A_718 = arith.addf %parallel_loop3A_713, %parallel_loop3A_717 : vector<16xf32>
        %parallel_loop3A_719 = arith.index_cast %parallel_loop3A_120 : i32 to index
        %parallel_loop3A_720 = arith.constant 496 : index
        %parallel_loop3A_721 = tpu.vector_load %arg18[%parallel_loop3A_719, %parallel_loop3A_720] {strides = array<i32>} : memref<2x768xf32, #tpu.memory_space<vmem>>, vector<1x16xf32>,
        %parallel_loop3A_722 = vector.shape_cast %parallel_loop3A_721 : vector<1x16xf32> to vector<16xf32>
        %parallel_loop3A_723 = arith.addf %parallel_loop3A_718, %parallel_loop3A_722 : vector<16xf32>
        %parallel_loop3A_724 = arith.index_cast %parallel_loop3A_114 : i32 to index
        %parallel_loop3A_725 = arith.constant 496 : index
        %parallel_loop3A_726 = tpu.vector_load %arg17[%parallel_loop3A_724, %parallel_loop3A_725] {strides = array<i32>} : memref<16x768xf32, #tpu.memory_space<vmem>>, vector<1x16xf32>,
        %parallel_loop3A_727 = vector.shape_cast %parallel_loop3A_726 : vector<1x16xf32> to vector<16xf32>
        %parallel_loop3A_728 = vector.shape_cast %parallel_loop3A_723 : vector<16xf32> to vector<1x16xf32>
        tpu.vector_store %arg17[%parallel_loop3A_724, %parallel_loop3A_725], %parallel_loop3A_728 {strides = array<i32>} : memref<16x768xf32, #tpu.memory_space<vmem>>, vector<1x16xf32>,
        %parallel_loop3A_729 = arith.index_cast %parallel_loop3A_114 : i32 to index
        %parallel_loop3A_730 = arith.constant 512 : index
        %parallel_loop3A_731 = tpu.vector_load %arg14[%parallel_loop3A_729, %parallel_loop3A_730] {strides = array<i32>} : memref<16x768xf32, #tpu.memory_space<vmem>>, vector<1x16xf32>,
        %parallel_loop3A_732 = vector.shape_cast %parallel_loop3A_731 : vector<1x16xf32> to vector<16xf32>
        %parallel_loop3A_733 = arith.index_cast %parallel_loop3A_114 : i32 to index
        %parallel_loop3A_734 = arith.constant 512 : index
        %parallel_loop3A_735 = tpu.vector_load %arg15[%parallel_loop3A_733, %parallel_loop3A_734] {strides = array<i32>} : memref<16x768xf32, #tpu.memory_space<vmem>>, vector<1x16xf32>,
        %parallel_loop3A_736 = vector.shape_cast %parallel_loop3A_735 : vector<1x16xf32> to vector<16xf32>
        %parallel_loop3A_737 = arith.addf %parallel_loop3A_732, %parallel_loop3A_736 : vector<16xf32>
        %parallel_loop3A_738 = arith.index_cast %parallel_loop3A_120 : i32 to index
        %parallel_loop3A_739 = arith.constant 512 : index
        %parallel_loop3A_740 = tpu.vector_load %arg18[%parallel_loop3A_738, %parallel_loop3A_739] {strides = array<i32>} : memref<2x768xf32, #tpu.memory_space<vmem>>, vector<1x16xf32>,
        %parallel_loop3A_741 = vector.shape_cast %parallel_loop3A_740 : vector<1x16xf32> to vector<16xf32>
        %parallel_loop3A_742 = arith.addf %parallel_loop3A_737, %parallel_loop3A_741 : vector<16xf32>
        %parallel_loop3A_743 = arith.index_cast %parallel_loop3A_114 : i32 to index
        %parallel_loop3A_744 = arith.constant 512 : index
        %parallel_loop3A_745 = tpu.vector_load %arg17[%parallel_loop3A_743, %parallel_loop3A_744] {strides = array<i32>} : memref<16x768xf32, #tpu.memory_space<vmem>>, vector<1x16xf32>,
        %parallel_loop3A_746 = vector.shape_cast %parallel_loop3A_745 : vector<1x16xf32> to vector<16xf32>
        %parallel_loop3A_747 = vector.shape_cast %parallel_loop3A_742 : vector<16xf32> to vector<1x16xf32>
        tpu.vector_store %arg17[%parallel_loop3A_743, %parallel_loop3A_744], %parallel_loop3A_747 {strides = array<i32>} : memref<16x768xf32, #tpu.memory_space<vmem>>, vector<1x16xf32>,
        %parallel_loop3A_748 = arith.index_cast %parallel_loop3A_114 : i32 to index
        %parallel_loop3A_749 = arith.constant 528 : index
        %parallel_loop3A_750 = tpu.vector_load %arg14[%parallel_loop3A_748, %parallel_loop3A_749] {strides = array<i32>} : memref<16x768xf32, #tpu.memory_space<vmem>>, vector<1x16xf32>,
        %parallel_loop3A_751 = vector.shape_cast %parallel_loop3A_750 : vector<1x16xf32> to vector<16xf32>
        %parallel_loop3A_752 = arith.index_cast %parallel_loop3A_114 : i32 to index
        %parallel_loop3A_753 = arith.constant 528 : index
        %parallel_loop3A_754 = tpu.vector_load %arg15[%parallel_loop3A_752, %parallel_loop3A_753] {strides = array<i32>} : memref<16x768xf32, #tpu.memory_space<vmem>>, vector<1x16xf32>,
        %parallel_loop3A_755 = vector.shape_cast %parallel_loop3A_754 : vector<1x16xf32> to vector<16xf32>
        %parallel_loop3A_756 = arith.addf %parallel_loop3A_751, %parallel_loop3A_755 : vector<16xf32>
        %parallel_loop3A_757 = arith.index_cast %parallel_loop3A_120 : i32 to index
        %parallel_loop3A_758 = arith.constant 528 : index
        %parallel_loop3A_759 = tpu.vector_load %arg18[%parallel_loop3A_757, %parallel_loop3A_758] {strides = array<i32>} : memref<2x768xf32, #tpu.memory_space<vmem>>, vector<1x16xf32>,
        %parallel_loop3A_760 = vector.shape_cast %parallel_loop3A_759 : vector<1x16xf32> to vector<16xf32>
        %parallel_loop3A_761 = arith.addf %parallel_loop3A_756, %parallel_loop3A_760 : vector<16xf32>
        %parallel_loop3A_762 = arith.index_cast %parallel_loop3A_114 : i32 to index
        %parallel_loop3A_763 = arith.constant 528 : index
        %parallel_loop3A_764 = tpu.vector_load %arg17[%parallel_loop3A_762, %parallel_loop3A_763] {strides = array<i32>} : memref<16x768xf32, #tpu.memory_space<vmem>>, vector<1x16xf32>,
        %parallel_loop3A_765 = vector.shape_cast %parallel_loop3A_764 : vector<1x16xf32> to vector<16xf32>
        %parallel_loop3A_766 = vector.shape_cast %parallel_loop3A_761 : vector<16xf32> to vector<1x16xf32>
        tpu.vector_store %arg17[%parallel_loop3A_762, %parallel_loop3A_763], %parallel_loop3A_766 {strides = array<i32>} : memref<16x768xf32, #tpu.memory_space<vmem>>, vector<1x16xf32>,
        %parallel_loop3A_767 = arith.index_cast %parallel_loop3A_114 : i32 to index
        %parallel_loop3A_768 = arith.constant 544 : index
        %parallel_loop3A_769 = tpu.vector_load %arg14[%parallel_loop3A_767, %parallel_loop3A_768] {strides = array<i32>} : memref<16x768xf32, #tpu.memory_space<vmem>>, vector<1x16xf32>,
        %parallel_loop3A_770 = vector.shape_cast %parallel_loop3A_769 : vector<1x16xf32> to vector<16xf32>
        %parallel_loop3A_771 = arith.index_cast %parallel_loop3A_114 : i32 to index
        %parallel_loop3A_772 = arith.constant 544 : index
        %parallel_loop3A_773 = tpu.vector_load %arg15[%parallel_loop3A_771, %parallel_loop3A_772] {strides = array<i32>} : memref<16x768xf32, #tpu.memory_space<vmem>>, vector<1x16xf32>,
        %parallel_loop3A_774 = vector.shape_cast %parallel_loop3A_773 : vector<1x16xf32> to vector<16xf32>
        %parallel_loop3A_775 = arith.addf %parallel_loop3A_770, %parallel_loop3A_774 : vector<16xf32>
        %parallel_loop3A_776 = arith.index_cast %parallel_loop3A_120 : i32 to index
        %parallel_loop3A_777 = arith.constant 544 : index
        %parallel_loop3A_778 = tpu.vector_load %arg18[%parallel_loop3A_776, %parallel_loop3A_777] {strides = array<i32>} : memref<2x768xf32, #tpu.memory_space<vmem>>, vector<1x16xf32>,
        %parallel_loop3A_779 = vector.shape_cast %parallel_loop3A_778 : vector<1x16xf32> to vector<16xf32>
        %parallel_loop3A_780 = arith.addf %parallel_loop3A_775, %parallel_loop3A_779 : vector<16xf32>
        %parallel_loop3A_781 = arith.index_cast %parallel_loop3A_114 : i32 to index
        %parallel_loop3A_782 = arith.constant 544 : index
        %parallel_loop3A_783 = tpu.vector_load %arg17[%parallel_loop3A_781, %parallel_loop3A_782] {strides = array<i32>} : memref<16x768xf32, #tpu.memory_space<vmem>>, vector<1x16xf32>,
        %parallel_loop3A_784 = vector.shape_cast %parallel_loop3A_783 : vector<1x16xf32> to vector<16xf32>
        %parallel_loop3A_785 = vector.shape_cast %parallel_loop3A_780 : vector<16xf32> to vector<1x16xf32>
        tpu.vector_store %arg17[%parallel_loop3A_781, %parallel_loop3A_782], %parallel_loop3A_785 {strides = array<i32>} : memref<16x768xf32, #tpu.memory_space<vmem>>, vector<1x16xf32>,
        %parallel_loop3A_786 = arith.index_cast %parallel_loop3A_114 : i32 to index
        %parallel_loop3A_787 = arith.constant 560 : index
        %parallel_loop3A_788 = tpu.vector_load %arg14[%parallel_loop3A_786, %parallel_loop3A_787] {strides = array<i32>} : memref<16x768xf32, #tpu.memory_space<vmem>>, vector<1x16xf32>,
        %parallel_loop3A_789 = vector.shape_cast %parallel_loop3A_788 : vector<1x16xf32> to vector<16xf32>
        %parallel_loop3A_790 = arith.index_cast %parallel_loop3A_114 : i32 to index
        %parallel_loop3A_791 = arith.constant 560 : index
        %parallel_loop3A_792 = tpu.vector_load %arg15[%parallel_loop3A_790, %parallel_loop3A_791] {strides = array<i32>} : memref<16x768xf32, #tpu.memory_space<vmem>>, vector<1x16xf32>,
        %parallel_loop3A_793 = vector.shape_cast %parallel_loop3A_792 : vector<1x16xf32> to vector<16xf32>
        %parallel_loop3A_794 = arith.addf %parallel_loop3A_789, %parallel_loop3A_793 : vector<16xf32>
        %parallel_loop3A_795 = arith.index_cast %parallel_loop3A_120 : i32 to index
        %parallel_loop3A_796 = arith.constant 560 : index
        %parallel_loop3A_797 = tpu.vector_load %arg18[%parallel_loop3A_795, %parallel_loop3A_796] {strides = array<i32>} : memref<2x768xf32, #tpu.memory_space<vmem>>, vector<1x16xf32>,
        %parallel_loop3A_798 = vector.shape_cast %parallel_loop3A_797 : vector<1x16xf32> to vector<16xf32>
        %parallel_loop3A_799 = arith.addf %parallel_loop3A_794, %parallel_loop3A_798 : vector<16xf32>
        %parallel_loop3A_800 = arith.index_cast %parallel_loop3A_114 : i32 to index
        %parallel_loop3A_801 = arith.constant 560 : index
        %parallel_loop3A_802 = tpu.vector_load %arg17[%parallel_loop3A_800, %parallel_loop3A_801] {strides = array<i32>} : memref<16x768xf32, #tpu.memory_space<vmem>>, vector<1x16xf32>,
        %parallel_loop3A_803 = vector.shape_cast %parallel_loop3A_802 : vector<1x16xf32> to vector<16xf32>
        %parallel_loop3A_804 = vector.shape_cast %parallel_loop3A_799 : vector<16xf32> to vector<1x16xf32>
        tpu.vector_store %arg17[%parallel_loop3A_800, %parallel_loop3A_801], %parallel_loop3A_804 {strides = array<i32>} : memref<16x768xf32, #tpu.memory_space<vmem>>, vector<1x16xf32>,
        %parallel_loop3A_805 = arith.index_cast %parallel_loop3A_114 : i32 to index
        %parallel_loop3A_806 = arith.constant 576 : index
        %parallel_loop3A_807 = tpu.vector_load %arg14[%parallel_loop3A_805, %parallel_loop3A_806] {strides = array<i32>} : memref<16x768xf32, #tpu.memory_space<vmem>>, vector<1x16xf32>,
        %parallel_loop3A_808 = vector.shape_cast %parallel_loop3A_807 : vector<1x16xf32> to vector<16xf32>
        %parallel_loop3A_809 = arith.index_cast %parallel_loop3A_114 : i32 to index
        %parallel_loop3A_810 = arith.constant 576 : index
        %parallel_loop3A_811 = tpu.vector_load %arg15[%parallel_loop3A_809, %parallel_loop3A_810] {strides = array<i32>} : memref<16x768xf32, #tpu.memory_space<vmem>>, vector<1x16xf32>,
        %parallel_loop3A_812 = vector.shape_cast %parallel_loop3A_811 : vector<1x16xf32> to vector<16xf32>
        %parallel_loop3A_813 = arith.addf %parallel_loop3A_808, %parallel_loop3A_812 : vector<16xf32>
        %parallel_loop3A_814 = arith.index_cast %parallel_loop3A_120 : i32 to index
        %parallel_loop3A_815 = arith.constant 576 : index
        %parallel_loop3A_816 = tpu.vector_load %arg18[%parallel_loop3A_814, %parallel_loop3A_815] {strides = array<i32>} : memref<2x768xf32, #tpu.memory_space<vmem>>, vector<1x16xf32>,
        %parallel_loop3A_817 = vector.shape_cast %parallel_loop3A_816 : vector<1x16xf32> to vector<16xf32>
        %parallel_loop3A_818 = arith.addf %parallel_loop3A_813, %parallel_loop3A_817 : vector<16xf32>
        %parallel_loop3A_819 = arith.index_cast %parallel_loop3A_114 : i32 to index
        %parallel_loop3A_820 = arith.constant 576 : index
        %parallel_loop3A_821 = tpu.vector_load %arg17[%parallel_loop3A_819, %parallel_loop3A_820] {strides = array<i32>} : memref<16x768xf32, #tpu.memory_space<vmem>>, vector<1x16xf32>,
        %parallel_loop3A_822 = vector.shape_cast %parallel_loop3A_821 : vector<1x16xf32> to vector<16xf32>
        %parallel_loop3A_823 = vector.shape_cast %parallel_loop3A_818 : vector<16xf32> to vector<1x16xf32>
        tpu.vector_store %arg17[%parallel_loop3A_819, %parallel_loop3A_820], %parallel_loop3A_823 {strides = array<i32>} : memref<16x768xf32, #tpu.memory_space<vmem>>, vector<1x16xf32>,
        %parallel_loop3A_824 = arith.index_cast %parallel_loop3A_114 : i32 to index
        %parallel_loop3A_825 = arith.constant 592 : index
        %parallel_loop3A_826 = tpu.vector_load %arg14[%parallel_loop3A_824, %parallel_loop3A_825] {strides = array<i32>} : memref<16x768xf32, #tpu.memory_space<vmem>>, vector<1x16xf32>,
        %parallel_loop3A_827 = vector.shape_cast %parallel_loop3A_826 : vector<1x16xf32> to vector<16xf32>
        %parallel_loop3A_828 = arith.index_cast %parallel_loop3A_114 : i32 to index
        %parallel_loop3A_829 = arith.constant 592 : index
        %parallel_loop3A_830 = tpu.vector_load %arg15[%parallel_loop3A_828, %parallel_loop3A_829] {strides = array<i32>} : memref<16x768xf32, #tpu.memory_space<vmem>>, vector<1x16xf32>,
        %parallel_loop3A_831 = vector.shape_cast %parallel_loop3A_830 : vector<1x16xf32> to vector<16xf32>
        %parallel_loop3A_832 = arith.addf %parallel_loop3A_827, %parallel_loop3A_831 : vector<16xf32>
        %parallel_loop3A_833 = arith.index_cast %parallel_loop3A_120 : i32 to index
        %parallel_loop3A_834 = arith.constant 592 : index
        %parallel_loop3A_835 = tpu.vector_load %arg18[%parallel_loop3A_833, %parallel_loop3A_834] {strides = array<i32>} : memref<2x768xf32, #tpu.memory_space<vmem>>, vector<1x16xf32>,
        %parallel_loop3A_836 = vector.shape_cast %parallel_loop3A_835 : vector<1x16xf32> to vector<16xf32>
        %parallel_loop3A_837 = arith.addf %parallel_loop3A_832, %parallel_loop3A_836 : vector<16xf32>
        %parallel_loop3A_838 = arith.index_cast %parallel_loop3A_114 : i32 to index
        %parallel_loop3A_839 = arith.constant 592 : index
        %parallel_loop3A_840 = tpu.vector_load %arg17[%parallel_loop3A_838, %parallel_loop3A_839] {strides = array<i32>} : memref<16x768xf32, #tpu.memory_space<vmem>>, vector<1x16xf32>,
        %parallel_loop3A_841 = vector.shape_cast %parallel_loop3A_840 : vector<1x16xf32> to vector<16xf32>
        %parallel_loop3A_842 = vector.shape_cast %parallel_loop3A_837 : vector<16xf32> to vector<1x16xf32>
        tpu.vector_store %arg17[%parallel_loop3A_838, %parallel_loop3A_839], %parallel_loop3A_842 {strides = array<i32>} : memref<16x768xf32, #tpu.memory_space<vmem>>, vector<1x16xf32>,
        %parallel_loop3A_843 = arith.index_cast %parallel_loop3A_114 : i32 to index
        %parallel_loop3A_844 = arith.constant 608 : index
        %parallel_loop3A_845 = tpu.vector_load %arg14[%parallel_loop3A_843, %parallel_loop3A_844] {strides = array<i32>} : memref<16x768xf32, #tpu.memory_space<vmem>>, vector<1x16xf32>,
        %parallel_loop3A_846 = vector.shape_cast %parallel_loop3A_845 : vector<1x16xf32> to vector<16xf32>
        %parallel_loop3A_847 = arith.index_cast %parallel_loop3A_114 : i32 to index
        %parallel_loop3A_848 = arith.constant 608 : index
        %parallel_loop3A_849 = tpu.vector_load %arg15[%parallel_loop3A_847, %parallel_loop3A_848] {strides = array<i32>} : memref<16x768xf32, #tpu.memory_space<vmem>>, vector<1x16xf32>,
        %parallel_loop3A_850 = vector.shape_cast %parallel_loop3A_849 : vector<1x16xf32> to vector<16xf32>
        %parallel_loop3A_851 = arith.addf %parallel_loop3A_846, %parallel_loop3A_850 : vector<16xf32>
        %parallel_loop3A_852 = arith.index_cast %parallel_loop3A_120 : i32 to index
        %parallel_loop3A_853 = arith.constant 608 : index
        %parallel_loop3A_854 = tpu.vector_load %arg18[%parallel_loop3A_852, %parallel_loop3A_853] {strides = array<i32>} : memref<2x768xf32, #tpu.memory_space<vmem>>, vector<1x16xf32>,
        %parallel_loop3A_855 = vector.shape_cast %parallel_loop3A_854 : vector<1x16xf32> to vector<16xf32>
        %parallel_loop3A_856 = arith.addf %parallel_loop3A_851, %parallel_loop3A_855 : vector<16xf32>
        %parallel_loop3A_857 = arith.index_cast %parallel_loop3A_114 : i32 to index
        %parallel_loop3A_858 = arith.constant 608 : index
        %parallel_loop3A_859 = tpu.vector_load %arg17[%parallel_loop3A_857, %parallel_loop3A_858] {strides = array<i32>} : memref<16x768xf32, #tpu.memory_space<vmem>>, vector<1x16xf32>,
        %parallel_loop3A_860 = vector.shape_cast %parallel_loop3A_859 : vector<1x16xf32> to vector<16xf32>
        %parallel_loop3A_861 = vector.shape_cast %parallel_loop3A_856 : vector<16xf32> to vector<1x16xf32>
        tpu.vector_store %arg17[%parallel_loop3A_857, %parallel_loop3A_858], %parallel_loop3A_861 {strides = array<i32>} : memref<16x768xf32, #tpu.memory_space<vmem>>, vector<1x16xf32>,
        %parallel_loop3A_862 = arith.index_cast %parallel_loop3A_114 : i32 to index
        %parallel_loop3A_863 = arith.constant 624 : index
        %parallel_loop3A_864 = tpu.vector_load %arg14[%parallel_loop3A_862, %parallel_loop3A_863] {strides = array<i32>} : memref<16x768xf32, #tpu.memory_space<vmem>>, vector<1x16xf32>,
        %parallel_loop3A_865 = vector.shape_cast %parallel_loop3A_864 : vector<1x16xf32> to vector<16xf32>
        %parallel_loop3A_866 = arith.index_cast %parallel_loop3A_114 : i32 to index
        %parallel_loop3A_867 = arith.constant 624 : index
        %parallel_loop3A_868 = tpu.vector_load %arg15[%parallel_loop3A_866, %parallel_loop3A_867] {strides = array<i32>} : memref<16x768xf32, #tpu.memory_space<vmem>>, vector<1x16xf32>,
        %parallel_loop3A_869 = vector.shape_cast %parallel_loop3A_868 : vector<1x16xf32> to vector<16xf32>
        %parallel_loop3A_870 = arith.addf %parallel_loop3A_865, %parallel_loop3A_869 : vector<16xf32>
        %parallel_loop3A_871 = arith.index_cast %parallel_loop3A_120 : i32 to index
        %parallel_loop3A_872 = arith.constant 624 : index
        %parallel_loop3A_873 = tpu.vector_load %arg18[%parallel_loop3A_871, %parallel_loop3A_872] {strides = array<i32>} : memref<2x768xf32, #tpu.memory_space<vmem>>, vector<1x16xf32>,
        %parallel_loop3A_874 = vector.shape_cast %parallel_loop3A_873 : vector<1x16xf32> to vector<16xf32>
        %parallel_loop3A_875 = arith.addf %parallel_loop3A_870, %parallel_loop3A_874 : vector<16xf32>
        %parallel_loop3A_876 = arith.index_cast %parallel_loop3A_114 : i32 to index
        %parallel_loop3A_877 = arith.constant 624 : index
        %parallel_loop3A_878 = tpu.vector_load %arg17[%parallel_loop3A_876, %parallel_loop3A_877] {strides = array<i32>} : memref<16x768xf32, #tpu.memory_space<vmem>>, vector<1x16xf32>,
        %parallel_loop3A_879 = vector.shape_cast %parallel_loop3A_878 : vector<1x16xf32> to vector<16xf32>
        %parallel_loop3A_880 = vector.shape_cast %parallel_loop3A_875 : vector<16xf32> to vector<1x16xf32>
        tpu.vector_store %arg17[%parallel_loop3A_876, %parallel_loop3A_877], %parallel_loop3A_880 {strides = array<i32>} : memref<16x768xf32, #tpu.memory_space<vmem>>, vector<1x16xf32>,
        %parallel_loop3A_881 = arith.index_cast %parallel_loop3A_114 : i32 to index
        %parallel_loop3A_882 = arith.constant 640 : index
        %parallel_loop3A_883 = tpu.vector_load %arg14[%parallel_loop3A_881, %parallel_loop3A_882] {strides = array<i32>} : memref<16x768xf32, #tpu.memory_space<vmem>>, vector<1x16xf32>,
        %parallel_loop3A_884 = vector.shape_cast %parallel_loop3A_883 : vector<1x16xf32> to vector<16xf32>
        %parallel_loop3A_885 = arith.index_cast %parallel_loop3A_114 : i32 to index
        %parallel_loop3A_886 = arith.constant 640 : index
        %parallel_loop3A_887 = tpu.vector_load %arg15[%parallel_loop3A_885, %parallel_loop3A_886] {strides = array<i32>} : memref<16x768xf32, #tpu.memory_space<vmem>>, vector<1x16xf32>,
        %parallel_loop3A_888 = vector.shape_cast %parallel_loop3A_887 : vector<1x16xf32> to vector<16xf32>
        %parallel_loop3A_889 = arith.addf %parallel_loop3A_884, %parallel_loop3A_888 : vector<16xf32>
        %parallel_loop3A_890 = arith.index_cast %parallel_loop3A_120 : i32 to index
        %parallel_loop3A_891 = arith.constant 640 : index
        %parallel_loop3A_892 = tpu.vector_load %arg18[%parallel_loop3A_890, %parallel_loop3A_891] {strides = array<i32>} : memref<2x768xf32, #tpu.memory_space<vmem>>, vector<1x16xf32>,
        %parallel_loop3A_893 = vector.shape_cast %parallel_loop3A_892 : vector<1x16xf32> to vector<16xf32>
        %parallel_loop3A_894 = arith.addf %parallel_loop3A_889, %parallel_loop3A_893 : vector<16xf32>
        %parallel_loop3A_895 = arith.index_cast %parallel_loop3A_114 : i32 to index
        %parallel_loop3A_896 = arith.constant 640 : index
        %parallel_loop3A_897 = tpu.vector_load %arg17[%parallel_loop3A_895, %parallel_loop3A_896] {strides = array<i32>} : memref<16x768xf32, #tpu.memory_space<vmem>>, vector<1x16xf32>,
        %parallel_loop3A_898 = vector.shape_cast %parallel_loop3A_897 : vector<1x16xf32> to vector<16xf32>
        %parallel_loop3A_899 = vector.shape_cast %parallel_loop3A_894 : vector<16xf32> to vector<1x16xf32>
        tpu.vector_store %arg17[%parallel_loop3A_895, %parallel_loop3A_896], %parallel_loop3A_899 {strides = array<i32>} : memref<16x768xf32, #tpu.memory_space<vmem>>, vector<1x16xf32>,
        %parallel_loop3A_900 = arith.index_cast %parallel_loop3A_114 : i32 to index
        %parallel_loop3A_901 = arith.constant 656 : index
        %parallel_loop3A_902 = tpu.vector_load %arg14[%parallel_loop3A_900, %parallel_loop3A_901] {strides = array<i32>} : memref<16x768xf32, #tpu.memory_space<vmem>>, vector<1x16xf32>,
        %parallel_loop3A_903 = vector.shape_cast %parallel_loop3A_902 : vector<1x16xf32> to vector<16xf32>
        %parallel_loop3A_904 = arith.index_cast %parallel_loop3A_114 : i32 to index
        %parallel_loop3A_905 = arith.constant 656 : index
        %parallel_loop3A_906 = tpu.vector_load %arg15[%parallel_loop3A_904, %parallel_loop3A_905] {strides = array<i32>} : memref<16x768xf32, #tpu.memory_space<vmem>>, vector<1x16xf32>,
        %parallel_loop3A_907 = vector.shape_cast %parallel_loop3A_906 : vector<1x16xf32> to vector<16xf32>
        %parallel_loop3A_908 = arith.addf %parallel_loop3A_903, %parallel_loop3A_907 : vector<16xf32>
        %parallel_loop3A_909 = arith.index_cast %parallel_loop3A_120 : i32 to index
        %parallel_loop3A_910 = arith.constant 656 : index
        %parallel_loop3A_911 = tpu.vector_load %arg18[%parallel_loop3A_909, %parallel_loop3A_910] {strides = array<i32>} : memref<2x768xf32, #tpu.memory_space<vmem>>, vector<1x16xf32>,
        %parallel_loop3A_912 = vector.shape_cast %parallel_loop3A_911 : vector<1x16xf32> to vector<16xf32>
        %parallel_loop3A_913 = arith.addf %parallel_loop3A_908, %parallel_loop3A_912 : vector<16xf32>
        %parallel_loop3A_914 = arith.index_cast %parallel_loop3A_114 : i32 to index
        %parallel_loop3A_915 = arith.constant 656 : index
        %parallel_loop3A_916 = tpu.vector_load %arg17[%parallel_loop3A_914, %parallel_loop3A_915] {strides = array<i32>} : memref<16x768xf32, #tpu.memory_space<vmem>>, vector<1x16xf32>,
        %parallel_loop3A_917 = vector.shape_cast %parallel_loop3A_916 : vector<1x16xf32> to vector<16xf32>
        %parallel_loop3A_918 = vector.shape_cast %parallel_loop3A_913 : vector<16xf32> to vector<1x16xf32>
        tpu.vector_store %arg17[%parallel_loop3A_914, %parallel_loop3A_915], %parallel_loop3A_918 {strides = array<i32>} : memref<16x768xf32, #tpu.memory_space<vmem>>, vector<1x16xf32>,
        %parallel_loop3A_919 = arith.index_cast %parallel_loop3A_114 : i32 to index
        %parallel_loop3A_920 = arith.constant 672 : index
        %parallel_loop3A_921 = tpu.vector_load %arg14[%parallel_loop3A_919, %parallel_loop3A_920] {strides = array<i32>} : memref<16x768xf32, #tpu.memory_space<vmem>>, vector<1x16xf32>,
        %parallel_loop3A_922 = vector.shape_cast %parallel_loop3A_921 : vector<1x16xf32> to vector<16xf32>
        %parallel_loop3A_923 = arith.index_cast %parallel_loop3A_114 : i32 to index
        %parallel_loop3A_924 = arith.constant 672 : index
        %parallel_loop3A_925 = tpu.vector_load %arg15[%parallel_loop3A_923, %parallel_loop3A_924] {strides = array<i32>} : memref<16x768xf32, #tpu.memory_space<vmem>>, vector<1x16xf32>,
        %parallel_loop3A_926 = vector.shape_cast %parallel_loop3A_925 : vector<1x16xf32> to vector<16xf32>
        %parallel_loop3A_927 = arith.addf %parallel_loop3A_922, %parallel_loop3A_926 : vector<16xf32>
        %parallel_loop3A_928 = arith.index_cast %parallel_loop3A_120 : i32 to index
        %parallel_loop3A_929 = arith.constant 672 : index
        %parallel_loop3A_930 = tpu.vector_load %arg18[%parallel_loop3A_928, %parallel_loop3A_929] {strides = array<i32>} : memref<2x768xf32, #tpu.memory_space<vmem>>, vector<1x16xf32>,
        %parallel_loop3A_931 = vector.shape_cast %parallel_loop3A_930 : vector<1x16xf32> to vector<16xf32>
        %parallel_loop3A_932 = arith.addf %parallel_loop3A_927, %parallel_loop3A_931 : vector<16xf32>
        %parallel_loop3A_933 = arith.index_cast %parallel_loop3A_114 : i32 to index
        %parallel_loop3A_934 = arith.constant 672 : index
        %parallel_loop3A_935 = tpu.vector_load %arg17[%parallel_loop3A_933, %parallel_loop3A_934] {strides = array<i32>} : memref<16x768xf32, #tpu.memory_space<vmem>>, vector<1x16xf32>,
        %parallel_loop3A_936 = vector.shape_cast %parallel_loop3A_935 : vector<1x16xf32> to vector<16xf32>
        %parallel_loop3A_937 = vector.shape_cast %parallel_loop3A_932 : vector<16xf32> to vector<1x16xf32>
        tpu.vector_store %arg17[%parallel_loop3A_933, %parallel_loop3A_934], %parallel_loop3A_937 {strides = array<i32>} : memref<16x768xf32, #tpu.memory_space<vmem>>, vector<1x16xf32>,
        %parallel_loop3A_938 = arith.index_cast %parallel_loop3A_114 : i32 to index
        %parallel_loop3A_939 = arith.constant 688 : index
        %parallel_loop3A_940 = tpu.vector_load %arg14[%parallel_loop3A_938, %parallel_loop3A_939] {strides = array<i32>} : memref<16x768xf32, #tpu.memory_space<vmem>>, vector<1x16xf32>,
        %parallel_loop3A_941 = vector.shape_cast %parallel_loop3A_940 : vector<1x16xf32> to vector<16xf32>
        %parallel_loop3A_942 = arith.index_cast %parallel_loop3A_114 : i32 to index
        %parallel_loop3A_943 = arith.constant 688 : index
        %parallel_loop3A_944 = tpu.vector_load %arg15[%parallel_loop3A_942, %parallel_loop3A_943] {strides = array<i32>} : memref<16x768xf32, #tpu.memory_space<vmem>>, vector<1x16xf32>,
        %parallel_loop3A_945 = vector.shape_cast %parallel_loop3A_944 : vector<1x16xf32> to vector<16xf32>
        %parallel_loop3A_946 = arith.addf %parallel_loop3A_941, %parallel_loop3A_945 : vector<16xf32>
        %parallel_loop3A_947 = arith.index_cast %parallel_loop3A_120 : i32 to index
        %parallel_loop3A_948 = arith.constant 688 : index
        %parallel_loop3A_949 = tpu.vector_load %arg18[%parallel_loop3A_947, %parallel_loop3A_948] {strides = array<i32>} : memref<2x768xf32, #tpu.memory_space<vmem>>, vector<1x16xf32>,
        %parallel_loop3A_950 = vector.shape_cast %parallel_loop3A_949 : vector<1x16xf32> to vector<16xf32>
        %parallel_loop3A_951 = arith.addf %parallel_loop3A_946, %parallel_loop3A_950 : vector<16xf32>
        %parallel_loop3A_952 = arith.index_cast %parallel_loop3A_114 : i32 to index
        %parallel_loop3A_953 = arith.constant 688 : index
        %parallel_loop3A_954 = tpu.vector_load %arg17[%parallel_loop3A_952, %parallel_loop3A_953] {strides = array<i32>} : memref<16x768xf32, #tpu.memory_space<vmem>>, vector<1x16xf32>,
        %parallel_loop3A_955 = vector.shape_cast %parallel_loop3A_954 : vector<1x16xf32> to vector<16xf32>
        %parallel_loop3A_956 = vector.shape_cast %parallel_loop3A_951 : vector<16xf32> to vector<1x16xf32>
        tpu.vector_store %arg17[%parallel_loop3A_952, %parallel_loop3A_953], %parallel_loop3A_956 {strides = array<i32>} : memref<16x768xf32, #tpu.memory_space<vmem>>, vector<1x16xf32>,
        %parallel_loop3A_957 = arith.index_cast %parallel_loop3A_114 : i32 to index
        %parallel_loop3A_958 = arith.constant 704 : index
        %parallel_loop3A_959 = tpu.vector_load %arg14[%parallel_loop3A_957, %parallel_loop3A_958] {strides = array<i32>} : memref<16x768xf32, #tpu.memory_space<vmem>>, vector<1x16xf32>,
        %parallel_loop3A_960 = vector.shape_cast %parallel_loop3A_959 : vector<1x16xf32> to vector<16xf32>
        %parallel_loop3A_961 = arith.index_cast %parallel_loop3A_114 : i32 to index
        %parallel_loop3A_962 = arith.constant 704 : index
        %parallel_loop3A_963 = tpu.vector_load %arg15[%parallel_loop3A_961, %parallel_loop3A_962] {strides = array<i32>} : memref<16x768xf32, #tpu.memory_space<vmem>>, vector<1x16xf32>,
        %parallel_loop3A_964 = vector.shape_cast %parallel_loop3A_963 : vector<1x16xf32> to vector<16xf32>
        %parallel_loop3A_965 = arith.addf %parallel_loop3A_960, %parallel_loop3A_964 : vector<16xf32>
        %parallel_loop3A_966 = arith.index_cast %parallel_loop3A_120 : i32 to index
        %parallel_loop3A_967 = arith.constant 704 : index
        %parallel_loop3A_968 = tpu.vector_load %arg18[%parallel_loop3A_966, %parallel_loop3A_967] {strides = array<i32>} : memref<2x768xf32, #tpu.memory_space<vmem>>, vector<1x16xf32>,
        %parallel_loop3A_969 = vector.shape_cast %parallel_loop3A_968 : vector<1x16xf32> to vector<16xf32>
        %parallel_loop3A_970 = arith.addf %parallel_loop3A_965, %parallel_loop3A_969 : vector<16xf32>
        %parallel_loop3A_971 = arith.index_cast %parallel_loop3A_114 : i32 to index
        %parallel_loop3A_972 = arith.constant 704 : index
        %parallel_loop3A_973 = tpu.vector_load %arg17[%parallel_loop3A_971, %parallel_loop3A_972] {strides = array<i32>} : memref<16x768xf32, #tpu.memory_space<vmem>>, vector<1x16xf32>,
        %parallel_loop3A_974 = vector.shape_cast %parallel_loop3A_973 : vector<1x16xf32> to vector<16xf32>
        %parallel_loop3A_975 = vector.shape_cast %parallel_loop3A_970 : vector<16xf32> to vector<1x16xf32>
        tpu.vector_store %arg17[%parallel_loop3A_971, %parallel_loop3A_972], %parallel_loop3A_975 {strides = array<i32>} : memref<16x768xf32, #tpu.memory_space<vmem>>, vector<1x16xf32>,
        %parallel_loop3A_976 = arith.index_cast %parallel_loop3A_114 : i32 to index
        %parallel_loop3A_977 = arith.constant 720 : index
        %parallel_loop3A_978 = tpu.vector_load %arg14[%parallel_loop3A_976, %parallel_loop3A_977] {strides = array<i32>} : memref<16x768xf32, #tpu.memory_space<vmem>>, vector<1x16xf32>,
        %parallel_loop3A_979 = vector.shape_cast %parallel_loop3A_978 : vector<1x16xf32> to vector<16xf32>
        %parallel_loop3A_980 = arith.index_cast %parallel_loop3A_114 : i32 to index
        %parallel_loop3A_981 = arith.constant 720 : index
        %parallel_loop3A_982 = tpu.vector_load %arg15[%parallel_loop3A_980, %parallel_loop3A_981] {strides = array<i32>} : memref<16x768xf32, #tpu.memory_space<vmem>>, vector<1x16xf32>,
        %parallel_loop3A_983 = vector.shape_cast %parallel_loop3A_982 : vector<1x16xf32> to vector<16xf32>
        %parallel_loop3A_984 = arith.addf %parallel_loop3A_979, %parallel_loop3A_983 : vector<16xf32>
        %parallel_loop3A_985 = arith.index_cast %parallel_loop3A_120 : i32 to index
        %parallel_loop3A_986 = arith.constant 720 : index
        %parallel_loop3A_987 = tpu.vector_load %arg18[%parallel_loop3A_985, %parallel_loop3A_986] {strides = array<i32>} : memref<2x768xf32, #tpu.memory_space<vmem>>, vector<1x16xf32>,
        %parallel_loop3A_988 = vector.shape_cast %parallel_loop3A_987 : vector<1x16xf32> to vector<16xf32>
        %parallel_loop3A_989 = arith.addf %parallel_loop3A_984, %parallel_loop3A_988 : vector<16xf32>
        %parallel_loop3A_990 = arith.index_cast %parallel_loop3A_114 : i32 to index
        %parallel_loop3A_991 = arith.constant 720 : index
        %parallel_loop3A_992 = tpu.vector_load %arg17[%parallel_loop3A_990, %parallel_loop3A_991] {strides = array<i32>} : memref<16x768xf32, #tpu.memory_space<vmem>>, vector<1x16xf32>,
        %parallel_loop3A_993 = vector.shape_cast %parallel_loop3A_992 : vector<1x16xf32> to vector<16xf32>
        %parallel_loop3A_994 = vector.shape_cast %parallel_loop3A_989 : vector<16xf32> to vector<1x16xf32>
        tpu.vector_store %arg17[%parallel_loop3A_990, %parallel_loop3A_991], %parallel_loop3A_994 {strides = array<i32>} : memref<16x768xf32, #tpu.memory_space<vmem>>, vector<1x16xf32>,
        %parallel_loop3A_995 = arith.index_cast %parallel_loop3A_114 : i32 to index
        %parallel_loop3A_996 = arith.constant 736 : index
        %parallel_loop3A_997 = tpu.vector_load %arg14[%parallel_loop3A_995, %parallel_loop3A_996] {strides = array<i32>} : memref<16x768xf32, #tpu.memory_space<vmem>>, vector<1x16xf32>,
        %parallel_loop3A_998 = vector.shape_cast %parallel_loop3A_997 : vector<1x16xf32> to vector<16xf32>
        %parallel_loop3A_999 = arith.index_cast %parallel_loop3A_114 : i32 to index
        %parallel_loop3A_1000 = arith.constant 736 : index
        %parallel_loop3A_1001 = tpu.vector_load %arg15[%parallel_loop3A_999, %parallel_loop3A_1000] {strides = array<i32>} : memref<16x768xf32, #tpu.memory_space<vmem>>, vector<1x16xf32>,
        %parallel_loop3A_1002 = vector.shape_cast %parallel_loop3A_1001 : vector<1x16xf32> to vector<16xf32>
        %parallel_loop3A_1003 = arith.addf %parallel_loop3A_998, %parallel_loop3A_1002 : vector<16xf32>
        %parallel_loop3A_1004 = arith.index_cast %parallel_loop3A_120 : i32 to index
        %parallel_loop3A_1005 = arith.constant 736 : index
        %parallel_loop3A_1006 = tpu.vector_load %arg18[%parallel_loop3A_1004, %parallel_loop3A_1005] {strides = array<i32>} : memref<2x768xf32, #tpu.memory_space<vmem>>, vector<1x16xf32>,
        %parallel_loop3A_1007 = vector.shape_cast %parallel_loop3A_1006 : vector<1x16xf32> to vector<16xf32>
        %parallel_loop3A_1008 = arith.addf %parallel_loop3A_1003, %parallel_loop3A_1007 : vector<16xf32>
        %parallel_loop3A_1009 = arith.index_cast %parallel_loop3A_114 : i32 to index
        %parallel_loop3A_1010 = arith.constant 736 : index
        %parallel_loop3A_1011 = tpu.vector_load %arg17[%parallel_loop3A_1009, %parallel_loop3A_1010] {strides = array<i32>} : memref<16x768xf32, #tpu.memory_space<vmem>>, vector<1x16xf32>,
        %parallel_loop3A_1012 = vector.shape_cast %parallel_loop3A_1011 : vector<1x16xf32> to vector<16xf32>
        %parallel_loop3A_1013 = vector.shape_cast %parallel_loop3A_1008 : vector<16xf32> to vector<1x16xf32>
        tpu.vector_store %arg17[%parallel_loop3A_1009, %parallel_loop3A_1010], %parallel_loop3A_1013 {strides = array<i32>} : memref<16x768xf32, #tpu.memory_space<vmem>>, vector<1x16xf32>,
        %parallel_loop3A_1014 = arith.index_cast %parallel_loop3A_114 : i32 to index
        %parallel_loop3A_1015 = arith.constant 752 : index
        %parallel_loop3A_1016 = tpu.vector_load %arg14[%parallel_loop3A_1014, %parallel_loop3A_1015] {strides = array<i32>} : memref<16x768xf32, #tpu.memory_space<vmem>>, vector<1x16xf32>,
        %parallel_loop3A_1017 = vector.shape_cast %parallel_loop3A_1016 : vector<1x16xf32> to vector<16xf32>
        %parallel_loop3A_1018 = arith.index_cast %parallel_loop3A_114 : i32 to index
        %parallel_loop3A_1019 = arith.constant 752 : index
        %parallel_loop3A_1020 = tpu.vector_load %arg15[%parallel_loop3A_1018, %parallel_loop3A_1019] {strides = array<i32>} : memref<16x768xf32, #tpu.memory_space<vmem>>, vector<1x16xf32>,
        %parallel_loop3A_1021 = vector.shape_cast %parallel_loop3A_1020 : vector<1x16xf32> to vector<16xf32>
        %parallel_loop3A_1022 = arith.addf %parallel_loop3A_1017, %parallel_loop3A_1021 : vector<16xf32>
        %parallel_loop3A_1023 = arith.index_cast %parallel_loop3A_120 : i32 to index
        %parallel_loop3A_1024 = arith.constant 752 : index
        %parallel_loop3A_1025 = tpu.vector_load %arg18[%parallel_loop3A_1023, %parallel_loop3A_1024] {strides = array<i32>} : memref<2x768xf32, #tpu.memory_space<vmem>>, vector<1x16xf32>,
        %parallel_loop3A_1026 = vector.shape_cast %parallel_loop3A_1025 : vector<1x16xf32> to vector<16xf32>
        %parallel_loop3A_1027 = arith.addf %parallel_loop3A_1022, %parallel_loop3A_1026 : vector<16xf32>
        %parallel_loop3A_1028 = arith.index_cast %parallel_loop3A_114 : i32 to index
        %parallel_loop3A_1029 = arith.constant 752 : index
        %parallel_loop3A_1030 = tpu.vector_load %arg17[%parallel_loop3A_1028, %parallel_loop3A_1029] {strides = array<i32>} : memref<16x768xf32, #tpu.memory_space<vmem>>, vector<1x16xf32>,
        %parallel_loop3A_1031 = vector.shape_cast %parallel_loop3A_1030 : vector<1x16xf32> to vector<16xf32>
        %parallel_loop3A_1032 = vector.shape_cast %parallel_loop3A_1027 : vector<16xf32> to vector<1x16xf32>
        tpu.vector_store %arg17[%parallel_loop3A_1028, %parallel_loop3A_1029], %parallel_loop3A_1032 {strides = array<i32>} : memref<16x768xf32, #tpu.memory_space<vmem>>, vector<1x16xf32>,
      } {sc.loop_unroll_factor = 4 : i64, sc.parallel_access}
      %mul3A_100 = arith.constant 16 : i32
      %mul3A_101 = arith.muli %add3A_77, %mul3A_100 : i32
      %add3A_102 = arith.addi %mul3A_2, %mul3A_101 : i32
      %dma_start3A_103 = arith.constant 0 : i32
      %dma_start3A_104 = tpu.memref_slice %arg8[%add3A_102, %dma_start3A_103] : memref<32768x768xf32, #tpu.memory_space<hbm>> -> memref<16x768xf32, #tpu.memory_space<hbm>>
      %dma_start3A_105 = arith.constant 0 : i32
      %dma_start3A_106 = tpu.memref_slice %arg8[%add3A_102, %dma_start3A_105] : memref<32768x768xf32, #tpu.memory_space<hbm>> -> memref<16x768xf32, #tpu.memory_space<hbm>>
      tpu.enqueue_dma source(%arg17 : memref<16x768xf32, #tpu.memory_space<vmem>>) target(%dma_start3A_106 : memref<16x768xf32, #tpu.memory_space<hbm>>) target_semaphore(%arg22 : memref<!tpu.dma_semaphore, #tpu.memory_space<semaphore_mem>>)
      %add3A_107 = arith.constant 2 : i32
      %add3A_108 = arith.addi %add3A_77, %add3A_107 : i32
      %lt3A_109 = arith.constant 64 : i32
      %lt3A_110 = arith.cmpi slt, %add3A_108, %lt3A_109 : i32
      %convert_element_type3A_111 = arith.extui %lt3A_110 : i1 to i32
      %cond3A_112 = arith.constant 0 : i32
      %cond3A_113 = arith.cmpi ne, %convert_element_type3A_111, %cond3A_112 : i32
      scf.if %cond3A_113 {
        %add3A_114 = arith.constant 2 : i32
        %add3A_115 = arith.addi %add3A_77, %add3A_114 : i32
        %mul3A_116 = arith.constant 16 : i32
        %mul3A_117 = arith.muli %add3A_115, %mul3A_116 : i32
        %dma_start3A_118 = tpu.memref_slice %arg9[%mul3A_117] : memref<1024xi32, #tpu.memory_space<vmem>> -> memref<16xi32, #tpu.memory_space<vmem>>
        %dma_start3A_119 = arith.constant 0 : i32
        %dma_start3A_120 = arith.constant 0 : i32
        %dma_start3A_121 = tpu.memref_slice %arg2[%dma_start3A_119, %dma_start3A_120] : memref<30522x768xf32, #tpu.memory_space<hbm>> -> memref<30522x768xf32, #tpu.memory_space<hbm>>
        tpu.enqueue_indirect_dma source(%dma_start3A_121 : memref<30522x768xf32, #tpu.memory_space<hbm>>) target(%arg14 : memref<16x768xf32, #tpu.memory_space<vmem>>) offsets(%dma_start3A_118 : memref<16xi32, #tpu.memory_space<vmem>>) semaphore(%arg20 : memref<!tpu.dma_semaphore, #tpu.memory_space<semaphore_mem>>)
        %dma_start3A_122 = tpu.memref_slice %arg11[%mul3A_117] : memref<1024xi32, #tpu.memory_space<vmem>> -> memref<16xi32, #tpu.memory_space<vmem>>
        %dma_start3A_123 = arith.constant 0 : i32
        %dma_start3A_124 = arith.constant 0 : i32
        %dma_start3A_125 = tpu.memref_slice %arg4[%dma_start3A_123, %dma_start3A_124] : memref<8192x768xf32, #tpu.memory_space<hbm>> -> memref<8192x768xf32, #tpu.memory_space<hbm>>
        tpu.enqueue_indirect_dma source(%dma_start3A_125 : memref<8192x768xf32, #tpu.memory_space<hbm>>) target(%arg15 : memref<16x768xf32, #tpu.memory_space<vmem>>) offsets(%dma_start3A_122 : memref<16xi32, #tpu.memory_space<vmem>>) semaphore(%arg20 : memref<!tpu.dma_semaphore, #tpu.memory_space<semaphore_mem>>)
      } else {
      }
    }
    %scan3A_26 = arith.constant 32 : i32
    %dma_wait3A = arith.constant 0 : i32
    %dma_wait3A_27 = arith.constant 0 : i32
    %dma_wait3A_28 = tpu.memref_slice %arg8[%dma_wait3A, %dma_wait3A_27] : memref<32768x768xf32, #tpu.memory_space<hbm>> -> memref<16x768xf32, #tpu.memory_space<hbm>>
    %dma_wait3A_29 = arith.constant 0 : i32
    %dma_wait3A_30 = arith.constant 0 : i32
    %dma_wait3A_31 = tpu.memref_slice %arg8[%dma_wait3A_29, %dma_wait3A_30] : memref<32768x768xf32, #tpu.memory_space<hbm>> -> memref<16x768xf32, #tpu.memory_space<hbm>>
    tpu.wait_dma2 semaphore(%arg21 : memref<!tpu.dma_semaphore, #tpu.memory_space<semaphore_mem>>) src(%arg16 : memref<16x768xf32, #tpu.memory_space<vmem>>) dst(%dma_wait3A_31 : memref<16x768xf32, #tpu.memory_space<hbm>>)
    %dma_wait3A_32 = arith.constant 0 : i32
    %dma_wait3A_33 = arith.constant 0 : i32
    %dma_wait3A_34 = tpu.memref_slice %arg8[%dma_wait3A_32, %dma_wait3A_33] : memref<32768x768xf32, #tpu.memory_space<hbm>> -> memref<16x768xf32, #tpu.memory_space<hbm>>
    %dma_wait3A_35 = arith.constant 0 : i32
    %dma_wait3A_36 = arith.constant 0 : i32
    %dma_wait3A_37 = tpu.memref_slice %arg8[%dma_wait3A_35, %dma_wait3A_36] : memref<32768x768xf32, #tpu.memory_space<hbm>> -> memref<16x768xf32, #tpu.memory_space<hbm>>
    tpu.wait_dma2 semaphore(%arg22 : memref<!tpu.dma_semaphore, #tpu.memory_space<semaphore_mem>>) src(%arg17 : memref<16x768xf32, #tpu.memory_space<vmem>>) dst(%dma_wait3A_37 : memref<16x768xf32, #tpu.memory_space<hbm>>)
    return
  }
}

module attributes {stable_mosaic.version = 14 : i64} {
  func.func @_ln_body(%arg0: i32, %arg1: memref<2048x768xf32, #tpu.memory_space<vmem>>, %arg2: memref<1x768xf32, #tpu.memory_space<vmem>>, %arg3: memref<1x768xf32, #tpu.memory_space<vmem>>, %arg4: memref<2048x768xf32, #tpu.memory_space<vmem>>) attributes {dimension_semantics = [#tpu.dimension_semantics<arbitrary>], iteration_bounds = array<i64: 16>, scalar_prefetch = 0 : i64, scratch_operands = 0 : i64, tpu.core_type = #tpu.core_type<tc>, window_params = [{transform_indices = @transform_0, window_bounds = array<i64: 2048, 768>}, {pipeline_mode = #tpu.pipeline_mode<synchronous>, transform_indices = @transform_1, window_bounds = array<i64: 1, 768>}, {pipeline_mode = #tpu.pipeline_mode<synchronous>, transform_indices = @transform_2, window_bounds = array<i64: 1, 768>}, {transform_indices = @transform_3, window_bounds = array<i64: 2048, 768>}]} {
    %get3A = arith.constant 0 : index
    %get3A_0 = arith.constant 0 : index
    %get3A_1 = vector.load %arg1[%get3A, %get3A_0] : memref<2048x768xf32, #tpu.memory_space<vmem>>, vector<2048x768xf32>
    %reduce_sum3A = arith.constant dense<0.000000e+00> : vector<2048xf32>
    %reduce_sum3A_2 = vector.multi_reduction <add>, %get3A_1, %reduce_sum3A [1] : vector<2048x768xf32> to vector<2048xf32>
    %broadcast_in_dim3A = vector.shape_cast %reduce_sum3A_2 : vector<2048xf32> to vector<2048x1xf32>
    %div3A = arith.constant 7.680000e+02 : f32
    %div3A_3 = vector.broadcast %div3A : f32 to vector<2048x1xf32>
    %div3A_4 = arith.divf %broadcast_in_dim3A, %div3A_3 : vector<2048x1xf32>
    %sub3A = vector.broadcast %div3A_4 : vector<2048x1xf32> to vector<2048x768xf32>
    %sub3A_5 = arith.subf %get3A_1, %sub3A : vector<2048x768xf32>
    %mul3A = arith.mulf %sub3A_5, %sub3A_5 : vector<2048x768xf32>
    %reduce_sum3A_6 = arith.constant dense<0.000000e+00> : vector<2048xf32>
    %reduce_sum3A_7 = vector.multi_reduction <add>, %mul3A, %reduce_sum3A_6 [1] : vector<2048x768xf32> to vector<2048xf32>
    %broadcast_in_dim3A_8 = vector.shape_cast %reduce_sum3A_7 : vector<2048xf32> to vector<2048x1xf32>
    %div3A_9 = arith.constant 7.680000e+02 : f32
    %div3A_10 = vector.broadcast %div3A_9 : f32 to vector<2048x1xf32>
    %div3A_11 = arith.divf %broadcast_in_dim3A_8, %div3A_10 : vector<2048x1xf32>
    %add3A = arith.constant 9.99999974E-6 : f32
    %add3A_12 = vector.broadcast %add3A : f32 to vector<2048x1xf32>
    %add3A_13 = arith.addf %div3A_11, %add3A_12 : vector<2048x1xf32>
    %rsqrt3A = math.rsqrt %add3A_13 : vector<2048x1xf32>
    %mul3A_14 = vector.broadcast %rsqrt3A : vector<2048x1xf32> to vector<2048x768xf32>
    %mul3A_15 = arith.mulf %sub3A_5, %mul3A_14 : vector<2048x768xf32>
    %get3A_16 = arith.constant 0 : index
    %get3A_17 = arith.constant 0 : index
    %get3A_18 = vector.load %arg2[%get3A_16, %get3A_17] : memref<1x768xf32, #tpu.memory_space<vmem>>, vector<1x768xf32>
    %mul3A_19 = vector.broadcast %get3A_18 : vector<1x768xf32> to vector<2048x768xf32>
    %mul3A_20 = arith.mulf %mul3A_15, %mul3A_19 : vector<2048x768xf32>
    %get3A_21 = arith.constant 0 : index
    %get3A_22 = arith.constant 0 : index
    %get3A_23 = vector.load %arg3[%get3A_21, %get3A_22] : memref<1x768xf32, #tpu.memory_space<vmem>>, vector<1x768xf32>
    %add3A_24 = vector.broadcast %get3A_23 : vector<1x768xf32> to vector<2048x768xf32>
    %add3A_25 = arith.addf %mul3A_20, %add3A_24 : vector<2048x768xf32>
    %swap3A = arith.constant 0 : index
    %swap3A_26 = arith.constant 0 : index
    %swap3A_27 = vector.load %arg4[%swap3A, %swap3A_26] : memref<2048x768xf32, #tpu.memory_space<vmem>>, vector<2048x768xf32>
    tpu.vector_store %arg4[%swap3A, %swap3A_26], %add3A_25 {strides = array<i32>} : memref<2048x768xf32, #tpu.memory_space<vmem>>, vector<2048x768xf32>,
    return
  }
  func.func @transform_0(%arg0: i32) -> (i32, i32) {
    %c0_i32 = arith.constant 0 : i32
    %c0_i32_0 = arith.constant 0 : i32
    return %arg0, %c0_i32 : i32, i32
  }
  func.func @transform_1(%arg0: i32) -> (i32, i32) {
    %c0_i32 = arith.constant 0 : i32
    %c0_i32_0 = arith.constant 0 : i32
    %c0_i32_1 = arith.constant 0 : i32
    return %c0_i32, %c0_i32_0 : i32, i32
  }
  func.func @transform_2(%arg0: i32) -> (i32, i32) {
    %c0_i32 = arith.constant 0 : i32
    %c0_i32_0 = arith.constant 0 : i32
    %c0_i32_1 = arith.constant 0 : i32
    return %c0_i32, %c0_i32_0 : i32, i32
  }
  func.func @transform_3(%arg0: i32) -> (i32, i32) {
    %c0_i32 = arith.constant 0 : i32
    %c0_i32_0 = arith.constant 0 : i32
    return %arg0, %c0_i32 : i32, i32
  }
}

</mosaic_0001>

<sc_bundles>
// kernel: kernel.4.cloned.1.call-start
scs
__scs_entry_jumppad:
0x0: {  	(pc) =	sbr.rel $0x88, $3  }
0x1: {  	(tag) =	ssettag $0x0;
	lr =	simm.s32 $0x1  }
0x2: {  	[smem:$0x3F99] =	sst lr;
	_ =	strace $0xD0000000  }
0x3: {  	_ = 	snop  }
0x4: {  	_ = 	snop  }
0x5: {  	_ = 	snop  }
0x6: {  	_ = 	snop  }
0x7: {  	_ = 	snop  }
__scs_overlays_trampoline_lowered:
0x8: {  	[smem:$0x3FA8] =	sst s0  }
0x9: {  	[smem:$0x3FA9] =	sst s1  }
0xa: {  	[smem:$0x3FAA] =	sst s2  }
0xb: {  	[smem:$0x3FAB] =	sst s3  }
0xc: {  	[smem:$0x3FAC] =	sst s4  }
0xd: {  	[smem:$0x3FAD] =	sst s5  }
0xe: {  	[smem:$0x3FAE] =	sst s6  }
0xf: {  	[smem:$0x3FAF] =	sst s7  }
0x10: {  	[smem:$0x3FB0] =	sst s8  }
0x11: {  	[smem:$0x3FB1] =	sst s9;
	s0 =	simm.s32 @!p0 $0x0  }
0x12: {  	s1 =	sld [smem:$0x3F97];
	s0 =	simm.s32 @p0 $0x1  }
0x13: {  	[smem:$0x3FB2] =	sst s0;
	s0 =	simm.s32 @!p1 $0x0  }
0x14: {  	s2 =	sld [smem:$0x3F96];
	s0 =	simm.s32 @p1 $0x1  }
0x15: {  	[smem:$0x3FB3] =	sst s0;
	s0 =	simm.s32 @!p2 $0x0  }
0x16: {  	s3 =	sld [smem:$0x3FDB];
	s0 =	simm.s32 @p2 $0x1  }
0x17: {  	s4 =	simm.s32 $0x1BF5;
	[smem:$0x3FB5] =	sst s0  }
0x18: {  	s0 =	sld [smem:$0x3F98];
	_ =	swait.ge [sflag:s4], $0x0  }
0x19: {  	s7 =	sld [smem:$0x3F99]  }
0x1a: {  	s8 =	sadd.s32 $0xFFFFE003, lr  }
0x1b: {  	s9 =	sadd.s32 $0xFFFFFEF7, lr;
	s5 =	simm.s32 $0xFFFFFFFF;
	p2 =	slt.u32 s8, $0xFFFFF086  }
0x1c: {  	p1 =	slt.u32 s9, $0xF7A;
	s5 =	simm.s32 @!p2 $0x0  }
0x1d: {  	s5 =	simm.s32 @p1 $0x1;
	p0 =	seq.s32 s7, s2  }
0x1e: {  	s7 =	smul.u32 @!p0 $0xF7A, s2;
	p2 =	seq.s32 @!p0 s5, $0x0  }
0x1f: {  	s9 =	smul.u32 $0xF7A, s1;
	s8 =	simm.s32 @!p0 $0x1BF5;
	p2 =	por !p2, p0  }
0x20: {  	[sflag:s8] =	ssyncset.s32 @!p0 $0xFFFFF086;
	s6 =	sadd.s32 @!p0 s3, s7;
	s7 =	simm.s32 @!p0 $0x108  }
0x21: {  	s3 =	sadd.s32 s3, s9;
	s6 =	sadd.s32 @!p0 $0x88, s6;
	s7 =	simm.s32 @p2 $0x1082  }
0x22: {  	[simem:s7], [sflag:s8] =	dma.local @!p0 [hbm:s6], $0xF7A  }
0x23: {  	s9 =	sor.u32 $0xD0000000, s2;
	s6 =	simm.s32 $0x108;
	_ =	swait.ge @!p0 [sflag:s8], $0x0  }
0x24: {  	s3 =	sadd.s32 $0x88, s3;
	s6 =	simm.s32 @!p1 $0x1082;
	[sflag:s4] =	ssyncset.s32 $0xFFFFF086  }
0x25: {  	[simem:s6], [sflag:s4] =	dma.local [hbm:s3], $0xF7A  }
0x26: {  	[smem:$0x3F99] =	sst s1;
	(tag) =	ssettag s2;
	_ =	strace s9  }
0x27: {  	s1 =	sld [smem:$0x3FA9]  }
0x28: {  	s2 =	sld [smem:$0x3FAA]  }
0x29: {  	s4 =	sld [smem:$0x3FAC]  }
0x2a: {  	p0 =	seq.s32 s5, $0x0;
	s5 =	sld [smem:$0x3FAD]  }
0x2b: {  	s6 =	sld [smem:$0x3FAE]  }
0x2c: {  	s7 =	sld [smem:$0x3FAF]  }
0x2d: {  	s3 =	simm.s32 $0x108;
	s8 =	sld [smem:$0x3FB0]  }
0x2e: {  	s3 =	simm.s32 @!p0 $0x1082;
	s9 =	sld [smem:$0x3FB1]  }
0x2f: {  	lr =	sadd.s32 s0, s3;
	s0 =	sld [smem:$0x3FA8]  }
0x30: {  	s3 =	sld [smem:$0x3FAB]  }
0x31: {  	[smem:$0x3FB4] =	sst s10  }
0x32: {  	s10 =	sld [smem:$0x3FB2];
	_ =	sdelay $0x3  }
0x33: {  	p0 =	seq.s32 s10, $0x1;
	s10 =	sld [smem:$0x3FB4];
	_ =	sdelay $0x3  }
0x34: {  	[smem:$0x3FB4] =	sst s10  }
0x35: {  	s10 =	sld [smem:$0x3FB3];
	_ =	sdelay $0x3  }
0x36: {  	p1 =	seq.s32 s10, $0x1;
	s10 =	sld [smem:$0x3FB4];
	_ =	sdelay $0x3  }
0x37: {  	[smem:$0x3FB4] =	sst s10  }
0x38: {  	s10 =	sld [smem:$0x3FB5]  }
0x39: {  	_ = 	snop;
	(pc) =	sbr.ind lr, $3  }
0x3a: {  	_ = 	snop  }
0x3b: {  	_ = 	snop  }
0x3c: {  	p2 =	seq.s32 s10, $0x1;
	s10 =	sld [smem:$0x3FB4]  }
0x3d: {  	_ =	shalt  }
0x3e: {  	_ =	shalt  }
0x3f: {  	_ =	shalt  }
0x40: {  	_ =	shalt  }
0x41: {  	_ =	shalt  }
0x42: {  	_ =	shalt  }
0x43: {  	_ =	shalt  }
0x44: {  	_ =	shalt  }
0x45: {  	_ =	shalt  }
0x46: {  	_ =	shalt  }
0x47: {  	_ =	shalt  }
0x48: {  	_ =	shalt  }
0x49: {  	_ =	shalt  }
0x4a: {  	_ =	shalt  }
0x4b: {  	_ =	shalt  }
0x4c: {  	_ =	shalt  }
0x4d: {  	_ =	shalt  }
0x4e: {  	_ =	shalt  }
0x4f: {  	_ =	shalt  }
0x50: {  	_ =	shalt  }
0x51: {  	_ =	shalt  }
0x52: {  	_ =	shalt  }
0x53: {  	_ =	shalt  }
0x54: {  	_ =	shalt  }
0x55: {  	_ =	shalt  }
0x56: {  	_ =	shalt  }
0x57: {  	_ =	shalt  }
0x58: {  	_ =	shalt  }
0x59: {  	_ =	shalt  }
0x5a: {  	_ =	shalt  }
0x5b: {  	_ =	shalt  }
0x5c: {  	_ =	shalt  }
0x5d: {  	_ =	shalt  }
0x5e: {  	_ =	shalt  }
0x5f: {  	_ =	shalt  }
0x60: {  	_ =	shalt  }
0x61: {  	_ =	shalt  }
0x62: {  	_ =	shalt  }
0x63: {  	_ =	shalt  }
0x64: {  	_ =	shalt  }
0x65: {  	_ =	shalt  }
0x66: {  	_ =	shalt  }
0x67: {  	_ =	shalt  }
0x68: {  	_ =	shalt  }
0x69: {  	_ =	shalt  }
0x6a: {  	_ =	shalt  }
0x6b: {  	_ =	shalt  }
0x6c: {  	_ =	shalt  }
0x6d: {  	_ =	shalt  }
0x6e: {  	_ =	shalt  }
0x6f: {  	_ =	shalt  }
0x70: {  	_ =	shalt  }
0x71: {  	_ =	shalt  }
0x72: {  	_ =	shalt  }
0x73: {  	_ =	shalt  }
0x74: {  	_ =	shalt  }
0x75: {  	_ =	shalt  }
0x76: {  	_ =	shalt  }
0x77: {  	_ =	shalt  }
0x78: {  	_ =	shalt  }
0x79: {  	_ =	shalt  }
0x7a: {  	_ =	shalt  }
0x7b: {  	_ =	shalt  }
0x7c: {  	_ =	shalt  }
0x7d: {  	_ =	shalt  }
0x7e: {  	_ =	shalt  }
0x7f: {  	_ =	shalt  }
0x80: {  	_ =	shalt  }
0x81: {  	_ =	shalt  }
0x82: {  	_ =	shalt  }
0x83: {  	_ =	shalt  }
0x84: {  	_ =	shalt  }
0x85: {  	_ =	shalt  }
0x86: {  	_ =	shalt  }
0x87: {  	_ =	shalt  }
.Lfunc_end0:
.L_simem_size_0:
called_computation_lowered:
.L_overlay_start_0:
0x88: {  	s2 =	sld [smem:$0x3FD9]  }
0x89: {  	s3 =	sld [smem:$0x3FFE];
	_ =	sdelay $0x1  }
0x8a: {  	s1 =	srdreg.scid  }
0x8b: {  	s0 =	sand.u32 $0x1, s1  }
0x8c: {  	s17 =	sshll.u32 s0, $0xA;
	s2 =	sadd.s32 s3, s2  }
0x8d: {  	s2 =	sadd.s32 s2, s17  }
0x8e: {  	[smem:$0x3FC0] =	sst s2  }
0x8f: {  	_ = 	snop  }
0x90: {  	s2 =	sld [smem:$0x3FC6]  }
0x91: {  	s18 =	sld [smem:$0x3FC5]  }
0x92: {  	s4 =	sld [smem:$0x3FC4]  }
0x93: {  	s5 =	sld [smem:$0x3FD0];
	(tm) =	ssettm $0x1  }
0x94: {  	s6 =	sld [smem:$0x3FFB];
	_ =	sdelay $0x3  }
0x95: {  	_ =	strace s6  }
0x96: {  	s6 =	sld [smem:$0x3FFC];
	_ =	sdelay $0x3  }
0x97: {  	_ =	strace s6  }
0x98: {  	s6 =	sld [smem:$0x3FFD];
	_ =	sdelay $0x3  }
0x99: {  	_ =	strace s6  }
0x9a: {  	_ =	strace $0x8FFFFFFF  }
0x9b: {  	s19 =	sld [smem:$0x3FDB];
	_ =	sdelay $0x1  }
0x9c: {  	s7 =	simm.s32 $_scs_section_size  }
0x9d: {  	s8 =	simm.s32 $_size__tile_overlayer_lowered;
	s9 =	simm.s32 $_tile_overlayer_lowered  }
0x9e: {  	s22 =	simm.s32 $0x1BFF;
	s21 =	sshll.u32 s9, $0x1;
	s6 =	sadd.s32 s7, s19  }
0x9f: {  	s10 =	simm.s32 $0x0;
	s20 =	sshll.u32 s8, $0x1;
	s8 =	sadd.s32 s21, s6  }
0xa0: {  	[timem:s10], [sflag:s22] =	dma.local [hbm:s8], s20  }
0xa1: {  	_ =	swait.ge [sflag:s22], s20  }
0xa2: {  	s7 =	ssub.s32 $0x0, s20;
	[sflag:s22] =	ssyncset.done $0x0  }
0xa3: {  	[sflag:s22] =	ssyncadd.s32 s7;
	_ =	sdelay $0x1  }
0xa4: {  	s23 =	simm.s32 $0x1B8B  }
0xa5: {  	_ =	swait.ge [sflag:s23], $0x1  }
0xa6: {  	[sflag:s23] =	ssyncset.done $0x0  }
0xa7: {  	s25 =	simm.s32 $0x1B8E;
	s24 =	sld [smem:$0x3FFE];
	[sflag:s23] =	ssyncadd.s32 $0xFFFFFFFF  }
0xa8: {  	s26 =	simm.s32 $execute0_lowered;
	[smem:$0x3FD2] =	sst s25  }
0xa9: {  	s8 =	sshll.u32 s26, $0x1;
	_ =	strace $0x80000046;
	[dreg:$0x1] =	wrdreg $0xFFFFFFFF  }
0xaa: {  	s28 =	simm.s32 $_size_execute0_lowered;
	s6 =	sadd.s32 s6, s8;
	[dreg:$0x0] =	wrdreg $0x0  }
0xab: {  	s8 =	sshll.u32 s28, $0x1;
	[dreg:$0x2] =	wrdreg s6  }
0xac: {  	[dreg:$0x3] =	wrdreg s8  }
0xad: {  	[dreg:$0x4] =	wrdreg $0xC0  }
0xae: {  	_ =	task [dreg:s10], $0x5FFFF  }
0xaf: {  	[dreg:$0x1] =	wrdreg $0xFFFFFFFF  }
0xb0: {  	[dreg:$0x0] =	wrdreg $0x60  }
0xb1: {  	[dreg:$0x2] =	wrdreg s2  }
0xb2: {  	[dreg:$0x3] =	wrdreg s18  }
0xb3: {  	[dreg:$0x4] =	wrdreg s4  }
0xb4: {  	[dreg:$0x5] =	wrdreg s5  }
0xb5: {  	[dreg:$0x6] =	wrdreg s24  }
0xb6: {  	[dreg:$0x7] =	wrdreg $0x9  }
0xb7: {  	_ =	task.clear_ibuf [dreg:s10], $0x8FFFF;
	_ =	strace $0x90000046  }
0xb8: {  	s29 =	simm.s32 $0x9;
	_ =	strace $0x80000048  }
0xb9: {  	_ =	swait.ge [sflag:s29], $0x1  }
0xba: {  	[sflag:s29] =	ssyncadd.s32 $0xFFFFFFFF  }
0xbb: {  	_ =	strace $0x90000048  }
0xbc: {  	_ =	sfence  }
0xbd: {  	s30 =	sld [smem:$0x0];
	_ =	sdelay $0x2  }
0xbe: {  	s31 =	sshll.u32 s1, $0xD;
	s1 =	sshrl.u32 s1, $0x2  }
0xbf: {  	s3 =	sand.u32 $0x4000, s31;
	s1 =	sadd.s32 s1, s30  }
0xc0: {  	s0 =	sor.u32 s3, s0;
	s1 =	sshll.u32 s1, $0x11  }
0xc1: {  	s0 =	sor.u32 s1, s0  }
0xc2: {  	s0 =	sadd.s32 $0x8F2B, s0  }
0xc3: {  	[sflag:s0] =	ssyncadd.remote.s32 $0x1  }
0xc4: {  	_ =	sfence.sel $0xFFFF  }
0xc5: {  	[dreg:$0x0] =	wrdreg $0xFFFFFFFF;
	(pc) =	sbr.abs _section_cstart, $3  }
0xc6: {  	[dreg:$0x1] =	wrdreg $0xFFFFFFFF  }
0xc7: {  	_ =	task.clear_ibuf [dreg:s10], $0x2FFFF;
	_ =	strace $0x9FFFFFFF  }
0xc8: {  	(tm) =	ssettm $0x7FFFFFFF  }
0xc9: {  	_ =	shalt  }
tec
execute0_lowered:
.L_overlay_start_1:
0x0: {  	(tag) =	ssettag $0x1  }
0x1: {  	s28 =	rddreg [dreg:$0x0]  }
0x2: {  	s7 =	rddreg [dreg:$0x2];
	s0 =	srdreg.scid  }
0x3: {  	s1 =	rddreg [dreg:$0x3];
	s3 =	stileid.u32  }
0x4: {  	s2 =	rddreg [dreg:$0x4];
	s5 =	simm.s32 $0x0;
	s0 =	sand.u32 $0x1, s0  }
0x5: {  	s3 =	sshll.u32 s3, $0xB;
	s4 =	sshll.u32 s0, $0xA;
	s0 =	ssub.s32 $0x2, s0  }
0x6: {  	[smem:$0x7FF] =	sst s5;
	s3 =	sor.u32 s4, s3;
	s6 =	sshrl.u32 s0, $0x1  }
0x7: {  	[dreg:$0x6] =	wrdreg s3;
	s3 =	sshrl.u32 s3, $0x3;
	s0 =	ssub.s32 s0, s6  }
0x8: {  	_ =	strace $0x80000047;
	s29 =	sadd.s32 s3, s2;
	s2 =	sadd.s32 $0x2800, s2  }
.Ltmp0:
0x9: {  	s1 =	sadd.s32 s1, s3;
	[dreg:$0x7] =	wrdreg s2;
	(pc) =	sbr.rel .LBB2_1-.Ltmp0, $4  }
0xa: {  	s11 =	sadd.s32 $0x100, s28;
	s0 =	smax.u32 s0, $0x1;
	[dreg:$0x8] =	wrdreg s1  }
0xb: {  	v2 =	vlaneseq.u32;
	s12 =	sadd.s32 $0x200, s28;
	s30 =	sadd.s32 $0x800, s29;
	[dreg:$0xb] =	wrdreg s0  }
0xc: {  	vm0 =	vmmov $0xffff;
	s13 =	sadd.s32 $0x100, s7;
	v1 =	vshrl.u32 v2, $0x3;
	s31 =	sadd.s32 $0x1800, s29;
	[dreg:$0x9] =	wrdreg s30  }
0xd: {  	s14 =	sadd.s32 $0x200, s7;
	v0 =	vand.u32 $0x7, v2;
	v2 =	vor.u32 $0x8, v2;
	v1 =	vmul.u32 $0x8, v1;
	s2 =	simm.s32 $0x0;
	[dreg:$0xa] =	wrdreg s31  }
.LBB2_8:
0xe: {  	s0 =	simm.s32 $0x3  }
0xf: {  	_ =	swait.ge [sflag:s0], $0x3000  }
0x10: {  	[sflag:s0] =	ssyncset.done $0x0  }
0x11: {  	s1 =	simm.s32 $0x4;
	[sflag:s0] =	ssyncadd.s32 $0xFFFFD000  }
0x12: {  	_ =	swait.ge [sflag:s1], $0x3000  }
0x13: {  	s2 =	rddreg [dreg:$0xc]  }
0x14: {  	s31 =	rddreg [dreg:$0xb];
	s2 =	sadd.s32 $0x1, s2  }
0x15: {  	p0 =	sne.s32 s2, s31  }
.Ltmp1:
0x16: {  	_ = 	snop;
	(pc) =	sbr.rel @!p0 .LBB2_9-.Ltmp1, $3  }
0x17: {  	_ =	sdelay $0x1  }
0x18: {  	[sflag:s1] =	ssyncset.done $0x0  }
0x19: {  	s28 =	smov.u32 s30;
	[sflag:s1] =	ssyncadd.s32 $0xFFFFD000  }
.LBB2_1:
0x1a: {  	[dreg:$0xc] =	wrdreg s2  }
0x1b: {  	s0 =	rddreg [dreg:$0x8];
	s1 =	simm.s32 $0x5  }
0x1c: {  	[tilespmem:s5], [sflag:$0x5] =	stream.linear.gather [hbm4b:s0+s5], $0x400, $0x38;
	[tilespmem:$0x13280] =	vst v63  }
0x1d: {  	_ =	swait.ge [sflag:s1], $0x400  }
0x1e: {  	[sflag:s1] =	ssyncset.done $0x0  }
0x1f: {  	s24 =	simm.s32 $0x400;
	s23 =	rddreg [dreg:$0x9];
	[sflag:s1] =	ssyncadd.s32 $0xFFFFFC00  }
0x20: {  	[tilespmem:s24], [sflag:$0x5] =	stream.linear.gather [hbm4b:s23+s5], $0x400, $0x38;
	[tilespmem:$0x13280] =	vst v63  }
0x21: {  	_ =	swait.ge [sflag:s1], $0x400  }
0x22: {  	[sflag:s1] =	ssyncset.done $0x0  }
0x23: {  	s26 =	simm.s32 $0x880;
	s25 =	rddreg [dreg:$0xa];
	[sflag:s1] =	ssyncadd.s32 $0xFFFFFC00  }
0x24: {  	[tilespmem:s26], [sflag:$0x5] =	stream.linear.gather [hbm4b:s25+s5], $0x400, $0x38;
	[tilespmem:$0x13280] =	vst v63  }
0x25: {  	_ =	swait.ge [sflag:s1], $0x400  }
0x26: {  	[sflag:s1] =	ssyncset.done $0x0  }
0x27: {  	[sflag:s1] =	ssyncadd.s32 $0xFFFFFC00  }
0x28: {  	s30 =	simm.s32 $0x12C80;
	s29 =	rddreg [dreg:$0x1]  }
0x29: {  	[tilespmem:s30], [sflag:$0x5] =	stream.linear.gather [hbm4b:s29+s5], $0x600, $0x38;
	[tilespmem:$0x13280] =	vst v63  }
0x2a: {  	_ =	swait.ge [sflag:s1], $0x600  }
0x2b: {  	[sflag:s1] =	ssyncset.done $0x0  }
0x2c: {  	[sflag:s1] =	ssyncadd.s32 $0xFFFFFA00  }
0x2d: {  	v3 =	vld [tilespmem:$0x0];
	_ =	sdelay $0x4  }
0x2e: {  	v4 =	vshrl.u32 v3, $0x3  }
0x2f: {  	v4 =	vmul.u32 $0x30, v4  }
0x30: {  	v3 =	vand.u32 $0x7, v3  }
0x31: {  	v3 =	vor.u32 v3, v4  }
0x32: {  	v4 =	vperm.xlane v3, v0;
	_ =	sdelay $0x1  }
0x33: {  	v4 =	vadd.s32 v1, v4;
	_ =	sdelay $0x3  }
0x34: {  	s31 =	simm.s32 $0xC80;
	v3 =	vperm.xlane v3, v2  }
0x35: {  	[tilespmem:s31], [sflag:$0x1] =	stream.indirect_vreg.gather [hbm4b:s28+s5], $0x80, v4, vm0, $0xb8;
	[tilespmem:$0x13280] =	vst v63  }
0x36: {  	s1 =	simm.s32 $0x1480;
	v3 =	vadd.s32 v1, v3  }
0x37: {  	[tilespmem:s1], [sflag:$0x1] =	stream.indirect_vreg.gather [hbm4b:s11+s5], $0x80, v4, vm0, $0xb8;
	[tilespmem:$0x13280] =	vst v63  }
0x38: {  	s2 =	simm.s32 $0x1C80  }
0x39: {  	[tilespmem:s2], [sflag:$0x1] =	stream.indirect_vreg.gather [hbm4b:s12+s5], $0x80, v4, vm0, $0xb8;
	[tilespmem:$0x13280] =	vst v63  }
0x3a: {  	s3 =	simm.s32 $0x2480  }
0x3b: {  	[tilespmem:s3], [sflag:$0x1] =	stream.indirect_vreg.gather [hbm4b:s28+s5], $0x80, v3, vm0, $0xb8;
	[tilespmem:$0x13280] =	vst v63  }
0x3c: {  	s4 =	simm.s32 $0x2C80  }
0x3d: {  	[tilespmem:s4], [sflag:$0x1] =	stream.indirect_vreg.gather [hbm4b:s11+s5], $0x80, v3, vm0, $0xb8;
	[tilespmem:$0x13280] =	vst v63  }
0x3e: {  	s6 =	simm.s32 $0x3480  }
0x3f: {  	[tilespmem:s6], [sflag:$0x1] =	stream.indirect_vreg.gather [hbm4b:s12+s5], $0x80, v3, vm0, $0xb8;
	[tilespmem:$0x13280] =	vst v63  }
0x40: {  	v3 =	vld [tilespmem:$0x880];
	_ =	sdelay $0x4  }
0x41: {  	v61 =	vshrl.u32 v3, $0x3  }
0x42: {  	v4 =	vmul.u32 $0x30, v61  }
0x43: {  	v3 =	vand.u32 $0x7, v3  }
0x44: {  	v3 =	vor.u32 v3, v4  }
0x45: {  	v4 =	vperm.xlane v3, v0;
	_ =	sdelay $0x1  }
0x46: {  	v4 =	vadd.s32 v1, v4;
	_ =	sdelay $0x3  }
0x47: {  	s8 =	simm.s32 $0x3C80;
	s7 =	rddreg [dreg:$0x2];
	v3 =	vperm.xlane v3, v2  }
0x48: {  	[tilespmem:s8], [sflag:$0x1] =	stream.indirect_vreg.gather [hbm4b:s7+s5], $0x80, v4, vm0, $0xb8;
	[tilespmem:$0x13280] =	vst v63  }
0x49: {  	s9 =	simm.s32 $0x4480;
	v3 =	vadd.s32 v1, v3  }
0x4a: {  	[tilespmem:s9], [sflag:$0x1] =	stream.indirect_vreg.gather [hbm4b:s13+s5], $0x80, v4, vm0, $0xb8;
	[tilespmem:$0x13280] =	vst v63  }
0x4b: {  	s10 =	simm.s32 $0x4C80  }
0x4c: {  	[tilespmem:s10], [sflag:$0x1] =	stream.indirect_vreg.gather [hbm4b:s14+s5], $0x80, v4, vm0, $0xb8;
	[tilespmem:$0x13280] =	vst v63  }
0x4d: {  	s15 =	simm.s32 $0x5480  }
0x4e: {  	[tilespmem:s15], [sflag:$0x1] =	stream.indirect_vreg.gather [hbm4b:s7+s5], $0x80, v3, vm0, $0xb8;
	[tilespmem:$0x13280] =	vst v63  }
0x4f: {  	s16 =	simm.s32 $0x5C80  }
0x50: {  	[tilespmem:s16], [sflag:$0x1] =	stream.indirect_vreg.gather [hbm4b:s13+s5], $0x80, v3, vm0, $0xb8;
	[tilespmem:$0x13280] =	vst v63  }
0x51: {  	s17 =	simm.s32 $0x6480  }
0x52: {  	[tilespmem:s17], [sflag:$0x1] =	stream.indirect_vreg.gather [hbm4b:s14+s5], $0x80, v3, vm0, $0xb8;
	[tilespmem:$0x13280] =	vst v63  }
0x53: {  	v3 =	vld [tilespmem:$0x10];
	_ =	sdelay $0x4  }
0x54: {  	v62 =	vshrl.u32 v3, $0x3  }
0x55: {  	v4 =	vmul.u32 $0x30, v62  }
0x56: {  	v3 =	vand.u32 $0x7, v3  }
0x57: {  	v3 =	vor.u32 v3, v4  }
0x58: {  	v4 =	vperm.xlane v3, v0;
	_ =	sdelay $0x1  }
0x59: {  	v4 =	vadd.s32 v1, v4;
	_ =	sdelay $0x3  }
0x5a: {  	s18 =	simm.s32 $0x6C80;
	v3 =	vperm.xlane v3, v2  }
0x5b: {  	[tilespmem:s18], [sflag:$0x2] =	stream.indirect_vreg.gather [hbm4b:s28+s5], $0x80, v4, vm0, $0xb8;
	[tilespmem:$0x13280] =	vst v63  }
0x5c: {  	s19 =	simm.s32 $0x7480;
	v3 =	vadd.s32 v1, v3  }
0x5d: {  	[tilespmem:s19], [sflag:$0x2] =	stream.indirect_vreg.gather [hbm4b:s11+s5], $0x80, v4, vm0, $0xb8;
	[tilespmem:$0x13280] =	vst v63  }
0x5e: {  	s20 =	simm.s32 $0x7C80  }
0x5f: {  	[tilespmem:s20], [sflag:$0x2] =	stream.indirect_vreg.gather [hbm4b:s12+s5], $0x80, v4, vm0, $0xb8;
	[tilespmem:$0x13280] =	vst v63  }
0x60: {  	s21 =	simm.s32 $0x8480  }
0x61: {  	[tilespmem:s21], [sflag:$0x2] =	stream.indirect_vreg.gather [hbm4b:s28+s5], $0x80, v3, vm0, $0xb8;
	[tilespmem:$0x13280] =	vst v63  }
0x62: {  	s22 =	simm.s32 $0x8C80  }
0x63: {  	[tilespmem:s22], [sflag:$0x2] =	stream.indirect_vreg.gather [hbm4b:s11+s5], $0x80, v3, vm0, $0xb8;
	[tilespmem:$0x13280] =	vst v63  }
0x64: {  	s23 =	simm.s32 $0x9480  }
0x65: {  	[tilespmem:s23], [sflag:$0x2] =	stream.indirect_vreg.gather [hbm4b:s12+s5], $0x80, v3, vm0, $0xb8;
	[tilespmem:$0x13280] =	vst v63  }
0x66: {  	v3 =	vld [tilespmem:$0x890];
	_ =	sdelay $0x4  }
0x67: {  	v63 =	vshrl.u32 v3, $0x3  }
0x68: {  	v4 =	vmul.u32 $0x30, v63  }
0x69: {  	v3 =	vand.u32 $0x7, v3  }
0x6a: {  	v3 =	vor.u32 v3, v4  }
0x6b: {  	v4 =	vperm.xlane v3, v0;
	_ =	sdelay $0x1  }
0x6c: {  	v4 =	vadd.s32 v1, v4;
	_ =	sdelay $0x3  }
0x6d: {  	s24 =	simm.s32 $0x9C80;
	v3 =	vperm.xlane v3, v2  }
0x6e: {  	[tilespmem:s24], [sflag:$0x2] =	stream.indirect_vreg.gather [hbm4b:s7+s5], $0x80, v4, vm0, $0xb8;
	[tilespmem:$0x13280] =	vst v63  }
0x6f: {  	s25 =	simm.s32 $0xA480;
	v3 =	vadd.s32 v1, v3  }
0x70: {  	[tilespmem:s25], [sflag:$0x2] =	stream.indirect_vreg.gather [hbm4b:s13+s5], $0x80, v4, vm0, $0xb8;
	[tilespmem:$0x13280] =	vst v63  }
0x71: {  	s26 =	simm.s32 $0xAC80  }
0x72: {  	[tilespmem:s26], [sflag:$0x2] =	stream.indirect_vreg.gather [hbm4b:s14+s5], $0x80, v4, vm0, $0xb8;
	[tilespmem:$0x13280] =	vst v63  }
0x73: {  	s29 =	simm.s32 $0xB480  }
0x74: {  	[tilespmem:s29], [sflag:$0x2] =	stream.indirect_vreg.gather [hbm4b:s7+s5], $0x80, v3, vm0, $0xb8;
	[tilespmem:$0x13280] =	vst v63  }
0x75: {  	s30 =	simm.s32 $0xBC80;
	s31 =	simm.s32 $0xC480  }
0x76: {  	[tilespmem:s30], [sflag:$0x2] =	stream.indirect_vreg.gather [hbm4b:s13+s5], $0x80, v3, vm0, $0xb8;
	[tilespmem:$0x13280] =	vst v63  }
0x77: {  	s2 =	simm.s32 $0x413;
	s4 =	simm.s32 $0x0;
	s10 =	simm.s32 $0x402  }
0x78: {  	[tilespmem:s31], [sflag:$0x2] =	stream.indirect_vreg.gather [hbm4b:s14+s5], $0x80, v3, vm0, $0xb8;
	[tilespmem:$0x13280] =	vst v63  }
.LBB2_2:
0x79: {  	s0 =	simm.s32 $0x1  }
0x7a: {  	_ =	swait.ge [sflag:s0], $0x3000  }
0x7b: {  	[sflag:s0] =	ssyncset.done $0x0  }
0x7c: {  	[sflag:s0] =	ssyncadd.s32 $0xFFFFD000  }
0x7d: {  	_ =	swait.ge [sflag:s0], $0x3000  }
0x7e: {  	p0 =	seq.s32 s4, $0x0;
	[sflag:s0] =	ssyncset.done $0x0  }
0x7f: {  	[sflag:s0] =	ssyncadd.s32 $0xFFFFD000;
	s0 =	simm.s32 @!p0 $0x3  }
0x80: {  	_ =	swait.ge @!p0 [sflag:s0], $0x3000  }
0x81: {  	s8 =	sshll.u32 s4, $0x5;
	s16 =	simm.s32 $0xFFFFFFFC;
	[sflag:s0] =	ssyncset.done @!p0 $0x0  }
0x82: {  	s9 =	simm.s32 $0x180;
	s1 =	smov.u32 s10;
	[sflag:s0] =	ssyncadd.s32 @!p0 $0xFFFFD000  }
.LBB2_3:
0x83: {  	v3 =	vld [tilespmem:s1+$0xFFFFFFFE];
	_ =	sdelay $0x4  }
0x84: {  	(v2sf) =	vpush v3, $0x0;
	_ =	sdelay $0xc  }
0x85: {  	s16 =	sadd.s32 $0x4, s16  }
0x86: {  	s0 =	sshrl.u32 s16, $0x3  }
0x87: {  	s7 =	sadd.s32 $0xFFFFFE80, s9;
	s23 =	smul.u32 $0x1800, s0;
	s3 =	spop (v2sf)  }
0x88: {  	s22 =	sand.u32 $0x200, s7;
	s6 =	sshrl.u32 s3, $0x1  }
0x89: {  	s0 =	sor.u32 s22, s23;
	s6 =	smul.u32 $0x1800, s6  }
0x8a: {  	v3 =	vld [tilespmem:s0+$0xC80];
	s3 =	sshll.u32 s3, $0x7  }
0x8b: {  	v4 =	vld [tilespmem:s0+$0x3C80];
	s3 =	sand.u32 $0x80, s3;
	s6 =	sshra.s32 s6, $0x2  }
0x8c: {  	s21 =	sor.u32 s3, s6  }
0x8d: {  	v5 =	vld [tilespmem:s21+$0x12C80];
	_ =	sdelay $0x2  }
0x8e: {  	v3 =	vadd.f32 v4, v3;
	_ =	sdelay $0x1  }
0x8f: {  	v21 =	vld [tilespmem:s0+$0xC90];
	v3 =	vadd.f32 v5, v3  }
0x90: {  	v22 =	vld [tilespmem:s0+$0x3C90]  }
0x91: {  	s3 =	sadd.s32 $0x12C80, s21;
	[tilespmem:s0+$0xCC80] =	vst v3  }
0x92: {  	v3 =	vld [tilespmem:s3+$0x10];
	_ =	sdelay $0x2  }
0x93: {  	v4 =	vadd.f32 v22, v21;
	_ =	sdelay $0x1  }
0x94: {  	v23 =	vld [tilespmem:s0+$0xCA0];
	v3 =	vadd.f32 v3, v4  }
0x95: {  	v24 =	vld [tilespmem:s0+$0x3CA0]  }
0x96: {  	[tilespmem:s0+$0xCC90] =	vst v3  }
0x97: {  	v3 =	vld [tilespmem:s3+$0x20];
	_ =	sdelay $0x2  }
0x98: {  	v4 =	vadd.f32 v24, v23;
	_ =	sdelay $0x1  }
0x99: {  	v25 =	vld [tilespmem:s0+$0xCB0];
	v3 =	vadd.f32 v3, v4  }
0x9a: {  	v26 =	vld [tilespmem:s0+$0x3CB0]  }
0x9b: {  	[tilespmem:s0+$0xCCA0] =	vst v3  }
0x9c: {  	v3 =	vld [tilespmem:s3+$0x30];
	_ =	sdelay $0x2  }
0x9d: {  	v4 =	vadd.f32 v26, v25;
	_ =	sdelay $0x1  }
0x9e: {  	v27 =	vld [tilespmem:s0+$0xCC0];
	v3 =	vadd.f32 v3, v4  }
0x9f: {  	v28 =	vld [tilespmem:s0+$0x3CC0]  }
0xa0: {  	[tilespmem:s0+$0xCCB0] =	vst v3  }
0xa1: {  	v3 =	vld [tilespmem:s3+$0x40];
	_ =	sdelay $0x2  }
0xa2: {  	v4 =	vadd.f32 v28, v27;
	_ =	sdelay $0x1  }
0xa3: {  	v29 =	vld [tilespmem:s0+$0xCD0];
	v3 =	vadd.f32 v3, v4  }
0xa4: {  	v30 =	vld [tilespmem:s0+$0x3CD0]  }
0xa5: {  	[tilespmem:s0+$0xCCC0] =	vst v3  }
0xa6: {  	v3 =	vld [tilespmem:s3+$0x50];
	_ =	sdelay $0x2  }
0xa7: {  	v4 =	vadd.f32 v30, v29;
	_ =	sdelay $0x1  }
0xa8: {  	v31 =	vld [tilespmem:s0+$0xCE0];
	v3 =	vadd.f32 v3, v4  }
0xa9: {  	v32 =	vld [tilespmem:s0+$0x3CE0]  }
0xaa: {  	[tilespmem:s0+$0xCCD0] =	vst v3  }
0xab: {  	v3 =	vld [tilespmem:s3+$0x60];
	_ =	sdelay $0x2  }
0xac: {  	v4 =	vadd.f32 v32, v31;
	_ =	sdelay $0x1  }
0xad: {  	v33 =	vld [tilespmem:s0+$0xCF0];
	v3 =	vadd.f32 v3, v4  }
0xae: {  	v34 =	vld [tilespmem:s0+$0x3CF0]  }
0xaf: {  	[tilespmem:s0+$0xCCE0] =	vst v3  }
0xb0: {  	v3 =	vld [tilespmem:s3+$0x70];
	_ =	sdelay $0x2  }
0xb1: {  	v4 =	vadd.f32 v34, v33;
	_ =	sdelay $0x1  }
0xb2: {  	v35 =	vld [tilespmem:s0+$0x1080];
	v3 =	vadd.f32 v3, v4  }
0xb3: {  	v36 =	vld [tilespmem:s0+$0x4080]  }
0xb4: {  	[tilespmem:s0+$0xCCF0] =	vst v3  }
0xb5: {  	v3 =	vld [tilespmem:s3+$0x100];
	_ =	sdelay $0x2  }
0xb6: {  	v4 =	vadd.f32 v36, v35;
	_ =	sdelay $0x1  }
0xb7: {  	v37 =	vld [tilespmem:s0+$0x1090];
	v3 =	vadd.f32 v3, v4  }
0xb8: {  	v38 =	vld [tilespmem:s0+$0x4090]  }
0xb9: {  	[tilespmem:s0+$0xD080] =	vst v3  }
0xba: {  	v3 =	vld [tilespmem:s3+$0x110];
	_ =	sdelay $0x2  }
0xbb: {  	v4 =	vadd.f32 v38, v37;
	_ =	sdelay $0x1  }
0xbc: {  	v39 =	vld [tilespmem:s0+$0x10A0];
	v3 =	vadd.f32 v3, v4  }
0xbd: {  	v40 =	vld [tilespmem:s0+$0x40A0]  }
0xbe: {  	[tilespmem:s0+$0xD090] =	vst v3  }
0xbf: {  	v3 =	vld [tilespmem:s3+$0x120];
	_ =	sdelay $0x2  }
0xc0: {  	v4 =	vadd.f32 v40, v39;
	_ =	sdelay $0x1  }
0xc1: {  	v41 =	vld [tilespmem:s0+$0x10B0];
	v3 =	vadd.f32 v3, v4  }
0xc2: {  	v42 =	vld [tilespmem:s0+$0x40B0]  }
0xc3: {  	[tilespmem:s0+$0xD0A0] =	vst v3  }
0xc4: {  	v3 =	vld [tilespmem:s3+$0x130];
	_ =	sdelay $0x2  }
0xc5: {  	v4 =	vadd.f32 v42, v41;
	_ =	sdelay $0x1  }
0xc6: {  	v43 =	vld [tilespmem:s0+$0x10C0];
	v3 =	vadd.f32 v3, v4  }
0xc7: {  	v44 =	vld [tilespmem:s0+$0x40C0]  }
0xc8: {  	[tilespmem:s0+$0xD0B0] =	vst v3  }
0xc9: {  	v3 =	vld [tilespmem:s3+$0x140];
	_ =	sdelay $0x2  }
0xca: {  	v4 =	vadd.f32 v44, v43;
	_ =	sdelay $0x1  }
0xcb: {  	v45 =	vld [tilespmem:s0+$0x10D0];
	v3 =	vadd.f32 v3, v4  }
0xcc: {  	v46 =	vld [tilespmem:s0+$0x40D0]  }
0xcd: {  	[tilespmem:s0+$0xD0C0] =	vst v3  }
0xce: {  	v3 =	vld [tilespmem:s3+$0x150];
	_ =	sdelay $0x2  }
0xcf: {  	v4 =	vadd.f32 v46, v45;
	_ =	sdelay $0x1  }
0xd0: {  	v47 =	vld [tilespmem:s0+$0x10E0];
	v3 =	vadd.f32 v3, v4  }
0xd1: {  	v48 =	vld [tilespmem:s0+$0x40E0]  }
0xd2: {  	[tilespmem:s0+$0xD0D0] =	vst v3  }
0xd3: {  	v3 =	vld [tilespmem:s3+$0x160];
	_ =	sdelay $0x2  }
0xd4: {  	v4 =	vadd.f32 v48, v47;
	_ =	sdelay $0x1  }
0xd5: {  	v49 =	vld [tilespmem:s0+$0x10F0];
	v3 =	vadd.f32 v3, v4  }
0xd6: {  	v50 =	vld [tilespmem:s0+$0x40F0]  }
0xd7: {  	[tilespmem:s0+$0xD0E0] =	vst v3  }
0xd8: {  	v3 =	vld [tilespmem:s3+$0x170];
	_ =	sdelay $0x2  }
0xd9: {  	v4 =	vadd.f32 v50, v49;
	_ =	sdelay $0x1  }
0xda: {  	v3 =	vadd.f32 v3, v4  }
0xdb: {  	s25 =	sadd.s32 $0x800, s23  }
0xdc: {  	s15 =	sor.u32 s22, s25;
	[tilespmem:s0+$0xD0F0] =	vst v3  }
0xdd: {  	v3 =	vld [tilespmem:s15+$0xC80]  }
0xde: {  	v51 =	vld [tilespmem:s15+$0x3C80];
	_ =	sdelay $0x1  }
0xdf: {  	v52 =	vld [tilespmem:s21+$0x12E80];
	_ =	sdelay $0x2  }
0xe0: {  	v3 =	vadd.f32 v51, v3;
	_ =	sdelay $0x1  }
0xe1: {  	v53 =	vld [tilespmem:s15+$0xC90];
	v3 =	vadd.f32 v52, v3  }
0xe2: {  	v54 =	vld [tilespmem:s15+$0x3C90]  }
0xe3: {  	s17 =	sadd.s32 $0x12E80, s21;
	[tilespmem:s15+$0xCC80] =	vst v3  }
0xe4: {  	v3 =	vld [tilespmem:s17+$0x10];
	_ =	sdelay $0x2  }
0xe5: {  	v4 =	vadd.f32 v54, v53;
	_ =	sdelay $0x1  }
0xe6: {  	v55 =	vld [tilespmem:s15+$0xCA0];
	v3 =	vadd.f32 v3, v4  }
0xe7: {  	v56 =	vld [tilespmem:s15+$0x3CA0]  }
0xe8: {  	[tilespmem:s15+$0xCC90] =	vst v3  }
0xe9: {  	v3 =	vld [tilespmem:s17+$0x20];
	_ =	sdelay $0x2  }
0xea: {  	v4 =	vadd.f32 v56, v55;
	_ =	sdelay $0x1  }
0xeb: {  	v57 =	vld [tilespmem:s15+$0xCB0];
	v3 =	vadd.f32 v3, v4  }
0xec: {  	v58 =	vld [tilespmem:s15+$0x3CB0]  }
0xed: {  	[tilespmem:s15+$0xCCA0] =	vst v3  }
0xee: {  	v3 =	vld [tilespmem:s17+$0x30];
	_ =	sdelay $0x2  }
0xef: {  	v4 =	vadd.f32 v58, v57;
	_ =	sdelay $0x1  }
0xf0: {  	v59 =	vld [tilespmem:s15+$0xCC0];
	v3 =	vadd.f32 v3, v4  }
0xf1: {  	v60 =	vld [tilespmem:s15+$0x3CC0]  }
0xf2: {  	[tilespmem:s15+$0xCCB0] =	vst v3  }
0xf3: {  	v3 =	vld [tilespmem:s17+$0x40];
	_ =	sdelay $0x2  }
0xf4: {  	v4 =	vadd.f32 v60, v59;
	_ =	sdelay $0x1  }
0xf5: {  	v61 =	vld [tilespmem:s15+$0xCD0];
	v3 =	vadd.f32 v3, v4  }
0xf6: {  	v62 =	vld [tilespmem:s15+$0x3CD0]  }
0xf7: {  	[tilespmem:s15+$0xCCC0] =	vst v3  }
0xf8: {  	v3 =	vld [tilespmem:s17+$0x50];
	_ =	sdelay $0x2  }
0xf9: {  	v4 =	vadd.f32 v62, v61;
	_ =	sdelay $0x1  }
0xfa: {  	v63 =	vld [tilespmem:s15+$0xCE0];
	v3 =	vadd.f32 v3, v4  }
0xfb: {  	v8 =	vld [tilespmem:s15+$0x3CE0]  }
0xfc: {  	[tilespmem:s15+$0xCCD0] =	vst v3  }
0xfd: {  	v3 =	vld [tilespmem:s17+$0x60];
	_ =	sdelay $0x2  }
0xfe: {  	v4 =	vadd.f32 v8, v63;
	_ =	sdelay $0x1  }
0xff: {  	v9 =	vld [tilespmem:s15+$0xCF0];
	v3 =	vadd.f32 v3, v4  }
0x100: {  	v10 =	vld [tilespmem:s15+$0x3CF0]  }
0x101: {  	[tilespmem:s15+$0xCCE0] =	vst v3  }
0x102: {  	v3 =	vld [tilespmem:s17+$0x70];
	_ =	sdelay $0x2  }
0x103: {  	v4 =	vadd.f32 v10, v9;
	_ =	sdelay $0x1  }
0x104: {  	v3 =	vadd.f32 v3, v4  }
0x105: {  	s20 =	sadd.s32 $0xC00, s23  }
0x106: {  	s18 =	sor.u32 s22, s20;
	[tilespmem:s15+$0xCCF0] =	vst v3  }
0x107: {  	v3 =	vld [tilespmem:s18+$0xC80]  }
0x108: {  	v11 =	vld [tilespmem:s18+$0x3C80];
	_ =	sdelay $0x1  }
0x109: {  	v12 =	vld [tilespmem:s21+$0x12F80];
	_ =	sdelay $0x2  }
0x10a: {  	v3 =	vadd.f32 v11, v3;
	_ =	sdelay $0x1  }
0x10b: {  	v13 =	vld [tilespmem:s18+$0xC90];
	v3 =	vadd.f32 v12, v3  }
0x10c: {  	v14 =	vld [tilespmem:s18+$0x3C90]  }
0x10d: {  	s7 =	sadd.s32 $0x12F80, s21;
	[tilespmem:s18+$0xCC80] =	vst v3  }
0x10e: {  	v3 =	vld [tilespmem:s7+$0x10];
	_ =	sdelay $0x2  }
0x10f: {  	v4 =	vadd.f32 v14, v13  }
0x110: {  	v16 =	vld [tilespmem:s1+$0xFFFFFFFF]  }
0x111: {  	v15 =	vld [tilespmem:s18+$0xCA0];
	v3 =	vadd.f32 v3, v4  }
0x112: {  	v6 =	vld [tilespmem:s18+$0x3CA0]  }
0x113: {  	[tilespmem:s18+$0xCC90] =	vst v3  }
0x114: {  	v3 =	vld [tilespmem:s7+$0x20];
	_ =	sdelay $0x1  }
0x115: {  	(v2sf) =	vpush v16, $0x0  }
0x116: {  	v17 =	vadd.f32 v6, v15;
	_ =	sdelay $0x1  }
0x117: {  	v18 =	vld [tilespmem:s18+$0xCB0];
	v3 =	vadd.f32 v3, v17  }
0x118: {  	v19 =	vld [tilespmem:s18+$0x3CB0]  }
0x119: {  	[tilespmem:s18+$0xCCA0] =	vst v3  }
0x11a: {  	v3 =	vld [tilespmem:s7+$0x30];
	_ =	sdelay $0x2  }
0x11b: {  	v4 =	vadd.f32 v19, v18;
	_ =	sdelay $0x1  }
0x11c: {  	v20 =	vld [tilespmem:s18+$0xCC0];
	v3 =	vadd.f32 v3, v4  }
0x11d: {  	v21 =	vld [tilespmem:s18+$0x3CC0]  }
0x11e: {  	[tilespmem:s18+$0xCCB0] =	vst v3  }
0x11f: {  	v3 =	vld [tilespmem:s7+$0x40]  }
0x120: {  	s24 =	sadd.s32 $0xFFFFFF00, s9;
	s19 =	spop (v2sf)  }
0x121: {  	s17 =	sand.u32 $0x280, s24;
	s15 =	sshrl.u32 s19, $0x1  }
0x122: {  	s6 =	sor.u32 s23, s17;
	s15 =	smul.u32 $0x1800, s15;
	v4 =	vadd.f32 v21, v20  }
0x123: {  	s0 =	sshll.u32 s19, $0x7;
	v23 =	vld [tilespmem:s6+$0xC80]  }
0x124: {  	s0 =	sand.u32 $0x80, s0;
	v24 =	vld [tilespmem:s6+$0x3C80];
	s15 =	sshra.s32 s15, $0x2;
	v3 =	vadd.f32 v3, v4  }
0x125: {  	v22 =	vld [tilespmem:s18+$0xCD0];
	s15 =	sor.u32 s0, s15  }
0x126: {  	[tilespmem:s18+$0xCCC0] =	vst v3;
	v3 =	vld [tilespmem:s15+$0x12C80]  }
0x127: {  	v7 =	vld [tilespmem:s18+$0x3CD0];
	_ =	sdelay $0x1  }
0x128: {  	v4 =	vadd.f32 v24, v23;
	v8 =	vld [tilespmem:s7+$0x50];
	_ =	sdelay $0x1  }
0x129: {  	v26 =	vld [tilespmem:s6+$0xC90];
	v3 =	vadd.f32 v3, v4  }
0x12a: {  	v27 =	vld [tilespmem:s6+$0x3C90];
	v5 =	vadd.f32 v7, v22  }
0x12b: {  	v25 =	vld [tilespmem:s18+$0xCE0];
	s0 =	sadd.s32 $0x12C80, s15;
	[tilespmem:s6+$0xCC80] =	vst v3  }
0x12c: {  	v5 =	vadd.f32 v8, v5;
	v3 =	vld [tilespmem:s0+$0x10]  }
0x12d: {  	v28 =	vld [tilespmem:s18+$0x3CE0]  }
0x12e: {  	[tilespmem:s18+$0xCCD0] =	vst v5  }
0x12f: {  	v4 =	vadd.f32 v27, v26;
	v5 =	vld [tilespmem:s7+$0x60];
	_ =	sdelay $0x1  }
0x130: {  	v30 =	vld [tilespmem:s6+$0xCA0];
	v3 =	vadd.f32 v3, v4  }
0x131: {  	v31 =	vld [tilespmem:s6+$0x3CA0];
	v6 =	vadd.f32 v28, v25  }
0x132: {  	v29 =	vld [tilespmem:s18+$0xCF0];
	[tilespmem:s6+$0xCC90] =	vst v3  }
0x133: {  	v5 =	vadd.f32 v5, v6;
	v3 =	vld [tilespmem:s0+$0x20]  }
0x134: {  	v32 =	vld [tilespmem:s18+$0x3CF0]  }
0x135: {  	[tilespmem:s18+$0xCCE0] =	vst v5  }
0x136: {  	v4 =	vadd.f32 v31, v30;
	v5 =	vld [tilespmem:s7+$0x70];
	_ =	sdelay $0x1  }
0x137: {  	v34 =	vld [tilespmem:s6+$0xCB0];
	v3 =	vadd.f32 v3, v4  }
0x138: {  	v35 =	vld [tilespmem:s6+$0x3CB0];
	v33 =	vadd.f32 v32, v29  }
0x139: {  	[tilespmem:s6+$0xCCA0] =	vst v3  }
0x13a: {  	v5 =	vadd.f32 v5, v33;
	v3 =	vld [tilespmem:s0+$0x30]  }
0x13b: {  	s19 =	sadd.s32 $0x1000, s23  }
0x13c: {  	v38 =	vld [tilespmem:s6+$0xCC0];
	s26 =	sor.u32 s22, s19;
	[tilespmem:s18+$0xCCF0] =	vst v5  }
0x13d: {  	v4 =	vadd.f32 v35, v34;
	v5 =	vld [tilespmem:s26+$0xC80]  }
0x13e: {  	v36 =	vld [tilespmem:s26+$0x3C80]  }
0x13f: {  	v39 =	vld [tilespmem:s6+$0x3CC0];
	v3 =	vadd.f32 v3, v4  }
0x140: {  	v37 =	vld [tilespmem:s21+$0x13080]  }
0x141: {  	[tilespmem:s6+$0xCCB0] =	vst v3  }
0x142: {  	v3 =	vld [tilespmem:s0+$0x40]  }
0x143: {  	v5 =	vadd.f32 v36, v5  }
0x144: {  	v42 =	vld [tilespmem:s6+$0xCD0]  }
0x145: {  	v40 =	vld [tilespmem:s26+$0xC90];
	v4 =	vadd.f32 v39, v38;
	v5 =	vadd.f32 v37, v5  }
0x146: {  	v41 =	vld [tilespmem:s26+$0x3C90]  }
0x147: {  	s29 =	sadd.s32 $0x13080, s21;
	v43 =	vld [tilespmem:s6+$0x3CD0];
	[tilespmem:s26+$0xCC80] =	vst v5;
	v3 =	vadd.f32 v3, v4  }
0x148: {  	v5 =	vld [tilespmem:s29+$0x10]  }
0x149: {  	[tilespmem:s6+$0xCCC0] =	vst v3  }
0x14a: {  	v3 =	vld [tilespmem:s0+$0x50]  }
0x14b: {  	v6 =	vadd.f32 v41, v40  }
0x14c: {  	v46 =	vld [tilespmem:s6+$0xCE0]  }
0x14d: {  	v44 =	vld [tilespmem:s26+$0xCA0];
	v4 =	vadd.f32 v43, v42;
	v5 =	vadd.f32 v5, v6  }
0x14e: {  	v45 =	vld [tilespmem:s26+$0x3CA0]  }
0x14f: {  	v47 =	vld [tilespmem:s6+$0x3CE0];
	[tilespmem:s26+$0xCC90] =	vst v5;
	v3 =	vadd.f32 v3, v4  }
0x150: {  	v5 =	vld [tilespmem:s29+$0x20]  }
0x151: {  	[tilespmem:s6+$0xCCD0] =	vst v3  }
0x152: {  	v3 =	vld [tilespmem:s0+$0x60]  }
0x153: {  	v6 =	vadd.f32 v45, v44  }
0x154: {  	v50 =	vld [tilespmem:s6+$0xCF0]  }
0x155: {  	v48 =	vld [tilespmem:s26+$0xCB0];
	v4 =	vadd.f32 v47, v46;
	v5 =	vadd.f32 v5, v6  }
0x156: {  	v49 =	vld [tilespmem:s26+$0x3CB0]  }
0x157: {  	v51 =	vld [tilespmem:s6+$0x3CF0];
	[tilespmem:s26+$0xCCA0] =	vst v5;
	v3 =	vadd.f32 v3, v4  }
0x158: {  	v5 =	vld [tilespmem:s29+$0x30]  }
0x159: {  	[tilespmem:s6+$0xCCE0] =	vst v3  }
0x15a: {  	v3 =	vld [tilespmem:s0+$0x70]  }
0x15b: {  	v6 =	vadd.f32 v49, v48  }
0x15c: {  	v54 =	vld [tilespmem:s6+$0x1080]  }
0x15d: {  	v52 =	vld [tilespmem:s26+$0xCC0];
	v4 =	vadd.f32 v51, v50;
	v5 =	vadd.f32 v5, v6  }
0x15e: {  	v53 =	vld [tilespmem:s26+$0x3CC0]  }
0x15f: {  	v55 =	vld [tilespmem:s6+$0x4080];
	[tilespmem:s26+$0xCCB0] =	vst v5;
	v3 =	vadd.f32 v3, v4  }
0x160: {  	v5 =	vld [tilespmem:s29+$0x40]  }
0x161: {  	[tilespmem:s6+$0xCCF0] =	vst v3  }
0x162: {  	v3 =	vld [tilespmem:s0+$0x100]  }
0x163: {  	v6 =	vadd.f32 v53, v52  }
0x164: {  	v58 =	vld [tilespmem:s6+$0x1090]  }
0x165: {  	v56 =	vld [tilespmem:s26+$0xCD0];
	v4 =	vadd.f32 v55, v54;
	v5 =	vadd.f32 v5, v6  }
0x166: {  	v57 =	vld [tilespmem:s26+$0x3CD0]  }
0x167: {  	v59 =	vld [tilespmem:s6+$0x4090];
	[tilespmem:s26+$0xCCC0] =	vst v5;
	v3 =	vadd.f32 v3, v4  }
0x168: {  	v5 =	vld [tilespmem:s29+$0x50]  }
0x169: {  	[tilespmem:s6+$0xD080] =	vst v3  }
0x16a: {  	v3 =	vld [tilespmem:s0+$0x110]  }
0x16b: {  	v6 =	vadd.f32 v57, v56  }
0x16c: {  	v62 =	vld [tilespmem:s6+$0x10A0]  }
0x16d: {  	v60 =	vld [tilespmem:s26+$0xCE0];
	v4 =	vadd.f32 v59, v58;
	v5 =	vadd.f32 v5, v6  }
0x16e: {  	v61 =	vld [tilespmem:s26+$0x3CE0]  }
0x16f: {  	v63 =	vld [tilespmem:s6+$0x40A0];
	[tilespmem:s26+$0xCCD0] =	vst v5;
	v3 =	vadd.f32 v3, v4  }
0x170: {  	v5 =	vld [tilespmem:s29+$0x60]  }
0x171: {  	[tilespmem:s6+$0xD090] =	vst v3  }
0x172: {  	v3 =	vld [tilespmem:s0+$0x120]  }
0x173: {  	v6 =	vadd.f32 v61, v60  }
0x174: {  	v14 =	vld [tilespmem:s6+$0x10B0]  }
0x175: {  	v12 =	vld [tilespmem:s26+$0xCF0];
	v4 =	vadd.f32 v63, v62;
	v5 =	vadd.f32 v5, v6  }
0x176: {  	v13 =	vld [tilespmem:s26+$0x3CF0]  }
0x177: {  	v15 =	vld [tilespmem:s6+$0x40B0];
	[tilespmem:s26+$0xCCE0] =	vst v5;
	v3 =	vadd.f32 v3, v4  }
0x178: {  	v5 =	vld [tilespmem:s29+$0x70]  }
0x179: {  	[tilespmem:s6+$0xD0A0] =	vst v3  }
0x17a: {  	v3 =	vld [tilespmem:s0+$0x130]  }
0x17b: {  	v6 =	vadd.f32 v13, v12;
	_ =	sdelay $0x1  }
0x17c: {  	v4 =	vadd.f32 v15, v14;
	v5 =	vadd.f32 v5, v6  }
0x17d: {  	v16 =	vld [tilespmem:s6+$0x10C0];
	s18 =	sadd.s32 $0x1400, s23  }
0x17e: {  	v17 =	vld [tilespmem:s6+$0x40C0];
	s30 =	sor.u32 s22, s18;
	[tilespmem:s26+$0xCCF0] =	vst v5;
	v3 =	vadd.f32 v3, v4  }
0x17f: {  	v5 =	vld [tilespmem:s30+$0xC80]  }
0x180: {  	v18 =	vld [tilespmem:s30+$0x3C80];
	[tilespmem:s6+$0xD0B0] =	vst v3  }
0x181: {  	v3 =	vld [tilespmem:s0+$0x140];
	_ =	sdelay $0x1  }
0x182: {  	v19 =	vld [tilespmem:s21+$0x13180]  }
0x183: {  	v4 =	vadd.f32 v17, v16  }
0x184: {  	v22 =	vld [tilespmem:s6+$0x40D0]  }
0x185: {  	v21 =	vld [tilespmem:s6+$0x10D0];
	v5 =	vadd.f32 v18, v5;
	v3 =	vadd.f32 v3, v4  }
0x186: {  	v20 =	vld [tilespmem:s30+$0xC90]  }
0x187: {  	v23 =	vld [tilespmem:s30+$0x3C90];
	v5 =	vadd.f32 v19, v5;
	[tilespmem:s6+$0xD0C0] =	vst v3  }
0x188: {  	v3 =	vld [tilespmem:s0+$0x150]  }
0x189: {  	s31 =	sadd.s32 $0x13180, s21;
	[tilespmem:s30+$0xCC80] =	vst v5  }
0x18a: {  	v5 =	vld [tilespmem:s31+$0x10]  }
0x18b: {  	v4 =	vadd.f32 v22, v21  }
0x18c: {  	v25 =	vld [tilespmem:s6+$0x10E0]  }
0x18d: {  	v26 =	vld [tilespmem:s6+$0x40E0];
	v6 =	vadd.f32 v23, v20;
	v3 =	vadd.f32 v3, v4  }
0x18e: {  	v24 =	vld [tilespmem:s30+$0xCA0]  }
0x18f: {  	v27 =	vld [tilespmem:s30+$0x3CA0];
	v5 =	vadd.f32 v5, v6;
	[tilespmem:s6+$0xD0D0] =	vst v3  }
0x190: {  	v3 =	vld [tilespmem:s0+$0x160]  }
0x191: {  	[tilespmem:s30+$0xCC90] =	vst v5  }
0x192: {  	v5 =	vld [tilespmem:s31+$0x20]  }
0x193: {  	v4 =	vadd.f32 v26, v25  }
0x194: {  	v29 =	vld [tilespmem:s6+$0x10F0]  }
0x195: {  	v30 =	vld [tilespmem:s6+$0x40F0];
	v6 =	vadd.f32 v27, v24;
	v3 =	vadd.f32 v3, v4  }
0x196: {  	v28 =	vld [tilespmem:s30+$0xCB0]  }
0x197: {  	v31 =	vld [tilespmem:s30+$0x3CB0];
	v5 =	vadd.f32 v5, v6;
	[tilespmem:s6+$0xD0E0] =	vst v3  }
0x198: {  	v3 =	vld [tilespmem:s0+$0x170]  }
0x199: {  	[tilespmem:s30+$0xCCA0] =	vst v5  }
0x19a: {  	v5 =	vld [tilespmem:s31+$0x30]  }
0x19b: {  	v4 =	vadd.f32 v30, v29;
	_ =	sdelay $0x1  }
0x19c: {  	v6 =	vadd.f32 v31, v28;
	v3 =	vadd.f32 v3, v4  }
0x19d: {  	v32 =	vld [tilespmem:s30+$0xCC0]  }
0x19e: {  	s26 =	sor.u32 s17, s25;
	v33 =	vld [tilespmem:s30+$0x3CC0];
	v5 =	vadd.f32 v5, v6;
	[tilespmem:s6+$0xD0F0] =	vst v3  }
0x19f: {  	v3 =	vld [tilespmem:s26+$0xC80]  }
0x1a0: {  	[tilespmem:s30+$0xCCB0] =	vst v5;
	v34 =	vld [tilespmem:s26+$0x3C80]  }
0x1a1: {  	v35 =	vld [tilespmem:s31+$0x40]  }
0x1a2: {  	v36 =	vld [tilespmem:s15+$0x12E80];
	_ =	sdelay $0x1  }
0x1a3: {  	v4 =	vadd.f32 v33, v32  }
0x1a4: {  	v37 =	vld [tilespmem:s30+$0xCD0];
	v3 =	vadd.f32 v34, v3  }
0x1a5: {  	v38 =	vld [tilespmem:s30+$0x3CD0];
	v4 =	vadd.f32 v35, v4  }
0x1a6: {  	v39 =	vld [tilespmem:s26+$0xC90];
	v3 =	vadd.f32 v36, v3  }
0x1a7: {  	v40 =	vld [tilespmem:s26+$0x3C90];
	[tilespmem:s30+$0xCCC0] =	vst v4  }
0x1a8: {  	s29 =	sadd.s32 $0x12E80, s15;
	v41 =	vld [tilespmem:s31+$0x50];
	[tilespmem:s26+$0xCC80] =	vst v3  }
0x1a9: {  	v3 =	vld [tilespmem:s29+$0x10];
	_ =	sdelay $0x1  }
0x1aa: {  	v5 =	vadd.f32 v38, v37  }
0x1ab: {  	v42 =	vld [tilespmem:s30+$0xCE0];
	v4 =	vadd.f32 v40, v39  }
0x1ac: {  	v43 =	vld [tilespmem:s30+$0x3CE0];
	v5 =	vadd.f32 v41, v5  }
0x1ad: {  	v44 =	vld [tilespmem:s26+$0xCA0];
	v3 =	vadd.f32 v3, v4  }
0x1ae: {  	v45 =	vld [tilespmem:s26+$0x3CA0];
	[tilespmem:s30+$0xCCD0] =	vst v5  }
0x1af: {  	v46 =	vld [tilespmem:s31+$0x60];
	[tilespmem:s26+$0xCC90] =	vst v3  }
0x1b0: {  	v3 =	vld [tilespmem:s29+$0x20];
	_ =	sdelay $0x1  }
0x1b1: {  	v6 =	vadd.f32 v43, v42  }
0x1b2: {  	v47 =	vld [tilespmem:s30+$0xCF0];
	v4 =	vadd.f32 v45, v44  }
0x1b3: {  	v49 =	vld [tilespmem:s30+$0x3CF0];
	v48 =	vadd.f32 v46, v6  }
0x1b4: {  	v50 =	vld [tilespmem:s26+$0xCB0];
	v3 =	vadd.f32 v3, v4  }
0x1b5: {  	v51 =	vld [tilespmem:s26+$0x3CB0];
	[tilespmem:s30+$0xCCE0] =	vst v48  }
0x1b6: {  	v52 =	vld [tilespmem:s31+$0x70];
	[tilespmem:s26+$0xCCA0] =	vst v3  }
0x1b7: {  	v3 =	vld [tilespmem:s29+$0x30];
	_ =	sdelay $0x1  }
0x1b8: {  	v6 =	vadd.f32 v49, v47  }
0x1b9: {  	v4 =	vadd.f32 v51, v50  }
0x1ba: {  	v53 =	vadd.f32 v52, v6  }
0x1bb: {  	v3 =	vadd.f32 v3, v4  }
0x1bc: {  	v54 =	vld [tilespmem:s26+$0xCC0];
	[tilespmem:s30+$0xCCF0] =	vst v53  }
0x1bd: {  	v55 =	vld [tilespmem:s26+$0x3CC0];
	[tilespmem:s26+$0xCCB0] =	vst v3  }
0x1be: {  	v3 =	vld [tilespmem:s29+$0x40]  }
0x1bf: {  	v56 =	vld [tilespmem:s1+$0x0];
	_ =	sdelay $0x4  }
0x1c0: {  	(v2sf) =	vpush v56, $0x0;
	_ =	sdelay $0x7  }
0x1c1: {  	v57 =	vld [tilespmem:s1+$0x1];
	_ =	sdelay $0x4  }
0x1c2: {  	(v2sf) =	vpush v57, $0x0;
	_ =	sdelay $0x1  }
0x1c3: {  	s22 =	sadd.s32 $0xFFFFFF80, s9;
	s21 =	spop (v2sf)  }
0x1c4: {  	s22 =	sand.u32 $0x300, s22;
	s24 =	sshrl.u32 s21, $0x1  }
0x1c5: {  	s6 =	sor.u32 s23, s22;
	s3 =	smul.u32 $0x1800, s24  }
0x1c6: {  	v58 =	vld [tilespmem:s6+$0xC80];
	s0 =	sshll.u32 s21, $0x7  }
0x1c7: {  	v59 =	vld [tilespmem:s6+$0x3C80];
	s0 =	sand.u32 $0x80, s0;
	s3 =	sshra.s32 s3, $0x2  }
0x1c8: {  	s21 =	sor.u32 s0, s3  }
0x1c9: {  	v60 =	vld [tilespmem:s21+$0x12C80];
	_ =	sdelay $0x2  }
0x1ca: {  	v6 =	vadd.f32 v59, v58;
	_ =	sdelay $0x1  }
0x1cb: {  	v61 =	vld [tilespmem:s6+$0xC90];
	v6 =	vadd.f32 v60, v6  }
0x1cc: {  	v62 =	vld [tilespmem:s6+$0x3C90]  }
0x1cd: {  	s3 =	spop (v2sf);
	s0 =	sadd.s32 $0x12C80, s21;
	[tilespmem:s6+$0xCC80] =	vst v6  }
0x1ce: {  	s24 =	sand.u32 $0x380, s9;
	s30 =	sshrl.u32 s3, $0x1;
	v6 =	vld [tilespmem:s0+$0x10]  }
0x1cf: {  	s31 =	sor.u32 s23, s24;
	s7 =	smul.u32 $0x1800, s30  }
0x1d0: {  	v63 =	vld [tilespmem:s31+$0xC80];
	s3 =	sshll.u32 s3, $0x7  }
0x1d1: {  	v7 =	vadd.f32 v62, v61;
	v10 =	vld [tilespmem:s31+$0x3C80];
	s3 =	sand.u32 $0x80, s3;
	s7 =	sshra.s32 s7, $0x2  }
0x1d2: {  	v9 =	vld [tilespmem:s6+$0xCA0];
	s23 =	sor.u32 s3, s7  }
0x1d3: {  	v11 =	vld [tilespmem:s23+$0x12C80];
	v6 =	vadd.f32 v6, v7  }
0x1d4: {  	v12 =	vld [tilespmem:s6+$0x3CA0]  }
0x1d5: {  	[tilespmem:s6+$0xCC90] =	vst v6  }
0x1d6: {  	v8 =	vadd.f32 v10, v63;
	v6 =	vld [tilespmem:s0+$0x20];
	_ =	sdelay $0x1  }
0x1d7: {  	v14 =	vld [tilespmem:s31+$0xC90];
	v8 =	vadd.f32 v11, v8  }
0x1d8: {  	v15 =	vld [tilespmem:s31+$0x3C90];
	v7 =	vadd.f32 v12, v9  }
0x1d9: {  	v13 =	vld [tilespmem:s6+$0xCB0];
	s7 =	sadd.s32 $0x12C80, s23;
	[tilespmem:s31+$0xCC80] =	vst v8  }
0x1da: {  	v8 =	vld [tilespmem:s7+$0x10];
	v6 =	vadd.f32 v6, v7  }
0x1db: {  	v16 =	vld [tilespmem:s6+$0x3CB0]  }
0x1dc: {  	[tilespmem:s6+$0xCCA0] =	vst v6  }
0x1dd: {  	v9 =	vadd.f32 v15, v14;
	v6 =	vld [tilespmem:s0+$0x30];
	_ =	sdelay $0x1  }
0x1de: {  	v18 =	vld [tilespmem:s31+$0xCA0];
	v8 =	vadd.f32 v8, v9  }
0x1df: {  	v19 =	vld [tilespmem:s31+$0x3CA0];
	v7 =	vadd.f32 v16, v13  }
0x1e0: {  	v17 =	vld [tilespmem:s6+$0xCC0];
	[tilespmem:s31+$0xCC90] =	vst v8  }
0x1e1: {  	v8 =	vld [tilespmem:s7+$0x20];
	v6 =	vadd.f32 v6, v7  }
0x1e2: {  	v20 =	vld [tilespmem:s6+$0x3CC0]  }
0x1e3: {  	[tilespmem:s6+$0xCCB0] =	vst v6  }
0x1e4: {  	v9 =	vadd.f32 v19, v18;
	v6 =	vld [tilespmem:s0+$0x40];
	_ =	sdelay $0x1  }
0x1e5: {  	v22 =	vld [tilespmem:s31+$0xCB0];
	v8 =	vadd.f32 v8, v9  }
0x1e6: {  	v23 =	vld [tilespmem:s31+$0x3CB0];
	v7 =	vadd.f32 v20, v17  }
0x1e7: {  	v21 =	vld [tilespmem:s6+$0xCD0];
	[tilespmem:s31+$0xCCA0] =	vst v8  }
0x1e8: {  	v8 =	vld [tilespmem:s7+$0x30];
	v6 =	vadd.f32 v6, v7  }
0x1e9: {  	v24 =	vld [tilespmem:s6+$0x3CD0]  }
0x1ea: {  	[tilespmem:s6+$0xCCC0] =	vst v6  }
0x1eb: {  	v9 =	vadd.f32 v23, v22;
	v6 =	vld [tilespmem:s0+$0x50];
	_ =	sdelay $0x1  }
0x1ec: {  	v26 =	vld [tilespmem:s31+$0xCC0];
	v8 =	vadd.f32 v8, v9  }
0x1ed: {  	v27 =	vld [tilespmem:s31+$0x3CC0];
	v7 =	vadd.f32 v24, v21  }
0x1ee: {  	v25 =	vld [tilespmem:s6+$0xCE0];
	[tilespmem:s31+$0xCCB0] =	vst v8  }
0x1ef: {  	v8 =	vld [tilespmem:s7+$0x40];
	v6 =	vadd.f32 v6, v7  }
0x1f0: {  	v28 =	vld [tilespmem:s6+$0x3CE0]  }
0x1f1: {  	[tilespmem:s6+$0xCCD0] =	vst v6  }
0x1f2: {  	v9 =	vadd.f32 v27, v26;
	v6 =	vld [tilespmem:s0+$0x60];
	_ =	sdelay $0x1  }
0x1f3: {  	v30 =	vld [tilespmem:s31+$0xCD0];
	v8 =	vadd.f32 v8, v9  }
0x1f4: {  	v31 =	vld [tilespmem:s31+$0x3CD0];
	v7 =	vadd.f32 v28, v25  }
0x1f5: {  	v29 =	vld [tilespmem:s6+$0xCF0];
	[tilespmem:s31+$0xCCC0] =	vst v8  }
0x1f6: {  	v8 =	vld [tilespmem:s7+$0x50];
	v6 =	vadd.f32 v6, v7  }
0x1f7: {  	v32 =	vld [tilespmem:s6+$0x3CF0]  }
0x1f8: {  	[tilespmem:s6+$0xCCE0] =	vst v6  }
0x1f9: {  	v9 =	vadd.f32 v31, v30;
	v6 =	vld [tilespmem:s0+$0x70];
	_ =	sdelay $0x1  }
0x1fa: {  	v34 =	vld [tilespmem:s31+$0xCE0];
	v8 =	vadd.f32 v8, v9  }
0x1fb: {  	v35 =	vld [tilespmem:s31+$0x3CE0];
	v7 =	vadd.f32 v32, v29  }
0x1fc: {  	v33 =	vld [tilespmem:s6+$0x1080];
	[tilespmem:s31+$0xCCD0] =	vst v8  }
0x1fd: {  	v8 =	vld [tilespmem:s7+$0x60];
	v6 =	vadd.f32 v6, v7  }
0x1fe: {  	v36 =	vld [tilespmem:s6+$0x4080]  }
0x1ff: {  	[tilespmem:s6+$0xCCF0] =	vst v6  }
0x200: {  	v9 =	vadd.f32 v35, v34;
	v6 =	vld [tilespmem:s0+$0x100];
	_ =	sdelay $0x1  }
0x201: {  	v38 =	vld [tilespmem:s31+$0xCF0];
	v8 =	vadd.f32 v8, v9  }
0x202: {  	v39 =	vld [tilespmem:s31+$0x3CF0];
	v7 =	vadd.f32 v36, v33  }
0x203: {  	v37 =	vld [tilespmem:s6+$0x1090];
	[tilespmem:s31+$0xCCE0] =	vst v8  }
0x204: {  	v8 =	vld [tilespmem:s7+$0x70];
	v6 =	vadd.f32 v6, v7  }
0x205: {  	v40 =	vld [tilespmem:s6+$0x4090]  }
0x206: {  	[tilespmem:s6+$0xD080] =	vst v6  }
0x207: {  	v9 =	vadd.f32 v39, v38;
	v6 =	vld [tilespmem:s0+$0x110];
	_ =	sdelay $0x1  }
0x208: {  	v42 =	vld [tilespmem:s31+$0x1080];
	v8 =	vadd.f32 v8, v9  }
0x209: {  	v43 =	vld [tilespmem:s31+$0x4080];
	v7 =	vadd.f32 v40, v37  }
0x20a: {  	v41 =	vld [tilespmem:s6+$0x10A0];
	[tilespmem:s31+$0xCCF0] =	vst v8  }
0x20b: {  	v8 =	vld [tilespmem:s7+$0x100];
	v6 =	vadd.f32 v6, v7  }
0x20c: {  	v44 =	vld [tilespmem:s6+$0x40A0]  }
0x20d: {  	[tilespmem:s6+$0xD090] =	vst v6  }
0x20e: {  	v9 =	vadd.f32 v43, v42;
	v6 =	vld [tilespmem:s0+$0x120];
	_ =	sdelay $0x1  }
0x20f: {  	v46 =	vld [tilespmem:s31+$0x1090];
	v8 =	vadd.f32 v8, v9  }
0x210: {  	v47 =	vld [tilespmem:s31+$0x4090];
	v7 =	vadd.f32 v44, v41  }
0x211: {  	v45 =	vld [tilespmem:s6+$0x10B0];
	[tilespmem:s31+$0xD080] =	vst v8  }
0x212: {  	v8 =	vld [tilespmem:s7+$0x110];
	v6 =	vadd.f32 v6, v7  }
0x213: {  	v48 =	vld [tilespmem:s6+$0x40B0]  }
0x214: {  	[tilespmem:s6+$0xD0A0] =	vst v6  }
0x215: {  	v9 =	vadd.f32 v47, v46;
	v6 =	vld [tilespmem:s0+$0x130];
	_ =	sdelay $0x1  }
0x216: {  	v50 =	vld [tilespmem:s31+$0x10A0];
	v8 =	vadd.f32 v8, v9  }
0x217: {  	v51 =	vld [tilespmem:s31+$0x40A0];
	v7 =	vadd.f32 v48, v45  }
0x218: {  	v49 =	vld [tilespmem:s6+$0x10C0];
	[tilespmem:s31+$0xD090] =	vst v8  }
0x219: {  	v8 =	vld [tilespmem:s7+$0x120];
	v6 =	vadd.f32 v6, v7  }
0x21a: {  	v52 =	vld [tilespmem:s6+$0x40C0]  }
0x21b: {  	v53 =	vld [tilespmem:s26+$0x3CD0];
	[tilespmem:s6+$0xD0B0] =	vst v6  }
0x21c: {  	v9 =	vadd.f32 v51, v50;
	v6 =	vld [tilespmem:s0+$0x140]  }
0x21d: {  	v4 =	vadd.f32 v55, v54;
	v54 =	vld [tilespmem:s6+$0x10D0]  }
0x21e: {  	v55 =	vld [tilespmem:s31+$0x10B0];
	v8 =	vadd.f32 v8, v9  }
0x21f: {  	v3 =	vadd.f32 v3, v4;
	v56 =	vld [tilespmem:s31+$0x40B0];
	v7 =	vadd.f32 v52, v49  }
0x220: {  	v59 =	vld [tilespmem:s26+$0xCE0];
	[tilespmem:s31+$0xD0A0] =	vst v8  }
0x221: {  	[tilespmem:s26+$0xCCC0] =	vst v3;
	v3 =	vld [tilespmem:s7+$0x130];
	v6 =	vadd.f32 v6, v7  }
0x222: {  	v57 =	vld [tilespmem:s6+$0x40D0]  }
0x223: {  	v12 =	vld [tilespmem:s26+$0xCD0];
	[tilespmem:s6+$0xD0C0] =	vst v6  }
0x224: {  	v4 =	vadd.f32 v56, v55;
	v6 =	vld [tilespmem:s0+$0x150]  }
0x225: {  	v58 =	vld [tilespmem:s29+$0x50]  }
0x226: {  	v61 =	vld [tilespmem:s31+$0x10C0];
	v3 =	vadd.f32 v3, v4  }
0x227: {  	v5 =	vadd.f32 v57, v54;
	v63 =	vld [tilespmem:s31+$0x40C0]  }
0x228: {  	v60 =	vld [tilespmem:s6+$0x10E0];
	v62 =	vadd.f32 v53, v12;
	[tilespmem:s31+$0xD0B0] =	vst v3  }
0x229: {  	v13 =	vld [tilespmem:s7+$0x140];
	v5 =	vadd.f32 v6, v5  }
0x22a: {  	v12 =	vld [tilespmem:s6+$0x40E0];
	v3 =	vadd.f32 v58, v62  }
0x22b: {  	v14 =	vld [tilespmem:s26+$0x3CE0];
	[tilespmem:s6+$0xD0D0] =	vst v5  }
0x22c: {  	v4 =	vadd.f32 v63, v61;
	[tilespmem:s26+$0xCCD0] =	vst v3;
	v3 =	vld [tilespmem:s0+$0x160]  }
0x22d: {  	v18 =	vld [tilespmem:s31+$0x40D0]  }
0x22e: {  	v19 =	vld [tilespmem:s6+$0x40F0];
	v4 =	vadd.f32 v13, v4  }
0x22f: {  	v17 =	vld [tilespmem:s31+$0x10D0];
	v6 =	vadd.f32 v12, v60  }
0x230: {  	v15 =	vld [tilespmem:s29+$0x60];
	[tilespmem:s31+$0xD0C0] =	vst v4  }
0x231: {  	v4 =	vld [tilespmem:s7+$0x150];
	v3 =	vadd.f32 v3, v6  }
0x232: {  	v16 =	vld [tilespmem:s6+$0x10F0]  }
0x233: {  	v22 =	vld [tilespmem:s31+$0x10E0];
	v8 =	vadd.f32 v14, v59;
	[tilespmem:s6+$0xD0E0] =	vst v3  }
0x234: {  	v7 =	vadd.f32 v18, v17;
	v3 =	vld [tilespmem:s0+$0x170]  }
0x235: {  	v20 =	vld [tilespmem:s26+$0xCF0];
	v5 =	vadd.f32 v15, v8  }
0x236: {  	v21 =	vld [tilespmem:s26+$0x3CF0];
	v4 =	vadd.f32 v4, v7  }
0x237: {  	v23 =	vld [tilespmem:s31+$0x40E0];
	[tilespmem:s26+$0xCCE0] =	vst v5;
	v6 =	vadd.f32 v19, v16  }
0x238: {  	v24 =	vld [tilespmem:s29+$0x70];
	[tilespmem:s31+$0xD0D0] =	vst v4  }
0x239: {  	v4 =	vld [tilespmem:s7+$0x160];
	v3 =	vadd.f32 v3, v6;
	_ =	sdelay $0x1  }
0x23a: {  	v28 =	vld [tilespmem:s31+$0x10F0];
	s29 =	sor.u32 s22, s25;
	[tilespmem:s6+$0xD0F0] =	vst v3;
	v3 =	vadd.f32 v21, v20  }
0x23b: {  	v5 =	vadd.f32 v23, v22;
	v25 =	vld [tilespmem:s29+$0xC80]  }
0x23c: {  	v26 =	vld [tilespmem:s29+$0x3C80];
	v3 =	vadd.f32 v24, v3  }
0x23d: {  	v4 =	vadd.f32 v4, v5;
	v27 =	vld [tilespmem:s21+$0x12E80]  }
0x23e: {  	[tilespmem:s26+$0xCCF0] =	vst v3;
	v3 =	vld [tilespmem:s31+$0x40F0]  }
0x23f: {  	[tilespmem:s31+$0xD0E0] =	vst v4  }
0x240: {  	v31 =	vld [tilespmem:s7+$0x170]  }
0x241: {  	v33 =	vld [tilespmem:s29+$0xC90];
	v30 =	vadd.f32 v26, v25  }
0x242: {  	v34 =	vld [tilespmem:s29+$0x3C90]  }
0x243: {  	v37 =	vld [tilespmem:s29+$0xCA0];
	v4 =	vadd.f32 v27, v30;
	v3 =	vadd.f32 v3, v28  }
0x244: {  	v40 =	vld [tilespmem:s29+$0x3CA0]  }
0x245: {  	s30 =	sadd.s32 $0x12E80, s21;
	v43 =	vld [tilespmem:s29+$0xCB0];
	[tilespmem:s29+$0xCC80] =	vst v4;
	v3 =	vadd.f32 v31, v3  }
0x246: {  	v4 =	vld [tilespmem:s30+$0x10]  }
0x247: {  	s25 =	sor.u32 s24, s25;
	v46 =	vld [tilespmem:s29+$0x3CB0];
	[tilespmem:s31+$0xD0F0] =	vst v3  }
0x248: {  	v38 =	vld [tilespmem:s25+$0xC80]  }
0x249: {  	v3 =	vadd.f32 v34, v33;
	v39 =	vld [tilespmem:s25+$0x3C80]  }
0x24a: {  	v49 =	vld [tilespmem:s29+$0xCC0]  }
0x24b: {  	s0 =	sor.u32 s17, s20;
	v41 =	vld [tilespmem:s23+$0x12E80];
	v3 =	vadd.f32 v4, v3  }
0x24c: {  	v29 =	vld [tilespmem:s0+$0xC80]  }
0x24d: {  	v32 =	vld [tilespmem:s0+$0x3C80];
	[tilespmem:s29+$0xCC90] =	vst v3  }
0x24e: {  	v3 =	vld [tilespmem:s30+$0x20];
	v7 =	vadd.f32 v39, v38  }
0x24f: {  	v35 =	vld [tilespmem:s15+$0x12F80]  }
0x250: {  	v44 =	vld [tilespmem:s25+$0xC90];
	v7 =	vadd.f32 v41, v7  }
0x251: {  	v45 =	vld [tilespmem:s25+$0x3C90];
	v4 =	vadd.f32 v40, v37  }
0x252: {  	v52 =	vld [tilespmem:s29+$0x3CC0];
	s31 =	sadd.s32 $0x12E80, s23;
	[tilespmem:s25+$0xCC80] =	vst v7  }
0x253: {  	v3 =	vadd.f32 v3, v4;
	v7 =	vld [tilespmem:s31+$0x10]  }
0x254: {  	v36 =	vld [tilespmem:s0+$0xC90];
	v8 =	vadd.f32 v32, v29  }
0x255: {  	v42 =	vld [tilespmem:s0+$0x3C90];
	[tilespmem:s29+$0xCCA0] =	vst v3  }
0x256: {  	v5 =	vadd.f32 v35, v8;
	v8 =	vadd.f32 v45, v44;
	v3 =	vld [tilespmem:s30+$0x30]  }
0x257: {  	v50 =	vld [tilespmem:s25+$0xCA0]  }
0x258: {  	s3 =	sadd.s32 $0x12F80, s15;
	[tilespmem:s0+$0xCC80] =	vst v5;
	v51 =	vld [tilespmem:s25+$0x3CA0];
	v7 =	vadd.f32 v7, v8  }
0x259: {  	v5 =	vld [tilespmem:s3+$0x10];
	v4 =	vadd.f32 v46, v43  }
0x25a: {  	v56 =	vld [tilespmem:s29+$0xCD0];
	[tilespmem:s25+$0xCC90] =	vst v7  }
0x25b: {  	v3 =	vadd.f32 v3, v4;
	v53 =	vld [tilespmem:s31+$0x20]  }
0x25c: {  	v60 =	vld [tilespmem:s29+$0x3CD0];
	v6 =	vadd.f32 v42, v36  }
0x25d: {  	v16 =	vld [tilespmem:s29+$0xCE0];
	[tilespmem:s29+$0xCCB0] =	vst v3  }
0x25e: {  	v5 =	vadd.f32 v5, v6;
	v6 =	vadd.f32 v51, v50;
	v3 =	vld [tilespmem:s30+$0x40]  }
0x25f: {  	v19 =	vld [tilespmem:s29+$0x3CE0]  }
0x260: {  	v57 =	vld [tilespmem:s25+$0xCB0];
	[tilespmem:s0+$0xCC90] =	vst v5;
	v5 =	vadd.f32 v53, v6  }
0x261: {  	v59 =	vld [tilespmem:s25+$0x3CB0];
	v4 =	vadd.f32 v52, v49  }
0x262: {  	v22 =	vld [tilespmem:s29+$0xCF0];
	[tilespmem:s25+$0xCCA0] =	vst v5  }
0x263: {  	v3 =	vadd.f32 v3, v4;
	v62 =	vld [tilespmem:s31+$0x30]  }
0x264: {  	v47 =	vld [tilespmem:s0+$0xCA0]  }
0x265: {  	v48 =	vld [tilespmem:s0+$0x3CA0];
	[tilespmem:s29+$0xCCC0] =	vst v3  }
0x266: {  	v6 =	vadd.f32 v59, v57;
	v3 =	vld [tilespmem:s30+$0x50]  }
0x267: {  	v17 =	vld [tilespmem:s25+$0xCC0]  }
0x268: {  	v54 =	vld [tilespmem:s3+$0x20];
	v6 =	vadd.f32 v62, v6  }
0x269: {  	v18 =	vld [tilespmem:s25+$0x3CC0];
	v4 =	vadd.f32 v60, v56  }
0x26a: {  	v55 =	vld [tilespmem:s0+$0xCB0];
	[tilespmem:s25+$0xCCB0] =	vst v6  }
0x26b: {  	v58 =	vadd.f32 v48, v47;
	v3 =	vadd.f32 v3, v4;
	v6 =	vld [tilespmem:s31+$0x40]  }
0x26c: {  	v63 =	vld [tilespmem:s0+$0x3CB0]  }
0x26d: {  	v20 =	vld [tilespmem:s0+$0xCC0];
	v61 =	vadd.f32 v54, v58;
	[tilespmem:s29+$0xCCD0] =	vst v3  }
0x26e: {  	v7 =	vadd.f32 v18, v17;
	v3 =	vld [tilespmem:s30+$0x60]  }
0x26f: {  	v23 =	vld [tilespmem:s25+$0xCD0];
	[tilespmem:s0+$0xCCA0] =	vst v61  }
0x270: {  	v5 =	vld [tilespmem:s3+$0x30];
	v6 =	vadd.f32 v6, v7  }
0x271: {  	v24 =	vld [tilespmem:s25+$0x3CD0];
	v4 =	vadd.f32 v19, v16  }
0x272: {  	v21 =	vld [tilespmem:s0+$0x3CC0];
	[tilespmem:s25+$0xCCC0] =	vst v6  }
0x273: {  	v9 =	vadd.f32 v63, v55;
	v3 =	vadd.f32 v3, v4;
	v26 =	vld [tilespmem:s31+$0x50]  }
0x274: {  	v25 =	vld [tilespmem:s29+$0x3CF0]  }
0x275: {  	v28 =	vld [tilespmem:s0+$0xCD0];
	v5 =	vadd.f32 v5, v9;
	[tilespmem:s29+$0xCCE0] =	vst v3  }
0x276: {  	v7 =	vadd.f32 v24, v23;
	v3 =	vld [tilespmem:s30+$0x70]  }
0x277: {  	v29 =	vld [tilespmem:s25+$0xCE0];
	[tilespmem:s0+$0xCCB0] =	vst v5  }
0x278: {  	v27 =	vld [tilespmem:s3+$0x40];
	v5 =	vadd.f32 v26, v7  }
0x279: {  	v30 =	vld [tilespmem:s25+$0x3CE0];
	v4 =	vadd.f32 v25, v22  }
0x27a: {  	v31 =	vld [tilespmem:s0+$0x3CD0];
	[tilespmem:s25+$0xCCD0] =	vst v5  }
0x27b: {  	v8 =	vadd.f32 v21, v20;
	v3 =	vadd.f32 v3, v4;
	v32 =	vld [tilespmem:s31+$0x60]  }
0x27c: {  	v36 =	vld [tilespmem:s25+$0xCF0]  }
0x27d: {  	v37 =	vld [tilespmem:s25+$0x3CF0];
	v6 =	vadd.f32 v27, v8;
	[tilespmem:s29+$0xCCF0] =	vst v3;
	s29 =	sor.u32 s22, s20  }
0x27e: {  	v7 =	vadd.f32 v30, v29;
	v3 =	vld [tilespmem:s29+$0xC80]  }
0x27f: {  	[tilespmem:s0+$0xCCC0] =	vst v6;
	v34 =	vld [tilespmem:s29+$0x3C80]  }
0x280: {  	v33 =	vld [tilespmem:s3+$0x50];
	v4 =	vadd.f32 v32, v7  }
0x281: {  	v35 =	vld [tilespmem:s21+$0x12F80]  }
0x282: {  	[tilespmem:s25+$0xCCE0] =	vst v4  }
0x283: {  	v9 =	vadd.f32 v31, v28;
	v4 =	vld [tilespmem:s31+$0x70]  }
0x284: {  	v3 =	vadd.f32 v34, v3  }
0x285: {  	v38 =	vld [tilespmem:s0+$0xCE0];
	v5 =	vadd.f32 v33, v9  }
0x286: {  	v39 =	vld [tilespmem:s0+$0x3CE0];
	v7 =	vadd.f32 v37, v36;
	v3 =	vadd.f32 v35, v3  }
0x287: {  	[tilespmem:s0+$0xCCD0] =	vst v5;
	v41 =	vld [tilespmem:s29+$0xC90]  }
0x288: {  	v42 =	vld [tilespmem:s29+$0x3C90];
	[tilespmem:s29+$0xCC80] =	vst v3;
	v3 =	vadd.f32 v4, v7  }
0x289: {  	s30 =	sadd.s32 $0x12F80, s21;
	v40 =	vld [tilespmem:s3+$0x60]  }
0x28a: {  	s20 =	sor.u32 s24, s20;
	v44 =	vld [tilespmem:s30+$0x10];
	[tilespmem:s25+$0xCCF0] =	vst v3  }
0x28b: {  	v46 =	vld [tilespmem:s20+$0xC80]  }
0x28c: {  	v3 =	vadd.f32 v39, v38;
	v47 =	vld [tilespmem:s20+$0x3C80]  }
0x28d: {  	v8 =	vadd.f32 v42, v41  }
0x28e: {  	v49 =	vld [tilespmem:s23+$0x12F80];
	v3 =	vadd.f32 v40, v3  }
0x28f: {  	v48 =	vld [tilespmem:s29+$0xCA0];
	v4 =	vadd.f32 v44, v8  }
0x290: {  	[tilespmem:s0+$0xCCE0] =	vst v3;
	v3 =	vld [tilespmem:s29+$0x3CA0]  }
0x291: {  	v45 =	vld [tilespmem:s0+$0x3CF0];
	[tilespmem:s29+$0xCC90] =	vst v4;
	v5 =	vadd.f32 v47, v46  }
0x292: {  	v4 =	vld [tilespmem:s30+$0x20]  }
0x293: {  	v51 =	vld [tilespmem:s20+$0xC90];
	v5 =	vadd.f32 v49, v5  }
0x294: {  	v52 =	vld [tilespmem:s20+$0x3C90]  }
0x295: {  	v43 =	vld [tilespmem:s0+$0xCF0];
	s31 =	sadd.s32 $0x12F80, s23;
	v3 =	vadd.f32 v3, v48;
	[tilespmem:s20+$0xCC80] =	vst v5  }
0x296: {  	v54 =	vld [tilespmem:s31+$0x10]  }
0x297: {  	v53 =	vld [tilespmem:s29+$0xCB0];
	v3 =	vadd.f32 v4, v3  }
0x298: {  	v55 =	vld [tilespmem:s29+$0x3CB0]  }
0x299: {  	v57 =	vld [tilespmem:s20+$0xCA0];
	v6 =	vadd.f32 v52, v51;
	[tilespmem:s29+$0xCCA0] =	vst v3  }
0x29a: {  	v3 =	vld [tilespmem:s30+$0x30]  }
0x29b: {  	v58 =	vld [tilespmem:s20+$0x3CA0];
	v4 =	vadd.f32 v54, v6  }
0x29c: {  	v50 =	vld [tilespmem:s3+$0x70]  }
0x29d: {  	v59 =	vld [tilespmem:s29+$0xCC0];
	v5 =	vadd.f32 v55, v53;
	[tilespmem:s20+$0xCC90] =	vst v4  }
0x29e: {  	v4 =	vld [tilespmem:s31+$0x20]  }
0x29f: {  	v60 =	vld [tilespmem:s29+$0x3CC0];
	v7 =	vadd.f32 v45, v43;
	v3 =	vadd.f32 v3, v5  }
0x2a0: {  	v13 =	vld [tilespmem:s29+$0xCD0]  }
0x2a1: {  	v63 =	vld [tilespmem:s20+$0xCB0];
	v7 =	vadd.f32 v50, v7;
	v6 =	vadd.f32 v58, v57;
	[tilespmem:s29+$0xCCB0] =	vst v3  }
0x2a2: {  	v3 =	vld [tilespmem:s30+$0x40]  }
0x2a3: {  	v12 =	vld [tilespmem:s20+$0x3CB0];
	[tilespmem:s0+$0xCCF0] =	vst v7;
	s0 =	sor.u32 s17, s19;
	v4 =	vadd.f32 v4, v6  }
0x2a4: {  	v7 =	vld [tilespmem:s0+$0xC80]  }
0x2a5: {  	v56 =	vld [tilespmem:s0+$0x3C80];
	v5 =	vadd.f32 v60, v59;
	[tilespmem:s20+$0xCCA0] =	vst v4  }
0x2a6: {  	v4 =	vld [tilespmem:s31+$0x30]  }
0x2a7: {  	v15 =	vld [tilespmem:s29+$0x3CD0];
	v3 =	vadd.f32 v3, v5  }
0x2a8: {  	v61 =	vld [tilespmem:s15+$0x13080]  }
0x2a9: {  	v21 =	vld [tilespmem:s29+$0xCE0];
	v17 =	vadd.f32 v12, v63;
	[tilespmem:s29+$0xCCC0] =	vst v3  }
0x2aa: {  	v3 =	vld [tilespmem:s30+$0x50]  }
0x2ab: {  	v19 =	vld [tilespmem:s20+$0xCC0];
	v7 =	vadd.f32 v56, v7;
	v4 =	vadd.f32 v4, v17  }
0x2ac: {  	v20 =	vld [tilespmem:s20+$0x3CC0]  }
0x2ad: {  	v22 =	vld [tilespmem:s29+$0x3CE0];
	v14 =	vadd.f32 v61, v7;
	v7 =	vadd.f32 v15, v13;
	[tilespmem:s20+$0xCCB0] =	vst v4  }
0x2ae: {  	v4 =	vld [tilespmem:s31+$0x40]  }
0x2af: {  	v27 =	vld [tilespmem:s29+$0xCF0];
	v3 =	vadd.f32 v3, v7  }
0x2b0: {  	v25 =	vld [tilespmem:s20+$0xCD0]  }
0x2b1: {  	v62 =	vld [tilespmem:s0+$0xC90];
	v5 =	vadd.f32 v20, v19;
	[tilespmem:s29+$0xCCD0] =	vst v3  }
0x2b2: {  	v3 =	vld [tilespmem:s30+$0x60]  }
0x2b3: {  	v16 =	vld [tilespmem:s0+$0x3C90];
	v4 =	vadd.f32 v4, v5  }
0x2b4: {  	v26 =	vld [tilespmem:s20+$0x3CD0];
	s3 =	sadd.s32 $0x13080, s15;
	[tilespmem:s0+$0xCC80] =	vst v14  }
0x2b5: {  	v18 =	vld [tilespmem:s3+$0x10];
	v7 =	vadd.f32 v22, v21;
	[tilespmem:s20+$0xCCC0] =	vst v4  }
0x2b6: {  	v4 =	vld [tilespmem:s31+$0x50]  }
0x2b7: {  	v28 =	vld [tilespmem:s29+$0x3CF0];
	v3 =	vadd.f32 v3, v7  }
0x2b8: {  	v30 =	vld [tilespmem:s20+$0xCE0];
	v9 =	vadd.f32 v16, v62  }
0x2b9: {  	v31 =	vld [tilespmem:s20+$0x3CE0];
	v5 =	vadd.f32 v26, v25;
	[tilespmem:s29+$0xCCE0] =	vst v3  }
0x2ba: {  	v6 =	vadd.f32 v18, v9;
	v3 =	vld [tilespmem:s30+$0x70]  }
0x2bb: {  	v35 =	vld [tilespmem:s20+$0xCF0];
	v4 =	vadd.f32 v4, v5  }
0x2bc: {  	v23 =	vld [tilespmem:s0+$0xCA0];
	[tilespmem:s0+$0xCC90] =	vst v6  }
0x2bd: {  	v24 =	vld [tilespmem:s0+$0x3CA0];
	v6 =	vadd.f32 v28, v27;
	[tilespmem:s20+$0xCCD0] =	vst v4  }
0x2be: {  	v4 =	vld [tilespmem:s31+$0x60]  }
0x2bf: {  	v36 =	vld [tilespmem:s20+$0x3CF0];
	v3 =	vadd.f32 v3, v6  }
0x2c0: {  	v29 =	vld [tilespmem:s3+$0x20]  }
0x2c1: {  	s26 =	sor.u32 s22, s19;
	v32 =	vld [tilespmem:s0+$0xCB0];
	v5 =	vadd.f32 v31, v30;
	[tilespmem:s29+$0xCCF0] =	vst v3  }
0x2c2: {  	v3 =	vld [tilespmem:s26+$0xC80]  }
0x2c3: {  	v8 =	vadd.f32 v24, v23;
	v34 =	vld [tilespmem:s26+$0x3C80];
	v4 =	vadd.f32 v4, v5  }
0x2c4: {  	v33 =	vld [tilespmem:s0+$0x3CB0]  }
0x2c5: {  	v7 =	vadd.f32 v29, v8;
	v37 =	vld [tilespmem:s21+$0x13080];
	[tilespmem:s20+$0xCCE0] =	vst v4  }
0x2c6: {  	v39 =	vld [tilespmem:s31+$0x70]  }
0x2c7: {  	v40 =	vld [tilespmem:s0+$0xCC0];
	[tilespmem:s0+$0xCCA0] =	vst v7  }
0x2c8: {  	v7 =	vld [tilespmem:s3+$0x30];
	v3 =	vadd.f32 v34, v3  }
0x2c9: {  	v41 =	vld [tilespmem:s0+$0x3CC0];
	v5 =	vadd.f32 v36, v35  }
0x2ca: {  	v43 =	vld [tilespmem:s26+$0xC90];
	v3 =	vadd.f32 v37, v3  }
0x2cb: {  	v6 =	vadd.f32 v33, v32;
	v44 =	vld [tilespmem:s26+$0x3C90];
	v5 =	vadd.f32 v39, v5  }
0x2cc: {  	v45 =	vld [tilespmem:s0+$0xCD0];
	s29 =	sadd.s32 $0x13080, s21;
	[tilespmem:s26+$0xCC80] =	vst v3  }
0x2cd: {  	s30 =	sor.u32 s24, s19;
	v38 =	vadd.f32 v7, v6;
	v3 =	vld [tilespmem:s29+$0x10];
	[tilespmem:s20+$0xCCF0] =	vst v5  }
0x2ce: {  	v5 =	vld [tilespmem:s30+$0xC80]  }
0x2cf: {  	[tilespmem:s0+$0xCCB0] =	vst v38;
	v46 =	vld [tilespmem:s30+$0x3C80]  }
0x2d0: {  	v42 =	vld [tilespmem:s3+$0x40];
	v8 =	vadd.f32 v44, v43  }
0x2d1: {  	v48 =	vld [tilespmem:s23+$0x13080]  }
0x2d2: {  	v49 =	vld [tilespmem:s26+$0xCA0];
	v3 =	vadd.f32 v3, v8  }
0x2d3: {  	v50 =	vld [tilespmem:s26+$0x3CA0];
	v4 =	vadd.f32 v41, v40  }
0x2d4: {  	v47 =	vld [tilespmem:s0+$0x3CD0];
	[tilespmem:s26+$0xCC90] =	vst v3;
	v3 =	vadd.f32 v46, v5  }
0x2d5: {  	v4 =	vadd.f32 v42, v4;
	v52 =	vld [tilespmem:s29+$0x20]  }
0x2d6: {  	v53 =	vld [tilespmem:s30+$0xC90];
	v3 =	vadd.f32 v48, v3  }
0x2d7: {  	[tilespmem:s0+$0xCCC0] =	vst v4;
	v54 =	vld [tilespmem:s30+$0x3C90]  }
0x2d8: {  	v55 =	vld [tilespmem:s0+$0xCE0];
	s31 =	sadd.s32 $0x13080, s23;
	v4 =	vadd.f32 v50, v49;
	[tilespmem:s30+$0xCC80] =	vst v3  }
0x2d9: {  	v3 =	vld [tilespmem:s31+$0x10]  }
0x2da: {  	v56 =	vld [tilespmem:s26+$0xCB0];
	v4 =	vadd.f32 v52, v4  }
0x2db: {  	v57 =	vld [tilespmem:s26+$0x3CB0]  }
0x2dc: {  	v51 =	vld [tilespmem:s3+$0x50];
	v59 =	vadd.f32 v54, v53;
	[tilespmem:s26+$0xCCA0] =	vst v4  }
0x2dd: {  	v60 =	vld [tilespmem:s29+$0x30]  }
0x2de: {  	v61 =	vld [tilespmem:s30+$0xCA0];
	v3 =	vadd.f32 v3, v59  }
0x2df: {  	v6 =	vadd.f32 v47, v45;
	v62 =	vld [tilespmem:s30+$0x3CA0]  }
0x2e0: {  	v58 =	vld [tilespmem:s0+$0x3CE0];
	v5 =	vadd.f32 v57, v56;
	[tilespmem:s30+$0xCC90] =	vst v3  }
0x2e1: {  	v6 =	vadd.f32 v51, v6;
	v3 =	vld [tilespmem:s31+$0x20]  }
0x2e2: {  	v16 =	vld [tilespmem:s26+$0xCC0];
	v5 =	vadd.f32 v60, v5  }
0x2e3: {  	v17 =	vld [tilespmem:s26+$0x3CC0];
	[tilespmem:s0+$0xCCD0] =	vst v6  }
0x2e4: {  	v63 =	vld [tilespmem:s3+$0x60];
	v4 =	vadd.f32 v62, v61;
	[tilespmem:s26+$0xCCB0] =	vst v5  }
0x2e5: {  	v5 =	vld [tilespmem:s29+$0x40]  }
0x2e6: {  	v19 =	vld [tilespmem:s30+$0xCB0];
	v3 =	vadd.f32 v3, v4  }
0x2e7: {  	v20 =	vadd.f32 v58, v55;
	v21 =	vld [tilespmem:s30+$0x3CB0]  }
0x2e8: {  	v7 =	vadd.f32 v17, v16;
	[tilespmem:s30+$0xCCA0] =	vst v3  }
0x2e9: {  	v3 =	vadd.f32 v63, v20;
	v23 =	vld [tilespmem:s31+$0x30]  }
0x2ea: {  	v24 =	vld [tilespmem:s26+$0xCD0];
	v5 =	vadd.f32 v5, v7  }
0x2eb: {  	[tilespmem:s0+$0xCCE0] =	vst v3;
	v3 =	vld [tilespmem:s26+$0x3CD0]  }
0x2ec: {  	v4 =	vadd.f32 v21, v19;
	[tilespmem:s26+$0xCCC0] =	vst v5  }
0x2ed: {  	v5 =	vld [tilespmem:s29+$0x50]  }
0x2ee: {  	v26 =	vld [tilespmem:s30+$0xCC0];
	v4 =	vadd.f32 v23, v4  }
0x2ef: {  	v28 =	vld [tilespmem:s30+$0x3CC0]  }
0x2f0: {  	v3 =	vadd.f32 v3, v24;
	[tilespmem:s30+$0xCCB0] =	vst v4  }
0x2f1: {  	v30 =	vld [tilespmem:s31+$0x40]  }
0x2f2: {  	v3 =	vadd.f32 v5, v3  }
0x2f3: {  	v18 =	vld [tilespmem:s0+$0xCF0]  }
0x2f4: {  	v22 =	vld [tilespmem:s0+$0x3CF0];
	[tilespmem:s26+$0xCCD0] =	vst v3;
	v3 =	vadd.f32 v28, v26  }
0x2f5: {  	v35 =	vld [tilespmem:s30+$0xCD0]  }
0x2f6: {  	v36 =	vld [tilespmem:s30+$0x3CD0];
	v3 =	vadd.f32 v30, v3  }
0x2f7: {  	v25 =	vld [tilespmem:s3+$0x70]  }
0x2f8: {  	v31 =	vld [tilespmem:s26+$0xCE0];
	[tilespmem:s30+$0xCCC0] =	vst v3  }
0x2f9: {  	v3 =	vld [tilespmem:s31+$0x50]  }
0x2fa: {  	v27 =	vadd.f32 v22, v18;
	v32 =	vld [tilespmem:s26+$0x3CE0]  }
0x2fb: {  	v47 =	vld [tilespmem:s26+$0xCF0]  }
0x2fc: {  	v42 =	vld [tilespmem:s30+$0xCE0];
	v39 =	vadd.f32 v36, v35;
	v29 =	vadd.f32 v25, v27  }
0x2fd: {  	v34 =	vld [tilespmem:s29+$0x60]  }
0x2fe: {  	s20 =	sor.u32 s17, s18;
	v43 =	vld [tilespmem:s30+$0x3CE0];
	[tilespmem:s0+$0xCCF0] =	vst v29;
	v3 =	vadd.f32 v3, v39  }
0x2ff: {  	v33 =	vld [tilespmem:s20+$0xC80]  }
0x300: {  	v4 =	vadd.f32 v32, v31;
	v37 =	vld [tilespmem:s20+$0x3C80];
	[tilespmem:s30+$0xCCD0] =	vst v3  }
0x301: {  	v3 =	vld [tilespmem:s31+$0x60]  }
0x302: {  	v49 =	vld [tilespmem:s30+$0xCF0];
	v4 =	vadd.f32 v34, v4  }
0x303: {  	v38 =	vld [tilespmem:s15+$0x13180]  }
0x304: {  	v48 =	vld [tilespmem:s26+$0x3CF0];
	[tilespmem:s26+$0xCCE0] =	vst v4;
	v4 =	vadd.f32 v43, v42  }
0x305: {  	v50 =	vld [tilespmem:s30+$0x3CF0]  }
0x306: {  	v41 =	vadd.f32 v37, v33;
	v40 =	vld [tilespmem:s29+$0x70];
	v3 =	vadd.f32 v3, v4  }
0x307: {  	v44 =	vld [tilespmem:s20+$0xC90]  }
0x308: {  	v45 =	vld [tilespmem:s20+$0x3C90];
	v5 =	vadd.f32 v38, v41;
	[tilespmem:s30+$0xCCE0] =	vst v3  }
0x309: {  	v51 =	vadd.f32 v48, v47;
	v3 =	vld [tilespmem:s31+$0x70]  }
0x30a: {  	s25 =	sadd.s32 $0x13180, s15;
	v52 =	vld [tilespmem:s20+$0xCA0];
	[tilespmem:s20+$0xCC80] =	vst v5  }
0x30b: {  	v46 =	vld [tilespmem:s25+$0x10];
	v6 =	vadd.f32 v40, v51  }
0x30c: {  	v53 =	vld [tilespmem:s20+$0x3CA0];
	v4 =	vadd.f32 v50, v49  }
0x30d: {  	v55 =	vld [tilespmem:s20+$0xCB0];
	[tilespmem:s26+$0xCCF0] =	vst v6;
	s26 =	sor.u32 s22, s18  }
0x30e: {  	v5 =	vadd.f32 v45, v44;
	v56 =	vld [tilespmem:s26+$0xC80];
	v3 =	vadd.f32 v3, v4  }
0x30f: {  	v6 =	vld [tilespmem:s26+$0x3C80]  }
0x310: {  	s29 =	sor.u32 s24, s18;
	v5 =	vadd.f32 v46, v5;
	v59 =	vld [tilespmem:s21+$0x13180];
	[tilespmem:s30+$0xCCF0] =	vst v3  }
0x311: {  	v57 =	vld [tilespmem:s29+$0xC80]  }
0x312: {  	[tilespmem:s20+$0xCC90] =	vst v5;
	v58 =	vld [tilespmem:s29+$0x3C80]  }
0x313: {  	v54 =	vld [tilespmem:s25+$0x20]  }
0x314: {  	v60 =	vld [tilespmem:s23+$0x13180]  }
0x315: {  	v19 =	vld [tilespmem:s20+$0xCC0];
	v4 =	vadd.f32 v6, v56  }
0x316: {  	v62 =	vld [tilespmem:s26+$0xC90];
	v3 =	vadd.f32 v53, v52  }
0x317: {  	v63 =	vld [tilespmem:s26+$0x3C90];
	v4 =	vadd.f32 v59, v4;
	v5 =	vadd.f32 v58, v57  }
0x318: {  	v16 =	vld [tilespmem:s29+$0xC90];
	v3 =	vadd.f32 v54, v3  }
0x319: {  	s30 =	sadd.s32 $0x13180, s21;
	v17 =	vld [tilespmem:s29+$0x3C90];
	[tilespmem:s26+$0xCC80] =	vst v4;
	v5 =	vadd.f32 v60, v5  }
0x31a: {  	v18 =	vld [tilespmem:s30+$0x10];
	[tilespmem:s20+$0xCCA0] =	vst v3  }
0x31b: {  	s31 =	sadd.s32 $0x13180, s23;
	v3 =	vld [tilespmem:s20+$0x3CB0];
	[tilespmem:s29+$0xCC80] =	vst v5  }
0x31c: {  	v5 =	vld [tilespmem:s31+$0x10]  }
0x31d: {  	v61 =	vld [tilespmem:s25+$0x30]  }
0x31e: {  	v20 =	vld [tilespmem:s20+$0x3CC0];
	v6 =	vadd.f32 v63, v62  }
0x31f: {  	v21 =	vld [tilespmem:s26+$0xCA0];
	v4 =	vadd.f32 v17, v16  }
0x320: {  	v22 =	vld [tilespmem:s26+$0x3CA0];
	v6 =	vadd.f32 v18, v6;
	v3 =	vadd.f32 v3, v55  }
0x321: {  	v23 =	vld [tilespmem:s29+$0xCA0];
	v4 =	vadd.f32 v5, v4  }
0x322: {  	v24 =	vld [tilespmem:s29+$0x3CA0];
	[tilespmem:s26+$0xCC90] =	vst v6;
	v3 =	vadd.f32 v61, v3  }
0x323: {  	v25 =	vld [tilespmem:s30+$0x20];
	[tilespmem:s29+$0xCC90] =	vst v4  }
0x324: {  	[tilespmem:s20+$0xCCB0] =	vst v3;
	v3 =	vld [tilespmem:s31+$0x20]  }
0x325: {  	v27 =	vld [tilespmem:s20+$0xCD0]  }
0x326: {  	v34 =	vld [tilespmem:s20+$0x3CD0];
	v8 =	vadd.f32 v22, v21  }
0x327: {  	v28 =	vld [tilespmem:s26+$0xCB0];
	v5 =	vadd.f32 v24, v23  }
0x328: {  	v30 =	vld [tilespmem:s26+$0x3CB0];
	v29 =	vadd.f32 v25, v8  }
0x329: {  	v31 =	vld [tilespmem:s29+$0xCB0];
	v3 =	vadd.f32 v3, v5  }
0x32a: {  	v32 =	vld [tilespmem:s29+$0x3CB0];
	[tilespmem:s26+$0xCCA0] =	vst v29  }
0x32b: {  	v33 =	vld [tilespmem:s30+$0x30];
	[tilespmem:s29+$0xCCA0] =	vst v3  }
0x32c: {  	v3 =	vld [tilespmem:s31+$0x30]  }
0x32d: {  	v42 =	vld [tilespmem:s20+$0xCE0]  }
0x32e: {  	v36 =	vld [tilespmem:s26+$0xCC0];
	v8 =	vadd.f32 v30, v28  }
0x32f: {  	v38 =	vld [tilespmem:s26+$0x3CC0];
	v5 =	vadd.f32 v32, v31  }
0x330: {  	v39 =	vld [tilespmem:s29+$0xCC0];
	v37 =	vadd.f32 v33, v8  }
0x331: {  	v26 =	vld [tilespmem:s25+$0x40];
	v3 =	vadd.f32 v3, v5  }
0x332: {  	v40 =	vld [tilespmem:s29+$0x3CC0];
	[tilespmem:s26+$0xCCB0] =	vst v37  }
0x333: {  	v41 =	vld [tilespmem:s30+$0x40];
	[tilespmem:s29+$0xCCB0] =	vst v3  }
0x334: {  	v7 =	vadd.f32 v20, v19;
	v3 =	vld [tilespmem:s31+$0x40]  }
0x335: {  	v43 =	vld [tilespmem:s20+$0x3CE0]  }
0x336: {  	v44 =	vld [tilespmem:s26+$0xCD0];
	v4 =	vadd.f32 v26, v7;
	v7 =	vadd.f32 v38, v36  }
0x337: {  	v45 =	vld [tilespmem:s26+$0x3CD0];
	v5 =	vadd.f32 v40, v39  }
0x338: {  	v46 =	vld [tilespmem:s29+$0xCD0];
	v7 =	vadd.f32 v41, v7  }
0x339: {  	v47 =	vld [tilespmem:s29+$0x3CD0];
	[tilespmem:s20+$0xCCC0] =	vst v4;
	v3 =	vadd.f32 v3, v5  }
0x33a: {  	v35 =	vld [tilespmem:s25+$0x50];
	[tilespmem:s26+$0xCCC0] =	vst v7  }
0x33b: {  	v48 =	vld [tilespmem:s30+$0x50];
	[tilespmem:s29+$0xCCC0] =	vst v3  }
0x33c: {  	v3 =	vld [tilespmem:s31+$0x50]  }
0x33d: {  	v51 =	vld [tilespmem:s26+$0x3CE0];
	v4 =	vadd.f32 v34, v27  }
0x33e: {  	v49 =	vld [tilespmem:s20+$0xCF0];
	v6 =	vadd.f32 v45, v44  }
0x33f: {  	v50 =	vld [tilespmem:s26+$0xCE0];
	v4 =	vadd.f32 v35, v4;
	v5 =	vadd.f32 v47, v46  }
0x340: {  	v52 =	vld [tilespmem:s29+$0xCE0];
	v6 =	vadd.f32 v48, v6  }
0x341: {  	v53 =	vld [tilespmem:s29+$0x3CE0];
	[tilespmem:s20+$0xCCD0] =	vst v4;
	v3 =	vadd.f32 v3, v5  }
0x342: {  	v4 =	vld [tilespmem:s25+$0x60];
	[tilespmem:s26+$0xCCD0] =	vst v6  }
0x343: {  	v54 =	vld [tilespmem:s30+$0x60];
	[tilespmem:s29+$0xCCD0] =	vst v3  }
0x344: {  	v3 =	vld [tilespmem:s31+$0x60]  }
0x345: {  	v9 =	vadd.f32 v43, v42;
	v59 =	vld [tilespmem:s26+$0x3CF0]  }
0x346: {  	v57 =	vld [tilespmem:s26+$0xCF0];
	v7 =	vadd.f32 v51, v50  }
0x347: {  	v60 =	vld [tilespmem:s29+$0xCF0];
	v4 =	vadd.f32 v4, v9;
	v5 =	vadd.f32 v53, v52  }
0x348: {  	v55 =	vld [tilespmem:s20+$0x3CF0];
	v58 =	vadd.f32 v54, v7  }
0x349: {  	v61 =	vld [tilespmem:s29+$0x3CF0];
	[tilespmem:s20+$0xCCE0] =	vst v4;
	v3 =	vadd.f32 v3, v5  }
0x34a: {  	v56 =	vld [tilespmem:s25+$0x70];
	[tilespmem:s26+$0xCCE0] =	vst v58  }
0x34b: {  	v62 =	vld [tilespmem:s30+$0x70];
	[tilespmem:s29+$0xCCE0] =	vst v3  }
0x34c: {  	v3 =	vld [tilespmem:s31+$0x70]  }
0x34d: {  	v4 =	vadd.f32 v55, v49  }
0x34e: {  	p1 =	slt.u32 s16, $0xC;
	v7 =	vadd.f32 v59, v57  }
.Ltmp2:
0x34f: {  	v4 =	vadd.f32 v56, v4;
	v5 =	vadd.f32 v61, v60;
	(pc) =	sbr.rel @p1 .LBB2_3-.Ltmp2, $4  }
0x350: {  	v63 =	vadd.f32 v62, v7  }
0x351: {  	[tilespmem:s20+$0xCCF0] =	vst v4;
	v3 =	vadd.f32 v3, v5  }
0x352: {  	[tilespmem:s26+$0xCCF0] =	vst v63  }
0x353: {  	s1 =	sadd.s32 $0x4, s1;
	s9 =	sadd.s32 $0x200, s9;
	[tilespmem:s29+$0xCCF0] =	vst v3  }
0x354: {  	s0 =	rddreg [dreg:$0x6]  }
0x355: {  	s0 =	sor.u32 s0, s8  }
0x356: {  	s0 =	sshrl.u32 s0, $0x3  }
0x357: {  	s0 =	smul.u32 $0x300, s0  }
0x358: {  	s1 =	rddreg [dreg:$0x7]  }
0x359: {  	s29 =	simm.s32 $0xCC80;
	p1 =	seq.s32 s4, $0x1F;
	s0 =	sadd.s32 s1, s0  }
0x35a: {  	[hbm4b:s0+s5] =	stream.linear.scatter [tilespmem:s29], [sflag:$0x3], $0x3000, $0x38;
	[tilespmem:$0x13280] =	vst v63  }
0x35b: {  	v3 =	vld @!p1 [tilespmem:s8+$0x20];
	_ =	sdelay $0x4  }
0x35c: {  	v4 =	vshrl.u32 @!p1 v3, $0x3  }
0x35d: {  	v4 =	vmul.u32 @!p1 $0x30, v4  }
0x35e: {  	v5 =	vlaneseq.u32 @!p1;
	v3 =	vand.u32 @!p1 $0x7, v3  }
0x35f: {  	v6 =	vshrl.u32 @!p1 v5, $0x3;
	v3 =	vor.u32 @!p1 v3, v4;
	v4 =	vand.u32 @!p1 $0x7, v5  }
0x360: {  	v6 =	vmul.u32 @!p1 $0x8, v6;
	v7 =	vperm.xlane @!p1 v3, v4;
	_ =	sdelay $0x1  }
0x361: {  	v7 =	vadd.s32 @!p1 v6, v7;
	_ =	sdelay $0x2  }
0x362: {  	v5 =	vor.u32 @!p1 $0x8, v5  }
0x363: {  	vm1 =	vmmov @!p1 $0xffff;
	s1 =	simm.s32 @!p1 $0xC80;
	s0 =	simm.s32 @!p1 $0x0;
	v3 =	vperm.xlane @!p1 v3, v5  }
0x364: {  	[tilespmem:s1], [sflag:$0x1] =	stream.indirect_vreg.gather @!p1 [hbm4b:s28+s0], $0x80, v7, vm1, $0xb8;
	[tilespmem:$0x13280] =	vst v63  }
0x365: {  	v3 =	vadd.s32 @!p1 v6, v3;
	s1 =	simm.s32 @!p1 $0x1480  }
0x366: {  	[tilespmem:s1], [sflag:$0x1] =	stream.indirect_vreg.gather @!p1 [hbm4b:s11+s0], $0x80, v7, vm1, $0xb8;
	[tilespmem:$0x13280] =	vst v63  }
0x367: {  	s1 =	simm.s32 @!p1 $0x1C80  }
0x368: {  	[tilespmem:s1], [sflag:$0x1] =	stream.indirect_vreg.gather @!p1 [hbm4b:s12+s0], $0x80, v7, vm1, $0xb8;
	[tilespmem:$0x13280] =	vst v63  }
0x369: {  	s1 =	simm.s32 @!p1 $0x2480  }
0x36a: {  	[tilespmem:s1], [sflag:$0x1] =	stream.indirect_vreg.gather @!p1 [hbm4b:s28+s0], $0x80, v3, vm1, $0xb8;
	[tilespmem:$0x13280] =	vst v63  }
0x36b: {  	s1 =	simm.s32 @!p1 $0x2C80  }
0x36c: {  	[tilespmem:s1], [sflag:$0x1] =	stream.indirect_vreg.gather @!p1 [hbm4b:s11+s0], $0x80, v3, vm1, $0xb8;
	[tilespmem:$0x13280] =	vst v63  }
0x36d: {  	s1 =	simm.s32 @!p1 $0x3480  }
0x36e: {  	[tilespmem:s1], [sflag:$0x1] =	stream.indirect_vreg.gather @!p1 [hbm4b:s12+s0], $0x80, v3, vm1, $0xb8;
	[tilespmem:$0x13280] =	vst v63  }
0x36f: {  	v3 =	vld @!p1 [tilespmem:s8+$0x8A0];
	_ =	sdelay $0x4  }
0x370: {  	v7 =	vshrl.u32 @!p1 v3, $0x3  }
0x371: {  	v7 =	vmul.u32 @!p1 $0x30, v7  }
0x372: {  	v3 =	vand.u32 @!p1 $0x7, v3  }
0x373: {  	v3 =	vor.u32 @!p1 v3, v7  }
0x374: {  	v4 =	vperm.xlane @!p1 v3, v4;
	_ =	sdelay $0x1  }
0x375: {  	v4 =	vadd.s32 @!p1 v6, v4;
	_ =	sdelay $0x3  }
0x376: {  	s3 =	rddreg [dreg:$0x2];
	s1 =	simm.s32 @!p1 $0x3C80;
	v3 =	vperm.xlane @!p1 v3, v5  }
0x377: {  	[tilespmem:s1], [sflag:$0x1] =	stream.indirect_vreg.gather @!p1 [hbm4b:s3+s0], $0x80, v4, vm1, $0xb8;
	[tilespmem:$0x13280] =	vst v63  }
0x378: {  	v3 =	vadd.s32 @!p1 v6, v3;
	s1 =	simm.s32 @!p1 $0x4480  }
0x379: {  	[tilespmem:s1], [sflag:$0x1] =	stream.indirect_vreg.gather @!p1 [hbm4b:s13+s0], $0x80, v4, vm1, $0xb8;
	[tilespmem:$0x13280] =	vst v63  }
0x37a: {  	s1 =	simm.s32 @!p1 $0x4C80  }
0x37b: {  	[tilespmem:s1], [sflag:$0x1] =	stream.indirect_vreg.gather @!p1 [hbm4b:s14+s0], $0x80, v4, vm1, $0xb8;
	[tilespmem:$0x13280] =	vst v63  }
0x37c: {  	s1 =	simm.s32 @!p1 $0x5480  }
0x37d: {  	[tilespmem:s1], [sflag:$0x1] =	stream.indirect_vreg.gather @!p1 [hbm4b:s3+s0], $0x80, v3, vm1, $0xb8;
	[tilespmem:$0x13280] =	vst v63  }
0x37e: {  	s1 =	simm.s32 @!p1 $0x5C80  }
0x37f: {  	[tilespmem:s1], [sflag:$0x1] =	stream.indirect_vreg.gather @!p1 [hbm4b:s13+s0], $0x80, v3, vm1, $0xb8;
	[tilespmem:$0x13280] =	vst v63  }
0x380: {  	s31 =	simm.s32 $0x2;
	s1 =	simm.s32 @!p1 $0x6480  }
0x381: {  	[tilespmem:s1], [sflag:$0x1] =	stream.indirect_vreg.gather @!p1 [hbm4b:s14+s0], $0x80, v3, vm1, $0xb8;
	[tilespmem:$0x13280] =	vst v63  }
0x382: {  	_ =	swait.ge [sflag:s31], $0x3000  }
0x383: {  	[sflag:s31] =	ssyncset.done $0x0  }
0x384: {  	[sflag:s31] =	ssyncadd.s32 $0xFFFFD000  }
0x385: {  	_ =	swait.ge [sflag:s31], $0x3000  }
0x386: {  	[sflag:s31] =	ssyncset.done $0x0  }
0x387: {  	s0 =	simm.s32 @!p0 $0x4;
	[sflag:s31] =	ssyncadd.s32 $0xFFFFD000  }
0x388: {  	s30 =	smov.u32 s28;
	_ =	swait.ge @!p0 [sflag:s0], $0x3000  }
0x389: {  	s16 =	sor.u32 $0x10, s8;
	s9 =	simm.s32 $0xFFFFFFFC;
	[sflag:s0] =	ssyncset.done @!p0 $0x0  }
0x38a: {  	s15 =	smov.u32 s2;
	s1 =	simm.s32 $0x180;
	[sflag:s0] =	ssyncadd.s32 @!p0 $0xFFFFD000  }
.LBB2_5:
0x38b: {  	v3 =	vld [tilespmem:s15+$0xFFFFFFFD];
	_ =	sdelay $0x4  }
0x38c: {  	(v2sf) =	vpush v3, $0x0;
	_ =	sdelay $0xc  }
0x38d: {  	s9 =	sadd.s32 $0x4, s9  }
0x38e: {  	s0 =	sshrl.u32 s9, $0x3  }
0x38f: {  	s19 =	sadd.s32 $0xFFFFFE80, s1;
	s24 =	smul.u32 $0x1800, s0;
	s3 =	spop (v2sf)  }
0x390: {  	s23 =	sand.u32 $0x200, s19;
	s6 =	sshrl.u32 s3, $0x1  }
0x391: {  	s0 =	sor.u32 s23, s24;
	s6 =	smul.u32 $0x1800, s6  }
0x392: {  	v3 =	vld [tilespmem:s0+$0x6C80];
	s3 =	sshll.u32 s3, $0x7  }
0x393: {  	v4 =	vld [tilespmem:s0+$0x9C80];
	s3 =	sand.u32 $0x80, s3;
	s6 =	sshra.s32 s6, $0x2  }
0x394: {  	s22 =	sor.u32 s3, s6  }
0x395: {  	v5 =	vld [tilespmem:s22+$0x12C80];
	_ =	sdelay $0x2  }
0x396: {  	v3 =	vadd.f32 v4, v3;
	_ =	sdelay $0x1  }
0x397: {  	v21 =	vld [tilespmem:s0+$0x6C90];
	v3 =	vadd.f32 v5, v3  }
0x398: {  	v22 =	vld [tilespmem:s0+$0x9C90]  }
0x399: {  	s3 =	sadd.s32 $0x12C80, s22;
	[tilespmem:s0+$0xFC80] =	vst v3  }
0x39a: {  	v3 =	vld [tilespmem:s3+$0x10];
	_ =	sdelay $0x2  }
0x39b: {  	v4 =	vadd.f32 v22, v21;
	_ =	sdelay $0x1  }
0x39c: {  	v23 =	vld [tilespmem:s0+$0x6CA0];
	v3 =	vadd.f32 v3, v4  }
0x39d: {  	v24 =	vld [tilespmem:s0+$0x9CA0]  }
0x39e: {  	[tilespmem:s0+$0xFC90] =	vst v3  }
0x39f: {  	v3 =	vld [tilespmem:s3+$0x20];
	_ =	sdelay $0x2  }
0x3a0: {  	v4 =	vadd.f32 v24, v23;
	_ =	sdelay $0x1  }
0x3a1: {  	v25 =	vld [tilespmem:s0+$0x6CB0];
	v3 =	vadd.f32 v3, v4  }
0x3a2: {  	v26 =	vld [tilespmem:s0+$0x9CB0]  }
0x3a3: {  	[tilespmem:s0+$0xFCA0] =	vst v3  }
0x3a4: {  	v3 =	vld [tilespmem:s3+$0x30];
	_ =	sdelay $0x2  }
0x3a5: {  	v4 =	vadd.f32 v26, v25;
	_ =	sdelay $0x1  }
0x3a6: {  	v27 =	vld [tilespmem:s0+$0x6CC0];
	v3 =	vadd.f32 v3, v4  }
0x3a7: {  	v28 =	vld [tilespmem:s0+$0x9CC0]  }
0x3a8: {  	[tilespmem:s0+$0xFCB0] =	vst v3  }
0x3a9: {  	v3 =	vld [tilespmem:s3+$0x40];
	_ =	sdelay $0x2  }
0x3aa: {  	v4 =	vadd.f32 v28, v27;
	_ =	sdelay $0x1  }
0x3ab: {  	v29 =	vld [tilespmem:s0+$0x6CD0];
	v3 =	vadd.f32 v3, v4  }
0x3ac: {  	v30 =	vld [tilespmem:s0+$0x9CD0]  }
0x3ad: {  	[tilespmem:s0+$0xFCC0] =	vst v3  }
0x3ae: {  	v3 =	vld [tilespmem:s3+$0x50];
	_ =	sdelay $0x2  }
0x3af: {  	v4 =	vadd.f32 v30, v29;
	_ =	sdelay $0x1  }
0x3b0: {  	v31 =	vld [tilespmem:s0+$0x6CE0];
	v3 =	vadd.f32 v3, v4  }
0x3b1: {  	v32 =	vld [tilespmem:s0+$0x9CE0]  }
0x3b2: {  	[tilespmem:s0+$0xFCD0] =	vst v3  }
0x3b3: {  	v3 =	vld [tilespmem:s3+$0x60];
	_ =	sdelay $0x2  }
0x3b4: {  	v4 =	vadd.f32 v32, v31;
	_ =	sdelay $0x1  }
0x3b5: {  	v33 =	vld [tilespmem:s0+$0x6CF0];
	v3 =	vadd.f32 v3, v4  }
0x3b6: {  	v34 =	vld [tilespmem:s0+$0x9CF0]  }
0x3b7: {  	[tilespmem:s0+$0xFCE0] =	vst v3  }
0x3b8: {  	v3 =	vld [tilespmem:s3+$0x70];
	_ =	sdelay $0x2  }
0x3b9: {  	v4 =	vadd.f32 v34, v33;
	_ =	sdelay $0x1  }
0x3ba: {  	v35 =	vld [tilespmem:s0+$0x7080];
	v3 =	vadd.f32 v3, v4  }
0x3bb: {  	v36 =	vld [tilespmem:s0+$0xA080]  }
0x3bc: {  	[tilespmem:s0+$0xFCF0] =	vst v3  }
0x3bd: {  	v3 =	vld [tilespmem:s3+$0x100];
	_ =	sdelay $0x2  }
0x3be: {  	v4 =	vadd.f32 v36, v35;
	_ =	sdelay $0x1  }
0x3bf: {  	v37 =	vld [tilespmem:s0+$0x7090];
	v3 =	vadd.f32 v3, v4  }
0x3c0: {  	v38 =	vld [tilespmem:s0+$0xA090]  }
0x3c1: {  	[tilespmem:s0+$0x10080] =	vst v3  }
0x3c2: {  	v3 =	vld [tilespmem:s3+$0x110];
	_ =	sdelay $0x2  }
0x3c3: {  	v4 =	vadd.f32 v38, v37;
	_ =	sdelay $0x1  }
0x3c4: {  	v39 =	vld [tilespmem:s0+$0x70A0];
	v3 =	vadd.f32 v3, v4  }
0x3c5: {  	v40 =	vld [tilespmem:s0+$0xA0A0]  }
0x3c6: {  	[tilespmem:s0+$0x10090] =	vst v3  }
0x3c7: {  	v3 =	vld [tilespmem:s3+$0x120];
	_ =	sdelay $0x2  }
0x3c8: {  	v4 =	vadd.f32 v40, v39;
	_ =	sdelay $0x1  }
0x3c9: {  	v41 =	vld [tilespmem:s0+$0x70B0];
	v3 =	vadd.f32 v3, v4  }
0x3ca: {  	v42 =	vld [tilespmem:s0+$0xA0B0]  }
0x3cb: {  	[tilespmem:s0+$0x100A0] =	vst v3  }
0x3cc: {  	v3 =	vld [tilespmem:s3+$0x130];
	_ =	sdelay $0x2  }
0x3cd: {  	v4 =	vadd.f32 v42, v41;
	_ =	sdelay $0x1  }
0x3ce: {  	v43 =	vld [tilespmem:s0+$0x70C0];
	v3 =	vadd.f32 v3, v4  }
0x3cf: {  	v44 =	vld [tilespmem:s0+$0xA0C0]  }
0x3d0: {  	[tilespmem:s0+$0x100B0] =	vst v3  }
0x3d1: {  	v3 =	vld [tilespmem:s3+$0x140];
	_ =	sdelay $0x2  }
0x3d2: {  	v4 =	vadd.f32 v44, v43;
	_ =	sdelay $0x1  }
0x3d3: {  	v45 =	vld [tilespmem:s0+$0x70D0];
	v3 =	vadd.f32 v3, v4  }
0x3d4: {  	v46 =	vld [tilespmem:s0+$0xA0D0]  }
0x3d5: {  	[tilespmem:s0+$0x100C0] =	vst v3  }
0x3d6: {  	v3 =	vld [tilespmem:s3+$0x150];
	_ =	sdelay $0x2  }
0x3d7: {  	v4 =	vadd.f32 v46, v45;
	_ =	sdelay $0x1  }
0x3d8: {  	v47 =	vld [tilespmem:s0+$0x70E0];
	v3 =	vadd.f32 v3, v4  }
0x3d9: {  	v48 =	vld [tilespmem:s0+$0xA0E0]  }
0x3da: {  	[tilespmem:s0+$0x100D0] =	vst v3  }
0x3db: {  	v3 =	vld [tilespmem:s3+$0x160];
	_ =	sdelay $0x2  }
0x3dc: {  	v4 =	vadd.f32 v48, v47;
	_ =	sdelay $0x1  }
0x3dd: {  	v49 =	vld [tilespmem:s0+$0x70F0];
	v3 =	vadd.f32 v3, v4  }
0x3de: {  	v50 =	vld [tilespmem:s0+$0xA0F0]  }
0x3df: {  	[tilespmem:s0+$0x100E0] =	vst v3  }
0x3e0: {  	v3 =	vld [tilespmem:s3+$0x170];
	_ =	sdelay $0x2  }
0x3e1: {  	v4 =	vadd.f32 v50, v49;
	_ =	sdelay $0x1  }
0x3e2: {  	v3 =	vadd.f32 v3, v4  }
0x3e3: {  	s26 =	sadd.s32 $0x800, s24  }
0x3e4: {  	s20 =	sor.u32 s23, s26;
	[tilespmem:s0+$0x100F0] =	vst v3  }
0x3e5: {  	v3 =	vld [tilespmem:s20+$0x6C80]  }
0x3e6: {  	v51 =	vld [tilespmem:s20+$0x9C80];
	_ =	sdelay $0x1  }
0x3e7: {  	v52 =	vld [tilespmem:s22+$0x12E80];
	_ =	sdelay $0x2  }
0x3e8: {  	v3 =	vadd.f32 v51, v3;
	_ =	sdelay $0x1  }
0x3e9: {  	v53 =	vld [tilespmem:s20+$0x6C90];
	v3 =	vadd.f32 v52, v3  }
0x3ea: {  	v54 =	vld [tilespmem:s20+$0x9C90]  }
0x3eb: {  	s21 =	sadd.s32 $0x12E80, s22;
	[tilespmem:s20+$0xFC80] =	vst v3  }
0x3ec: {  	v3 =	vld [tilespmem:s21+$0x10];
	_ =	sdelay $0x2  }
0x3ed: {  	v4 =	vadd.f32 v54, v53;
	_ =	sdelay $0x1  }
0x3ee: {  	v55 =	vld [tilespmem:s20+$0x6CA0];
	v3 =	vadd.f32 v3, v4  }
0x3ef: {  	v56 =	vld [tilespmem:s20+$0x9CA0]  }
0x3f0: {  	[tilespmem:s20+$0xFC90] =	vst v3  }
0x3f1: {  	v3 =	vld [tilespmem:s21+$0x20];
	_ =	sdelay $0x2  }
0x3f2: {  	v4 =	vadd.f32 v56, v55;
	_ =	sdelay $0x1  }
0x3f3: {  	v57 =	vld [tilespmem:s20+$0x6CB0];
	v3 =	vadd.f32 v3, v4  }
0x3f4: {  	v58 =	vld [tilespmem:s20+$0x9CB0]  }
0x3f5: {  	[tilespmem:s20+$0xFCA0] =	vst v3  }
0x3f6: {  	v3 =	vld [tilespmem:s21+$0x30];
	_ =	sdelay $0x2  }
0x3f7: {  	v4 =	vadd.f32 v58, v57;
	_ =	sdelay $0x1  }
0x3f8: {  	v59 =	vld [tilespmem:s20+$0x6CC0];
	v3 =	vadd.f32 v3, v4  }
0x3f9: {  	v60 =	vld [tilespmem:s20+$0x9CC0]  }
0x3fa: {  	[tilespmem:s20+$0xFCB0] =	vst v3  }
0x3fb: {  	v3 =	vld [tilespmem:s21+$0x40];
	_ =	sdelay $0x2  }
0x3fc: {  	v4 =	vadd.f32 v60, v59;
	_ =	sdelay $0x1  }
0x3fd: {  	v61 =	vld [tilespmem:s20+$0x6CD0];
	v3 =	vadd.f32 v3, v4  }
0x3fe: {  	v62 =	vld [tilespmem:s20+$0x9CD0]  }
0x3ff: {  	[tilespmem:s20+$0xFCC0] =	vst v3  }
0x400: {  	v3 =	vld [tilespmem:s21+$0x50];
	_ =	sdelay $0x2  }
0x401: {  	v4 =	vadd.f32 v62, v61;
	_ =	sdelay $0x1  }
0x402: {  	v63 =	vld [tilespmem:s20+$0x6CE0];
	v3 =	vadd.f32 v3, v4  }
0x403: {  	v8 =	vld [tilespmem:s20+$0x9CE0]  }
0x404: {  	[tilespmem:s20+$0xFCD0] =	vst v3  }
0x405: {  	v3 =	vld [tilespmem:s21+$0x60];
	_ =	sdelay $0x2  }
0x406: {  	v4 =	vadd.f32 v8, v63;
	_ =	sdelay $0x1  }
0x407: {  	v9 =	vld [tilespmem:s20+$0x6CF0];
	v3 =	vadd.f32 v3, v4  }
0x408: {  	v10 =	vld [tilespmem:s20+$0x9CF0]  }
0x409: {  	[tilespmem:s20+$0xFCE0] =	vst v3  }
0x40a: {  	v3 =	vld [tilespmem:s21+$0x70];
	_ =	sdelay $0x2  }
0x40b: {  	v4 =	vadd.f32 v10, v9;
	_ =	sdelay $0x1  }
0x40c: {  	v3 =	vadd.f32 v3, v4  }
0x40d: {  	s21 =	sadd.s32 $0xC00, s24  }
0x40e: {  	s25 =	sor.u32 s23, s21;
	[tilespmem:s20+$0xFCF0] =	vst v3  }
0x40f: {  	v3 =	vld [tilespmem:s25+$0x6C80]  }
0x410: {  	v11 =	vld [tilespmem:s25+$0x9C80];
	_ =	sdelay $0x1  }
0x411: {  	v12 =	vld [tilespmem:s22+$0x12F80];
	_ =	sdelay $0x2  }
0x412: {  	v3 =	vadd.f32 v11, v3;
	_ =	sdelay $0x1  }
0x413: {  	v13 =	vld [tilespmem:s25+$0x6C90];
	v3 =	vadd.f32 v12, v3  }
0x414: {  	v14 =	vld [tilespmem:s25+$0x9C90]  }
0x415: {  	s7 =	sadd.s32 $0x12F80, s22;
	[tilespmem:s25+$0xFC80] =	vst v3  }
0x416: {  	v3 =	vld [tilespmem:s7+$0x10];
	_ =	sdelay $0x2  }
0x417: {  	v4 =	vadd.f32 v14, v13  }
0x418: {  	v16 =	vld [tilespmem:s15+$0xFFFFFFFE]  }
0x419: {  	v15 =	vld [tilespmem:s25+$0x6CA0];
	v3 =	vadd.f32 v3, v4  }
0x41a: {  	v6 =	vld [tilespmem:s25+$0x9CA0]  }
0x41b: {  	[tilespmem:s25+$0xFC90] =	vst v3  }
0x41c: {  	v3 =	vld [tilespmem:s7+$0x20];
	_ =	sdelay $0x1  }
0x41d: {  	(v2sf) =	vpush v16, $0x0  }
0x41e: {  	v17 =	vadd.f32 v6, v15;
	_ =	sdelay $0x1  }
0x41f: {  	v18 =	vld [tilespmem:s25+$0x6CB0];
	v3 =	vadd.f32 v3, v17  }
0x420: {  	v19 =	vld [tilespmem:s25+$0x9CB0]  }
0x421: {  	[tilespmem:s25+$0xFCA0] =	vst v3  }
0x422: {  	v3 =	vld [tilespmem:s7+$0x30];
	_ =	sdelay $0x2  }
0x423: {  	v4 =	vadd.f32 v19, v18;
	_ =	sdelay $0x1  }
0x424: {  	v20 =	vld [tilespmem:s25+$0x6CC0];
	v3 =	vadd.f32 v3, v4  }
0x425: {  	v21 =	vld [tilespmem:s25+$0x9CC0]  }
0x426: {  	[tilespmem:s25+$0xFCB0] =	vst v3  }
0x427: {  	v3 =	vld [tilespmem:s7+$0x40]  }
0x428: {  	s29 =	sadd.s32 $0xFFFFFF00, s1;
	s28 =	spop (v2sf)  }
0x429: {  	s18 =	sand.u32 $0x280, s29;
	s17 =	sshrl.u32 s28, $0x1  }
0x42a: {  	s17 =	smul.u32 $0x1800, s17;
	s6 =	sor.u32 s24, s18;
	v4 =	vadd.f32 v21, v20  }
0x42b: {  	v23 =	vld [tilespmem:s6+$0x6C80];
	s0 =	sshll.u32 s28, $0x7  }
0x42c: {  	s17 =	sshra.s32 s17, $0x2;
	v24 =	vld [tilespmem:s6+$0x9C80];
	s0 =	sand.u32 $0x80, s0;
	v3 =	vadd.f32 v3, v4  }
0x42d: {  	s17 =	sor.u32 s0, s17;
	v22 =	vld [tilespmem:s25+$0x6CD0]  }
0x42e: {  	[tilespmem:s25+$0xFCC0] =	vst v3;
	v3 =	vld [tilespmem:s17+$0x12C80]  }
0x42f: {  	v7 =	vld [tilespmem:s25+$0x9CD0];
	_ =	sdelay $0x1  }
0x430: {  	v4 =	vadd.f32 v24, v23;
	v8 =	vld [tilespmem:s7+$0x50];
	_ =	sdelay $0x1  }
0x431: {  	v26 =	vld [tilespmem:s6+$0x6C90];
	v3 =	vadd.f32 v3, v4  }
0x432: {  	v27 =	vld [tilespmem:s6+$0x9C90];
	v5 =	vadd.f32 v7, v22  }
0x433: {  	s0 =	sadd.s32 $0x12C80, s17;
	v25 =	vld [tilespmem:s25+$0x6CE0];
	[tilespmem:s6+$0xFC80] =	vst v3  }
0x434: {  	v5 =	vadd.f32 v8, v5;
	v3 =	vld [tilespmem:s0+$0x10]  }
0x435: {  	v28 =	vld [tilespmem:s25+$0x9CE0]  }
0x436: {  	[tilespmem:s25+$0xFCD0] =	vst v5  }
0x437: {  	v4 =	vadd.f32 v27, v26;
	v5 =	vld [tilespmem:s7+$0x60];
	_ =	sdelay $0x1  }
0x438: {  	v30 =	vld [tilespmem:s6+$0x6CA0];
	v3 =	vadd.f32 v3, v4  }
0x439: {  	v31 =	vld [tilespmem:s6+$0x9CA0];
	v6 =	vadd.f32 v28, v25  }
0x43a: {  	v29 =	vld [tilespmem:s25+$0x6CF0];
	[tilespmem:s6+$0xFC90] =	vst v3  }
0x43b: {  	v5 =	vadd.f32 v5, v6;
	v3 =	vld [tilespmem:s0+$0x20]  }
0x43c: {  	v32 =	vld [tilespmem:s25+$0x9CF0]  }
0x43d: {  	[tilespmem:s25+$0xFCE0] =	vst v5  }
0x43e: {  	v4 =	vadd.f32 v31, v30;
	v5 =	vld [tilespmem:s7+$0x70];
	_ =	sdelay $0x1  }
0x43f: {  	v34 =	vld [tilespmem:s6+$0x6CB0];
	v3 =	vadd.f32 v3, v4  }
0x440: {  	v35 =	vld [tilespmem:s6+$0x9CB0];
	v33 =	vadd.f32 v32, v29  }
0x441: {  	[tilespmem:s6+$0xFCA0] =	vst v3  }
0x442: {  	v5 =	vadd.f32 v5, v33;
	v3 =	vld [tilespmem:s0+$0x30]  }
0x443: {  	s20 =	sadd.s32 $0x1000, s24  }
0x444: {  	v38 =	vld [tilespmem:s6+$0x6CC0];
	s31 =	sor.u32 s23, s20;
	[tilespmem:s25+$0xFCF0] =	vst v5  }
0x445: {  	v4 =	vadd.f32 v35, v34;
	v5 =	vld [tilespmem:s31+$0x6C80]  }
0x446: {  	v36 =	vld [tilespmem:s31+$0x9C80]  }
0x447: {  	v39 =	vld [tilespmem:s6+$0x9CC0];
	v3 =	vadd.f32 v3, v4  }
0x448: {  	v37 =	vld [tilespmem:s22+$0x13080]  }
0x449: {  	[tilespmem:s6+$0xFCB0] =	vst v3  }
0x44a: {  	v3 =	vld [tilespmem:s0+$0x40]  }
0x44b: {  	v5 =	vadd.f32 v36, v5  }
0x44c: {  	v42 =	vld [tilespmem:s6+$0x6CD0]  }
0x44d: {  	v40 =	vld [tilespmem:s31+$0x6C90];
	v4 =	vadd.f32 v39, v38;
	v5 =	vadd.f32 v37, v5  }
0x44e: {  	v41 =	vld [tilespmem:s31+$0x9C90]  }
0x44f: {  	s19 =	sadd.s32 $0x13080, s22;
	v43 =	vld [tilespmem:s6+$0x9CD0];
	[tilespmem:s31+$0xFC80] =	vst v5;
	v3 =	vadd.f32 v3, v4  }
0x450: {  	v5 =	vld [tilespmem:s19+$0x10]  }
0x451: {  	[tilespmem:s6+$0xFCC0] =	vst v3  }
0x452: {  	v3 =	vld [tilespmem:s0+$0x50]  }
0x453: {  	v6 =	vadd.f32 v41, v40  }
0x454: {  	v46 =	vld [tilespmem:s6+$0x6CE0]  }
0x455: {  	v44 =	vld [tilespmem:s31+$0x6CA0];
	v4 =	vadd.f32 v43, v42;
	v5 =	vadd.f32 v5, v6  }
0x456: {  	v45 =	vld [tilespmem:s31+$0x9CA0]  }
0x457: {  	v47 =	vld [tilespmem:s6+$0x9CE0];
	[tilespmem:s31+$0xFC90] =	vst v5;
	v3 =	vadd.f32 v3, v4  }
0x458: {  	v5 =	vld [tilespmem:s19+$0x20]  }
0x459: {  	[tilespmem:s6+$0xFCD0] =	vst v3  }
0x45a: {  	v3 =	vld [tilespmem:s0+$0x60]  }
0x45b: {  	v6 =	vadd.f32 v45, v44  }
0x45c: {  	v50 =	vld [tilespmem:s6+$0x6CF0]  }
0x45d: {  	v48 =	vld [tilespmem:s31+$0x6CB0];
	v4 =	vadd.f32 v47, v46;
	v5 =	vadd.f32 v5, v6  }
0x45e: {  	v49 =	vld [tilespmem:s31+$0x9CB0]  }
0x45f: {  	v51 =	vld [tilespmem:s6+$0x9CF0];
	[tilespmem:s31+$0xFCA0] =	vst v5;
	v3 =	vadd.f32 v3, v4  }
0x460: {  	v5 =	vld [tilespmem:s19+$0x30]  }
0x461: {  	[tilespmem:s6+$0xFCE0] =	vst v3  }
0x462: {  	v3 =	vld [tilespmem:s0+$0x70]  }
0x463: {  	v6 =	vadd.f32 v49, v48  }
0x464: {  	v54 =	vld [tilespmem:s6+$0x7080]  }
0x465: {  	v52 =	vld [tilespmem:s31+$0x6CC0];
	v4 =	vadd.f32 v51, v50;
	v5 =	vadd.f32 v5, v6  }
0x466: {  	v53 =	vld [tilespmem:s31+$0x9CC0]  }
0x467: {  	v55 =	vld [tilespmem:s6+$0xA080];
	[tilespmem:s31+$0xFCB0] =	vst v5;
	v3 =	vadd.f32 v3, v4  }
0x468: {  	v5 =	vld [tilespmem:s19+$0x40]  }
0x469: {  	[tilespmem:s6+$0xFCF0] =	vst v3  }
0x46a: {  	v3 =	vld [tilespmem:s0+$0x100]  }
0x46b: {  	v6 =	vadd.f32 v53, v52  }
0x46c: {  	v58 =	vld [tilespmem:s6+$0x7090]  }
0x46d: {  	v56 =	vld [tilespmem:s31+$0x6CD0];
	v4 =	vadd.f32 v55, v54;
	v5 =	vadd.f32 v5, v6  }
0x46e: {  	v57 =	vld [tilespmem:s31+$0x9CD0]  }
0x46f: {  	v59 =	vld [tilespmem:s6+$0xA090];
	[tilespmem:s31+$0xFCC0] =	vst v5;
	v3 =	vadd.f32 v3, v4  }
0x470: {  	v5 =	vld [tilespmem:s19+$0x50]  }
0x471: {  	[tilespmem:s6+$0x10080] =	vst v3  }
0x472: {  	v3 =	vld [tilespmem:s0+$0x110]  }
0x473: {  	v6 =	vadd.f32 v57, v56  }
0x474: {  	v62 =	vld [tilespmem:s6+$0x70A0]  }
0x475: {  	v60 =	vld [tilespmem:s31+$0x6CE0];
	v4 =	vadd.f32 v59, v58;
	v5 =	vadd.f32 v5, v6  }
0x476: {  	v61 =	vld [tilespmem:s31+$0x9CE0]  }
0x477: {  	v63 =	vld [tilespmem:s6+$0xA0A0];
	[tilespmem:s31+$0xFCD0] =	vst v5;
	v3 =	vadd.f32 v3, v4  }
0x478: {  	v5 =	vld [tilespmem:s19+$0x60]  }
0x479: {  	[tilespmem:s6+$0x10090] =	vst v3  }
0x47a: {  	v3 =	vld [tilespmem:s0+$0x120]  }
0x47b: {  	v6 =	vadd.f32 v61, v60  }
0x47c: {  	v14 =	vld [tilespmem:s6+$0x70B0]  }
0x47d: {  	v12 =	vld [tilespmem:s31+$0x6CF0];
	v4 =	vadd.f32 v63, v62;
	v5 =	vadd.f32 v5, v6  }
0x47e: {  	v13 =	vld [tilespmem:s31+$0x9CF0]  }
0x47f: {  	v15 =	vld [tilespmem:s6+$0xA0B0];
	[tilespmem:s31+$0xFCE0] =	vst v5;
	v3 =	vadd.f32 v3, v4  }
0x480: {  	v5 =	vld [tilespmem:s19+$0x70]  }
0x481: {  	[tilespmem:s6+$0x100A0] =	vst v3  }
0x482: {  	v3 =	vld [tilespmem:s0+$0x130]  }
0x483: {  	v6 =	vadd.f32 v13, v12;
	_ =	sdelay $0x1  }
0x484: {  	v4 =	vadd.f32 v15, v14;
	v5 =	vadd.f32 v5, v6  }
0x485: {  	v16 =	vld [tilespmem:s6+$0x70C0];
	s19 =	sadd.s32 $0x1400, s24  }
0x486: {  	v17 =	vld [tilespmem:s6+$0xA0C0];
	s25 =	sor.u32 s23, s19;
	[tilespmem:s31+$0xFCF0] =	vst v5;
	v3 =	vadd.f32 v3, v4  }
0x487: {  	v5 =	vld [tilespmem:s25+$0x6C80]  }
0x488: {  	v18 =	vld [tilespmem:s25+$0x9C80];
	[tilespmem:s6+$0x100B0] =	vst v3  }
0x489: {  	v3 =	vld [tilespmem:s0+$0x140];
	_ =	sdelay $0x1  }
0x48a: {  	v19 =	vld [tilespmem:s22+$0x13180]  }
0x48b: {  	v4 =	vadd.f32 v17, v16  }
0x48c: {  	v22 =	vld [tilespmem:s6+$0xA0D0]  }
0x48d: {  	v21 =	vld [tilespmem:s6+$0x70D0];
	v5 =	vadd.f32 v18, v5;
	v3 =	vadd.f32 v3, v4  }
0x48e: {  	v20 =	vld [tilespmem:s25+$0x6C90]  }
0x48f: {  	v23 =	vld [tilespmem:s25+$0x9C90];
	v5 =	vadd.f32 v19, v5;
	[tilespmem:s6+$0x100C0] =	vst v3  }
0x490: {  	v3 =	vld [tilespmem:s0+$0x150]  }
0x491: {  	s28 =	sadd.s32 $0x13180, s22;
	[tilespmem:s25+$0xFC80] =	vst v5  }
0x492: {  	v5 =	vld [tilespmem:s28+$0x10]  }
0x493: {  	v4 =	vadd.f32 v22, v21  }
0x494: {  	v25 =	vld [tilespmem:s6+$0x70E0]  }
0x495: {  	v26 =	vld [tilespmem:s6+$0xA0E0];
	v6 =	vadd.f32 v23, v20;
	v3 =	vadd.f32 v3, v4  }
0x496: {  	v24 =	vld [tilespmem:s25+$0x6CA0]  }
0x497: {  	v27 =	vld [tilespmem:s25+$0x9CA0];
	v5 =	vadd.f32 v5, v6;
	[tilespmem:s6+$0x100D0] =	vst v3  }
0x498: {  	v3 =	vld [tilespmem:s0+$0x160]  }
0x499: {  	[tilespmem:s25+$0xFC90] =	vst v5  }
0x49a: {  	v5 =	vld [tilespmem:s28+$0x20]  }
0x49b: {  	v4 =	vadd.f32 v26, v25  }
0x49c: {  	v29 =	vld [tilespmem:s6+$0x70F0]  }
0x49d: {  	v30 =	vld [tilespmem:s6+$0xA0F0];
	v6 =	vadd.f32 v27, v24;
	v3 =	vadd.f32 v3, v4  }
0x49e: {  	v28 =	vld [tilespmem:s25+$0x6CB0]  }
0x49f: {  	v31 =	vld [tilespmem:s25+$0x9CB0];
	v5 =	vadd.f32 v5, v6;
	[tilespmem:s6+$0x100E0] =	vst v3  }
0x4a0: {  	v3 =	vld [tilespmem:s0+$0x170]  }
0x4a1: {  	[tilespmem:s25+$0xFCA0] =	vst v5  }
0x4a2: {  	v5 =	vld [tilespmem:s28+$0x30]  }
0x4a3: {  	v4 =	vadd.f32 v30, v29;
	_ =	sdelay $0x1  }
0x4a4: {  	v6 =	vadd.f32 v31, v28;
	v3 =	vadd.f32 v3, v4  }
0x4a5: {  	v32 =	vld [tilespmem:s25+$0x6CC0]  }
0x4a6: {  	s29 =	sor.u32 s18, s26;
	v33 =	vld [tilespmem:s25+$0x9CC0];
	v5 =	vadd.f32 v5, v6;
	[tilespmem:s6+$0x100F0] =	vst v3  }
0x4a7: {  	v3 =	vld [tilespmem:s29+$0x6C80]  }
0x4a8: {  	[tilespmem:s25+$0xFCB0] =	vst v5;
	v34 =	vld [tilespmem:s29+$0x9C80]  }
0x4a9: {  	v35 =	vld [tilespmem:s28+$0x40]  }
0x4aa: {  	v36 =	vld [tilespmem:s17+$0x12E80];
	_ =	sdelay $0x1  }
0x4ab: {  	v4 =	vadd.f32 v33, v32  }
0x4ac: {  	v37 =	vld [tilespmem:s25+$0x6CD0];
	v3 =	vadd.f32 v34, v3  }
0x4ad: {  	v38 =	vld [tilespmem:s25+$0x9CD0];
	v4 =	vadd.f32 v35, v4  }
0x4ae: {  	v39 =	vld [tilespmem:s29+$0x6C90];
	v3 =	vadd.f32 v36, v3  }
0x4af: {  	v40 =	vld [tilespmem:s29+$0x9C90];
	[tilespmem:s25+$0xFCC0] =	vst v4  }
0x4b0: {  	s31 =	sadd.s32 $0x12E80, s17;
	v41 =	vld [tilespmem:s28+$0x50];
	[tilespmem:s29+$0xFC80] =	vst v3  }
0x4b1: {  	v3 =	vld [tilespmem:s31+$0x10];
	_ =	sdelay $0x1  }
0x4b2: {  	v5 =	vadd.f32 v38, v37  }
0x4b3: {  	v42 =	vld [tilespmem:s25+$0x6CE0];
	v4 =	vadd.f32 v40, v39  }
0x4b4: {  	v43 =	vld [tilespmem:s25+$0x9CE0];
	v5 =	vadd.f32 v41, v5  }
0x4b5: {  	v44 =	vld [tilespmem:s29+$0x6CA0];
	v3 =	vadd.f32 v3, v4  }
0x4b6: {  	v45 =	vld [tilespmem:s29+$0x9CA0];
	[tilespmem:s25+$0xFCD0] =	vst v5  }
0x4b7: {  	v46 =	vld [tilespmem:s28+$0x60];
	[tilespmem:s29+$0xFC90] =	vst v3  }
0x4b8: {  	v3 =	vld [tilespmem:s31+$0x20];
	_ =	sdelay $0x1  }
0x4b9: {  	v6 =	vadd.f32 v43, v42  }
0x4ba: {  	v47 =	vld [tilespmem:s25+$0x6CF0];
	v4 =	vadd.f32 v45, v44  }
0x4bb: {  	v49 =	vld [tilespmem:s25+$0x9CF0];
	v48 =	vadd.f32 v46, v6  }
0x4bc: {  	v50 =	vld [tilespmem:s29+$0x6CB0];
	v3 =	vadd.f32 v3, v4  }
0x4bd: {  	v51 =	vld [tilespmem:s29+$0x9CB0];
	[tilespmem:s25+$0xFCE0] =	vst v48  }
0x4be: {  	v52 =	vld [tilespmem:s28+$0x70];
	[tilespmem:s29+$0xFCA0] =	vst v3  }
0x4bf: {  	v3 =	vld [tilespmem:s31+$0x30];
	_ =	sdelay $0x1  }
0x4c0: {  	v6 =	vadd.f32 v49, v47  }
0x4c1: {  	v4 =	vadd.f32 v51, v50  }
0x4c2: {  	v53 =	vadd.f32 v52, v6  }
0x4c3: {  	v3 =	vadd.f32 v3, v4  }
0x4c4: {  	v54 =	vld [tilespmem:s29+$0x6CC0];
	[tilespmem:s25+$0xFCF0] =	vst v53  }
0x4c5: {  	v55 =	vld [tilespmem:s29+$0x9CC0];
	[tilespmem:s29+$0xFCB0] =	vst v3  }
0x4c6: {  	v3 =	vld [tilespmem:s31+$0x40]  }
0x4c7: {  	v56 =	vld [tilespmem:s15+$0xFFFFFFFF];
	_ =	sdelay $0x4  }
0x4c8: {  	(v2sf) =	vpush v56, $0x0;
	_ =	sdelay $0x7  }
0x4c9: {  	v57 =	vld [tilespmem:s15+$0x0];
	_ =	sdelay $0x4  }
0x4ca: {  	(v2sf) =	vpush v57, $0x0;
	_ =	sdelay $0x1  }
0x4cb: {  	s23 =	sadd.s32 $0xFFFFFF80, s1;
	s22 =	spop (v2sf)  }
0x4cc: {  	s23 =	sand.u32 $0x300, s23;
	s25 =	sshrl.u32 s22, $0x1  }
0x4cd: {  	s7 =	sor.u32 s24, s23;
	s3 =	smul.u32 $0x1800, s25  }
0x4ce: {  	v58 =	vld [tilespmem:s7+$0x6C80];
	s0 =	sshll.u32 s22, $0x7  }
0x4cf: {  	v59 =	vld [tilespmem:s7+$0x9C80];
	s0 =	sand.u32 $0x80, s0;
	s3 =	sshra.s32 s3, $0x2  }
0x4d0: {  	s22 =	sor.u32 s0, s3  }
0x4d1: {  	v60 =	vld [tilespmem:s22+$0x12C80];
	_ =	sdelay $0x2  }
0x4d2: {  	v6 =	vadd.f32 v59, v58;
	_ =	sdelay $0x1  }
0x4d3: {  	v61 =	vld [tilespmem:s7+$0x6C90];
	v6 =	vadd.f32 v60, v6  }
0x4d4: {  	v62 =	vld [tilespmem:s7+$0x9C90]  }
0x4d5: {  	s0 =	spop (v2sf);
	s3 =	sadd.s32 $0x12C80, s22;
	[tilespmem:s7+$0xFC80] =	vst v6  }
0x4d6: {  	s25 =	sand.u32 $0x380, s1;
	s28 =	sshrl.u32 s0, $0x1;
	v6 =	vld [tilespmem:s3+$0x10]  }
0x4d7: {  	s6 =	sor.u32 s24, s25;
	s28 =	smul.u32 $0x1800, s28  }
0x4d8: {  	v63 =	vld [tilespmem:s6+$0x6C80];
	s0 =	sshll.u32 s0, $0x7  }
0x4d9: {  	v7 =	vadd.f32 v62, v61;
	v10 =	vld [tilespmem:s6+$0x9C80];
	s0 =	sand.u32 $0x80, s0;
	s24 =	sshra.s32 s28, $0x2  }
0x4da: {  	v9 =	vld [tilespmem:s7+$0x6CA0];
	s24 =	sor.u32 s0, s24  }
0x4db: {  	v11 =	vld [tilespmem:s24+$0x12C80];
	v6 =	vadd.f32 v6, v7  }
0x4dc: {  	v12 =	vld [tilespmem:s7+$0x9CA0]  }
0x4dd: {  	[tilespmem:s7+$0xFC90] =	vst v6  }
0x4de: {  	v8 =	vadd.f32 v10, v63;
	v6 =	vld [tilespmem:s3+$0x20];
	_ =	sdelay $0x1  }
0x4df: {  	v14 =	vld [tilespmem:s6+$0x6C90];
	v8 =	vadd.f32 v11, v8  }
0x4e0: {  	v15 =	vld [tilespmem:s6+$0x9C90];
	v7 =	vadd.f32 v12, v9  }
0x4e1: {  	v13 =	vld [tilespmem:s7+$0x6CB0];
	s0 =	sadd.s32 $0x12C80, s24;
	[tilespmem:s6+$0xFC80] =	vst v8  }
0x4e2: {  	v8 =	vld [tilespmem:s0+$0x10];
	v6 =	vadd.f32 v6, v7  }
0x4e3: {  	v16 =	vld [tilespmem:s7+$0x9CB0]  }
0x4e4: {  	[tilespmem:s7+$0xFCA0] =	vst v6  }
0x4e5: {  	v9 =	vadd.f32 v15, v14;
	v6 =	vld [tilespmem:s3+$0x30];
	_ =	sdelay $0x1  }
0x4e6: {  	v18 =	vld [tilespmem:s6+$0x6CA0];
	v8 =	vadd.f32 v8, v9  }
0x4e7: {  	v19 =	vld [tilespmem:s6+$0x9CA0];
	v7 =	vadd.f32 v16, v13  }
0x4e8: {  	v17 =	vld [tilespmem:s7+$0x6CC0];
	[tilespmem:s6+$0xFC90] =	vst v8  }
0x4e9: {  	v8 =	vld [tilespmem:s0+$0x20];
	v6 =	vadd.f32 v6, v7  }
0x4ea: {  	v20 =	vld [tilespmem:s7+$0x9CC0]  }
0x4eb: {  	[tilespmem:s7+$0xFCB0] =	vst v6  }
0x4ec: {  	v9 =	vadd.f32 v19, v18;
	v6 =	vld [tilespmem:s3+$0x40];
	_ =	sdelay $0x1  }
0x4ed: {  	v22 =	vld [tilespmem:s6+$0x6CB0];
	v8 =	vadd.f32 v8, v9  }
0x4ee: {  	v23 =	vld [tilespmem:s6+$0x9CB0];
	v7 =	vadd.f32 v20, v17  }
0x4ef: {  	v21 =	vld [tilespmem:s7+$0x6CD0];
	[tilespmem:s6+$0xFCA0] =	vst v8  }
0x4f0: {  	v8 =	vld [tilespmem:s0+$0x30];
	v6 =	vadd.f32 v6, v7  }
0x4f1: {  	v24 =	vld [tilespmem:s7+$0x9CD0]  }
0x4f2: {  	[tilespmem:s7+$0xFCC0] =	vst v6  }
0x4f3: {  	v9 =	vadd.f32 v23, v22;
	v6 =	vld [tilespmem:s3+$0x50];
	_ =	sdelay $0x1  }
0x4f4: {  	v26 =	vld [tilespmem:s6+$0x6CC0];
	v8 =	vadd.f32 v8, v9  }
0x4f5: {  	v27 =	vld [tilespmem:s6+$0x9CC0];
	v7 =	vadd.f32 v24, v21  }
0x4f6: {  	v25 =	vld [tilespmem:s7+$0x6CE0];
	[tilespmem:s6+$0xFCB0] =	vst v8  }
0x4f7: {  	v8 =	vld [tilespmem:s0+$0x40];
	v6 =	vadd.f32 v6, v7  }
0x4f8: {  	v28 =	vld [tilespmem:s7+$0x9CE0]  }
0x4f9: {  	[tilespmem:s7+$0xFCD0] =	vst v6  }
0x4fa: {  	v9 =	vadd.f32 v27, v26;
	v6 =	vld [tilespmem:s3+$0x60];
	_ =	sdelay $0x1  }
0x4fb: {  	v30 =	vld [tilespmem:s6+$0x6CD0];
	v8 =	vadd.f32 v8, v9  }
0x4fc: {  	v31 =	vld [tilespmem:s6+$0x9CD0];
	v7 =	vadd.f32 v28, v25  }
0x4fd: {  	v29 =	vld [tilespmem:s7+$0x6CF0];
	[tilespmem:s6+$0xFCC0] =	vst v8  }
0x4fe: {  	v8 =	vld [tilespmem:s0+$0x50];
	v6 =	vadd.f32 v6, v7  }
0x4ff: {  	v32 =	vld [tilespmem:s7+$0x9CF0]  }
0x500: {  	[tilespmem:s7+$0xFCE0] =	vst v6  }
0x501: {  	v9 =	vadd.f32 v31, v30;
	v6 =	vld [tilespmem:s3+$0x70];
	_ =	sdelay $0x1  }
0x502: {  	v34 =	vld [tilespmem:s6+$0x6CE0];
	v8 =	vadd.f32 v8, v9  }
0x503: {  	v35 =	vld [tilespmem:s6+$0x9CE0];
	v7 =	vadd.f32 v32, v29  }
0x504: {  	v33 =	vld [tilespmem:s7+$0x7080];
	[tilespmem:s6+$0xFCD0] =	vst v8  }
0x505: {  	v8 =	vld [tilespmem:s0+$0x60];
	v6 =	vadd.f32 v6, v7  }
0x506: {  	v36 =	vld [tilespmem:s7+$0xA080]  }
0x507: {  	[tilespmem:s7+$0xFCF0] =	vst v6  }
0x508: {  	v9 =	vadd.f32 v35, v34;
	v6 =	vld [tilespmem:s3+$0x100];
	_ =	sdelay $0x1  }
0x509: {  	v38 =	vld [tilespmem:s6+$0x6CF0];
	v8 =	vadd.f32 v8, v9  }
0x50a: {  	v39 =	vld [tilespmem:s6+$0x9CF0];
	v7 =	vadd.f32 v36, v33  }
0x50b: {  	v37 =	vld [tilespmem:s7+$0x7090];
	[tilespmem:s6+$0xFCE0] =	vst v8  }
0x50c: {  	v8 =	vld [tilespmem:s0+$0x70];
	v6 =	vadd.f32 v6, v7  }
0x50d: {  	v40 =	vld [tilespmem:s7+$0xA090]  }
0x50e: {  	[tilespmem:s7+$0x10080] =	vst v6  }
0x50f: {  	v9 =	vadd.f32 v39, v38;
	v6 =	vld [tilespmem:s3+$0x110];
	_ =	sdelay $0x1  }
0x510: {  	v42 =	vld [tilespmem:s6+$0x7080];
	v8 =	vadd.f32 v8, v9  }
0x511: {  	v43 =	vld [tilespmem:s6+$0xA080];
	v7 =	vadd.f32 v40, v37  }
0x512: {  	v41 =	vld [tilespmem:s7+$0x70A0];
	[tilespmem:s6+$0xFCF0] =	vst v8  }
0x513: {  	v8 =	vld [tilespmem:s0+$0x100];
	v6 =	vadd.f32 v6, v7  }
0x514: {  	v44 =	vld [tilespmem:s7+$0xA0A0]  }
0x515: {  	[tilespmem:s7+$0x10090] =	vst v6  }
0x516: {  	v9 =	vadd.f32 v43, v42;
	v6 =	vld [tilespmem:s3+$0x120];
	_ =	sdelay $0x1  }
0x517: {  	v46 =	vld [tilespmem:s6+$0x7090];
	v8 =	vadd.f32 v8, v9  }
0x518: {  	v47 =	vld [tilespmem:s6+$0xA090];
	v7 =	vadd.f32 v44, v41  }
0x519: {  	v45 =	vld [tilespmem:s7+$0x70B0];
	[tilespmem:s6+$0x10080] =	vst v8  }
0x51a: {  	v8 =	vld [tilespmem:s0+$0x110];
	v6 =	vadd.f32 v6, v7  }
0x51b: {  	v48 =	vld [tilespmem:s7+$0xA0B0]  }
0x51c: {  	[tilespmem:s7+$0x100A0] =	vst v6  }
0x51d: {  	v9 =	vadd.f32 v47, v46;
	v6 =	vld [tilespmem:s3+$0x130];
	_ =	sdelay $0x1  }
0x51e: {  	v50 =	vld [tilespmem:s6+$0x70A0];
	v8 =	vadd.f32 v8, v9  }
0x51f: {  	v51 =	vld [tilespmem:s6+$0xA0A0];
	v7 =	vadd.f32 v48, v45  }
0x520: {  	v49 =	vld [tilespmem:s7+$0x70C0];
	[tilespmem:s6+$0x10090] =	vst v8  }
0x521: {  	v8 =	vld [tilespmem:s0+$0x120];
	v6 =	vadd.f32 v6, v7  }
0x522: {  	v52 =	vld [tilespmem:s7+$0xA0C0]  }
0x523: {  	v53 =	vld [tilespmem:s29+$0x9CD0];
	[tilespmem:s7+$0x100B0] =	vst v6  }
0x524: {  	v9 =	vadd.f32 v51, v50;
	v6 =	vld [tilespmem:s3+$0x140]  }
0x525: {  	v4 =	vadd.f32 v55, v54;
	v54 =	vld [tilespmem:s7+$0x70D0]  }
0x526: {  	v55 =	vld [tilespmem:s6+$0x70B0];
	v8 =	vadd.f32 v8, v9  }
0x527: {  	v3 =	vadd.f32 v3, v4;
	v56 =	vld [tilespmem:s6+$0xA0B0];
	v7 =	vadd.f32 v52, v49  }
0x528: {  	v59 =	vld [tilespmem:s29+$0x6CE0];
	[tilespmem:s6+$0x100A0] =	vst v8  }
0x529: {  	[tilespmem:s29+$0xFCC0] =	vst v3;
	v3 =	vld [tilespmem:s0+$0x130];
	v6 =	vadd.f32 v6, v7  }
0x52a: {  	v57 =	vld [tilespmem:s7+$0xA0D0]  }
0x52b: {  	v12 =	vld [tilespmem:s29+$0x6CD0];
	[tilespmem:s7+$0x100C0] =	vst v6  }
0x52c: {  	v4 =	vadd.f32 v56, v55;
	v6 =	vld [tilespmem:s3+$0x150]  }
0x52d: {  	v58 =	vld [tilespmem:s31+$0x50]  }
0x52e: {  	v61 =	vld [tilespmem:s6+$0x70C0];
	v3 =	vadd.f32 v3, v4  }
0x52f: {  	v5 =	vadd.f32 v57, v54;
	v63 =	vld [tilespmem:s6+$0xA0C0]  }
0x530: {  	v60 =	vld [tilespmem:s7+$0x70E0];
	v62 =	vadd.f32 v53, v12;
	[tilespmem:s6+$0x100B0] =	vst v3  }
0x531: {  	v13 =	vld [tilespmem:s0+$0x140];
	v5 =	vadd.f32 v6, v5  }
0x532: {  	v12 =	vld [tilespmem:s7+$0xA0E0];
	v3 =	vadd.f32 v58, v62  }
0x533: {  	v14 =	vld [tilespmem:s29+$0x9CE0];
	[tilespmem:s7+$0x100D0] =	vst v5  }
0x534: {  	v4 =	vadd.f32 v63, v61;
	[tilespmem:s29+$0xFCD0] =	vst v3;
	v3 =	vld [tilespmem:s3+$0x160]  }
0x535: {  	v18 =	vld [tilespmem:s6+$0xA0D0]  }
0x536: {  	v19 =	vld [tilespmem:s7+$0xA0F0];
	v4 =	vadd.f32 v13, v4  }
0x537: {  	v17 =	vld [tilespmem:s6+$0x70D0];
	v6 =	vadd.f32 v12, v60  }
0x538: {  	v15 =	vld [tilespmem:s31+$0x60];
	[tilespmem:s6+$0x100C0] =	vst v4  }
0x539: {  	v4 =	vld [tilespmem:s0+$0x150];
	v3 =	vadd.f32 v3, v6  }
0x53a: {  	v16 =	vld [tilespmem:s7+$0x70F0]  }
0x53b: {  	v22 =	vld [tilespmem:s6+$0x70E0];
	v8 =	vadd.f32 v14, v59;
	[tilespmem:s7+$0x100E0] =	vst v3  }
0x53c: {  	v7 =	vadd.f32 v18, v17;
	v3 =	vld [tilespmem:s3+$0x170]  }
0x53d: {  	v20 =	vld [tilespmem:s29+$0x6CF0];
	v5 =	vadd.f32 v15, v8  }
0x53e: {  	v21 =	vld [tilespmem:s29+$0x9CF0];
	v4 =	vadd.f32 v4, v7  }
0x53f: {  	v23 =	vld [tilespmem:s6+$0xA0E0];
	[tilespmem:s29+$0xFCE0] =	vst v5;
	v6 =	vadd.f32 v19, v16  }
0x540: {  	v24 =	vld [tilespmem:s31+$0x70];
	[tilespmem:s6+$0x100D0] =	vst v4  }
0x541: {  	v4 =	vld [tilespmem:s0+$0x160];
	v3 =	vadd.f32 v3, v6;
	_ =	sdelay $0x1  }
0x542: {  	v28 =	vld [tilespmem:s6+$0x70F0];
	[tilespmem:s7+$0x100F0] =	vst v3;
	s7 =	sor.u32 s23, s26;
	v3 =	vadd.f32 v21, v20  }
0x543: {  	v5 =	vadd.f32 v23, v22;
	v25 =	vld [tilespmem:s7+$0x6C80]  }
0x544: {  	v26 =	vld [tilespmem:s7+$0x9C80];
	v3 =	vadd.f32 v24, v3  }
0x545: {  	v4 =	vadd.f32 v4, v5;
	v27 =	vld [tilespmem:s22+$0x12E80]  }
0x546: {  	[tilespmem:s29+$0xFCF0] =	vst v3;
	v3 =	vld [tilespmem:s6+$0xA0F0]  }
0x547: {  	[tilespmem:s6+$0x100E0] =	vst v4  }
0x548: {  	v31 =	vld [tilespmem:s0+$0x170]  }
0x549: {  	v33 =	vld [tilespmem:s7+$0x6C90];
	v30 =	vadd.f32 v26, v25  }
0x54a: {  	v34 =	vld [tilespmem:s7+$0x9C90]  }
0x54b: {  	v37 =	vld [tilespmem:s7+$0x6CA0];
	v4 =	vadd.f32 v27, v30;
	v3 =	vadd.f32 v3, v28  }
0x54c: {  	v40 =	vld [tilespmem:s7+$0x9CA0]  }
0x54d: {  	s28 =	sadd.s32 $0x12E80, s22;
	v43 =	vld [tilespmem:s7+$0x6CB0];
	[tilespmem:s7+$0xFC80] =	vst v4;
	v3 =	vadd.f32 v31, v3  }
0x54e: {  	v4 =	vld [tilespmem:s28+$0x10]  }
0x54f: {  	v46 =	vld [tilespmem:s7+$0x9CB0];
	[tilespmem:s6+$0x100F0] =	vst v3;
	s6 =	sor.u32 s25, s26  }
0x550: {  	v38 =	vld [tilespmem:s6+$0x6C80]  }
0x551: {  	v3 =	vadd.f32 v34, v33;
	v39 =	vld [tilespmem:s6+$0x9C80]  }
0x552: {  	v49 =	vld [tilespmem:s7+$0x6CC0]  }
0x553: {  	s3 =	sor.u32 s18, s21;
	v41 =	vld [tilespmem:s24+$0x12E80];
	v3 =	vadd.f32 v4, v3  }
0x554: {  	v29 =	vld [tilespmem:s3+$0x6C80]  }
0x555: {  	v32 =	vld [tilespmem:s3+$0x9C80];
	[tilespmem:s7+$0xFC90] =	vst v3  }
0x556: {  	v3 =	vld [tilespmem:s28+$0x20];
	v7 =	vadd.f32 v39, v38  }
0x557: {  	v35 =	vld [tilespmem:s17+$0x12F80]  }
0x558: {  	v44 =	vld [tilespmem:s6+$0x6C90];
	v7 =	vadd.f32 v41, v7  }
0x559: {  	v45 =	vld [tilespmem:s6+$0x9C90];
	v4 =	vadd.f32 v40, v37  }
0x55a: {  	s31 =	sadd.s32 $0x12E80, s24;
	v52 =	vld [tilespmem:s7+$0x9CC0];
	[tilespmem:s6+$0xFC80] =	vst v7  }
0x55b: {  	v3 =	vadd.f32 v3, v4;
	v7 =	vld [tilespmem:s31+$0x10]  }
0x55c: {  	v36 =	vld [tilespmem:s3+$0x6C90];
	v8 =	vadd.f32 v32, v29  }
0x55d: {  	v42 =	vld [tilespmem:s3+$0x9C90];
	[tilespmem:s7+$0xFCA0] =	vst v3  }
0x55e: {  	v5 =	vadd.f32 v35, v8;
	v8 =	vadd.f32 v45, v44;
	v3 =	vld [tilespmem:s28+$0x30]  }
0x55f: {  	v50 =	vld [tilespmem:s6+$0x6CA0]  }
0x560: {  	s0 =	sadd.s32 $0x12F80, s17;
	[tilespmem:s3+$0xFC80] =	vst v5;
	v51 =	vld [tilespmem:s6+$0x9CA0];
	v7 =	vadd.f32 v7, v8  }
0x561: {  	v5 =	vld [tilespmem:s0+$0x10];
	v4 =	vadd.f32 v46, v43  }
0x562: {  	v56 =	vld [tilespmem:s7+$0x6CD0];
	[tilespmem:s6+$0xFC90] =	vst v7  }
0x563: {  	v3 =	vadd.f32 v3, v4;
	v53 =	vld [tilespmem:s31+$0x20]  }
0x564: {  	v60 =	vld [tilespmem:s7+$0x9CD0];
	v6 =	vadd.f32 v42, v36  }
0x565: {  	v16 =	vld [tilespmem:s7+$0x6CE0];
	[tilespmem:s7+$0xFCB0] =	vst v3  }
0x566: {  	v5 =	vadd.f32 v5, v6;
	v6 =	vadd.f32 v51, v50;
	v3 =	vld [tilespmem:s28+$0x40]  }
0x567: {  	v19 =	vld [tilespmem:s7+$0x9CE0]  }
0x568: {  	v57 =	vld [tilespmem:s6+$0x6CB0];
	[tilespmem:s3+$0xFC90] =	vst v5;
	v5 =	vadd.f32 v53, v6  }
0x569: {  	v59 =	vld [tilespmem:s6+$0x9CB0];
	v4 =	vadd.f32 v52, v49  }
0x56a: {  	v22 =	vld [tilespmem:s7+$0x6CF0];
	[tilespmem:s6+$0xFCA0] =	vst v5  }
0x56b: {  	v3 =	vadd.f32 v3, v4;
	v62 =	vld [tilespmem:s31+$0x30]  }
0x56c: {  	v47 =	vld [tilespmem:s3+$0x6CA0]  }
0x56d: {  	v48 =	vld [tilespmem:s3+$0x9CA0];
	[tilespmem:s7+$0xFCC0] =	vst v3  }
0x56e: {  	v6 =	vadd.f32 v59, v57;
	v3 =	vld [tilespmem:s28+$0x50]  }
0x56f: {  	v17 =	vld [tilespmem:s6+$0x6CC0]  }
0x570: {  	v54 =	vld [tilespmem:s0+$0x20];
	v6 =	vadd.f32 v62, v6  }
0x571: {  	v18 =	vld [tilespmem:s6+$0x9CC0];
	v4 =	vadd.f32 v60, v56  }
0x572: {  	v55 =	vld [tilespmem:s3+$0x6CB0];
	[tilespmem:s6+$0xFCB0] =	vst v6  }
0x573: {  	v58 =	vadd.f32 v48, v47;
	v3 =	vadd.f32 v3, v4;
	v6 =	vld [tilespmem:s31+$0x40]  }
0x574: {  	v63 =	vld [tilespmem:s3+$0x9CB0]  }
0x575: {  	v20 =	vld [tilespmem:s3+$0x6CC0];
	v61 =	vadd.f32 v54, v58;
	[tilespmem:s7+$0xFCD0] =	vst v3  }
0x576: {  	v7 =	vadd.f32 v18, v17;
	v3 =	vld [tilespmem:s28+$0x60]  }
0x577: {  	v23 =	vld [tilespmem:s6+$0x6CD0];
	[tilespmem:s3+$0xFCA0] =	vst v61  }
0x578: {  	v5 =	vld [tilespmem:s0+$0x30];
	v6 =	vadd.f32 v6, v7  }
0x579: {  	v24 =	vld [tilespmem:s6+$0x9CD0];
	v4 =	vadd.f32 v19, v16  }
0x57a: {  	v21 =	vld [tilespmem:s3+$0x9CC0];
	[tilespmem:s6+$0xFCC0] =	vst v6  }
0x57b: {  	v9 =	vadd.f32 v63, v55;
	v3 =	vadd.f32 v3, v4;
	v26 =	vld [tilespmem:s31+$0x50]  }
0x57c: {  	v25 =	vld [tilespmem:s7+$0x9CF0]  }
0x57d: {  	v28 =	vld [tilespmem:s3+$0x6CD0];
	v5 =	vadd.f32 v5, v9;
	[tilespmem:s7+$0xFCE0] =	vst v3  }
0x57e: {  	v7 =	vadd.f32 v24, v23;
	v3 =	vld [tilespmem:s28+$0x70]  }
0x57f: {  	v29 =	vld [tilespmem:s6+$0x6CE0];
	[tilespmem:s3+$0xFCB0] =	vst v5  }
0x580: {  	v27 =	vld [tilespmem:s0+$0x40];
	v5 =	vadd.f32 v26, v7  }
0x581: {  	v30 =	vld [tilespmem:s6+$0x9CE0];
	v4 =	vadd.f32 v25, v22  }
0x582: {  	v31 =	vld [tilespmem:s3+$0x9CD0];
	[tilespmem:s6+$0xFCD0] =	vst v5  }
0x583: {  	v8 =	vadd.f32 v21, v20;
	v3 =	vadd.f32 v3, v4;
	v32 =	vld [tilespmem:s31+$0x60]  }
0x584: {  	v36 =	vld [tilespmem:s6+$0x6CF0]  }
0x585: {  	v37 =	vld [tilespmem:s6+$0x9CF0];
	v6 =	vadd.f32 v27, v8;
	[tilespmem:s7+$0xFCF0] =	vst v3;
	s7 =	sor.u32 s23, s21  }
0x586: {  	v7 =	vadd.f32 v30, v29;
	v3 =	vld [tilespmem:s7+$0x6C80]  }
0x587: {  	[tilespmem:s3+$0xFCC0] =	vst v6;
	v34 =	vld [tilespmem:s7+$0x9C80]  }
0x588: {  	v33 =	vld [tilespmem:s0+$0x50];
	v4 =	vadd.f32 v32, v7  }
0x589: {  	v35 =	vld [tilespmem:s22+$0x12F80]  }
0x58a: {  	[tilespmem:s6+$0xFCE0] =	vst v4  }
0x58b: {  	v9 =	vadd.f32 v31, v28;
	v4 =	vld [tilespmem:s31+$0x70]  }
0x58c: {  	v3 =	vadd.f32 v34, v3  }
0x58d: {  	v38 =	vld [tilespmem:s3+$0x6CE0];
	v5 =	vadd.f32 v33, v9  }
0x58e: {  	v39 =	vld [tilespmem:s3+$0x9CE0];
	v7 =	vadd.f32 v37, v36;
	v3 =	vadd.f32 v35, v3  }
0x58f: {  	[tilespmem:s3+$0xFCD0] =	vst v5;
	v41 =	vld [tilespmem:s7+$0x6C90]  }
0x590: {  	v42 =	vld [tilespmem:s7+$0x9C90];
	[tilespmem:s7+$0xFC80] =	vst v3;
	v3 =	vadd.f32 v4, v7  }
0x591: {  	s28 =	sadd.s32 $0x12F80, s22;
	v40 =	vld [tilespmem:s0+$0x60]  }
0x592: {  	s21 =	sor.u32 s25, s21;
	v44 =	vld [tilespmem:s28+$0x10];
	[tilespmem:s6+$0xFCF0] =	vst v3  }
0x593: {  	v46 =	vld [tilespmem:s21+$0x6C80]  }
0x594: {  	v3 =	vadd.f32 v39, v38;
	v47 =	vld [tilespmem:s21+$0x9C80]  }
0x595: {  	v8 =	vadd.f32 v42, v41  }
0x596: {  	v49 =	vld [tilespmem:s24+$0x12F80];
	v3 =	vadd.f32 v40, v3  }
0x597: {  	v48 =	vld [tilespmem:s7+$0x6CA0];
	v4 =	vadd.f32 v44, v8  }
0x598: {  	[tilespmem:s3+$0xFCE0] =	vst v3;
	v3 =	vld [tilespmem:s7+$0x9CA0]  }
0x599: {  	v45 =	vld [tilespmem:s3+$0x9CF0];
	[tilespmem:s7+$0xFC90] =	vst v4;
	v5 =	vadd.f32 v47, v46  }
0x59a: {  	v4 =	vld [tilespmem:s28+$0x20]  }
0x59b: {  	v51 =	vld [tilespmem:s21+$0x6C90];
	v5 =	vadd.f32 v49, v5  }
0x59c: {  	v52 =	vld [tilespmem:s21+$0x9C90]  }
0x59d: {  	v43 =	vld [tilespmem:s3+$0x6CF0];
	s31 =	sadd.s32 $0x12F80, s24;
	v3 =	vadd.f32 v3, v48;
	[tilespmem:s21+$0xFC80] =	vst v5  }
0x59e: {  	v54 =	vld [tilespmem:s31+$0x10]  }
0x59f: {  	v53 =	vld [tilespmem:s7+$0x6CB0];
	v3 =	vadd.f32 v4, v3  }
0x5a0: {  	v55 =	vld [tilespmem:s7+$0x9CB0]  }
0x5a1: {  	v57 =	vld [tilespmem:s21+$0x6CA0];
	v6 =	vadd.f32 v52, v51;
	[tilespmem:s7+$0xFCA0] =	vst v3  }
0x5a2: {  	v3 =	vld [tilespmem:s28+$0x30]  }
0x5a3: {  	v58 =	vld [tilespmem:s21+$0x9CA0];
	v4 =	vadd.f32 v54, v6  }
0x5a4: {  	v50 =	vld [tilespmem:s0+$0x70]  }
0x5a5: {  	v59 =	vld [tilespmem:s7+$0x6CC0];
	v5 =	vadd.f32 v55, v53;
	[tilespmem:s21+$0xFC90] =	vst v4  }
0x5a6: {  	v4 =	vld [tilespmem:s31+$0x20]  }
0x5a7: {  	v60 =	vld [tilespmem:s7+$0x9CC0];
	v7 =	vadd.f32 v45, v43;
	v3 =	vadd.f32 v3, v5  }
0x5a8: {  	v13 =	vld [tilespmem:s7+$0x6CD0]  }
0x5a9: {  	v63 =	vld [tilespmem:s21+$0x6CB0];
	v7 =	vadd.f32 v50, v7;
	v6 =	vadd.f32 v58, v57;
	[tilespmem:s7+$0xFCB0] =	vst v3  }
0x5aa: {  	v3 =	vld [tilespmem:s28+$0x40]  }
0x5ab: {  	v12 =	vld [tilespmem:s21+$0x9CB0];
	s0 =	sor.u32 s18, s20;
	[tilespmem:s3+$0xFCF0] =	vst v7;
	v4 =	vadd.f32 v4, v6  }
0x5ac: {  	v7 =	vld [tilespmem:s0+$0x6C80]  }
0x5ad: {  	v56 =	vld [tilespmem:s0+$0x9C80];
	v5 =	vadd.f32 v60, v59;
	[tilespmem:s21+$0xFCA0] =	vst v4  }
0x5ae: {  	v4 =	vld [tilespmem:s31+$0x30]  }
0x5af: {  	v15 =	vld [tilespmem:s7+$0x9CD0];
	v3 =	vadd.f32 v3, v5  }
0x5b0: {  	v61 =	vld [tilespmem:s17+$0x13080]  }
0x5b1: {  	v21 =	vld [tilespmem:s7+$0x6CE0];
	v17 =	vadd.f32 v12, v63;
	[tilespmem:s7+$0xFCC0] =	vst v3  }
0x5b2: {  	v3 =	vld [tilespmem:s28+$0x50]  }
0x5b3: {  	v19 =	vld [tilespmem:s21+$0x6CC0];
	v7 =	vadd.f32 v56, v7;
	v4 =	vadd.f32 v4, v17  }
0x5b4: {  	v20 =	vld [tilespmem:s21+$0x9CC0]  }
0x5b5: {  	v22 =	vld [tilespmem:s7+$0x9CE0];
	v14 =	vadd.f32 v61, v7;
	v7 =	vadd.f32 v15, v13;
	[tilespmem:s21+$0xFCB0] =	vst v4  }
0x5b6: {  	v4 =	vld [tilespmem:s31+$0x40]  }
0x5b7: {  	v27 =	vld [tilespmem:s7+$0x6CF0];
	v3 =	vadd.f32 v3, v7  }
0x5b8: {  	v25 =	vld [tilespmem:s21+$0x6CD0]  }
0x5b9: {  	v62 =	vld [tilespmem:s0+$0x6C90];
	v5 =	vadd.f32 v20, v19;
	[tilespmem:s7+$0xFCD0] =	vst v3  }
0x5ba: {  	v3 =	vld [tilespmem:s28+$0x60]  }
0x5bb: {  	v16 =	vld [tilespmem:s0+$0x9C90];
	v4 =	vadd.f32 v4, v5  }
0x5bc: {  	v26 =	vld [tilespmem:s21+$0x9CD0];
	s3 =	sadd.s32 $0x13080, s17;
	[tilespmem:s0+$0xFC80] =	vst v14  }
0x5bd: {  	v18 =	vld [tilespmem:s3+$0x10];
	v7 =	vadd.f32 v22, v21;
	[tilespmem:s21+$0xFCC0] =	vst v4  }
0x5be: {  	v4 =	vld [tilespmem:s31+$0x50]  }
0x5bf: {  	v28 =	vld [tilespmem:s7+$0x9CF0];
	v3 =	vadd.f32 v3, v7  }
0x5c0: {  	v30 =	vld [tilespmem:s21+$0x6CE0];
	v9 =	vadd.f32 v16, v62  }
0x5c1: {  	v31 =	vld [tilespmem:s21+$0x9CE0];
	v5 =	vadd.f32 v26, v25;
	[tilespmem:s7+$0xFCE0] =	vst v3  }
0x5c2: {  	v6 =	vadd.f32 v18, v9;
	v3 =	vld [tilespmem:s28+$0x70]  }
0x5c3: {  	v35 =	vld [tilespmem:s21+$0x6CF0];
	v4 =	vadd.f32 v4, v5  }
0x5c4: {  	v23 =	vld [tilespmem:s0+$0x6CA0];
	[tilespmem:s0+$0xFC90] =	vst v6  }
0x5c5: {  	v24 =	vld [tilespmem:s0+$0x9CA0];
	v6 =	vadd.f32 v28, v27;
	[tilespmem:s21+$0xFCD0] =	vst v4  }
0x5c6: {  	v4 =	vld [tilespmem:s31+$0x60]  }
0x5c7: {  	v36 =	vld [tilespmem:s21+$0x9CF0];
	v3 =	vadd.f32 v3, v6  }
0x5c8: {  	v29 =	vld [tilespmem:s3+$0x20]  }
0x5c9: {  	v32 =	vld [tilespmem:s0+$0x6CB0];
	v5 =	vadd.f32 v31, v30;
	[tilespmem:s7+$0xFCF0] =	vst v3;
	s7 =	sor.u32 s23, s20  }
0x5ca: {  	v3 =	vld [tilespmem:s7+$0x6C80]  }
0x5cb: {  	v8 =	vadd.f32 v24, v23;
	v34 =	vld [tilespmem:s7+$0x9C80];
	v4 =	vadd.f32 v4, v5  }
0x5cc: {  	v33 =	vld [tilespmem:s0+$0x9CB0]  }
0x5cd: {  	v7 =	vadd.f32 v29, v8;
	v37 =	vld [tilespmem:s22+$0x13080];
	[tilespmem:s21+$0xFCE0] =	vst v4  }
0x5ce: {  	v39 =	vld [tilespmem:s31+$0x70]  }
0x5cf: {  	v40 =	vld [tilespmem:s0+$0x6CC0];
	[tilespmem:s0+$0xFCA0] =	vst v7  }
0x5d0: {  	v7 =	vld [tilespmem:s3+$0x30];
	v3 =	vadd.f32 v34, v3  }
0x5d1: {  	v41 =	vld [tilespmem:s0+$0x9CC0];
	v5 =	vadd.f32 v36, v35  }
0x5d2: {  	v43 =	vld [tilespmem:s7+$0x6C90];
	v3 =	vadd.f32 v37, v3  }
0x5d3: {  	v6 =	vadd.f32 v33, v32;
	v44 =	vld [tilespmem:s7+$0x9C90];
	v5 =	vadd.f32 v39, v5  }
0x5d4: {  	v45 =	vld [tilespmem:s0+$0x6CD0];
	s28 =	sadd.s32 $0x13080, s22;
	[tilespmem:s7+$0xFC80] =	vst v3  }
0x5d5: {  	s29 =	sor.u32 s25, s20;
	v38 =	vadd.f32 v7, v6;
	v3 =	vld [tilespmem:s28+$0x10];
	[tilespmem:s21+$0xFCF0] =	vst v5  }
0x5d6: {  	v5 =	vld [tilespmem:s29+$0x6C80]  }
0x5d7: {  	[tilespmem:s0+$0xFCB0] =	vst v38;
	v46 =	vld [tilespmem:s29+$0x9C80]  }
0x5d8: {  	v42 =	vld [tilespmem:s3+$0x40];
	v8 =	vadd.f32 v44, v43  }
0x5d9: {  	v48 =	vld [tilespmem:s24+$0x13080]  }
0x5da: {  	v49 =	vld [tilespmem:s7+$0x6CA0];
	v3 =	vadd.f32 v3, v8  }
0x5db: {  	v50 =	vld [tilespmem:s7+$0x9CA0];
	v4 =	vadd.f32 v41, v40  }
0x5dc: {  	v47 =	vld [tilespmem:s0+$0x9CD0];
	[tilespmem:s7+$0xFC90] =	vst v3;
	v3 =	vadd.f32 v46, v5  }
0x5dd: {  	v4 =	vadd.f32 v42, v4;
	v52 =	vld [tilespmem:s28+$0x20]  }
0x5de: {  	v53 =	vld [tilespmem:s29+$0x6C90];
	v3 =	vadd.f32 v48, v3  }
0x5df: {  	[tilespmem:s0+$0xFCC0] =	vst v4;
	v54 =	vld [tilespmem:s29+$0x9C90]  }
0x5e0: {  	v55 =	vld [tilespmem:s0+$0x6CE0];
	s31 =	sadd.s32 $0x13080, s24;
	v4 =	vadd.f32 v50, v49;
	[tilespmem:s29+$0xFC80] =	vst v3  }
0x5e1: {  	v3 =	vld [tilespmem:s31+$0x10]  }
0x5e2: {  	v56 =	vld [tilespmem:s7+$0x6CB0];
	v4 =	vadd.f32 v52, v4  }
0x5e3: {  	v57 =	vld [tilespmem:s7+$0x9CB0]  }
0x5e4: {  	v51 =	vld [tilespmem:s3+$0x50];
	v59 =	vadd.f32 v54, v53;
	[tilespmem:s7+$0xFCA0] =	vst v4  }
0x5e5: {  	v60 =	vld [tilespmem:s28+$0x30]  }
0x5e6: {  	v61 =	vld [tilespmem:s29+$0x6CA0];
	v3 =	vadd.f32 v3, v59  }
0x5e7: {  	v6 =	vadd.f32 v47, v45;
	v62 =	vld [tilespmem:s29+$0x9CA0]  }
0x5e8: {  	v58 =	vld [tilespmem:s0+$0x9CE0];
	v5 =	vadd.f32 v57, v56;
	[tilespmem:s29+$0xFC90] =	vst v3  }
0x5e9: {  	v6 =	vadd.f32 v51, v6;
	v3 =	vld [tilespmem:s31+$0x20]  }
0x5ea: {  	v16 =	vld [tilespmem:s7+$0x6CC0];
	v5 =	vadd.f32 v60, v5  }
0x5eb: {  	v17 =	vld [tilespmem:s7+$0x9CC0];
	[tilespmem:s0+$0xFCD0] =	vst v6  }
0x5ec: {  	v63 =	vld [tilespmem:s3+$0x60];
	v4 =	vadd.f32 v62, v61;
	[tilespmem:s7+$0xFCB0] =	vst v5  }
0x5ed: {  	v5 =	vld [tilespmem:s28+$0x40]  }
0x5ee: {  	v19 =	vld [tilespmem:s29+$0x6CB0];
	v3 =	vadd.f32 v3, v4  }
0x5ef: {  	v20 =	vadd.f32 v58, v55;
	v21 =	vld [tilespmem:s29+$0x9CB0]  }
0x5f0: {  	v7 =	vadd.f32 v17, v16;
	[tilespmem:s29+$0xFCA0] =	vst v3  }
0x5f1: {  	v3 =	vadd.f32 v63, v20;
	v23 =	vld [tilespmem:s31+$0x30]  }
0x5f2: {  	v24 =	vld [tilespmem:s7+$0x6CD0];
	v5 =	vadd.f32 v5, v7  }
0x5f3: {  	[tilespmem:s0+$0xFCE0] =	vst v3;
	v3 =	vld [tilespmem:s7+$0x9CD0]  }
0x5f4: {  	v4 =	vadd.f32 v21, v19;
	[tilespmem:s7+$0xFCC0] =	vst v5  }
0x5f5: {  	v5 =	vld [tilespmem:s28+$0x50]  }
0x5f6: {  	v26 =	vld [tilespmem:s29+$0x6CC0];
	v4 =	vadd.f32 v23, v4  }
0x5f7: {  	v28 =	vld [tilespmem:s29+$0x9CC0]  }
0x5f8: {  	v3 =	vadd.f32 v3, v24;
	[tilespmem:s29+$0xFCB0] =	vst v4  }
0x5f9: {  	v30 =	vld [tilespmem:s31+$0x40]  }
0x5fa: {  	v3 =	vadd.f32 v5, v3  }
0x5fb: {  	v18 =	vld [tilespmem:s0+$0x6CF0]  }
0x5fc: {  	v22 =	vld [tilespmem:s0+$0x9CF0];
	[tilespmem:s7+$0xFCD0] =	vst v3;
	v3 =	vadd.f32 v28, v26  }
0x5fd: {  	v35 =	vld [tilespmem:s29+$0x6CD0]  }
0x5fe: {  	v36 =	vld [tilespmem:s29+$0x9CD0];
	v3 =	vadd.f32 v30, v3  }
0x5ff: {  	v25 =	vld [tilespmem:s3+$0x70]  }
0x600: {  	v31 =	vld [tilespmem:s7+$0x6CE0];
	[tilespmem:s29+$0xFCC0] =	vst v3  }
0x601: {  	v3 =	vld [tilespmem:s31+$0x50]  }
0x602: {  	v27 =	vadd.f32 v22, v18;
	v32 =	vld [tilespmem:s7+$0x9CE0]  }
0x603: {  	v47 =	vld [tilespmem:s7+$0x6CF0]  }
0x604: {  	v42 =	vld [tilespmem:s29+$0x6CE0];
	v39 =	vadd.f32 v36, v35;
	v29 =	vadd.f32 v25, v27  }
0x605: {  	v34 =	vld [tilespmem:s28+$0x60]  }
0x606: {  	v43 =	vld [tilespmem:s29+$0x9CE0];
	[tilespmem:s0+$0xFCF0] =	vst v29;
	s0 =	sor.u32 s18, s19;
	v3 =	vadd.f32 v3, v39  }
0x607: {  	v33 =	vld [tilespmem:s0+$0x6C80]  }
0x608: {  	v4 =	vadd.f32 v32, v31;
	v37 =	vld [tilespmem:s0+$0x9C80];
	[tilespmem:s29+$0xFCD0] =	vst v3  }
0x609: {  	v3 =	vld [tilespmem:s31+$0x60]  }
0x60a: {  	v49 =	vld [tilespmem:s29+$0x6CF0];
	v4 =	vadd.f32 v34, v4  }
0x60b: {  	v38 =	vld [tilespmem:s17+$0x13180]  }
0x60c: {  	v48 =	vld [tilespmem:s7+$0x9CF0];
	[tilespmem:s7+$0xFCE0] =	vst v4;
	v4 =	vadd.f32 v43, v42  }
0x60d: {  	v50 =	vld [tilespmem:s29+$0x9CF0]  }
0x60e: {  	v41 =	vadd.f32 v37, v33;
	v40 =	vld [tilespmem:s28+$0x70];
	v3 =	vadd.f32 v3, v4  }
0x60f: {  	v44 =	vld [tilespmem:s0+$0x6C90]  }
0x610: {  	v45 =	vld [tilespmem:s0+$0x9C90];
	v5 =	vadd.f32 v38, v41;
	[tilespmem:s29+$0xFCE0] =	vst v3  }
0x611: {  	v51 =	vadd.f32 v48, v47;
	v3 =	vld [tilespmem:s31+$0x70]  }
0x612: {  	s21 =	sadd.s32 $0x13180, s17;
	v52 =	vld [tilespmem:s0+$0x6CA0];
	[tilespmem:s0+$0xFC80] =	vst v5  }
0x613: {  	v46 =	vld [tilespmem:s21+$0x10];
	v6 =	vadd.f32 v40, v51  }
0x614: {  	v53 =	vld [tilespmem:s0+$0x9CA0];
	v4 =	vadd.f32 v50, v49  }
0x615: {  	s26 =	sor.u32 s23, s19;
	v55 =	vld [tilespmem:s0+$0x6CB0];
	[tilespmem:s7+$0xFCF0] =	vst v6  }
0x616: {  	v5 =	vadd.f32 v45, v44;
	v56 =	vld [tilespmem:s26+$0x6C80];
	v3 =	vadd.f32 v3, v4  }
0x617: {  	v6 =	vld [tilespmem:s26+$0x9C80]  }
0x618: {  	s28 =	sor.u32 s25, s19;
	v5 =	vadd.f32 v46, v5;
	v59 =	vld [tilespmem:s22+$0x13180];
	[tilespmem:s29+$0xFCF0] =	vst v3  }
0x619: {  	v57 =	vld [tilespmem:s28+$0x6C80]  }
0x61a: {  	[tilespmem:s0+$0xFC90] =	vst v5;
	v58 =	vld [tilespmem:s28+$0x9C80]  }
0x61b: {  	v54 =	vld [tilespmem:s21+$0x20]  }
0x61c: {  	v60 =	vld [tilespmem:s24+$0x13180]  }
0x61d: {  	v19 =	vld [tilespmem:s0+$0x6CC0];
	v4 =	vadd.f32 v6, v56  }
0x61e: {  	v62 =	vld [tilespmem:s26+$0x6C90];
	v3 =	vadd.f32 v53, v52  }
0x61f: {  	v63 =	vld [tilespmem:s26+$0x9C90];
	v4 =	vadd.f32 v59, v4;
	v5 =	vadd.f32 v58, v57  }
0x620: {  	v16 =	vld [tilespmem:s28+$0x6C90];
	v3 =	vadd.f32 v54, v3  }
0x621: {  	s29 =	sadd.s32 $0x13180, s22;
	v17 =	vld [tilespmem:s28+$0x9C90];
	[tilespmem:s26+$0xFC80] =	vst v4;
	v5 =	vadd.f32 v60, v5  }
0x622: {  	v18 =	vld [tilespmem:s29+$0x10];
	[tilespmem:s0+$0xFCA0] =	vst v3  }
0x623: {  	s31 =	sadd.s32 $0x13180, s24;
	v3 =	vld [tilespmem:s0+$0x9CB0];
	[tilespmem:s28+$0xFC80] =	vst v5  }
0x624: {  	v5 =	vld [tilespmem:s31+$0x10]  }
0x625: {  	v61 =	vld [tilespmem:s21+$0x30]  }
0x626: {  	v20 =	vld [tilespmem:s0+$0x9CC0];
	v6 =	vadd.f32 v63, v62  }
0x627: {  	v21 =	vld [tilespmem:s26+$0x6CA0];
	v4 =	vadd.f32 v17, v16  }
0x628: {  	v22 =	vld [tilespmem:s26+$0x9CA0];
	v6 =	vadd.f32 v18, v6;
	v3 =	vadd.f32 v3, v55  }
0x629: {  	v23 =	vld [tilespmem:s28+$0x6CA0];
	v4 =	vadd.f32 v5, v4  }
0x62a: {  	v24 =	vld [tilespmem:s28+$0x9CA0];
	[tilespmem:s26+$0xFC90] =	vst v6;
	v3 =	vadd.f32 v61, v3  }
0x62b: {  	v25 =	vld [tilespmem:s29+$0x20];
	[tilespmem:s28+$0xFC90] =	vst v4  }
0x62c: {  	[tilespmem:s0+$0xFCB0] =	vst v3;
	v3 =	vld [tilespmem:s31+$0x20]  }
0x62d: {  	v27 =	vld [tilespmem:s0+$0x6CD0]  }
0x62e: {  	v34 =	vld [tilespmem:s0+$0x9CD0];
	v8 =	vadd.f32 v22, v21  }
0x62f: {  	v28 =	vld [tilespmem:s26+$0x6CB0];
	v5 =	vadd.f32 v24, v23  }
0x630: {  	v30 =	vld [tilespmem:s26+$0x9CB0];
	v29 =	vadd.f32 v25, v8  }
0x631: {  	v31 =	vld [tilespmem:s28+$0x6CB0];
	v3 =	vadd.f32 v3, v5  }
0x632: {  	v32 =	vld [tilespmem:s28+$0x9CB0];
	[tilespmem:s26+$0xFCA0] =	vst v29  }
0x633: {  	v33 =	vld [tilespmem:s29+$0x30];
	[tilespmem:s28+$0xFCA0] =	vst v3  }
0x634: {  	v3 =	vld [tilespmem:s31+$0x30]  }
0x635: {  	v42 =	vld [tilespmem:s0+$0x6CE0]  }
0x636: {  	v36 =	vld [tilespmem:s26+$0x6CC0];
	v8 =	vadd.f32 v30, v28  }
0x637: {  	v38 =	vld [tilespmem:s26+$0x9CC0];
	v5 =	vadd.f32 v32, v31  }
0x638: {  	v39 =	vld [tilespmem:s28+$0x6CC0];
	v37 =	vadd.f32 v33, v8  }
0x639: {  	v26 =	vld [tilespmem:s21+$0x40];
	v3 =	vadd.f32 v3, v5  }
0x63a: {  	v40 =	vld [tilespmem:s28+$0x9CC0];
	[tilespmem:s26+$0xFCB0] =	vst v37  }
0x63b: {  	v41 =	vld [tilespmem:s29+$0x40];
	[tilespmem:s28+$0xFCB0] =	vst v3  }
0x63c: {  	v7 =	vadd.f32 v20, v19;
	v3 =	vld [tilespmem:s31+$0x40]  }
0x63d: {  	v43 =	vld [tilespmem:s0+$0x9CE0]  }
0x63e: {  	v44 =	vld [tilespmem:s26+$0x6CD0];
	v4 =	vadd.f32 v26, v7;
	v7 =	vadd.f32 v38, v36  }
0x63f: {  	v45 =	vld [tilespmem:s26+$0x9CD0];
	v5 =	vadd.f32 v40, v39  }
0x640: {  	v46 =	vld [tilespmem:s28+$0x6CD0];
	v7 =	vadd.f32 v41, v7  }
0x641: {  	v47 =	vld [tilespmem:s28+$0x9CD0];
	[tilespmem:s0+$0xFCC0] =	vst v4;
	v3 =	vadd.f32 v3, v5  }
0x642: {  	v35 =	vld [tilespmem:s21+$0x50];
	[tilespmem:s26+$0xFCC0] =	vst v7  }
0x643: {  	v48 =	vld [tilespmem:s29+$0x50];
	[tilespmem:s28+$0xFCC0] =	vst v3  }
0x644: {  	v3 =	vld [tilespmem:s31+$0x50]  }
0x645: {  	v51 =	vld [tilespmem:s26+$0x9CE0];
	v4 =	vadd.f32 v34, v27  }
0x646: {  	v49 =	vld [tilespmem:s0+$0x6CF0];
	v6 =	vadd.f32 v45, v44  }
0x647: {  	v50 =	vld [tilespmem:s26+$0x6CE0];
	v4 =	vadd.f32 v35, v4;
	v5 =	vadd.f32 v47, v46  }
0x648: {  	v52 =	vld [tilespmem:s28+$0x6CE0];
	v6 =	vadd.f32 v48, v6  }
0x649: {  	v53 =	vld [tilespmem:s28+$0x9CE0];
	[tilespmem:s0+$0xFCD0] =	vst v4;
	v3 =	vadd.f32 v3, v5  }
0x64a: {  	v4 =	vld [tilespmem:s21+$0x60];
	[tilespmem:s26+$0xFCD0] =	vst v6  }
0x64b: {  	v54 =	vld [tilespmem:s29+$0x60];
	[tilespmem:s28+$0xFCD0] =	vst v3  }
0x64c: {  	v3 =	vld [tilespmem:s31+$0x60]  }
0x64d: {  	v9 =	vadd.f32 v43, v42;
	v59 =	vld [tilespmem:s26+$0x9CF0]  }
0x64e: {  	v57 =	vld [tilespmem:s26+$0x6CF0];
	v7 =	vadd.f32 v51, v50  }
0x64f: {  	v60 =	vld [tilespmem:s28+$0x6CF0];
	v4 =	vadd.f32 v4, v9;
	v5 =	vadd.f32 v53, v52  }
0x650: {  	v55 =	vld [tilespmem:s0+$0x9CF0];
	v58 =	vadd.f32 v54, v7  }
0x651: {  	v61 =	vld [tilespmem:s28+$0x9CF0];
	[tilespmem:s0+$0xFCE0] =	vst v4;
	v3 =	vadd.f32 v3, v5  }
0x652: {  	v56 =	vld [tilespmem:s21+$0x70];
	[tilespmem:s26+$0xFCE0] =	vst v58  }
0x653: {  	v62 =	vld [tilespmem:s29+$0x70];
	[tilespmem:s28+$0xFCE0] =	vst v3  }
0x654: {  	v3 =	vld [tilespmem:s31+$0x70]  }
0x655: {  	v4 =	vadd.f32 v55, v49  }
0x656: {  	p0 =	slt.u32 s9, $0xC;
	v7 =	vadd.f32 v59, v57  }
.Ltmp3:
0x657: {  	v4 =	vadd.f32 v56, v4;
	v5 =	vadd.f32 v61, v60;
	(pc) =	sbr.rel @p0 .LBB2_5-.Ltmp3, $4  }
0x658: {  	v63 =	vadd.f32 v62, v7  }
0x659: {  	[tilespmem:s0+$0xFCF0] =	vst v4;
	v3 =	vadd.f32 v3, v5  }
0x65a: {  	[tilespmem:s26+$0xFCF0] =	vst v63  }
0x65b: {  	s15 =	sadd.s32 $0x4, s15;
	s1 =	sadd.s32 $0x200, s1;
	[tilespmem:s28+$0xFCF0] =	vst v3  }
0x65c: {  	s0 =	rddreg [dreg:$0x6]  }
0x65d: {  	s0 =	sor.u32 s0, s16  }
.Ltmp4:
0x65e: {  	s0 =	sshrl.u32 s0, $0x3;
	(pc) =	sbr.rel @p1 .LBB2_8-.Ltmp4, $4  }
0x65f: {  	s0 =	smul.u32 $0x300, s0  }
0x660: {  	s1 =	rddreg [dreg:$0x7]  }
0x661: {  	s31 =	simm.s32 $0xFC80;
	s0 =	sadd.s32 s1, s0  }
0x662: {  	[hbm4b:s0+s5] =	stream.linear.scatter [tilespmem:s31], [sflag:$0x4], $0x3000, $0x38;
	[tilespmem:$0x13280] =	vst v63  }
0x663: {  	v3 =	vld [tilespmem:s8+$0x30];
	_ =	sdelay $0x4  }
0x664: {  	v4 =	vshrl.u32 v3, $0x3  }
0x665: {  	v4 =	vmul.u32 $0x30, v4  }
0x666: {  	v3 =	vand.u32 $0x7, v3  }
0x667: {  	v3 =	vor.u32 v3, v4  }
0x668: {  	v4 =	vperm.xlane v3, v0;
	_ =	sdelay $0x1  }
0x669: {  	v4 =	vadd.s32 v1, v4;
	_ =	sdelay $0x3  }
0x66a: {  	s0 =	simm.s32 $0x6C80;
	v3 =	vperm.xlane v3, v2  }
0x66b: {  	[tilespmem:s0], [sflag:$0x2] =	stream.indirect_vreg.gather [hbm4b:s30+s5], $0x80, v4, vm0, $0xb8;
	[tilespmem:$0x13280] =	vst v63  }
0x66c: {  	s19 =	simm.s32 $0x7480;
	v3 =	vadd.s32 v1, v3  }
0x66d: {  	[tilespmem:s19], [sflag:$0x2] =	stream.indirect_vreg.gather [hbm4b:s11+s5], $0x80, v4, vm0, $0xb8;
	[tilespmem:$0x13280] =	vst v63  }
0x66e: {  	s20 =	simm.s32 $0x7C80  }
0x66f: {  	[tilespmem:s20], [sflag:$0x2] =	stream.indirect_vreg.gather [hbm4b:s12+s5], $0x80, v4, vm0, $0xb8;
	[tilespmem:$0x13280] =	vst v63  }
0x670: {  	s21 =	simm.s32 $0x8480  }
0x671: {  	[tilespmem:s21], [sflag:$0x2] =	stream.indirect_vreg.gather [hbm4b:s30+s5], $0x80, v3, vm0, $0xb8;
	[tilespmem:$0x13280] =	vst v63  }
0x672: {  	s22 =	simm.s32 $0x8C80  }
0x673: {  	[tilespmem:s22], [sflag:$0x2] =	stream.indirect_vreg.gather [hbm4b:s11+s5], $0x80, v3, vm0, $0xb8;
	[tilespmem:$0x13280] =	vst v63  }
0x674: {  	s23 =	simm.s32 $0x9480  }
0x675: {  	[tilespmem:s23], [sflag:$0x2] =	stream.indirect_vreg.gather [hbm4b:s12+s5], $0x80, v3, vm0, $0xb8;
	[tilespmem:$0x13280] =	vst v63  }
0x676: {  	v3 =	vld [tilespmem:s8+$0x8B0];
	_ =	sdelay $0x4  }
0x677: {  	v63 =	vshrl.u32 v3, $0x3  }
0x678: {  	v4 =	vmul.u32 $0x30, v63  }
0x679: {  	v3 =	vand.u32 $0x7, v3  }
0x67a: {  	v3 =	vor.u32 v3, v4  }
0x67b: {  	v4 =	vperm.xlane v3, v0;
	_ =	sdelay $0x1  }
0x67c: {  	v4 =	vadd.s32 v1, v4;
	_ =	sdelay $0x3  }
0x67d: {  	s24 =	rddreg [dreg:$0x2];
	s1 =	simm.s32 $0x9C80;
	v3 =	vperm.xlane v3, v2  }
0x67e: {  	[tilespmem:s1], [sflag:$0x2] =	stream.indirect_vreg.gather [hbm4b:s24+s5], $0x80, v4, vm0, $0xb8;
	[tilespmem:$0x13280] =	vst v63  }
0x67f: {  	s25 =	simm.s32 $0xA480;
	v3 =	vadd.s32 v1, v3  }
0x680: {  	[tilespmem:s25], [sflag:$0x2] =	stream.indirect_vreg.gather [hbm4b:s13+s5], $0x80, v4, vm0, $0xb8;
	[tilespmem:$0x13280] =	vst v63  }
0x681: {  	s26 =	simm.s32 $0xAC80  }
0x682: {  	[tilespmem:s26], [sflag:$0x2] =	stream.indirect_vreg.gather [hbm4b:s14+s5], $0x80, v4, vm0, $0xb8;
	[tilespmem:$0x13280] =	vst v63  }
0x683: {  	s29 =	simm.s32 $0xB480  }
0x684: {  	[tilespmem:s29], [sflag:$0x2] =	stream.indirect_vreg.gather [hbm4b:s24+s5], $0x80, v3, vm0, $0xb8;
	[tilespmem:$0x13280] =	vst v63  }
.Ltmp5:
0x685: {  	_ = 	snop;
	(pc) =	sbr.rel .LBB2_2-.Ltmp5, $4  }
0x686: {  	s28 =	smov.u32 s30;
	s31 =	simm.s32 $0xC480;
	s30 =	simm.s32 $0xBC80  }
0x687: {  	[tilespmem:s30], [sflag:$0x2] =	stream.indirect_vreg.gather [hbm4b:s13+s5], $0x80, v3, vm0, $0xb8;
	[tilespmem:$0x13280] =	vst v63  }
0x688: {  	s4 =	sadd.s32 $0x1, s4;
	s10 =	sadd.s32 $0x20, s10;
	s2 =	sadd.s32 $0x20, s2  }
0x689: {  	[tilespmem:s31], [sflag:$0x2] =	stream.indirect_vreg.gather [hbm4b:s14+s5], $0x80, v3, vm0, $0xb8;
	[tilespmem:$0x13280] =	vst v63  }
.LBB2_9:
0x68a: {  	_ =	sfence.sel $0x180000  }
0x68b: {  	[bflag:$0x0] =	sbarrier.arrive $0xFFFF  }
0x68c: {  	_ =	strace $0x90000047  }
0x68d: {  	s0 =	stileid.u32;
	[bflag:$0x2] =	sbarrier.arrive $0xFFFF  }
0x68e: {  	p0 =	sne.s32 s0, $0x0;
	s0 =	rddreg [dreg:$0x5]  }
0x68f: {  	s0 =	sadd.s32 @!p0 $0x100000, s0  }
0x690: {  	[sflag:s0] =	ssyncadd.tile.s32 @!p0 $0x1;
	_ =	shalt  }
.Lfunc_end2:
_tile_overlayer_lowered:
.L_overlay_start_2:
0x691: {  	(tag) =	ssettag $0x2  }
0x692: {  	s0 =	rddreg [dreg:$0x0];
	s2 =	stileid.u32  }
0x693: {  	s1 =	rddreg [dreg:$0x1];
	p0 =	sne.s32 s2, $0x0  }
0x694: {  	s3 =	rddreg [dreg:$0x2];
	[bflag:$0x3] =	sbarrier.arrive $0xFFFF;
	s2 =	simm.s32 @!p0 $0x1C05  }
0x695: {  	[timem:s3], [sflag:s2] =	dma.local @!p0 [hbm:s0], s1  }
0x696: {  	s0 =	simm.s32 @!p0 $0x5  }
0x697: {  	_ =	swait.ge @!p0 [sflag:s0], s1  }
0x698: {  	s1 =	ssub.s32 @!p0 $0x0, s1;
	[sflag:s0] =	ssyncset.done @!p0 $0x0  }
0x699: {  	[sflag:s0] =	ssyncadd.s32 @!p0 s1  }
0x69a: {  	[bflag:$0x3] =	sbarrier.arrive $0xFFFF  }
0x69b: {  	_ =	shalt  }

</sc_bundles>
